<compile_context>
chip_gen: v7x
topology: tpu7x:2x2x1
jax: 0.10.2.dev20260603
libtpu: 0.0.44.dev20260713+nightly
codegen_flags: <defaults>
</compile_context>

<pallas_src>
import functools

import jax
import jax.numpy as jnp
from jax import lax
from jax.experimental import pallas as pl
from jax.experimental.pallas import tpu as pltpu
from jax.experimental.pallas import tpu_sc as plsc

VOCAB = 1000000
EMBED_DIM = 32
BATCH = 4096
HIST = 200

NUM_CORES = 2
NUM_SUBCORES = 16
NUM_WORKERS = NUM_CORES * NUM_SUBCORES

NROW = 128
WBC = 4
CROWS = NROW * WBC
TOTAL = BATCH * HIST
NCHUNK = TOTAL // CROWS
PER_W = NCHUNK // NUM_WORKERS

HB = HIST // 8
BB = BATCH // NROW
JB = EMBED_DIM // 8
CPH = BB // WBC

_MESH = plsc.VectorSubcoreMesh(
    core_axis_name="c", subcore_axis_name="s",
    num_cores=NUM_CORES, num_subcores=NUM_SUBCORES,
)


@functools.partial(
    pl.kernel,
    out_type=jax.ShapeDtypeStruct((HIST, JB, BB, 8, NROW), jnp.float32),
    mesh=_MESH,
    scratch_types=(
        [pltpu.VMEM((PER_W * CROWS,), jnp.int32)]
        + [pltpu.VMEM((CROWS, EMBED_DIM), jnp.float32)] * 2
        + [pltpu.VMEM((JB, WBC, 8, NROW), jnp.float32)] * 2
        + [pltpu.SemaphoreType.DMA] * 4
    ),
    compiler_params=pltpu.CompilerParams(
        use_tc_tiling_on_sc=False, needs_layout_passes=False),
)
def _gather_kernel(idx_hbm, table_hbm, out_hbm, idxblk,
                   g0, g1, t0, t1, gs0, gs1, ws0, ws1):
    gbuf = (g0, g1)
    tbuf = (t0, t1)
    gsem = (gs0, gs1)
    wsem = (ws0, ws1)

    wid = lax.axis_index("s") * NUM_CORES + lax.axis_index("c")
    cbase = wid * PER_W

    pltpu.sync_copy(idx_hbm.at[pl.ds(cbase * CROWS, PER_W * CROWS)], idxblk)

    iota16 = lax.iota(jnp.int32, 16)

    def g_start(lc, b):
        return pltpu.async_copy(
            table_hbm.at[idxblk.at[pl.ds(lc * CROWS, CROWS)]], gbuf[b], gsem[b])

    def g_wait(b):
        pltpu.make_async_copy(
            table_hbm.at[idxblk.at[pl.ds(0, CROWS)]], gbuf[b], gsem[b]).wait()

    def w_start(lc, b):
        q = cbase + lc
        h = q // CPH
        bcg = q % CPH
        return pltpu.async_copy(
            tbuf[b], out_hbm.at[h, :, pl.ds(WBC * bcg, WBC)], wsem[b])

    def w_wait(b):
        pltpu.make_async_copy(
            tbuf[b], out_hbm.at[0, :, pl.ds(0, WBC)], wsem[b]).wait()

    def transpose(b):
        @plsc.parallel_loop(0, WBC * EMBED_DIM, step=1, unroll=8)
        def body(t):
            bck = t // EMBED_DIM
            j = t % EMBED_DIM
            jvec = jnp.full((16,), 0, jnp.int32) + j
            base = NROW * bck
            for cb in range(8):
                vals = plsc.load_gather(gbuf[b], [iota16 + (base + 16 * cb), jvec])
                tbuf[b][j // 8, bck, j % 8, pl.ds(16 * cb, 16)] = vals

    g_start(0, 0)
    g_start(1, 1)
    for b in range(2):
        g_wait(b)
        transpose(b)
        w_start(b, b)
        g_start(b + 2, b)

    def round_body(i, carry):
        for b in (0, 1):
            lc = 2 * i + 2 + b
            g_wait(b)
            w_wait(b)
            transpose(b)
            w_start(lc, b)
            g_start(jnp.minimum(lc + 2, PER_W - 1), b)
        return carry

    lax.fori_loop(0, (PER_W - 2) // 2, round_body, 0)

    for b in range(2):
        g_wait(b)
    for b in range(2):
        w_wait(b)


def kernel(wordtypes, table):
    idx = wordtypes.T.reshape(TOTAL)
    out5 = _gather_kernel(idx, table)
    out = (out5.transpose(0, 1, 3, 2, 4)
           .reshape(HIST, EMBED_DIM, BATCH)
           .transpose(2, 0, 1))
    return out

# --- scband reference (transcript-rebuilt; emitter-appended) ---
"""Pipeline reference for scband-vocabulary-embedder-2783138808260 (READ-ONLY COPY).

The authoritative reference and input builder live on the scoring server;
editing this copy changes nothing except your own understanding.
"""

import jax, jax.numpy as jnp
import numpy as np

VOCAB = 1000000
EMBED_DIM = 32
BATCH = 4096
HIST = 200

def setup_inputs(seed: int = 0) -> dict:
    key = jax.random.key(seed)
    k_idx, k_tab = jax.random.split(key)
    wordtypes = jax.random.randint(k_idx, (BATCH, HIST), 0, VOCAB, dtype=jnp.int64 if jax.config.jax_enable_x64 else jnp.int32)
    # xavier_normal init: std = sqrt(2 / (fan_in + fan_out)) for [num_embeddings, dim]
    std = float(np.sqrt(2.0 / (VOCAB + EMBED_DIM)))
    table = jax.random.normal(k_tab, (VOCAB, EMBED_DIM), dtype=jnp.float32) * std
    return {"wordtypes": wordtypes, "table": table}

def reference(wordtypes, table):
    # nn.Embedding forward == row gather from the table
    return jnp.take(table, wordtypes, axis=0)

if __name__ == "__main__":
    import jax
    _d = setup_inputs()
    print(jax.jit(kernel)(*tuple(_d.values())))

</pallas_src>

<mosaic_0001>
#map = affine_map<(d0, d1) -> (0)>
#map1 = affine_map<(d0, d1) -> (0, 0)>
#map2 = affine_map<(d0, d1) -> (0, 0, 0, 0, 0)>
module attributes {stable_mosaic.version = 14 : i64} {
  func.func @_gather_kernel(%arg0: i32, %arg1: i32, %arg2: memref<819200xi32, #tpu.memory_space<hbm>>, %arg3: memref<1000000x32xf32, #tpu.memory_space<hbm>>, %arg4: memref<200x4x32x8x128xf32, #tpu.memory_space<hbm>>, %arg5: memref<25600xi32, #tpu.memory_space<vmem>>, %arg6: memref<512x32xf32, #tpu.memory_space<vmem>>, %arg7: memref<512x32xf32, #tpu.memory_space<vmem>>, %arg8: memref<4x4x8x128xf32, #tpu.memory_space<vmem>>, %arg9: memref<4x4x8x128xf32, #tpu.memory_space<vmem>>, %arg10: memref<!tpu.dma_semaphore, #tpu.memory_space<semaphore_mem>>, %arg11: memref<!tpu.dma_semaphore, #tpu.memory_space<semaphore_mem>>, %arg12: memref<!tpu.dma_semaphore, #tpu.memory_space<semaphore_mem>>, %arg13: memref<!tpu.dma_semaphore, #tpu.memory_space<semaphore_mem>>) attributes {dimension_semantics = [#tpu.dimension_semantics<core_parallel>, #tpu.dimension_semantics<subcore_parallel>], iteration_bounds = array<i64: 2, 16>, scalar_prefetch = 0 : i64, scratch_operands = 9 : i64, tpu.core_type = #tpu.core_type<sc_vector_subcore>, window_params = [{transform_indices = #map}, {transform_indices = #map1}, {transform_indices = #map2}]} {
    %mul3A = arith.constant 2 : i32
    %mul3A_0 = arith.muli %arg1, %mul3A : i32
    %add3A = arith.addi %mul3A_0, %arg0 : i32
    %mul3A_1 = arith.constant 50 : i32
    %mul3A_2 = arith.muli %add3A, %mul3A_1 : i32
    %mul3A_3 = arith.constant 512 : i32
    %mul3A_4 = arith.muli %mul3A_2, %mul3A_3 : i32
    "tpu.region"() ({
      %run_scoped3A = tpu.sem_alloc : memref<!tpu.dma_semaphore, #tpu.memory_space<semaphore_mem>>
      %dma_start3A_177 = tpu.memref_slice %arg2[%mul3A_4] : memref<819200xi32, #tpu.memory_space<hbm>> -> memref<25600xi32, #tpu.memory_space<hbm>>
      %dma_start3A_178 = tpu.memref_slice %arg2[%mul3A_4] : memref<819200xi32, #tpu.memory_space<hbm>> -> memref<25600xi32, #tpu.memory_space<hbm>>
      tpu.enqueue_dma source(%dma_start3A_178 : memref<25600xi32, #tpu.memory_space<hbm>>) target(%arg5 : memref<25600xi32, #tpu.memory_space<vmem>>) target_semaphore(%run_scoped3A : memref<!tpu.dma_semaphore, #tpu.memory_space<semaphore_mem>>)
      %dma_wait3A_179 = tpu.memref_slice %arg2[%mul3A_4] : memref<819200xi32, #tpu.memory_space<hbm>> -> memref<25600xi32, #tpu.memory_space<hbm>>
      %dma_wait3A_180 = tpu.memref_slice %arg2[%mul3A_4] : memref<819200xi32, #tpu.memory_space<hbm>> -> memref<25600xi32, #tpu.memory_space<hbm>>
      tpu.wait_dma2 semaphore(%run_scoped3A : memref<!tpu.dma_semaphore, #tpu.memory_space<semaphore_mem>>) src(%dma_wait3A_180 : memref<25600xi32, #tpu.memory_space<hbm>>) dst(%arg5 : memref<25600xi32, #tpu.memory_space<vmem>>)
      tpu.yield
    }) : () -> ()
    %iota3A = tpu.iota {dimensions = array<i32: 0>} : vector<16xi32>
    %dma_start3A = arith.constant 0 : i32
    %dma_start3A_5 = tpu.memref_slice %arg5[%dma_start3A] : memref<25600xi32, #tpu.memory_space<vmem>> -> memref<512xi32, #tpu.memory_space<vmem>>
    %dma_start3A_6 = arith.constant 0 : i32
    %dma_start3A_7 = arith.constant 0 : i32
    %dma_start3A_8 = tpu.memref_slice %arg3[%dma_start3A_6, %dma_start3A_7] : memref<1000000x32xf32, #tpu.memory_space<hbm>> -> memref<1000000x32xf32, #tpu.memory_space<hbm>>
    tpu.enqueue_indirect_dma source(%dma_start3A_8 : memref<1000000x32xf32, #tpu.memory_space<hbm>>) target(%arg6 : memref<512x32xf32, #tpu.memory_space<vmem>>) offsets(%dma_start3A_5 : memref<512xi32, #tpu.memory_space<vmem>>) semaphore(%arg10 : memref<!tpu.dma_semaphore, #tpu.memory_space<semaphore_mem>>)
    %dma_start3A_9 = arith.constant 512 : i32
    %dma_start3A_10 = tpu.memref_slice %arg5[%dma_start3A_9] : memref<25600xi32, #tpu.memory_space<vmem>> -> memref<512xi32, #tpu.memory_space<vmem>>
    %dma_start3A_11 = arith.constant 0 : i32
    %dma_start3A_12 = arith.constant 0 : i32
    %dma_start3A_13 = tpu.memref_slice %arg3[%dma_start3A_11, %dma_start3A_12] : memref<1000000x32xf32, #tpu.memory_space<hbm>> -> memref<1000000x32xf32, #tpu.memory_space<hbm>>
    tpu.enqueue_indirect_dma source(%dma_start3A_13 : memref<1000000x32xf32, #tpu.memory_space<hbm>>) target(%arg7 : memref<512x32xf32, #tpu.memory_space<vmem>>) offsets(%dma_start3A_10 : memref<512xi32, #tpu.memory_space<vmem>>) semaphore(%arg11 : memref<!tpu.dma_semaphore, #tpu.memory_space<semaphore_mem>>)
    %dma_wait3A = arith.constant 0 : i32
    %dma_wait3A_14 = tpu.memref_slice %arg5[%dma_wait3A] : memref<25600xi32, #tpu.memory_space<vmem>> -> memref<512xi32, #tpu.memory_space<vmem>>
    %dma_wait3A_15 = arith.constant 0 : i32
    %dma_wait3A_16 = arith.constant 0 : i32
    %dma_wait3A_17 = tpu.memref_slice %arg3[%dma_wait3A_15, %dma_wait3A_16] : memref<1000000x32xf32, #tpu.memory_space<hbm>> -> memref<1000000x32xf32, #tpu.memory_space<hbm>>
    tpu.wait_indirect_dma semaphore(%arg10 : memref<!tpu.dma_semaphore, #tpu.memory_space<semaphore_mem>>) src(%dma_wait3A_17 : memref<1000000x32xf32, #tpu.memory_space<hbm>>) dst(%arg6 : memref<512x32xf32, #tpu.memory_space<vmem>>)
    %parallel_loop3A = arith.constant 0 : i32
    %parallel_loop3A_18 = arith.constant 128 : i32
    %parallel_loop3A_19 = arith.constant 1 : i32
    scf.for %parallel_loop3A_177 = %parallel_loop3A to %parallel_loop3A_18 step %parallel_loop3A_19  : i32 {
      %parallel_loop3A_178 = arith.constant 32 : i32
      %parallel_loop3A_179 = arith.divsi %parallel_loop3A_177, %parallel_loop3A_178 : i32
      %parallel_loop3A_180 = arith.constant 0 : i32
      %parallel_loop3A_181 = arith.cmpi sgt, %parallel_loop3A_177, %parallel_loop3A_180 : i32
      %parallel_loop3A_182 = arith.extui %parallel_loop3A_181 : i1 to i32
      %parallel_loop3A_183 = arith.constant 0 : i32
      %parallel_loop3A_184 = arith.cmpi slt, %parallel_loop3A_177, %parallel_loop3A_183 : i32
      %parallel_loop3A_185 = arith.extui %parallel_loop3A_184 : i1 to i32
      %parallel_loop3A_186 = arith.subi %parallel_loop3A_182, %parallel_loop3A_185 : i32
      %parallel_loop3A_187 = arith.constant 0 : i32
      %parallel_loop3A_188 = arith.cmpi sgt, %parallel_loop3A_178, %parallel_loop3A_187 : i32
      %parallel_loop3A_189 = arith.extui %parallel_loop3A_188 : i1 to i32
      %parallel_loop3A_190 = arith.constant 0 : i32
      %parallel_loop3A_191 = arith.cmpi slt, %parallel_loop3A_178, %parallel_loop3A_190 : i32
      %parallel_loop3A_192 = arith.extui %parallel_loop3A_191 : i1 to i32
      %parallel_loop3A_193 = arith.subi %parallel_loop3A_189, %parallel_loop3A_192 : i32
      %parallel_loop3A_194 = arith.cmpi ne, %parallel_loop3A_186, %parallel_loop3A_193 : i32
      %parallel_loop3A_195 = arith.remsi %parallel_loop3A_177, %parallel_loop3A_178 : i32
      %parallel_loop3A_196 = arith.constant 0 : i32
      %parallel_loop3A_197 = arith.cmpi ne, %parallel_loop3A_195, %parallel_loop3A_196 : i32
      %parallel_loop3A_198 = arith.andi %parallel_loop3A_194, %parallel_loop3A_197 : i1
      %parallel_loop3A_199 = arith.constant 1 : i32
      %parallel_loop3A_200 = arith.subi %parallel_loop3A_179, %parallel_loop3A_199 : i32
      %parallel_loop3A_201 = arith.select %parallel_loop3A_198, %parallel_loop3A_200, %parallel_loop3A_179 : i32
      %parallel_loop3A_202 = arith.constant 32 : i32
      %parallel_loop3A_203 = arith.constant 0 : i32
      %parallel_loop3A_204 = arith.cmpi eq, %parallel_loop3A_202, %parallel_loop3A_203 : i32
      %parallel_loop3A_205 = arith.constant 1 : i32
      %parallel_loop3A_206 = arith.select %parallel_loop3A_204, %parallel_loop3A_205, %parallel_loop3A_202 : i32
      %parallel_loop3A_207 = arith.remsi %parallel_loop3A_177, %parallel_loop3A_206 : i32
      %parallel_loop3A_208 = arith.constant 0 : i32
      %parallel_loop3A_209 = arith.cmpi ne, %parallel_loop3A_207, %parallel_loop3A_208 : i32
      %parallel_loop3A_210 = arith.constant 0 : i32
      %parallel_loop3A_211 = arith.cmpi slt, %parallel_loop3A_207, %parallel_loop3A_210 : i32
      %parallel_loop3A_212 = arith.constant 0 : i32
      %parallel_loop3A_213 = arith.cmpi slt, %parallel_loop3A_206, %parallel_loop3A_212 : i32
      %parallel_loop3A_214 = arith.xori %parallel_loop3A_211, %parallel_loop3A_213 : i1
      %parallel_loop3A_215 = arith.andi %parallel_loop3A_214, %parallel_loop3A_209 : i1
      %parallel_loop3A_216 = arith.addi %parallel_loop3A_207, %parallel_loop3A_206 : i32
      %parallel_loop3A_217 = arith.select %parallel_loop3A_215, %parallel_loop3A_216, %parallel_loop3A_207 : i32
      %parallel_loop3A_218 = arith.constant 0 : i32
      %parallel_loop3A_219 = vector.broadcast %parallel_loop3A_218 : i32 to vector<16xi32>
      %parallel_loop3A_220 = vector.broadcast %parallel_loop3A_217 : i32 to vector<16xi32>
      %parallel_loop3A_221 = arith.addi %parallel_loop3A_219, %parallel_loop3A_220 : vector<16xi32>
      %parallel_loop3A_222 = arith.constant 128 : i32
      %parallel_loop3A_223 = arith.muli %parallel_loop3A_222, %parallel_loop3A_201 : i32
      %parallel_loop3A_224 = arith.constant 0 : i32
      %parallel_loop3A_225 = arith.addi %parallel_loop3A_223, %parallel_loop3A_224 : i32
      %parallel_loop3A_226 = vector.broadcast %parallel_loop3A_225 : i32 to vector<16xi32>
      %parallel_loop3A_227 = arith.addi %iota3A, %parallel_loop3A_226 : vector<16xi32>
      %parallel_loop3A_228 = tpu.vector_load_idx %arg6[%parallel_loop3A_227, %parallel_loop3A_221] : memref<512x32xf32, #tpu.memory_space<vmem>>[vector<16xi32>, vector<16xi32>], vector<16xf32>,
      %parallel_loop3A_229 = arith.constant 8 : i32
      %parallel_loop3A_230 = arith.divsi %parallel_loop3A_217, %parallel_loop3A_229 : i32
      %parallel_loop3A_231 = arith.constant 0 : i32
      %parallel_loop3A_232 = arith.cmpi sgt, %parallel_loop3A_217, %parallel_loop3A_231 : i32
      %parallel_loop3A_233 = arith.extui %parallel_loop3A_232 : i1 to i32
      %parallel_loop3A_234 = arith.constant 0 : i32
      %parallel_loop3A_235 = arith.cmpi slt, %parallel_loop3A_217, %parallel_loop3A_234 : i32
      %parallel_loop3A_236 = arith.extui %parallel_loop3A_235 : i1 to i32
      %parallel_loop3A_237 = arith.subi %parallel_loop3A_233, %parallel_loop3A_236 : i32
      %parallel_loop3A_238 = arith.constant 0 : i32
      %parallel_loop3A_239 = arith.cmpi sgt, %parallel_loop3A_229, %parallel_loop3A_238 : i32
      %parallel_loop3A_240 = arith.extui %parallel_loop3A_239 : i1 to i32
      %parallel_loop3A_241 = arith.constant 0 : i32
      %parallel_loop3A_242 = arith.cmpi slt, %parallel_loop3A_229, %parallel_loop3A_241 : i32
      %parallel_loop3A_243 = arith.extui %parallel_loop3A_242 : i1 to i32
      %parallel_loop3A_244 = arith.subi %parallel_loop3A_240, %parallel_loop3A_243 : i32
      %parallel_loop3A_245 = arith.cmpi ne, %parallel_loop3A_237, %parallel_loop3A_244 : i32
      %parallel_loop3A_246 = arith.remsi %parallel_loop3A_217, %parallel_loop3A_229 : i32
      %parallel_loop3A_247 = arith.constant 0 : i32
      %parallel_loop3A_248 = arith.cmpi ne, %parallel_loop3A_246, %parallel_loop3A_247 : i32
      %parallel_loop3A_249 = arith.andi %parallel_loop3A_245, %parallel_loop3A_248 : i1
      %parallel_loop3A_250 = arith.constant 1 : i32
      %parallel_loop3A_251 = arith.subi %parallel_loop3A_230, %parallel_loop3A_250 : i32
      %parallel_loop3A_252 = arith.select %parallel_loop3A_249, %parallel_loop3A_251, %parallel_loop3A_230 : i32
      %parallel_loop3A_253 = arith.constant 8 : i32
      %parallel_loop3A_254 = arith.constant 0 : i32
      %parallel_loop3A_255 = arith.cmpi eq, %parallel_loop3A_253, %parallel_loop3A_254 : i32
      %parallel_loop3A_256 = arith.constant 1 : i32
      %parallel_loop3A_257 = arith.select %parallel_loop3A_255, %parallel_loop3A_256, %parallel_loop3A_253 : i32
      %parallel_loop3A_258 = arith.remsi %parallel_loop3A_217, %parallel_loop3A_257 : i32
      %parallel_loop3A_259 = arith.constant 0 : i32
      %parallel_loop3A_260 = arith.cmpi ne, %parallel_loop3A_258, %parallel_loop3A_259 : i32
      %parallel_loop3A_261 = arith.constant 0 : i32
      %parallel_loop3A_262 = arith.cmpi slt, %parallel_loop3A_258, %parallel_loop3A_261 : i32
      %parallel_loop3A_263 = arith.constant 0 : i32
      %parallel_loop3A_264 = arith.cmpi slt, %parallel_loop3A_257, %parallel_loop3A_263 : i32
      %parallel_loop3A_265 = arith.xori %parallel_loop3A_262, %parallel_loop3A_264 : i1
      %parallel_loop3A_266 = arith.andi %parallel_loop3A_265, %parallel_loop3A_260 : i1
      %parallel_loop3A_267 = arith.addi %parallel_loop3A_258, %parallel_loop3A_257 : i32
      %parallel_loop3A_268 = arith.select %parallel_loop3A_266, %parallel_loop3A_267, %parallel_loop3A_258 : i32
      %parallel_loop3A_269 = arith.index_cast %parallel_loop3A_252 : i32 to index
      %parallel_loop3A_270 = arith.index_cast %parallel_loop3A_201 : i32 to index
      %parallel_loop3A_271 = arith.index_cast %parallel_loop3A_268 : i32 to index
      %parallel_loop3A_272 = arith.constant 0 : index
      %parallel_loop3A_273 = tpu.vector_load %arg8[%parallel_loop3A_269, %parallel_loop3A_270, %parallel_loop3A_271, %parallel_loop3A_272] {strides = array<i32>} : memref<4x4x8x128xf32, #tpu.memory_space<vmem>>, vector<16xf32>,
      tpu.vector_store %arg8[%parallel_loop3A_269, %parallel_loop3A_270, %parallel_loop3A_271, %parallel_loop3A_272], %parallel_loop3A_228 {strides = array<i32>} : memref<4x4x8x128xf32, #tpu.memory_space<vmem>>, vector<16xf32>,
      %parallel_loop3A_274 = arith.constant 16 : i32
      %parallel_loop3A_275 = arith.addi %parallel_loop3A_223, %parallel_loop3A_274 : i32
      %parallel_loop3A_276 = vector.broadcast %parallel_loop3A_275 : i32 to vector<16xi32>
      %parallel_loop3A_277 = arith.addi %iota3A, %parallel_loop3A_276 : vector<16xi32>
      %parallel_loop3A_278 = tpu.vector_load_idx %arg6[%parallel_loop3A_277, %parallel_loop3A_221] : memref<512x32xf32, #tpu.memory_space<vmem>>[vector<16xi32>, vector<16xi32>], vector<16xf32>,
      %parallel_loop3A_279 = arith.constant 8 : i32
      %parallel_loop3A_280 = arith.divsi %parallel_loop3A_217, %parallel_loop3A_279 : i32
      %parallel_loop3A_281 = arith.constant 0 : i32
      %parallel_loop3A_282 = arith.cmpi sgt, %parallel_loop3A_217, %parallel_loop3A_281 : i32
      %parallel_loop3A_283 = arith.extui %parallel_loop3A_282 : i1 to i32
      %parallel_loop3A_284 = arith.constant 0 : i32
      %parallel_loop3A_285 = arith.cmpi slt, %parallel_loop3A_217, %parallel_loop3A_284 : i32
      %parallel_loop3A_286 = arith.extui %parallel_loop3A_285 : i1 to i32
      %parallel_loop3A_287 = arith.subi %parallel_loop3A_283, %parallel_loop3A_286 : i32
      %parallel_loop3A_288 = arith.constant 0 : i32
      %parallel_loop3A_289 = arith.cmpi sgt, %parallel_loop3A_279, %parallel_loop3A_288 : i32
      %parallel_loop3A_290 = arith.extui %parallel_loop3A_289 : i1 to i32
      %parallel_loop3A_291 = arith.constant 0 : i32
      %parallel_loop3A_292 = arith.cmpi slt, %parallel_loop3A_279, %parallel_loop3A_291 : i32
      %parallel_loop3A_293 = arith.extui %parallel_loop3A_292 : i1 to i32
      %parallel_loop3A_294 = arith.subi %parallel_loop3A_290, %parallel_loop3A_293 : i32
      %parallel_loop3A_295 = arith.cmpi ne, %parallel_loop3A_287, %parallel_loop3A_294 : i32
      %parallel_loop3A_296 = arith.remsi %parallel_loop3A_217, %parallel_loop3A_279 : i32
      %parallel_loop3A_297 = arith.constant 0 : i32
      %parallel_loop3A_298 = arith.cmpi ne, %parallel_loop3A_296, %parallel_loop3A_297 : i32
      %parallel_loop3A_299 = arith.andi %parallel_loop3A_295, %parallel_loop3A_298 : i1
      %parallel_loop3A_300 = arith.constant 1 : i32
      %parallel_loop3A_301 = arith.subi %parallel_loop3A_280, %parallel_loop3A_300 : i32
      %parallel_loop3A_302 = arith.select %parallel_loop3A_299, %parallel_loop3A_301, %parallel_loop3A_280 : i32
      %parallel_loop3A_303 = arith.constant 8 : i32
      %parallel_loop3A_304 = arith.constant 0 : i32
      %parallel_loop3A_305 = arith.cmpi eq, %parallel_loop3A_303, %parallel_loop3A_304 : i32
      %parallel_loop3A_306 = arith.constant 1 : i32
      %parallel_loop3A_307 = arith.select %parallel_loop3A_305, %parallel_loop3A_306, %parallel_loop3A_303 : i32
      %parallel_loop3A_308 = arith.remsi %parallel_loop3A_217, %parallel_loop3A_307 : i32
      %parallel_loop3A_309 = arith.constant 0 : i32
      %parallel_loop3A_310 = arith.cmpi ne, %parallel_loop3A_308, %parallel_loop3A_309 : i32
      %parallel_loop3A_311 = arith.constant 0 : i32
      %parallel_loop3A_312 = arith.cmpi slt, %parallel_loop3A_308, %parallel_loop3A_311 : i32
      %parallel_loop3A_313 = arith.constant 0 : i32
      %parallel_loop3A_314 = arith.cmpi slt, %parallel_loop3A_307, %parallel_loop3A_313 : i32
      %parallel_loop3A_315 = arith.xori %parallel_loop3A_312, %parallel_loop3A_314 : i1
      %parallel_loop3A_316 = arith.andi %parallel_loop3A_315, %parallel_loop3A_310 : i1
      %parallel_loop3A_317 = arith.addi %parallel_loop3A_308, %parallel_loop3A_307 : i32
      %parallel_loop3A_318 = arith.select %parallel_loop3A_316, %parallel_loop3A_317, %parallel_loop3A_308 : i32
      %parallel_loop3A_319 = arith.index_cast %parallel_loop3A_302 : i32 to index
      %parallel_loop3A_320 = arith.index_cast %parallel_loop3A_201 : i32 to index
      %parallel_loop3A_321 = arith.index_cast %parallel_loop3A_318 : i32 to index
      %parallel_loop3A_322 = arith.constant 16 : index
      %parallel_loop3A_323 = tpu.vector_load %arg8[%parallel_loop3A_319, %parallel_loop3A_320, %parallel_loop3A_321, %parallel_loop3A_322] {strides = array<i32>} : memref<4x4x8x128xf32, #tpu.memory_space<vmem>>, vector<16xf32>,
      tpu.vector_store %arg8[%parallel_loop3A_319, %parallel_loop3A_320, %parallel_loop3A_321, %parallel_loop3A_322], %parallel_loop3A_278 {strides = array<i32>} : memref<4x4x8x128xf32, #tpu.memory_space<vmem>>, vector<16xf32>,
      %parallel_loop3A_324 = arith.constant 32 : i32
      %parallel_loop3A_325 = arith.addi %parallel_loop3A_223, %parallel_loop3A_324 : i32
      %parallel_loop3A_326 = vector.broadcast %parallel_loop3A_325 : i32 to vector<16xi32>
      %parallel_loop3A_327 = arith.addi %iota3A, %parallel_loop3A_326 : vector<16xi32>
      %parallel_loop3A_328 = tpu.vector_load_idx %arg6[%parallel_loop3A_327, %parallel_loop3A_221] : memref<512x32xf32, #tpu.memory_space<vmem>>[vector<16xi32>, vector<16xi32>], vector<16xf32>,
      %parallel_loop3A_329 = arith.constant 8 : i32
      %parallel_loop3A_330 = arith.divsi %parallel_loop3A_217, %parallel_loop3A_329 : i32
      %parallel_loop3A_331 = arith.constant 0 : i32
      %parallel_loop3A_332 = arith.cmpi sgt, %parallel_loop3A_217, %parallel_loop3A_331 : i32
      %parallel_loop3A_333 = arith.extui %parallel_loop3A_332 : i1 to i32
      %parallel_loop3A_334 = arith.constant 0 : i32
      %parallel_loop3A_335 = arith.cmpi slt, %parallel_loop3A_217, %parallel_loop3A_334 : i32
      %parallel_loop3A_336 = arith.extui %parallel_loop3A_335 : i1 to i32
      %parallel_loop3A_337 = arith.subi %parallel_loop3A_333, %parallel_loop3A_336 : i32
      %parallel_loop3A_338 = arith.constant 0 : i32
      %parallel_loop3A_339 = arith.cmpi sgt, %parallel_loop3A_329, %parallel_loop3A_338 : i32
      %parallel_loop3A_340 = arith.extui %parallel_loop3A_339 : i1 to i32
      %parallel_loop3A_341 = arith.constant 0 : i32
      %parallel_loop3A_342 = arith.cmpi slt, %parallel_loop3A_329, %parallel_loop3A_341 : i32
      %parallel_loop3A_343 = arith.extui %parallel_loop3A_342 : i1 to i32
      %parallel_loop3A_344 = arith.subi %parallel_loop3A_340, %parallel_loop3A_343 : i32
      %parallel_loop3A_345 = arith.cmpi ne, %parallel_loop3A_337, %parallel_loop3A_344 : i32
      %parallel_loop3A_346 = arith.remsi %parallel_loop3A_217, %parallel_loop3A_329 : i32
      %parallel_loop3A_347 = arith.constant 0 : i32
      %parallel_loop3A_348 = arith.cmpi ne, %parallel_loop3A_346, %parallel_loop3A_347 : i32
      %parallel_loop3A_349 = arith.andi %parallel_loop3A_345, %parallel_loop3A_348 : i1
      %parallel_loop3A_350 = arith.constant 1 : i32
      %parallel_loop3A_351 = arith.subi %parallel_loop3A_330, %parallel_loop3A_350 : i32
      %parallel_loop3A_352 = arith.select %parallel_loop3A_349, %parallel_loop3A_351, %parallel_loop3A_330 : i32
      %parallel_loop3A_353 = arith.constant 8 : i32
      %parallel_loop3A_354 = arith.constant 0 : i32
      %parallel_loop3A_355 = arith.cmpi eq, %parallel_loop3A_353, %parallel_loop3A_354 : i32
      %parallel_loop3A_356 = arith.constant 1 : i32
      %parallel_loop3A_357 = arith.select %parallel_loop3A_355, %parallel_loop3A_356, %parallel_loop3A_353 : i32
      %parallel_loop3A_358 = arith.remsi %parallel_loop3A_217, %parallel_loop3A_357 : i32
      %parallel_loop3A_359 = arith.constant 0 : i32
      %parallel_loop3A_360 = arith.cmpi ne, %parallel_loop3A_358, %parallel_loop3A_359 : i32
      %parallel_loop3A_361 = arith.constant 0 : i32
      %parallel_loop3A_362 = arith.cmpi slt, %parallel_loop3A_358, %parallel_loop3A_361 : i32
      %parallel_loop3A_363 = arith.constant 0 : i32
      %parallel_loop3A_364 = arith.cmpi slt, %parallel_loop3A_357, %parallel_loop3A_363 : i32
      %parallel_loop3A_365 = arith.xori %parallel_loop3A_362, %parallel_loop3A_364 : i1
      %parallel_loop3A_366 = arith.andi %parallel_loop3A_365, %parallel_loop3A_360 : i1
      %parallel_loop3A_367 = arith.addi %parallel_loop3A_358, %parallel_loop3A_357 : i32
      %parallel_loop3A_368 = arith.select %parallel_loop3A_366, %parallel_loop3A_367, %parallel_loop3A_358 : i32
      %parallel_loop3A_369 = arith.index_cast %parallel_loop3A_352 : i32 to index
      %parallel_loop3A_370 = arith.index_cast %parallel_loop3A_201 : i32 to index
      %parallel_loop3A_371 = arith.index_cast %parallel_loop3A_368 : i32 to index
      %parallel_loop3A_372 = arith.constant 32 : index
      %parallel_loop3A_373 = tpu.vector_load %arg8[%parallel_loop3A_369, %parallel_loop3A_370, %parallel_loop3A_371, %parallel_loop3A_372] {strides = array<i32>} : memref<4x4x8x128xf32, #tpu.memory_space<vmem>>, vector<16xf32>,
      tpu.vector_store %arg8[%parallel_loop3A_369, %parallel_loop3A_370, %parallel_loop3A_371, %parallel_loop3A_372], %parallel_loop3A_328 {strides = array<i32>} : memref<4x4x8x128xf32, #tpu.memory_space<vmem>>, vector<16xf32>,
      %parallel_loop3A_374 = arith.constant 48 : i32
      %parallel_loop3A_375 = arith.addi %parallel_loop3A_223, %parallel_loop3A_374 : i32
      %parallel_loop3A_376 = vector.broadcast %parallel_loop3A_375 : i32 to vector<16xi32>
      %parallel_loop3A_377 = arith.addi %iota3A, %parallel_loop3A_376 : vector<16xi32>
      %parallel_loop3A_378 = tpu.vector_load_idx %arg6[%parallel_loop3A_377, %parallel_loop3A_221] : memref<512x32xf32, #tpu.memory_space<vmem>>[vector<16xi32>, vector<16xi32>], vector<16xf32>,
      %parallel_loop3A_379 = arith.constant 8 : i32
      %parallel_loop3A_380 = arith.divsi %parallel_loop3A_217, %parallel_loop3A_379 : i32
      %parallel_loop3A_381 = arith.constant 0 : i32
      %parallel_loop3A_382 = arith.cmpi sgt, %parallel_loop3A_217, %parallel_loop3A_381 : i32
      %parallel_loop3A_383 = arith.extui %parallel_loop3A_382 : i1 to i32
      %parallel_loop3A_384 = arith.constant 0 : i32
      %parallel_loop3A_385 = arith.cmpi slt, %parallel_loop3A_217, %parallel_loop3A_384 : i32
      %parallel_loop3A_386 = arith.extui %parallel_loop3A_385 : i1 to i32
      %parallel_loop3A_387 = arith.subi %parallel_loop3A_383, %parallel_loop3A_386 : i32
      %parallel_loop3A_388 = arith.constant 0 : i32
      %parallel_loop3A_389 = arith.cmpi sgt, %parallel_loop3A_379, %parallel_loop3A_388 : i32
      %parallel_loop3A_390 = arith.extui %parallel_loop3A_389 : i1 to i32
      %parallel_loop3A_391 = arith.constant 0 : i32
      %parallel_loop3A_392 = arith.cmpi slt, %parallel_loop3A_379, %parallel_loop3A_391 : i32
      %parallel_loop3A_393 = arith.extui %parallel_loop3A_392 : i1 to i32
      %parallel_loop3A_394 = arith.subi %parallel_loop3A_390, %parallel_loop3A_393 : i32
      %parallel_loop3A_395 = arith.cmpi ne, %parallel_loop3A_387, %parallel_loop3A_394 : i32
      %parallel_loop3A_396 = arith.remsi %parallel_loop3A_217, %parallel_loop3A_379 : i32
      %parallel_loop3A_397 = arith.constant 0 : i32
      %parallel_loop3A_398 = arith.cmpi ne, %parallel_loop3A_396, %parallel_loop3A_397 : i32
      %parallel_loop3A_399 = arith.andi %parallel_loop3A_395, %parallel_loop3A_398 : i1
      %parallel_loop3A_400 = arith.constant 1 : i32
      %parallel_loop3A_401 = arith.subi %parallel_loop3A_380, %parallel_loop3A_400 : i32
      %parallel_loop3A_402 = arith.select %parallel_loop3A_399, %parallel_loop3A_401, %parallel_loop3A_380 : i32
      %parallel_loop3A_403 = arith.constant 8 : i32
      %parallel_loop3A_404 = arith.constant 0 : i32
      %parallel_loop3A_405 = arith.cmpi eq, %parallel_loop3A_403, %parallel_loop3A_404 : i32
      %parallel_loop3A_406 = arith.constant 1 : i32
      %parallel_loop3A_407 = arith.select %parallel_loop3A_405, %parallel_loop3A_406, %parallel_loop3A_403 : i32
      %parallel_loop3A_408 = arith.remsi %parallel_loop3A_217, %parallel_loop3A_407 : i32
      %parallel_loop3A_409 = arith.constant 0 : i32
      %parallel_loop3A_410 = arith.cmpi ne, %parallel_loop3A_408, %parallel_loop3A_409 : i32
      %parallel_loop3A_411 = arith.constant 0 : i32
      %parallel_loop3A_412 = arith.cmpi slt, %parallel_loop3A_408, %parallel_loop3A_411 : i32
      %parallel_loop3A_413 = arith.constant 0 : i32
      %parallel_loop3A_414 = arith.cmpi slt, %parallel_loop3A_407, %parallel_loop3A_413 : i32
      %parallel_loop3A_415 = arith.xori %parallel_loop3A_412, %parallel_loop3A_414 : i1
      %parallel_loop3A_416 = arith.andi %parallel_loop3A_415, %parallel_loop3A_410 : i1
      %parallel_loop3A_417 = arith.addi %parallel_loop3A_408, %parallel_loop3A_407 : i32
      %parallel_loop3A_418 = arith.select %parallel_loop3A_416, %parallel_loop3A_417, %parallel_loop3A_408 : i32
      %parallel_loop3A_419 = arith.index_cast %parallel_loop3A_402 : i32 to index
      %parallel_loop3A_420 = arith.index_cast %parallel_loop3A_201 : i32 to index
      %parallel_loop3A_421 = arith.index_cast %parallel_loop3A_418 : i32 to index
      %parallel_loop3A_422 = arith.constant 48 : index
      %parallel_loop3A_423 = tpu.vector_load %arg8[%parallel_loop3A_419, %parallel_loop3A_420, %parallel_loop3A_421, %parallel_loop3A_422] {strides = array<i32>} : memref<4x4x8x128xf32, #tpu.memory_space<vmem>>, vector<16xf32>,
      tpu.vector_store %arg8[%parallel_loop3A_419, %parallel_loop3A_420, %parallel_loop3A_421, %parallel_loop3A_422], %parallel_loop3A_378 {strides = array<i32>} : memref<4x4x8x128xf32, #tpu.memory_space<vmem>>, vector<16xf32>,
      %parallel_loop3A_424 = arith.constant 64 : i32
      %parallel_loop3A_425 = arith.addi %parallel_loop3A_223, %parallel_loop3A_424 : i32
      %parallel_loop3A_426 = vector.broadcast %parallel_loop3A_425 : i32 to vector<16xi32>
      %parallel_loop3A_427 = arith.addi %iota3A, %parallel_loop3A_426 : vector<16xi32>
      %parallel_loop3A_428 = tpu.vector_load_idx %arg6[%parallel_loop3A_427, %parallel_loop3A_221] : memref<512x32xf32, #tpu.memory_space<vmem>>[vector<16xi32>, vector<16xi32>], vector<16xf32>,
      %parallel_loop3A_429 = arith.constant 8 : i32
      %parallel_loop3A_430 = arith.divsi %parallel_loop3A_217, %parallel_loop3A_429 : i32
      %parallel_loop3A_431 = arith.constant 0 : i32
      %parallel_loop3A_432 = arith.cmpi sgt, %parallel_loop3A_217, %parallel_loop3A_431 : i32
      %parallel_loop3A_433 = arith.extui %parallel_loop3A_432 : i1 to i32
      %parallel_loop3A_434 = arith.constant 0 : i32
      %parallel_loop3A_435 = arith.cmpi slt, %parallel_loop3A_217, %parallel_loop3A_434 : i32
      %parallel_loop3A_436 = arith.extui %parallel_loop3A_435 : i1 to i32
      %parallel_loop3A_437 = arith.subi %parallel_loop3A_433, %parallel_loop3A_436 : i32
      %parallel_loop3A_438 = arith.constant 0 : i32
      %parallel_loop3A_439 = arith.cmpi sgt, %parallel_loop3A_429, %parallel_loop3A_438 : i32
      %parallel_loop3A_440 = arith.extui %parallel_loop3A_439 : i1 to i32
      %parallel_loop3A_441 = arith.constant 0 : i32
      %parallel_loop3A_442 = arith.cmpi slt, %parallel_loop3A_429, %parallel_loop3A_441 : i32
      %parallel_loop3A_443 = arith.extui %parallel_loop3A_442 : i1 to i32
      %parallel_loop3A_444 = arith.subi %parallel_loop3A_440, %parallel_loop3A_443 : i32
      %parallel_loop3A_445 = arith.cmpi ne, %parallel_loop3A_437, %parallel_loop3A_444 : i32
      %parallel_loop3A_446 = arith.remsi %parallel_loop3A_217, %parallel_loop3A_429 : i32
      %parallel_loop3A_447 = arith.constant 0 : i32
      %parallel_loop3A_448 = arith.cmpi ne, %parallel_loop3A_446, %parallel_loop3A_447 : i32
      %parallel_loop3A_449 = arith.andi %parallel_loop3A_445, %parallel_loop3A_448 : i1
      %parallel_loop3A_450 = arith.constant 1 : i32
      %parallel_loop3A_451 = arith.subi %parallel_loop3A_430, %parallel_loop3A_450 : i32
      %parallel_loop3A_452 = arith.select %parallel_loop3A_449, %parallel_loop3A_451, %parallel_loop3A_430 : i32
      %parallel_loop3A_453 = arith.constant 8 : i32
      %parallel_loop3A_454 = arith.constant 0 : i32
      %parallel_loop3A_455 = arith.cmpi eq, %parallel_loop3A_453, %parallel_loop3A_454 : i32
      %parallel_loop3A_456 = arith.constant 1 : i32
      %parallel_loop3A_457 = arith.select %parallel_loop3A_455, %parallel_loop3A_456, %parallel_loop3A_453 : i32
      %parallel_loop3A_458 = arith.remsi %parallel_loop3A_217, %parallel_loop3A_457 : i32
      %parallel_loop3A_459 = arith.constant 0 : i32
      %parallel_loop3A_460 = arith.cmpi ne, %parallel_loop3A_458, %parallel_loop3A_459 : i32
      %parallel_loop3A_461 = arith.constant 0 : i32
      %parallel_loop3A_462 = arith.cmpi slt, %parallel_loop3A_458, %parallel_loop3A_461 : i32
      %parallel_loop3A_463 = arith.constant 0 : i32
      %parallel_loop3A_464 = arith.cmpi slt, %parallel_loop3A_457, %parallel_loop3A_463 : i32
      %parallel_loop3A_465 = arith.xori %parallel_loop3A_462, %parallel_loop3A_464 : i1
      %parallel_loop3A_466 = arith.andi %parallel_loop3A_465, %parallel_loop3A_460 : i1
      %parallel_loop3A_467 = arith.addi %parallel_loop3A_458, %parallel_loop3A_457 : i32
      %parallel_loop3A_468 = arith.select %parallel_loop3A_466, %parallel_loop3A_467, %parallel_loop3A_458 : i32
      %parallel_loop3A_469 = arith.index_cast %parallel_loop3A_452 : i32 to index
      %parallel_loop3A_470 = arith.index_cast %parallel_loop3A_201 : i32 to index
      %parallel_loop3A_471 = arith.index_cast %parallel_loop3A_468 : i32 to index
      %parallel_loop3A_472 = arith.constant 64 : index
      %parallel_loop3A_473 = tpu.vector_load %arg8[%parallel_loop3A_469, %parallel_loop3A_470, %parallel_loop3A_471, %parallel_loop3A_472] {strides = array<i32>} : memref<4x4x8x128xf32, #tpu.memory_space<vmem>>, vector<16xf32>,
      tpu.vector_store %arg8[%parallel_loop3A_469, %parallel_loop3A_470, %parallel_loop3A_471, %parallel_loop3A_472], %parallel_loop3A_428 {strides = array<i32>} : memref<4x4x8x128xf32, #tpu.memory_space<vmem>>, vector<16xf32>,
      %parallel_loop3A_474 = arith.constant 80 : i32
      %parallel_loop3A_475 = arith.addi %parallel_loop3A_223, %parallel_loop3A_474 : i32
      %parallel_loop3A_476 = vector.broadcast %parallel_loop3A_475 : i32 to vector<16xi32>
      %parallel_loop3A_477 = arith.addi %iota3A, %parallel_loop3A_476 : vector<16xi32>
      %parallel_loop3A_478 = tpu.vector_load_idx %arg6[%parallel_loop3A_477, %parallel_loop3A_221] : memref<512x32xf32, #tpu.memory_space<vmem>>[vector<16xi32>, vector<16xi32>], vector<16xf32>,
      %parallel_loop3A_479 = arith.constant 8 : i32
      %parallel_loop3A_480 = arith.divsi %parallel_loop3A_217, %parallel_loop3A_479 : i32
      %parallel_loop3A_481 = arith.constant 0 : i32
      %parallel_loop3A_482 = arith.cmpi sgt, %parallel_loop3A_217, %parallel_loop3A_481 : i32
      %parallel_loop3A_483 = arith.extui %parallel_loop3A_482 : i1 to i32
      %parallel_loop3A_484 = arith.constant 0 : i32
      %parallel_loop3A_485 = arith.cmpi slt, %parallel_loop3A_217, %parallel_loop3A_484 : i32
      %parallel_loop3A_486 = arith.extui %parallel_loop3A_485 : i1 to i32
      %parallel_loop3A_487 = arith.subi %parallel_loop3A_483, %parallel_loop3A_486 : i32
      %parallel_loop3A_488 = arith.constant 0 : i32
      %parallel_loop3A_489 = arith.cmpi sgt, %parallel_loop3A_479, %parallel_loop3A_488 : i32
      %parallel_loop3A_490 = arith.extui %parallel_loop3A_489 : i1 to i32
      %parallel_loop3A_491 = arith.constant 0 : i32
      %parallel_loop3A_492 = arith.cmpi slt, %parallel_loop3A_479, %parallel_loop3A_491 : i32
      %parallel_loop3A_493 = arith.extui %parallel_loop3A_492 : i1 to i32
      %parallel_loop3A_494 = arith.subi %parallel_loop3A_490, %parallel_loop3A_493 : i32
      %parallel_loop3A_495 = arith.cmpi ne, %parallel_loop3A_487, %parallel_loop3A_494 : i32
      %parallel_loop3A_496 = arith.remsi %parallel_loop3A_217, %parallel_loop3A_479 : i32
      %parallel_loop3A_497 = arith.constant 0 : i32
      %parallel_loop3A_498 = arith.cmpi ne, %parallel_loop3A_496, %parallel_loop3A_497 : i32
      %parallel_loop3A_499 = arith.andi %parallel_loop3A_495, %parallel_loop3A_498 : i1
      %parallel_loop3A_500 = arith.constant 1 : i32
      %parallel_loop3A_501 = arith.subi %parallel_loop3A_480, %parallel_loop3A_500 : i32
      %parallel_loop3A_502 = arith.select %parallel_loop3A_499, %parallel_loop3A_501, %parallel_loop3A_480 : i32
      %parallel_loop3A_503 = arith.constant 8 : i32
      %parallel_loop3A_504 = arith.constant 0 : i32
      %parallel_loop3A_505 = arith.cmpi eq, %parallel_loop3A_503, %parallel_loop3A_504 : i32
      %parallel_loop3A_506 = arith.constant 1 : i32
      %parallel_loop3A_507 = arith.select %parallel_loop3A_505, %parallel_loop3A_506, %parallel_loop3A_503 : i32
      %parallel_loop3A_508 = arith.remsi %parallel_loop3A_217, %parallel_loop3A_507 : i32
      %parallel_loop3A_509 = arith.constant 0 : i32
      %parallel_loop3A_510 = arith.cmpi ne, %parallel_loop3A_508, %parallel_loop3A_509 : i32
      %parallel_loop3A_511 = arith.constant 0 : i32
      %parallel_loop3A_512 = arith.cmpi slt, %parallel_loop3A_508, %parallel_loop3A_511 : i32
      %parallel_loop3A_513 = arith.constant 0 : i32
      %parallel_loop3A_514 = arith.cmpi slt, %parallel_loop3A_507, %parallel_loop3A_513 : i32
      %parallel_loop3A_515 = arith.xori %parallel_loop3A_512, %parallel_loop3A_514 : i1
      %parallel_loop3A_516 = arith.andi %parallel_loop3A_515, %parallel_loop3A_510 : i1
      %parallel_loop3A_517 = arith.addi %parallel_loop3A_508, %parallel_loop3A_507 : i32
      %parallel_loop3A_518 = arith.select %parallel_loop3A_516, %parallel_loop3A_517, %parallel_loop3A_508 : i32
      %parallel_loop3A_519 = arith.index_cast %parallel_loop3A_502 : i32 to index
      %parallel_loop3A_520 = arith.index_cast %parallel_loop3A_201 : i32 to index
      %parallel_loop3A_521 = arith.index_cast %parallel_loop3A_518 : i32 to index
      %parallel_loop3A_522 = arith.constant 80 : index
      %parallel_loop3A_523 = tpu.vector_load %arg8[%parallel_loop3A_519, %parallel_loop3A_520, %parallel_loop3A_521, %parallel_loop3A_522] {strides = array<i32>} : memref<4x4x8x128xf32, #tpu.memory_space<vmem>>, vector<16xf32>,
      tpu.vector_store %arg8[%parallel_loop3A_519, %parallel_loop3A_520, %parallel_loop3A_521, %parallel_loop3A_522], %parallel_loop3A_478 {strides = array<i32>} : memref<4x4x8x128xf32, #tpu.memory_space<vmem>>, vector<16xf32>,
      %parallel_loop3A_524 = arith.constant 96 : i32
      %parallel_loop3A_525 = arith.addi %parallel_loop3A_223, %parallel_loop3A_524 : i32
      %parallel_loop3A_526 = vector.broadcast %parallel_loop3A_525 : i32 to vector<16xi32>
      %parallel_loop3A_527 = arith.addi %iota3A, %parallel_loop3A_526 : vector<16xi32>
      %parallel_loop3A_528 = tpu.vector_load_idx %arg6[%parallel_loop3A_527, %parallel_loop3A_221] : memref<512x32xf32, #tpu.memory_space<vmem>>[vector<16xi32>, vector<16xi32>], vector<16xf32>,
      %parallel_loop3A_529 = arith.constant 8 : i32
      %parallel_loop3A_530 = arith.divsi %parallel_loop3A_217, %parallel_loop3A_529 : i32
      %parallel_loop3A_531 = arith.constant 0 : i32
      %parallel_loop3A_532 = arith.cmpi sgt, %parallel_loop3A_217, %parallel_loop3A_531 : i32
      %parallel_loop3A_533 = arith.extui %parallel_loop3A_532 : i1 to i32
      %parallel_loop3A_534 = arith.constant 0 : i32
      %parallel_loop3A_535 = arith.cmpi slt, %parallel_loop3A_217, %parallel_loop3A_534 : i32
      %parallel_loop3A_536 = arith.extui %parallel_loop3A_535 : i1 to i32
      %parallel_loop3A_537 = arith.subi %parallel_loop3A_533, %parallel_loop3A_536 : i32
      %parallel_loop3A_538 = arith.constant 0 : i32
      %parallel_loop3A_539 = arith.cmpi sgt, %parallel_loop3A_529, %parallel_loop3A_538 : i32
      %parallel_loop3A_540 = arith.extui %parallel_loop3A_539 : i1 to i32
      %parallel_loop3A_541 = arith.constant 0 : i32
      %parallel_loop3A_542 = arith.cmpi slt, %parallel_loop3A_529, %parallel_loop3A_541 : i32
      %parallel_loop3A_543 = arith.extui %parallel_loop3A_542 : i1 to i32
      %parallel_loop3A_544 = arith.subi %parallel_loop3A_540, %parallel_loop3A_543 : i32
      %parallel_loop3A_545 = arith.cmpi ne, %parallel_loop3A_537, %parallel_loop3A_544 : i32
      %parallel_loop3A_546 = arith.remsi %parallel_loop3A_217, %parallel_loop3A_529 : i32
      %parallel_loop3A_547 = arith.constant 0 : i32
      %parallel_loop3A_548 = arith.cmpi ne, %parallel_loop3A_546, %parallel_loop3A_547 : i32
      %parallel_loop3A_549 = arith.andi %parallel_loop3A_545, %parallel_loop3A_548 : i1
      %parallel_loop3A_550 = arith.constant 1 : i32
      %parallel_loop3A_551 = arith.subi %parallel_loop3A_530, %parallel_loop3A_550 : i32
      %parallel_loop3A_552 = arith.select %parallel_loop3A_549, %parallel_loop3A_551, %parallel_loop3A_530 : i32
      %parallel_loop3A_553 = arith.constant 8 : i32
      %parallel_loop3A_554 = arith.constant 0 : i32
      %parallel_loop3A_555 = arith.cmpi eq, %parallel_loop3A_553, %parallel_loop3A_554 : i32
      %parallel_loop3A_556 = arith.constant 1 : i32
      %parallel_loop3A_557 = arith.select %parallel_loop3A_555, %parallel_loop3A_556, %parallel_loop3A_553 : i32
      %parallel_loop3A_558 = arith.remsi %parallel_loop3A_217, %parallel_loop3A_557 : i32
      %parallel_loop3A_559 = arith.constant 0 : i32
      %parallel_loop3A_560 = arith.cmpi ne, %parallel_loop3A_558, %parallel_loop3A_559 : i32
      %parallel_loop3A_561 = arith.constant 0 : i32
      %parallel_loop3A_562 = arith.cmpi slt, %parallel_loop3A_558, %parallel_loop3A_561 : i32
      %parallel_loop3A_563 = arith.constant 0 : i32
      %parallel_loop3A_564 = arith.cmpi slt, %parallel_loop3A_557, %parallel_loop3A_563 : i32
      %parallel_loop3A_565 = arith.xori %parallel_loop3A_562, %parallel_loop3A_564 : i1
      %parallel_loop3A_566 = arith.andi %parallel_loop3A_565, %parallel_loop3A_560 : i1
      %parallel_loop3A_567 = arith.addi %parallel_loop3A_558, %parallel_loop3A_557 : i32
      %parallel_loop3A_568 = arith.select %parallel_loop3A_566, %parallel_loop3A_567, %parallel_loop3A_558 : i32
      %parallel_loop3A_569 = arith.index_cast %parallel_loop3A_552 : i32 to index
      %parallel_loop3A_570 = arith.index_cast %parallel_loop3A_201 : i32 to index
      %parallel_loop3A_571 = arith.index_cast %parallel_loop3A_568 : i32 to index
      %parallel_loop3A_572 = arith.constant 96 : index
      %parallel_loop3A_573 = tpu.vector_load %arg8[%parallel_loop3A_569, %parallel_loop3A_570, %parallel_loop3A_571, %parallel_loop3A_572] {strides = array<i32>} : memref<4x4x8x128xf32, #tpu.memory_space<vmem>>, vector<16xf32>,
      tpu.vector_store %arg8[%parallel_loop3A_569, %parallel_loop3A_570, %parallel_loop3A_571, %parallel_loop3A_572], %parallel_loop3A_528 {strides = array<i32>} : memref<4x4x8x128xf32, #tpu.memory_space<vmem>>, vector<16xf32>,
      %parallel_loop3A_574 = arith.constant 112 : i32
      %parallel_loop3A_575 = arith.addi %parallel_loop3A_223, %parallel_loop3A_574 : i32
      %parallel_loop3A_576 = vector.broadcast %parallel_loop3A_575 : i32 to vector<16xi32>
      %parallel_loop3A_577 = arith.addi %iota3A, %parallel_loop3A_576 : vector<16xi32>
      %parallel_loop3A_578 = tpu.vector_load_idx %arg6[%parallel_loop3A_577, %parallel_loop3A_221] : memref<512x32xf32, #tpu.memory_space<vmem>>[vector<16xi32>, vector<16xi32>], vector<16xf32>,
      %parallel_loop3A_579 = arith.constant 8 : i32
      %parallel_loop3A_580 = arith.divsi %parallel_loop3A_217, %parallel_loop3A_579 : i32
      %parallel_loop3A_581 = arith.constant 0 : i32
      %parallel_loop3A_582 = arith.cmpi sgt, %parallel_loop3A_217, %parallel_loop3A_581 : i32
      %parallel_loop3A_583 = arith.extui %parallel_loop3A_582 : i1 to i32
      %parallel_loop3A_584 = arith.constant 0 : i32
      %parallel_loop3A_585 = arith.cmpi slt, %parallel_loop3A_217, %parallel_loop3A_584 : i32
      %parallel_loop3A_586 = arith.extui %parallel_loop3A_585 : i1 to i32
      %parallel_loop3A_587 = arith.subi %parallel_loop3A_583, %parallel_loop3A_586 : i32
      %parallel_loop3A_588 = arith.constant 0 : i32
      %parallel_loop3A_589 = arith.cmpi sgt, %parallel_loop3A_579, %parallel_loop3A_588 : i32
      %parallel_loop3A_590 = arith.extui %parallel_loop3A_589 : i1 to i32
      %parallel_loop3A_591 = arith.constant 0 : i32
      %parallel_loop3A_592 = arith.cmpi slt, %parallel_loop3A_579, %parallel_loop3A_591 : i32
      %parallel_loop3A_593 = arith.extui %parallel_loop3A_592 : i1 to i32
      %parallel_loop3A_594 = arith.subi %parallel_loop3A_590, %parallel_loop3A_593 : i32
      %parallel_loop3A_595 = arith.cmpi ne, %parallel_loop3A_587, %parallel_loop3A_594 : i32
      %parallel_loop3A_596 = arith.remsi %parallel_loop3A_217, %parallel_loop3A_579 : i32
      %parallel_loop3A_597 = arith.constant 0 : i32
      %parallel_loop3A_598 = arith.cmpi ne, %parallel_loop3A_596, %parallel_loop3A_597 : i32
      %parallel_loop3A_599 = arith.andi %parallel_loop3A_595, %parallel_loop3A_598 : i1
      %parallel_loop3A_600 = arith.constant 1 : i32
      %parallel_loop3A_601 = arith.subi %parallel_loop3A_580, %parallel_loop3A_600 : i32
      %parallel_loop3A_602 = arith.select %parallel_loop3A_599, %parallel_loop3A_601, %parallel_loop3A_580 : i32
      %parallel_loop3A_603 = arith.constant 8 : i32
      %parallel_loop3A_604 = arith.constant 0 : i32
      %parallel_loop3A_605 = arith.cmpi eq, %parallel_loop3A_603, %parallel_loop3A_604 : i32
      %parallel_loop3A_606 = arith.constant 1 : i32
      %parallel_loop3A_607 = arith.select %parallel_loop3A_605, %parallel_loop3A_606, %parallel_loop3A_603 : i32
      %parallel_loop3A_608 = arith.remsi %parallel_loop3A_217, %parallel_loop3A_607 : i32
      %parallel_loop3A_609 = arith.constant 0 : i32
      %parallel_loop3A_610 = arith.cmpi ne, %parallel_loop3A_608, %parallel_loop3A_609 : i32
      %parallel_loop3A_611 = arith.constant 0 : i32
      %parallel_loop3A_612 = arith.cmpi slt, %parallel_loop3A_608, %parallel_loop3A_611 : i32
      %parallel_loop3A_613 = arith.constant 0 : i32
      %parallel_loop3A_614 = arith.cmpi slt, %parallel_loop3A_607, %parallel_loop3A_613 : i32
      %parallel_loop3A_615 = arith.xori %parallel_loop3A_612, %parallel_loop3A_614 : i1
      %parallel_loop3A_616 = arith.andi %parallel_loop3A_615, %parallel_loop3A_610 : i1
      %parallel_loop3A_617 = arith.addi %parallel_loop3A_608, %parallel_loop3A_607 : i32
      %parallel_loop3A_618 = arith.select %parallel_loop3A_616, %parallel_loop3A_617, %parallel_loop3A_608 : i32
      %parallel_loop3A_619 = arith.index_cast %parallel_loop3A_602 : i32 to index
      %parallel_loop3A_620 = arith.index_cast %parallel_loop3A_201 : i32 to index
      %parallel_loop3A_621 = arith.index_cast %parallel_loop3A_618 : i32 to index
      %parallel_loop3A_622 = arith.constant 112 : index
      %parallel_loop3A_623 = tpu.vector_load %arg8[%parallel_loop3A_619, %parallel_loop3A_620, %parallel_loop3A_621, %parallel_loop3A_622] {strides = array<i32>} : memref<4x4x8x128xf32, #tpu.memory_space<vmem>>, vector<16xf32>,
      tpu.vector_store %arg8[%parallel_loop3A_619, %parallel_loop3A_620, %parallel_loop3A_621, %parallel_loop3A_622], %parallel_loop3A_578 {strides = array<i32>} : memref<4x4x8x128xf32, #tpu.memory_space<vmem>>, vector<16xf32>,
    } {sc.loop_unroll_factor = 8 : i64, sc.parallel_access}
    %add3A_20 = arith.constant 0 : i32
    %add3A_21 = arith.addi %mul3A_2, %add3A_20 : i32
    %jit3A = arith.constant 8 : i32
    %div3A = arith.divsi %add3A_21, %jit3A : i32
    %sign3A = arith.constant 0 : i32
    %sign3A_22 = arith.cmpi sgt, %add3A_21, %sign3A : i32
    %sign3A_23 = arith.extui %sign3A_22 : i1 to i32
    %sign3A_24 = arith.constant 0 : i32
    %sign3A_25 = arith.cmpi slt, %add3A_21, %sign3A_24 : i32
    %sign3A_26 = arith.extui %sign3A_25 : i1 to i32
    %sign3A_27 = arith.subi %sign3A_23, %sign3A_26 : i32
    %sign3A_28 = arith.constant 0 : i32
    %sign3A_29 = arith.cmpi sgt, %jit3A, %sign3A_28 : i32
    %sign3A_30 = arith.extui %sign3A_29 : i1 to i32
    %sign3A_31 = arith.constant 0 : i32
    %sign3A_32 = arith.cmpi slt, %jit3A, %sign3A_31 : i32
    %sign3A_33 = arith.extui %sign3A_32 : i1 to i32
    %sign3A_34 = arith.subi %sign3A_30, %sign3A_33 : i32
    %ne3A = arith.cmpi ne, %sign3A_27, %sign3A_34 : i32
    %rem3A = arith.remsi %add3A_21, %jit3A : i32
    %ne3A_35 = arith.constant 0 : i32
    %ne3A_36 = arith.cmpi ne, %rem3A, %ne3A_35 : i32
    %and3A = arith.andi %ne3A, %ne3A_36 : i1
    %sub3A = arith.constant 1 : i32
    %sub3A_37 = arith.subi %div3A, %sub3A : i32
    %select_n3A = arith.select %and3A, %sub3A_37, %div3A : i32
    %jit3A_38 = arith.constant 8 : i32
    %eq3A = arith.constant 0 : i32
    %eq3A_39 = arith.cmpi eq, %jit3A_38, %eq3A : i32
    %jit3A_40 = arith.constant 1 : i32
    %select_n3A_41 = arith.select %eq3A_39, %jit3A_40, %jit3A_38 : i32
    %rem3A_42 = arith.remsi %add3A_21, %select_n3A_41 : i32
    %ne3A_43 = arith.constant 0 : i32
    %ne3A_44 = arith.cmpi ne, %rem3A_42, %ne3A_43 : i32
    %lt3A = arith.constant 0 : i32
    %lt3A_45 = arith.cmpi slt, %rem3A_42, %lt3A : i32
    %lt3A_46 = arith.constant 0 : i32
    %lt3A_47 = arith.cmpi slt, %select_n3A_41, %lt3A_46 : i32
    %ne3A_48 = arith.xori %lt3A_45, %lt3A_47 : i1
    %and3A_49 = arith.andi %ne3A_48, %ne3A_44 : i1
    %add3A_50 = arith.addi %rem3A_42, %select_n3A_41 : i32
    %select_n3A_51 = arith.select %and3A_49, %add3A_50, %rem3A_42 : i32
    %mul3A_52 = arith.constant 4 : i32
    %mul3A_53 = arith.muli %mul3A_52, %select_n3A_51 : i32
    %dma_start3A_54 = arith.constant 0 : i32
    %dma_start3A_55 = arith.constant 0 : i32
    %dma_start3A_56 = arith.constant 0 : i32
    %dma_start3A_57 = tpu.memref_slice %arg4[%select_n3A, %dma_start3A_54, %mul3A_53, %dma_start3A_55, %dma_start3A_56] : memref<200x4x32x8x128xf32, #tpu.memory_space<hbm>> -> memref<1x4x4x8x128xf32, #tpu.memory_space<hbm>>
    %dma_start3A_58 = tpu.memref_squeeze %dma_start3A_57 : memref<1x4x4x8x128xf32, #tpu.memory_space<hbm>> -> memref<4x4x8x128xf32, #tpu.memory_space<hbm>>
    %dma_start3A_59 = arith.constant 0 : i32
    %dma_start3A_60 = arith.constant 0 : i32
    %dma_start3A_61 = arith.constant 0 : i32
    %dma_start3A_62 = tpu.memref_slice %arg4[%select_n3A, %dma_start3A_59, %mul3A_53, %dma_start3A_60, %dma_start3A_61] : memref<200x4x32x8x128xf32, #tpu.memory_space<hbm>> -> memref<1x4x4x8x128xf32, #tpu.memory_space<hbm>>
    %dma_start3A_63 = tpu.memref_squeeze %dma_start3A_62 : memref<1x4x4x8x128xf32, #tpu.memory_space<hbm>> -> memref<4x4x8x128xf32, #tpu.memory_space<hbm>>
    tpu.enqueue_dma source(%arg8 : memref<4x4x8x128xf32, #tpu.memory_space<vmem>>) target(%dma_start3A_63 : memref<4x4x8x128xf32, #tpu.memory_space<hbm>>) target_semaphore(%arg12 : memref<!tpu.dma_semaphore, #tpu.memory_space<semaphore_mem>>)
    %dma_start3A_64 = arith.constant 1024 : i32
    %dma_start3A_65 = tpu.memref_slice %arg5[%dma_start3A_64] : memref<25600xi32, #tpu.memory_space<vmem>> -> memref<512xi32, #tpu.memory_space<vmem>>
    %dma_start3A_66 = arith.constant 0 : i32
    %dma_start3A_67 = arith.constant 0 : i32
    %dma_start3A_68 = tpu.memref_slice %arg3[%dma_start3A_66, %dma_start3A_67] : memref<1000000x32xf32, #tpu.memory_space<hbm>> -> memref<1000000x32xf32, #tpu.memory_space<hbm>>
    tpu.enqueue_indirect_dma source(%dma_start3A_68 : memref<1000000x32xf32, #tpu.memory_space<hbm>>) target(%arg6 : memref<512x32xf32, #tpu.memory_space<vmem>>) offsets(%dma_start3A_65 : memref<512xi32, #tpu.memory_space<vmem>>) semaphore(%arg10 : memref<!tpu.dma_semaphore, #tpu.memory_space<semaphore_mem>>)
    %dma_wait3A_69 = arith.constant 0 : i32
    %dma_wait3A_70 = tpu.memref_slice %arg5[%dma_wait3A_69] : memref<25600xi32, #tpu.memory_space<vmem>> -> memref<512xi32, #tpu.memory_space<vmem>>
    %dma_wait3A_71 = arith.constant 0 : i32
    %dma_wait3A_72 = arith.constant 0 : i32
    %dma_wait3A_73 = tpu.memref_slice %arg3[%dma_wait3A_71, %dma_wait3A_72] : memref<1000000x32xf32, #tpu.memory_space<hbm>> -> memref<1000000x32xf32, #tpu.memory_space<hbm>>
    tpu.wait_indirect_dma semaphore(%arg11 : memref<!tpu.dma_semaphore, #tpu.memory_space<semaphore_mem>>) src(%dma_wait3A_73 : memref<1000000x32xf32, #tpu.memory_space<hbm>>) dst(%arg7 : memref<512x32xf32, #tpu.memory_space<vmem>>)
    %parallel_loop3A_74 = arith.constant 0 : i32
    %parallel_loop3A_75 = arith.constant 128 : i32
    %parallel_loop3A_76 = arith.constant 1 : i32
    scf.for %parallel_loop3A_177 = %parallel_loop3A_74 to %parallel_loop3A_75 step %parallel_loop3A_76  : i32 {
      %parallel_loop3A_178 = arith.constant 32 : i32
      %parallel_loop3A_179 = arith.divsi %parallel_loop3A_177, %parallel_loop3A_178 : i32
      %parallel_loop3A_180 = arith.constant 0 : i32
      %parallel_loop3A_181 = arith.cmpi sgt, %parallel_loop3A_177, %parallel_loop3A_180 : i32
      %parallel_loop3A_182 = arith.extui %parallel_loop3A_181 : i1 to i32
      %parallel_loop3A_183 = arith.constant 0 : i32
      %parallel_loop3A_184 = arith.cmpi slt, %parallel_loop3A_177, %parallel_loop3A_183 : i32
      %parallel_loop3A_185 = arith.extui %parallel_loop3A_184 : i1 to i32
      %parallel_loop3A_186 = arith.subi %parallel_loop3A_182, %parallel_loop3A_185 : i32
      %parallel_loop3A_187 = arith.constant 0 : i32
      %parallel_loop3A_188 = arith.cmpi sgt, %parallel_loop3A_178, %parallel_loop3A_187 : i32
      %parallel_loop3A_189 = arith.extui %parallel_loop3A_188 : i1 to i32
      %parallel_loop3A_190 = arith.constant 0 : i32
      %parallel_loop3A_191 = arith.cmpi slt, %parallel_loop3A_178, %parallel_loop3A_190 : i32
      %parallel_loop3A_192 = arith.extui %parallel_loop3A_191 : i1 to i32
      %parallel_loop3A_193 = arith.subi %parallel_loop3A_189, %parallel_loop3A_192 : i32
      %parallel_loop3A_194 = arith.cmpi ne, %parallel_loop3A_186, %parallel_loop3A_193 : i32
      %parallel_loop3A_195 = arith.remsi %parallel_loop3A_177, %parallel_loop3A_178 : i32
      %parallel_loop3A_196 = arith.constant 0 : i32
      %parallel_loop3A_197 = arith.cmpi ne, %parallel_loop3A_195, %parallel_loop3A_196 : i32
      %parallel_loop3A_198 = arith.andi %parallel_loop3A_194, %parallel_loop3A_197 : i1
      %parallel_loop3A_199 = arith.constant 1 : i32
      %parallel_loop3A_200 = arith.subi %parallel_loop3A_179, %parallel_loop3A_199 : i32
      %parallel_loop3A_201 = arith.select %parallel_loop3A_198, %parallel_loop3A_200, %parallel_loop3A_179 : i32
      %parallel_loop3A_202 = arith.constant 32 : i32
      %parallel_loop3A_203 = arith.constant 0 : i32
      %parallel_loop3A_204 = arith.cmpi eq, %parallel_loop3A_202, %parallel_loop3A_203 : i32
      %parallel_loop3A_205 = arith.constant 1 : i32
      %parallel_loop3A_206 = arith.select %parallel_loop3A_204, %parallel_loop3A_205, %parallel_loop3A_202 : i32
      %parallel_loop3A_207 = arith.remsi %parallel_loop3A_177, %parallel_loop3A_206 : i32
      %parallel_loop3A_208 = arith.constant 0 : i32
      %parallel_loop3A_209 = arith.cmpi ne, %parallel_loop3A_207, %parallel_loop3A_208 : i32
      %parallel_loop3A_210 = arith.constant 0 : i32
      %parallel_loop3A_211 = arith.cmpi slt, %parallel_loop3A_207, %parallel_loop3A_210 : i32
      %parallel_loop3A_212 = arith.constant 0 : i32
      %parallel_loop3A_213 = arith.cmpi slt, %parallel_loop3A_206, %parallel_loop3A_212 : i32
      %parallel_loop3A_214 = arith.xori %parallel_loop3A_211, %parallel_loop3A_213 : i1
      %parallel_loop3A_215 = arith.andi %parallel_loop3A_214, %parallel_loop3A_209 : i1
      %parallel_loop3A_216 = arith.addi %parallel_loop3A_207, %parallel_loop3A_206 : i32
      %parallel_loop3A_217 = arith.select %parallel_loop3A_215, %parallel_loop3A_216, %parallel_loop3A_207 : i32
      %parallel_loop3A_218 = arith.constant 0 : i32
      %parallel_loop3A_219 = vector.broadcast %parallel_loop3A_218 : i32 to vector<16xi32>
      %parallel_loop3A_220 = vector.broadcast %parallel_loop3A_217 : i32 to vector<16xi32>
      %parallel_loop3A_221 = arith.addi %parallel_loop3A_219, %parallel_loop3A_220 : vector<16xi32>
      %parallel_loop3A_222 = arith.constant 128 : i32
      %parallel_loop3A_223 = arith.muli %parallel_loop3A_222, %parallel_loop3A_201 : i32
      %parallel_loop3A_224 = arith.constant 0 : i32
      %parallel_loop3A_225 = arith.addi %parallel_loop3A_223, %parallel_loop3A_224 : i32
      %parallel_loop3A_226 = vector.broadcast %parallel_loop3A_225 : i32 to vector<16xi32>
      %parallel_loop3A_227 = arith.addi %iota3A, %parallel_loop3A_226 : vector<16xi32>
      %parallel_loop3A_228 = tpu.vector_load_idx %arg7[%parallel_loop3A_227, %parallel_loop3A_221] : memref<512x32xf32, #tpu.memory_space<vmem>>[vector<16xi32>, vector<16xi32>], vector<16xf32>,
      %parallel_loop3A_229 = arith.constant 8 : i32
      %parallel_loop3A_230 = arith.divsi %parallel_loop3A_217, %parallel_loop3A_229 : i32
      %parallel_loop3A_231 = arith.constant 0 : i32
      %parallel_loop3A_232 = arith.cmpi sgt, %parallel_loop3A_217, %parallel_loop3A_231 : i32
      %parallel_loop3A_233 = arith.extui %parallel_loop3A_232 : i1 to i32
      %parallel_loop3A_234 = arith.constant 0 : i32
      %parallel_loop3A_235 = arith.cmpi slt, %parallel_loop3A_217, %parallel_loop3A_234 : i32
      %parallel_loop3A_236 = arith.extui %parallel_loop3A_235 : i1 to i32
      %parallel_loop3A_237 = arith.subi %parallel_loop3A_233, %parallel_loop3A_236 : i32
      %parallel_loop3A_238 = arith.constant 0 : i32
      %parallel_loop3A_239 = arith.cmpi sgt, %parallel_loop3A_229, %parallel_loop3A_238 : i32
      %parallel_loop3A_240 = arith.extui %parallel_loop3A_239 : i1 to i32
      %parallel_loop3A_241 = arith.constant 0 : i32
      %parallel_loop3A_242 = arith.cmpi slt, %parallel_loop3A_229, %parallel_loop3A_241 : i32
      %parallel_loop3A_243 = arith.extui %parallel_loop3A_242 : i1 to i32
      %parallel_loop3A_244 = arith.subi %parallel_loop3A_240, %parallel_loop3A_243 : i32
      %parallel_loop3A_245 = arith.cmpi ne, %parallel_loop3A_237, %parallel_loop3A_244 : i32
      %parallel_loop3A_246 = arith.remsi %parallel_loop3A_217, %parallel_loop3A_229 : i32
      %parallel_loop3A_247 = arith.constant 0 : i32
      %parallel_loop3A_248 = arith.cmpi ne, %parallel_loop3A_246, %parallel_loop3A_247 : i32
      %parallel_loop3A_249 = arith.andi %parallel_loop3A_245, %parallel_loop3A_248 : i1
      %parallel_loop3A_250 = arith.constant 1 : i32
      %parallel_loop3A_251 = arith.subi %parallel_loop3A_230, %parallel_loop3A_250 : i32
      %parallel_loop3A_252 = arith.select %parallel_loop3A_249, %parallel_loop3A_251, %parallel_loop3A_230 : i32
      %parallel_loop3A_253 = arith.constant 8 : i32
      %parallel_loop3A_254 = arith.constant 0 : i32
      %parallel_loop3A_255 = arith.cmpi eq, %parallel_loop3A_253, %parallel_loop3A_254 : i32
      %parallel_loop3A_256 = arith.constant 1 : i32
      %parallel_loop3A_257 = arith.select %parallel_loop3A_255, %parallel_loop3A_256, %parallel_loop3A_253 : i32
      %parallel_loop3A_258 = arith.remsi %parallel_loop3A_217, %parallel_loop3A_257 : i32
      %parallel_loop3A_259 = arith.constant 0 : i32
      %parallel_loop3A_260 = arith.cmpi ne, %parallel_loop3A_258, %parallel_loop3A_259 : i32
      %parallel_loop3A_261 = arith.constant 0 : i32
      %parallel_loop3A_262 = arith.cmpi slt, %parallel_loop3A_258, %parallel_loop3A_261 : i32
      %parallel_loop3A_263 = arith.constant 0 : i32
      %parallel_loop3A_264 = arith.cmpi slt, %parallel_loop3A_257, %parallel_loop3A_263 : i32
      %parallel_loop3A_265 = arith.xori %parallel_loop3A_262, %parallel_loop3A_264 : i1
      %parallel_loop3A_266 = arith.andi %parallel_loop3A_265, %parallel_loop3A_260 : i1
      %parallel_loop3A_267 = arith.addi %parallel_loop3A_258, %parallel_loop3A_257 : i32
      %parallel_loop3A_268 = arith.select %parallel_loop3A_266, %parallel_loop3A_267, %parallel_loop3A_258 : i32
      %parallel_loop3A_269 = arith.index_cast %parallel_loop3A_252 : i32 to index
      %parallel_loop3A_270 = arith.index_cast %parallel_loop3A_201 : i32 to index
      %parallel_loop3A_271 = arith.index_cast %parallel_loop3A_268 : i32 to index
      %parallel_loop3A_272 = arith.constant 0 : index
      %parallel_loop3A_273 = tpu.vector_load %arg9[%parallel_loop3A_269, %parallel_loop3A_270, %parallel_loop3A_271, %parallel_loop3A_272] {strides = array<i32>} : memref<4x4x8x128xf32, #tpu.memory_space<vmem>>, vector<16xf32>,
      tpu.vector_store %arg9[%parallel_loop3A_269, %parallel_loop3A_270, %parallel_loop3A_271, %parallel_loop3A_272], %parallel_loop3A_228 {strides = array<i32>} : memref<4x4x8x128xf32, #tpu.memory_space<vmem>>, vector<16xf32>,
      %parallel_loop3A_274 = arith.constant 16 : i32
      %parallel_loop3A_275 = arith.addi %parallel_loop3A_223, %parallel_loop3A_274 : i32
      %parallel_loop3A_276 = vector.broadcast %parallel_loop3A_275 : i32 to vector<16xi32>
      %parallel_loop3A_277 = arith.addi %iota3A, %parallel_loop3A_276 : vector<16xi32>
      %parallel_loop3A_278 = tpu.vector_load_idx %arg7[%parallel_loop3A_277, %parallel_loop3A_221] : memref<512x32xf32, #tpu.memory_space<vmem>>[vector<16xi32>, vector<16xi32>], vector<16xf32>,
      %parallel_loop3A_279 = arith.constant 8 : i32
      %parallel_loop3A_280 = arith.divsi %parallel_loop3A_217, %parallel_loop3A_279 : i32
      %parallel_loop3A_281 = arith.constant 0 : i32
      %parallel_loop3A_282 = arith.cmpi sgt, %parallel_loop3A_217, %parallel_loop3A_281 : i32
      %parallel_loop3A_283 = arith.extui %parallel_loop3A_282 : i1 to i32
      %parallel_loop3A_284 = arith.constant 0 : i32
      %parallel_loop3A_285 = arith.cmpi slt, %parallel_loop3A_217, %parallel_loop3A_284 : i32
      %parallel_loop3A_286 = arith.extui %parallel_loop3A_285 : i1 to i32
      %parallel_loop3A_287 = arith.subi %parallel_loop3A_283, %parallel_loop3A_286 : i32
      %parallel_loop3A_288 = arith.constant 0 : i32
      %parallel_loop3A_289 = arith.cmpi sgt, %parallel_loop3A_279, %parallel_loop3A_288 : i32
      %parallel_loop3A_290 = arith.extui %parallel_loop3A_289 : i1 to i32
      %parallel_loop3A_291 = arith.constant 0 : i32
      %parallel_loop3A_292 = arith.cmpi slt, %parallel_loop3A_279, %parallel_loop3A_291 : i32
      %parallel_loop3A_293 = arith.extui %parallel_loop3A_292 : i1 to i32
      %parallel_loop3A_294 = arith.subi %parallel_loop3A_290, %parallel_loop3A_293 : i32
      %parallel_loop3A_295 = arith.cmpi ne, %parallel_loop3A_287, %parallel_loop3A_294 : i32
      %parallel_loop3A_296 = arith.remsi %parallel_loop3A_217, %parallel_loop3A_279 : i32
      %parallel_loop3A_297 = arith.constant 0 : i32
      %parallel_loop3A_298 = arith.cmpi ne, %parallel_loop3A_296, %parallel_loop3A_297 : i32
      %parallel_loop3A_299 = arith.andi %parallel_loop3A_295, %parallel_loop3A_298 : i1
      %parallel_loop3A_300 = arith.constant 1 : i32
      %parallel_loop3A_301 = arith.subi %parallel_loop3A_280, %parallel_loop3A_300 : i32
      %parallel_loop3A_302 = arith.select %parallel_loop3A_299, %parallel_loop3A_301, %parallel_loop3A_280 : i32
      %parallel_loop3A_303 = arith.constant 8 : i32
      %parallel_loop3A_304 = arith.constant 0 : i32
      %parallel_loop3A_305 = arith.cmpi eq, %parallel_loop3A_303, %parallel_loop3A_304 : i32
      %parallel_loop3A_306 = arith.constant 1 : i32
      %parallel_loop3A_307 = arith.select %parallel_loop3A_305, %parallel_loop3A_306, %parallel_loop3A_303 : i32
      %parallel_loop3A_308 = arith.remsi %parallel_loop3A_217, %parallel_loop3A_307 : i32
      %parallel_loop3A_309 = arith.constant 0 : i32
      %parallel_loop3A_310 = arith.cmpi ne, %parallel_loop3A_308, %parallel_loop3A_309 : i32
      %parallel_loop3A_311 = arith.constant 0 : i32
      %parallel_loop3A_312 = arith.cmpi slt, %parallel_loop3A_308, %parallel_loop3A_311 : i32
      %parallel_loop3A_313 = arith.constant 0 : i32
      %parallel_loop3A_314 = arith.cmpi slt, %parallel_loop3A_307, %parallel_loop3A_313 : i32
      %parallel_loop3A_315 = arith.xori %parallel_loop3A_312, %parallel_loop3A_314 : i1
      %parallel_loop3A_316 = arith.andi %parallel_loop3A_315, %parallel_loop3A_310 : i1
      %parallel_loop3A_317 = arith.addi %parallel_loop3A_308, %parallel_loop3A_307 : i32
      %parallel_loop3A_318 = arith.select %parallel_loop3A_316, %parallel_loop3A_317, %parallel_loop3A_308 : i32
      %parallel_loop3A_319 = arith.index_cast %parallel_loop3A_302 : i32 to index
      %parallel_loop3A_320 = arith.index_cast %parallel_loop3A_201 : i32 to index
      %parallel_loop3A_321 = arith.index_cast %parallel_loop3A_318 : i32 to index
      %parallel_loop3A_322 = arith.constant 16 : index
      %parallel_loop3A_323 = tpu.vector_load %arg9[%parallel_loop3A_319, %parallel_loop3A_320, %parallel_loop3A_321, %parallel_loop3A_322] {strides = array<i32>} : memref<4x4x8x128xf32, #tpu.memory_space<vmem>>, vector<16xf32>,
      tpu.vector_store %arg9[%parallel_loop3A_319, %parallel_loop3A_320, %parallel_loop3A_321, %parallel_loop3A_322], %parallel_loop3A_278 {strides = array<i32>} : memref<4x4x8x128xf32, #tpu.memory_space<vmem>>, vector<16xf32>,
      %parallel_loop3A_324 = arith.constant 32 : i32
      %parallel_loop3A_325 = arith.addi %parallel_loop3A_223, %parallel_loop3A_324 : i32
      %parallel_loop3A_326 = vector.broadcast %parallel_loop3A_325 : i32 to vector<16xi32>
      %parallel_loop3A_327 = arith.addi %iota3A, %parallel_loop3A_326 : vector<16xi32>
      %parallel_loop3A_328 = tpu.vector_load_idx %arg7[%parallel_loop3A_327, %parallel_loop3A_221] : memref<512x32xf32, #tpu.memory_space<vmem>>[vector<16xi32>, vector<16xi32>], vector<16xf32>,
      %parallel_loop3A_329 = arith.constant 8 : i32
      %parallel_loop3A_330 = arith.divsi %parallel_loop3A_217, %parallel_loop3A_329 : i32
      %parallel_loop3A_331 = arith.constant 0 : i32
      %parallel_loop3A_332 = arith.cmpi sgt, %parallel_loop3A_217, %parallel_loop3A_331 : i32
      %parallel_loop3A_333 = arith.extui %parallel_loop3A_332 : i1 to i32
      %parallel_loop3A_334 = arith.constant 0 : i32
      %parallel_loop3A_335 = arith.cmpi slt, %parallel_loop3A_217, %parallel_loop3A_334 : i32
      %parallel_loop3A_336 = arith.extui %parallel_loop3A_335 : i1 to i32
      %parallel_loop3A_337 = arith.subi %parallel_loop3A_333, %parallel_loop3A_336 : i32
      %parallel_loop3A_338 = arith.constant 0 : i32
      %parallel_loop3A_339 = arith.cmpi sgt, %parallel_loop3A_329, %parallel_loop3A_338 : i32
      %parallel_loop3A_340 = arith.extui %parallel_loop3A_339 : i1 to i32
      %parallel_loop3A_341 = arith.constant 0 : i32
      %parallel_loop3A_342 = arith.cmpi slt, %parallel_loop3A_329, %parallel_loop3A_341 : i32
      %parallel_loop3A_343 = arith.extui %parallel_loop3A_342 : i1 to i32
      %parallel_loop3A_344 = arith.subi %parallel_loop3A_340, %parallel_loop3A_343 : i32
      %parallel_loop3A_345 = arith.cmpi ne, %parallel_loop3A_337, %parallel_loop3A_344 : i32
      %parallel_loop3A_346 = arith.remsi %parallel_loop3A_217, %parallel_loop3A_329 : i32
      %parallel_loop3A_347 = arith.constant 0 : i32
      %parallel_loop3A_348 = arith.cmpi ne, %parallel_loop3A_346, %parallel_loop3A_347 : i32
      %parallel_loop3A_349 = arith.andi %parallel_loop3A_345, %parallel_loop3A_348 : i1
      %parallel_loop3A_350 = arith.constant 1 : i32
      %parallel_loop3A_351 = arith.subi %parallel_loop3A_330, %parallel_loop3A_350 : i32
      %parallel_loop3A_352 = arith.select %parallel_loop3A_349, %parallel_loop3A_351, %parallel_loop3A_330 : i32
      %parallel_loop3A_353 = arith.constant 8 : i32
      %parallel_loop3A_354 = arith.constant 0 : i32
      %parallel_loop3A_355 = arith.cmpi eq, %parallel_loop3A_353, %parallel_loop3A_354 : i32
      %parallel_loop3A_356 = arith.constant 1 : i32
      %parallel_loop3A_357 = arith.select %parallel_loop3A_355, %parallel_loop3A_356, %parallel_loop3A_353 : i32
      %parallel_loop3A_358 = arith.remsi %parallel_loop3A_217, %parallel_loop3A_357 : i32
      %parallel_loop3A_359 = arith.constant 0 : i32
      %parallel_loop3A_360 = arith.cmpi ne, %parallel_loop3A_358, %parallel_loop3A_359 : i32
      %parallel_loop3A_361 = arith.constant 0 : i32
      %parallel_loop3A_362 = arith.cmpi slt, %parallel_loop3A_358, %parallel_loop3A_361 : i32
      %parallel_loop3A_363 = arith.constant 0 : i32
      %parallel_loop3A_364 = arith.cmpi slt, %parallel_loop3A_357, %parallel_loop3A_363 : i32
      %parallel_loop3A_365 = arith.xori %parallel_loop3A_362, %parallel_loop3A_364 : i1
      %parallel_loop3A_366 = arith.andi %parallel_loop3A_365, %parallel_loop3A_360 : i1
      %parallel_loop3A_367 = arith.addi %parallel_loop3A_358, %parallel_loop3A_357 : i32
      %parallel_loop3A_368 = arith.select %parallel_loop3A_366, %parallel_loop3A_367, %parallel_loop3A_358 : i32
      %parallel_loop3A_369 = arith.index_cast %parallel_loop3A_352 : i32 to index
      %parallel_loop3A_370 = arith.index_cast %parallel_loop3A_201 : i32 to index
      %parallel_loop3A_371 = arith.index_cast %parallel_loop3A_368 : i32 to index
      %parallel_loop3A_372 = arith.constant 32 : index
      %parallel_loop3A_373 = tpu.vector_load %arg9[%parallel_loop3A_369, %parallel_loop3A_370, %parallel_loop3A_371, %parallel_loop3A_372] {strides = array<i32>} : memref<4x4x8x128xf32, #tpu.memory_space<vmem>>, vector<16xf32>,
      tpu.vector_store %arg9[%parallel_loop3A_369, %parallel_loop3A_370, %parallel_loop3A_371, %parallel_loop3A_372], %parallel_loop3A_328 {strides = array<i32>} : memref<4x4x8x128xf32, #tpu.memory_space<vmem>>, vector<16xf32>,
      %parallel_loop3A_374 = arith.constant 48 : i32
      %parallel_loop3A_375 = arith.addi %parallel_loop3A_223, %parallel_loop3A_374 : i32
      %parallel_loop3A_376 = vector.broadcast %parallel_loop3A_375 : i32 to vector<16xi32>
      %parallel_loop3A_377 = arith.addi %iota3A, %parallel_loop3A_376 : vector<16xi32>
      %parallel_loop3A_378 = tpu.vector_load_idx %arg7[%parallel_loop3A_377, %parallel_loop3A_221] : memref<512x32xf32, #tpu.memory_space<vmem>>[vector<16xi32>, vector<16xi32>], vector<16xf32>,
      %parallel_loop3A_379 = arith.constant 8 : i32
      %parallel_loop3A_380 = arith.divsi %parallel_loop3A_217, %parallel_loop3A_379 : i32
      %parallel_loop3A_381 = arith.constant 0 : i32
      %parallel_loop3A_382 = arith.cmpi sgt, %parallel_loop3A_217, %parallel_loop3A_381 : i32
      %parallel_loop3A_383 = arith.extui %parallel_loop3A_382 : i1 to i32
      %parallel_loop3A_384 = arith.constant 0 : i32
      %parallel_loop3A_385 = arith.cmpi slt, %parallel_loop3A_217, %parallel_loop3A_384 : i32
      %parallel_loop3A_386 = arith.extui %parallel_loop3A_385 : i1 to i32
      %parallel_loop3A_387 = arith.subi %parallel_loop3A_383, %parallel_loop3A_386 : i32
      %parallel_loop3A_388 = arith.constant 0 : i32
      %parallel_loop3A_389 = arith.cmpi sgt, %parallel_loop3A_379, %parallel_loop3A_388 : i32
      %parallel_loop3A_390 = arith.extui %parallel_loop3A_389 : i1 to i32
      %parallel_loop3A_391 = arith.constant 0 : i32
      %parallel_loop3A_392 = arith.cmpi slt, %parallel_loop3A_379, %parallel_loop3A_391 : i32
      %parallel_loop3A_393 = arith.extui %parallel_loop3A_392 : i1 to i32
      %parallel_loop3A_394 = arith.subi %parallel_loop3A_390, %parallel_loop3A_393 : i32
      %parallel_loop3A_395 = arith.cmpi ne, %parallel_loop3A_387, %parallel_loop3A_394 : i32
      %parallel_loop3A_396 = arith.remsi %parallel_loop3A_217, %parallel_loop3A_379 : i32
      %parallel_loop3A_397 = arith.constant 0 : i32
      %parallel_loop3A_398 = arith.cmpi ne, %parallel_loop3A_396, %parallel_loop3A_397 : i32
      %parallel_loop3A_399 = arith.andi %parallel_loop3A_395, %parallel_loop3A_398 : i1
      %parallel_loop3A_400 = arith.constant 1 : i32
      %parallel_loop3A_401 = arith.subi %parallel_loop3A_380, %parallel_loop3A_400 : i32
      %parallel_loop3A_402 = arith.select %parallel_loop3A_399, %parallel_loop3A_401, %parallel_loop3A_380 : i32
      %parallel_loop3A_403 = arith.constant 8 : i32
      %parallel_loop3A_404 = arith.constant 0 : i32
      %parallel_loop3A_405 = arith.cmpi eq, %parallel_loop3A_403, %parallel_loop3A_404 : i32
      %parallel_loop3A_406 = arith.constant 1 : i32
      %parallel_loop3A_407 = arith.select %parallel_loop3A_405, %parallel_loop3A_406, %parallel_loop3A_403 : i32
      %parallel_loop3A_408 = arith.remsi %parallel_loop3A_217, %parallel_loop3A_407 : i32
      %parallel_loop3A_409 = arith.constant 0 : i32
      %parallel_loop3A_410 = arith.cmpi ne, %parallel_loop3A_408, %parallel_loop3A_409 : i32
      %parallel_loop3A_411 = arith.constant 0 : i32
      %parallel_loop3A_412 = arith.cmpi slt, %parallel_loop3A_408, %parallel_loop3A_411 : i32
      %parallel_loop3A_413 = arith.constant 0 : i32
      %parallel_loop3A_414 = arith.cmpi slt, %parallel_loop3A_407, %parallel_loop3A_413 : i32
      %parallel_loop3A_415 = arith.xori %parallel_loop3A_412, %parallel_loop3A_414 : i1
      %parallel_loop3A_416 = arith.andi %parallel_loop3A_415, %parallel_loop3A_410 : i1
      %parallel_loop3A_417 = arith.addi %parallel_loop3A_408, %parallel_loop3A_407 : i32
      %parallel_loop3A_418 = arith.select %parallel_loop3A_416, %parallel_loop3A_417, %parallel_loop3A_408 : i32
      %parallel_loop3A_419 = arith.index_cast %parallel_loop3A_402 : i32 to index
      %parallel_loop3A_420 = arith.index_cast %parallel_loop3A_201 : i32 to index
      %parallel_loop3A_421 = arith.index_cast %parallel_loop3A_418 : i32 to index
      %parallel_loop3A_422 = arith.constant 48 : index
      %parallel_loop3A_423 = tpu.vector_load %arg9[%parallel_loop3A_419, %parallel_loop3A_420, %parallel_loop3A_421, %parallel_loop3A_422] {strides = array<i32>} : memref<4x4x8x128xf32, #tpu.memory_space<vmem>>, vector<16xf32>,
      tpu.vector_store %arg9[%parallel_loop3A_419, %parallel_loop3A_420, %parallel_loop3A_421, %parallel_loop3A_422], %parallel_loop3A_378 {strides = array<i32>} : memref<4x4x8x128xf32, #tpu.memory_space<vmem>>, vector<16xf32>,
      %parallel_loop3A_424 = arith.constant 64 : i32
      %parallel_loop3A_425 = arith.addi %parallel_loop3A_223, %parallel_loop3A_424 : i32
      %parallel_loop3A_426 = vector.broadcast %parallel_loop3A_425 : i32 to vector<16xi32>
      %parallel_loop3A_427 = arith.addi %iota3A, %parallel_loop3A_426 : vector<16xi32>
      %parallel_loop3A_428 = tpu.vector_load_idx %arg7[%parallel_loop3A_427, %parallel_loop3A_221] : memref<512x32xf32, #tpu.memory_space<vmem>>[vector<16xi32>, vector<16xi32>], vector<16xf32>,
      %parallel_loop3A_429 = arith.constant 8 : i32
      %parallel_loop3A_430 = arith.divsi %parallel_loop3A_217, %parallel_loop3A_429 : i32
      %parallel_loop3A_431 = arith.constant 0 : i32
      %parallel_loop3A_432 = arith.cmpi sgt, %parallel_loop3A_217, %parallel_loop3A_431 : i32
      %parallel_loop3A_433 = arith.extui %parallel_loop3A_432 : i1 to i32
      %parallel_loop3A_434 = arith.constant 0 : i32
      %parallel_loop3A_435 = arith.cmpi slt, %parallel_loop3A_217, %parallel_loop3A_434 : i32
      %parallel_loop3A_436 = arith.extui %parallel_loop3A_435 : i1 to i32
      %parallel_loop3A_437 = arith.subi %parallel_loop3A_433, %parallel_loop3A_436 : i32
      %parallel_loop3A_438 = arith.constant 0 : i32
      %parallel_loop3A_439 = arith.cmpi sgt, %parallel_loop3A_429, %parallel_loop3A_438 : i32
      %parallel_loop3A_440 = arith.extui %parallel_loop3A_439 : i1 to i32
      %parallel_loop3A_441 = arith.constant 0 : i32
      %parallel_loop3A_442 = arith.cmpi slt, %parallel_loop3A_429, %parallel_loop3A_441 : i32
      %parallel_loop3A_443 = arith.extui %parallel_loop3A_442 : i1 to i32
      %parallel_loop3A_444 = arith.subi %parallel_loop3A_440, %parallel_loop3A_443 : i32
      %parallel_loop3A_445 = arith.cmpi ne, %parallel_loop3A_437, %parallel_loop3A_444 : i32
      %parallel_loop3A_446 = arith.remsi %parallel_loop3A_217, %parallel_loop3A_429 : i32
      %parallel_loop3A_447 = arith.constant 0 : i32
      %parallel_loop3A_448 = arith.cmpi ne, %parallel_loop3A_446, %parallel_loop3A_447 : i32
      %parallel_loop3A_449 = arith.andi %parallel_loop3A_445, %parallel_loop3A_448 : i1
      %parallel_loop3A_450 = arith.constant 1 : i32
      %parallel_loop3A_451 = arith.subi %parallel_loop3A_430, %parallel_loop3A_450 : i32
      %parallel_loop3A_452 = arith.select %parallel_loop3A_449, %parallel_loop3A_451, %parallel_loop3A_430 : i32
      %parallel_loop3A_453 = arith.constant 8 : i32
      %parallel_loop3A_454 = arith.constant 0 : i32
      %parallel_loop3A_455 = arith.cmpi eq, %parallel_loop3A_453, %parallel_loop3A_454 : i32
      %parallel_loop3A_456 = arith.constant 1 : i32
      %parallel_loop3A_457 = arith.select %parallel_loop3A_455, %parallel_loop3A_456, %parallel_loop3A_453 : i32
      %parallel_loop3A_458 = arith.remsi %parallel_loop3A_217, %parallel_loop3A_457 : i32
      %parallel_loop3A_459 = arith.constant 0 : i32
      %parallel_loop3A_460 = arith.cmpi ne, %parallel_loop3A_458, %parallel_loop3A_459 : i32
      %parallel_loop3A_461 = arith.constant 0 : i32
      %parallel_loop3A_462 = arith.cmpi slt, %parallel_loop3A_458, %parallel_loop3A_461 : i32
      %parallel_loop3A_463 = arith.constant 0 : i32
      %parallel_loop3A_464 = arith.cmpi slt, %parallel_loop3A_457, %parallel_loop3A_463 : i32
      %parallel_loop3A_465 = arith.xori %parallel_loop3A_462, %parallel_loop3A_464 : i1
      %parallel_loop3A_466 = arith.andi %parallel_loop3A_465, %parallel_loop3A_460 : i1
      %parallel_loop3A_467 = arith.addi %parallel_loop3A_458, %parallel_loop3A_457 : i32
      %parallel_loop3A_468 = arith.select %parallel_loop3A_466, %parallel_loop3A_467, %parallel_loop3A_458 : i32
      %parallel_loop3A_469 = arith.index_cast %parallel_loop3A_452 : i32 to index
      %parallel_loop3A_470 = arith.index_cast %parallel_loop3A_201 : i32 to index
      %parallel_loop3A_471 = arith.index_cast %parallel_loop3A_468 : i32 to index
      %parallel_loop3A_472 = arith.constant 64 : index
      %parallel_loop3A_473 = tpu.vector_load %arg9[%parallel_loop3A_469, %parallel_loop3A_470, %parallel_loop3A_471, %parallel_loop3A_472] {strides = array<i32>} : memref<4x4x8x128xf32, #tpu.memory_space<vmem>>, vector<16xf32>,
      tpu.vector_store %arg9[%parallel_loop3A_469, %parallel_loop3A_470, %parallel_loop3A_471, %parallel_loop3A_472], %parallel_loop3A_428 {strides = array<i32>} : memref<4x4x8x128xf32, #tpu.memory_space<vmem>>, vector<16xf32>,
      %parallel_loop3A_474 = arith.constant 80 : i32
      %parallel_loop3A_475 = arith.addi %parallel_loop3A_223, %parallel_loop3A_474 : i32
      %parallel_loop3A_476 = vector.broadcast %parallel_loop3A_475 : i32 to vector<16xi32>
      %parallel_loop3A_477 = arith.addi %iota3A, %parallel_loop3A_476 : vector<16xi32>
      %parallel_loop3A_478 = tpu.vector_load_idx %arg7[%parallel_loop3A_477, %parallel_loop3A_221] : memref<512x32xf32, #tpu.memory_space<vmem>>[vector<16xi32>, vector<16xi32>], vector<16xf32>,
      %parallel_loop3A_479 = arith.constant 8 : i32
      %parallel_loop3A_480 = arith.divsi %parallel_loop3A_217, %parallel_loop3A_479 : i32
      %parallel_loop3A_481 = arith.constant 0 : i32
      %parallel_loop3A_482 = arith.cmpi sgt, %parallel_loop3A_217, %parallel_loop3A_481 : i32
      %parallel_loop3A_483 = arith.extui %parallel_loop3A_482 : i1 to i32
      %parallel_loop3A_484 = arith.constant 0 : i32
      %parallel_loop3A_485 = arith.cmpi slt, %parallel_loop3A_217, %parallel_loop3A_484 : i32
      %parallel_loop3A_486 = arith.extui %parallel_loop3A_485 : i1 to i32
      %parallel_loop3A_487 = arith.subi %parallel_loop3A_483, %parallel_loop3A_486 : i32
      %parallel_loop3A_488 = arith.constant 0 : i32
      %parallel_loop3A_489 = arith.cmpi sgt, %parallel_loop3A_479, %parallel_loop3A_488 : i32
      %parallel_loop3A_490 = arith.extui %parallel_loop3A_489 : i1 to i32
      %parallel_loop3A_491 = arith.constant 0 : i32
      %parallel_loop3A_492 = arith.cmpi slt, %parallel_loop3A_479, %parallel_loop3A_491 : i32
      %parallel_loop3A_493 = arith.extui %parallel_loop3A_492 : i1 to i32
      %parallel_loop3A_494 = arith.subi %parallel_loop3A_490, %parallel_loop3A_493 : i32
      %parallel_loop3A_495 = arith.cmpi ne, %parallel_loop3A_487, %parallel_loop3A_494 : i32
      %parallel_loop3A_496 = arith.remsi %parallel_loop3A_217, %parallel_loop3A_479 : i32
      %parallel_loop3A_497 = arith.constant 0 : i32
      %parallel_loop3A_498 = arith.cmpi ne, %parallel_loop3A_496, %parallel_loop3A_497 : i32
      %parallel_loop3A_499 = arith.andi %parallel_loop3A_495, %parallel_loop3A_498 : i1
      %parallel_loop3A_500 = arith.constant 1 : i32
      %parallel_loop3A_501 = arith.subi %parallel_loop3A_480, %parallel_loop3A_500 : i32
      %parallel_loop3A_502 = arith.select %parallel_loop3A_499, %parallel_loop3A_501, %parallel_loop3A_480 : i32
      %parallel_loop3A_503 = arith.constant 8 : i32
      %parallel_loop3A_504 = arith.constant 0 : i32
      %parallel_loop3A_505 = arith.cmpi eq, %parallel_loop3A_503, %parallel_loop3A_504 : i32
      %parallel_loop3A_506 = arith.constant 1 : i32
      %parallel_loop3A_507 = arith.select %parallel_loop3A_505, %parallel_loop3A_506, %parallel_loop3A_503 : i32
      %parallel_loop3A_508 = arith.remsi %parallel_loop3A_217, %parallel_loop3A_507 : i32
      %parallel_loop3A_509 = arith.constant 0 : i32
      %parallel_loop3A_510 = arith.cmpi ne, %parallel_loop3A_508, %parallel_loop3A_509 : i32
      %parallel_loop3A_511 = arith.constant 0 : i32
      %parallel_loop3A_512 = arith.cmpi slt, %parallel_loop3A_508, %parallel_loop3A_511 : i32
      %parallel_loop3A_513 = arith.constant 0 : i32
      %parallel_loop3A_514 = arith.cmpi slt, %parallel_loop3A_507, %parallel_loop3A_513 : i32
      %parallel_loop3A_515 = arith.xori %parallel_loop3A_512, %parallel_loop3A_514 : i1
      %parallel_loop3A_516 = arith.andi %parallel_loop3A_515, %parallel_loop3A_510 : i1
      %parallel_loop3A_517 = arith.addi %parallel_loop3A_508, %parallel_loop3A_507 : i32
      %parallel_loop3A_518 = arith.select %parallel_loop3A_516, %parallel_loop3A_517, %parallel_loop3A_508 : i32
      %parallel_loop3A_519 = arith.index_cast %parallel_loop3A_502 : i32 to index
      %parallel_loop3A_520 = arith.index_cast %parallel_loop3A_201 : i32 to index
      %parallel_loop3A_521 = arith.index_cast %parallel_loop3A_518 : i32 to index
      %parallel_loop3A_522 = arith.constant 80 : index
      %parallel_loop3A_523 = tpu.vector_load %arg9[%parallel_loop3A_519, %parallel_loop3A_520, %parallel_loop3A_521, %parallel_loop3A_522] {strides = array<i32>} : memref<4x4x8x128xf32, #tpu.memory_space<vmem>>, vector<16xf32>,
      tpu.vector_store %arg9[%parallel_loop3A_519, %parallel_loop3A_520, %parallel_loop3A_521, %parallel_loop3A_522], %parallel_loop3A_478 {strides = array<i32>} : memref<4x4x8x128xf32, #tpu.memory_space<vmem>>, vector<16xf32>,
      %parallel_loop3A_524 = arith.constant 96 : i32
      %parallel_loop3A_525 = arith.addi %parallel_loop3A_223, %parallel_loop3A_524 : i32
      %parallel_loop3A_526 = vector.broadcast %parallel_loop3A_525 : i32 to vector<16xi32>
      %parallel_loop3A_527 = arith.addi %iota3A, %parallel_loop3A_526 : vector<16xi32>
      %parallel_loop3A_528 = tpu.vector_load_idx %arg7[%parallel_loop3A_527, %parallel_loop3A_221] : memref<512x32xf32, #tpu.memory_space<vmem>>[vector<16xi32>, vector<16xi32>], vector<16xf32>,
      %parallel_loop3A_529 = arith.constant 8 : i32
      %parallel_loop3A_530 = arith.divsi %parallel_loop3A_217, %parallel_loop3A_529 : i32
      %parallel_loop3A_531 = arith.constant 0 : i32
      %parallel_loop3A_532 = arith.cmpi sgt, %parallel_loop3A_217, %parallel_loop3A_531 : i32
      %parallel_loop3A_533 = arith.extui %parallel_loop3A_532 : i1 to i32
      %parallel_loop3A_534 = arith.constant 0 : i32
      %parallel_loop3A_535 = arith.cmpi slt, %parallel_loop3A_217, %parallel_loop3A_534 : i32
      %parallel_loop3A_536 = arith.extui %parallel_loop3A_535 : i1 to i32
      %parallel_loop3A_537 = arith.subi %parallel_loop3A_533, %parallel_loop3A_536 : i32
      %parallel_loop3A_538 = arith.constant 0 : i32
      %parallel_loop3A_539 = arith.cmpi sgt, %parallel_loop3A_529, %parallel_loop3A_538 : i32
      %parallel_loop3A_540 = arith.extui %parallel_loop3A_539 : i1 to i32
      %parallel_loop3A_541 = arith.constant 0 : i32
      %parallel_loop3A_542 = arith.cmpi slt, %parallel_loop3A_529, %parallel_loop3A_541 : i32
      %parallel_loop3A_543 = arith.extui %parallel_loop3A_542 : i1 to i32
      %parallel_loop3A_544 = arith.subi %parallel_loop3A_540, %parallel_loop3A_543 : i32
      %parallel_loop3A_545 = arith.cmpi ne, %parallel_loop3A_537, %parallel_loop3A_544 : i32
      %parallel_loop3A_546 = arith.remsi %parallel_loop3A_217, %parallel_loop3A_529 : i32
      %parallel_loop3A_547 = arith.constant 0 : i32
      %parallel_loop3A_548 = arith.cmpi ne, %parallel_loop3A_546, %parallel_loop3A_547 : i32
      %parallel_loop3A_549 = arith.andi %parallel_loop3A_545, %parallel_loop3A_548 : i1
      %parallel_loop3A_550 = arith.constant 1 : i32
      %parallel_loop3A_551 = arith.subi %parallel_loop3A_530, %parallel_loop3A_550 : i32
      %parallel_loop3A_552 = arith.select %parallel_loop3A_549, %parallel_loop3A_551, %parallel_loop3A_530 : i32
      %parallel_loop3A_553 = arith.constant 8 : i32
      %parallel_loop3A_554 = arith.constant 0 : i32
      %parallel_loop3A_555 = arith.cmpi eq, %parallel_loop3A_553, %parallel_loop3A_554 : i32
      %parallel_loop3A_556 = arith.constant 1 : i32
      %parallel_loop3A_557 = arith.select %parallel_loop3A_555, %parallel_loop3A_556, %parallel_loop3A_553 : i32
      %parallel_loop3A_558 = arith.remsi %parallel_loop3A_217, %parallel_loop3A_557 : i32
      %parallel_loop3A_559 = arith.constant 0 : i32
      %parallel_loop3A_560 = arith.cmpi ne, %parallel_loop3A_558, %parallel_loop3A_559 : i32
      %parallel_loop3A_561 = arith.constant 0 : i32
      %parallel_loop3A_562 = arith.cmpi slt, %parallel_loop3A_558, %parallel_loop3A_561 : i32
      %parallel_loop3A_563 = arith.constant 0 : i32
      %parallel_loop3A_564 = arith.cmpi slt, %parallel_loop3A_557, %parallel_loop3A_563 : i32
      %parallel_loop3A_565 = arith.xori %parallel_loop3A_562, %parallel_loop3A_564 : i1
      %parallel_loop3A_566 = arith.andi %parallel_loop3A_565, %parallel_loop3A_560 : i1
      %parallel_loop3A_567 = arith.addi %parallel_loop3A_558, %parallel_loop3A_557 : i32
      %parallel_loop3A_568 = arith.select %parallel_loop3A_566, %parallel_loop3A_567, %parallel_loop3A_558 : i32
      %parallel_loop3A_569 = arith.index_cast %parallel_loop3A_552 : i32 to index
      %parallel_loop3A_570 = arith.index_cast %parallel_loop3A_201 : i32 to index
      %parallel_loop3A_571 = arith.index_cast %parallel_loop3A_568 : i32 to index
      %parallel_loop3A_572 = arith.constant 96 : index
      %parallel_loop3A_573 = tpu.vector_load %arg9[%parallel_loop3A_569, %parallel_loop3A_570, %parallel_loop3A_571, %parallel_loop3A_572] {strides = array<i32>} : memref<4x4x8x128xf32, #tpu.memory_space<vmem>>, vector<16xf32>,
      tpu.vector_store %arg9[%parallel_loop3A_569, %parallel_loop3A_570, %parallel_loop3A_571, %parallel_loop3A_572], %parallel_loop3A_528 {strides = array<i32>} : memref<4x4x8x128xf32, #tpu.memory_space<vmem>>, vector<16xf32>,
      %parallel_loop3A_574 = arith.constant 112 : i32
      %parallel_loop3A_575 = arith.addi %parallel_loop3A_223, %parallel_loop3A_574 : i32
      %parallel_loop3A_576 = vector.broadcast %parallel_loop3A_575 : i32 to vector<16xi32>
      %parallel_loop3A_577 = arith.addi %iota3A, %parallel_loop3A_576 : vector<16xi32>
      %parallel_loop3A_578 = tpu.vector_load_idx %arg7[%parallel_loop3A_577, %parallel_loop3A_221] : memref<512x32xf32, #tpu.memory_space<vmem>>[vector<16xi32>, vector<16xi32>], vector<16xf32>,
      %parallel_loop3A_579 = arith.constant 8 : i32
      %parallel_loop3A_580 = arith.divsi %parallel_loop3A_217, %parallel_loop3A_579 : i32
      %parallel_loop3A_581 = arith.constant 0 : i32
      %parallel_loop3A_582 = arith.cmpi sgt, %parallel_loop3A_217, %parallel_loop3A_581 : i32
      %parallel_loop3A_583 = arith.extui %parallel_loop3A_582 : i1 to i32
      %parallel_loop3A_584 = arith.constant 0 : i32
      %parallel_loop3A_585 = arith.cmpi slt, %parallel_loop3A_217, %parallel_loop3A_584 : i32
      %parallel_loop3A_586 = arith.extui %parallel_loop3A_585 : i1 to i32
      %parallel_loop3A_587 = arith.subi %parallel_loop3A_583, %parallel_loop3A_586 : i32
      %parallel_loop3A_588 = arith.constant 0 : i32
      %parallel_loop3A_589 = arith.cmpi sgt, %parallel_loop3A_579, %parallel_loop3A_588 : i32
      %parallel_loop3A_590 = arith.extui %parallel_loop3A_589 : i1 to i32
      %parallel_loop3A_591 = arith.constant 0 : i32
      %parallel_loop3A_592 = arith.cmpi slt, %parallel_loop3A_579, %parallel_loop3A_591 : i32
      %parallel_loop3A_593 = arith.extui %parallel_loop3A_592 : i1 to i32
      %parallel_loop3A_594 = arith.subi %parallel_loop3A_590, %parallel_loop3A_593 : i32
      %parallel_loop3A_595 = arith.cmpi ne, %parallel_loop3A_587, %parallel_loop3A_594 : i32
      %parallel_loop3A_596 = arith.remsi %parallel_loop3A_217, %parallel_loop3A_579 : i32
      %parallel_loop3A_597 = arith.constant 0 : i32
      %parallel_loop3A_598 = arith.cmpi ne, %parallel_loop3A_596, %parallel_loop3A_597 : i32
      %parallel_loop3A_599 = arith.andi %parallel_loop3A_595, %parallel_loop3A_598 : i1
      %parallel_loop3A_600 = arith.constant 1 : i32
      %parallel_loop3A_601 = arith.subi %parallel_loop3A_580, %parallel_loop3A_600 : i32
      %parallel_loop3A_602 = arith.select %parallel_loop3A_599, %parallel_loop3A_601, %parallel_loop3A_580 : i32
      %parallel_loop3A_603 = arith.constant 8 : i32
      %parallel_loop3A_604 = arith.constant 0 : i32
      %parallel_loop3A_605 = arith.cmpi eq, %parallel_loop3A_603, %parallel_loop3A_604 : i32
      %parallel_loop3A_606 = arith.constant 1 : i32
      %parallel_loop3A_607 = arith.select %parallel_loop3A_605, %parallel_loop3A_606, %parallel_loop3A_603 : i32
      %parallel_loop3A_608 = arith.remsi %parallel_loop3A_217, %parallel_loop3A_607 : i32
      %parallel_loop3A_609 = arith.constant 0 : i32
      %parallel_loop3A_610 = arith.cmpi ne, %parallel_loop3A_608, %parallel_loop3A_609 : i32
      %parallel_loop3A_611 = arith.constant 0 : i32
      %parallel_loop3A_612 = arith.cmpi slt, %parallel_loop3A_608, %parallel_loop3A_611 : i32
      %parallel_loop3A_613 = arith.constant 0 : i32
      %parallel_loop3A_614 = arith.cmpi slt, %parallel_loop3A_607, %parallel_loop3A_613 : i32
      %parallel_loop3A_615 = arith.xori %parallel_loop3A_612, %parallel_loop3A_614 : i1
      %parallel_loop3A_616 = arith.andi %parallel_loop3A_615, %parallel_loop3A_610 : i1
      %parallel_loop3A_617 = arith.addi %parallel_loop3A_608, %parallel_loop3A_607 : i32
      %parallel_loop3A_618 = arith.select %parallel_loop3A_616, %parallel_loop3A_617, %parallel_loop3A_608 : i32
      %parallel_loop3A_619 = arith.index_cast %parallel_loop3A_602 : i32 to index
      %parallel_loop3A_620 = arith.index_cast %parallel_loop3A_201 : i32 to index
      %parallel_loop3A_621 = arith.index_cast %parallel_loop3A_618 : i32 to index
      %parallel_loop3A_622 = arith.constant 112 : index
      %parallel_loop3A_623 = tpu.vector_load %arg9[%parallel_loop3A_619, %parallel_loop3A_620, %parallel_loop3A_621, %parallel_loop3A_622] {strides = array<i32>} : memref<4x4x8x128xf32, #tpu.memory_space<vmem>>, vector<16xf32>,
      tpu.vector_store %arg9[%parallel_loop3A_619, %parallel_loop3A_620, %parallel_loop3A_621, %parallel_loop3A_622], %parallel_loop3A_578 {strides = array<i32>} : memref<4x4x8x128xf32, #tpu.memory_space<vmem>>, vector<16xf32>,
    } {sc.loop_unroll_factor = 8 : i64, sc.parallel_access}
    %add3A_77 = arith.constant 1 : i32
    %add3A_78 = arith.addi %mul3A_2, %add3A_77 : i32
    %jit3A_79 = arith.constant 8 : i32
    %div3A_80 = arith.divsi %add3A_78, %jit3A_79 : i32
    %sign3A_81 = arith.constant 0 : i32
    %sign3A_82 = arith.cmpi sgt, %add3A_78, %sign3A_81 : i32
    %sign3A_83 = arith.extui %sign3A_82 : i1 to i32
    %sign3A_84 = arith.constant 0 : i32
    %sign3A_85 = arith.cmpi slt, %add3A_78, %sign3A_84 : i32
    %sign3A_86 = arith.extui %sign3A_85 : i1 to i32
    %sign3A_87 = arith.subi %sign3A_83, %sign3A_86 : i32
    %sign3A_88 = arith.constant 0 : i32
    %sign3A_89 = arith.cmpi sgt, %jit3A_79, %sign3A_88 : i32
    %sign3A_90 = arith.extui %sign3A_89 : i1 to i32
    %sign3A_91 = arith.constant 0 : i32
    %sign3A_92 = arith.cmpi slt, %jit3A_79, %sign3A_91 : i32
    %sign3A_93 = arith.extui %sign3A_92 : i1 to i32
    %sign3A_94 = arith.subi %sign3A_90, %sign3A_93 : i32
    %ne3A_95 = arith.cmpi ne, %sign3A_87, %sign3A_94 : i32
    %rem3A_96 = arith.remsi %add3A_78, %jit3A_79 : i32
    %ne3A_97 = arith.constant 0 : i32
    %ne3A_98 = arith.cmpi ne, %rem3A_96, %ne3A_97 : i32
    %and3A_99 = arith.andi %ne3A_95, %ne3A_98 : i1
    %sub3A_100 = arith.constant 1 : i32
    %sub3A_101 = arith.subi %div3A_80, %sub3A_100 : i32
    %select_n3A_102 = arith.select %and3A_99, %sub3A_101, %div3A_80 : i32
    %jit3A_103 = arith.constant 8 : i32
    %eq3A_104 = arith.constant 0 : i32
    %eq3A_105 = arith.cmpi eq, %jit3A_103, %eq3A_104 : i32
    %jit3A_106 = arith.constant 1 : i32
    %select_n3A_107 = arith.select %eq3A_105, %jit3A_106, %jit3A_103 : i32
    %rem3A_108 = arith.remsi %add3A_78, %select_n3A_107 : i32
    %ne3A_109 = arith.constant 0 : i32
    %ne3A_110 = arith.cmpi ne, %rem3A_108, %ne3A_109 : i32
    %lt3A_111 = arith.constant 0 : i32
    %lt3A_112 = arith.cmpi slt, %rem3A_108, %lt3A_111 : i32
    %lt3A_113 = arith.constant 0 : i32
    %lt3A_114 = arith.cmpi slt, %select_n3A_107, %lt3A_113 : i32
    %ne3A_115 = arith.xori %lt3A_112, %lt3A_114 : i1
    %and3A_116 = arith.andi %ne3A_115, %ne3A_110 : i1
    %add3A_117 = arith.addi %rem3A_108, %select_n3A_107 : i32
    %select_n3A_118 = arith.select %and3A_116, %add3A_117, %rem3A_108 : i32
    %mul3A_119 = arith.constant 4 : i32
    %mul3A_120 = arith.muli %mul3A_119, %select_n3A_118 : i32
    %dma_start3A_121 = arith.constant 0 : i32
    %dma_start3A_122 = arith.constant 0 : i32
    %dma_start3A_123 = arith.constant 0 : i32
    %dma_start3A_124 = tpu.memref_slice %arg4[%select_n3A_102, %dma_start3A_121, %mul3A_120, %dma_start3A_122, %dma_start3A_123] : memref<200x4x32x8x128xf32, #tpu.memory_space<hbm>> -> memref<1x4x4x8x128xf32, #tpu.memory_space<hbm>>
    %dma_start3A_125 = tpu.memref_squeeze %dma_start3A_124 : memref<1x4x4x8x128xf32, #tpu.memory_space<hbm>> -> memref<4x4x8x128xf32, #tpu.memory_space<hbm>>
    %dma_start3A_126 = arith.constant 0 : i32
    %dma_start3A_127 = arith.constant 0 : i32
    %dma_start3A_128 = arith.constant 0 : i32
    %dma_start3A_129 = tpu.memref_slice %arg4[%select_n3A_102, %dma_start3A_126, %mul3A_120, %dma_start3A_127, %dma_start3A_128] : memref<200x4x32x8x128xf32, #tpu.memory_space<hbm>> -> memref<1x4x4x8x128xf32, #tpu.memory_space<hbm>>
    %dma_start3A_130 = tpu.memref_squeeze %dma_start3A_129 : memref<1x4x4x8x128xf32, #tpu.memory_space<hbm>> -> memref<4x4x8x128xf32, #tpu.memory_space<hbm>>
    tpu.enqueue_dma source(%arg9 : memref<4x4x8x128xf32, #tpu.memory_space<vmem>>) target(%dma_start3A_130 : memref<4x4x8x128xf32, #tpu.memory_space<hbm>>) target_semaphore(%arg13 : memref<!tpu.dma_semaphore, #tpu.memory_space<semaphore_mem>>)
    %dma_start3A_131 = arith.constant 1536 : i32
    %dma_start3A_132 = tpu.memref_slice %arg5[%dma_start3A_131] : memref<25600xi32, #tpu.memory_space<vmem>> -> memref<512xi32, #tpu.memory_space<vmem>>
    %dma_start3A_133 = arith.constant 0 : i32
    %dma_start3A_134 = arith.constant 0 : i32
    %dma_start3A_135 = tpu.memref_slice %arg3[%dma_start3A_133, %dma_start3A_134] : memref<1000000x32xf32, #tpu.memory_space<hbm>> -> memref<1000000x32xf32, #tpu.memory_space<hbm>>
    tpu.enqueue_indirect_dma source(%dma_start3A_135 : memref<1000000x32xf32, #tpu.memory_space<hbm>>) target(%arg7 : memref<512x32xf32, #tpu.memory_space<vmem>>) offsets(%dma_start3A_132 : memref<512xi32, #tpu.memory_space<vmem>>) semaphore(%arg11 : memref<!tpu.dma_semaphore, #tpu.memory_space<semaphore_mem>>)
    %scan3A = arith.constant 0 : i32
    %scan3A_136 = arith.constant 0 : i32
    %scan3A_137 = arith.constant 24 : i32
    %scan3A_138 = arith.addi %scan3A_136, %scan3A_137 : i32
    %scan3A_139 = arith.constant 1 : i32
    scf.for %scan3A_177 = %scan3A_136 to %scan3A_138 step %scan3A_139  : i32 {
      %mul3A_178 = arith.constant 2 : i32
      %mul3A_179 = arith.muli %mul3A_178, %scan3A_177 : i32
      %add3A_180 = arith.constant 2 : i32
      %add3A_181 = arith.addi %mul3A_179, %add3A_180 : i32
      %add3A_182 = arith.constant 0 : i32
      %add3A_183 = arith.addi %add3A_181, %add3A_182 : i32
      %dma_wait3A_184 = arith.constant 0 : i32
      %dma_wait3A_185 = tpu.memref_slice %arg5[%dma_wait3A_184] : memref<25600xi32, #tpu.memory_space<vmem>> -> memref<512xi32, #tpu.memory_space<vmem>>
      %dma_wait3A_186 = arith.constant 0 : i32
      %dma_wait3A_187 = arith.constant 0 : i32
      %dma_wait3A_188 = tpu.memref_slice %arg3[%dma_wait3A_186, %dma_wait3A_187] : memref<1000000x32xf32, #tpu.memory_space<hbm>> -> memref<1000000x32xf32, #tpu.memory_space<hbm>>
      tpu.wait_indirect_dma semaphore(%arg10 : memref<!tpu.dma_semaphore, #tpu.memory_space<semaphore_mem>>) src(%dma_wait3A_188 : memref<1000000x32xf32, #tpu.memory_space<hbm>>) dst(%arg6 : memref<512x32xf32, #tpu.memory_space<vmem>>)
      %dma_wait3A_189 = arith.constant 0 : i32
      %dma_wait3A_190 = arith.constant 0 : i32
      %dma_wait3A_191 = arith.constant 0 : i32
      %dma_wait3A_192 = arith.constant 0 : i32
      %dma_wait3A_193 = arith.constant 0 : i32
      %dma_wait3A_194 = tpu.memref_slice %arg4[%dma_wait3A_189, %dma_wait3A_190, %dma_wait3A_191, %dma_wait3A_192, %dma_wait3A_193] : memref<200x4x32x8x128xf32, #tpu.memory_space<hbm>> -> memref<1x4x4x8x128xf32, #tpu.memory_space<hbm>>
      %dma_wait3A_195 = tpu.memref_squeeze %dma_wait3A_194 : memref<1x4x4x8x128xf32, #tpu.memory_space<hbm>> -> memref<4x4x8x128xf32, #tpu.memory_space<hbm>>
      %dma_wait3A_196 = arith.constant 0 : i32
      %dma_wait3A_197 = arith.constant 0 : i32
      %dma_wait3A_198 = arith.constant 0 : i32
      %dma_wait3A_199 = arith.constant 0 : i32
      %dma_wait3A_200 = tpu.memref_slice %arg4[%dma_wait3A_189, %dma_wait3A_196, %dma_wait3A_197, %dma_wait3A_198, %dma_wait3A_199] : memref<200x4x32x8x128xf32, #tpu.memory_space<hbm>> -> memref<1x4x4x8x128xf32, #tpu.memory_space<hbm>>
      %dma_wait3A_201 = tpu.memref_squeeze %dma_wait3A_200 : memref<1x4x4x8x128xf32, #tpu.memory_space<hbm>> -> memref<4x4x8x128xf32, #tpu.memory_space<hbm>>
      tpu.wait_dma2 semaphore(%arg12 : memref<!tpu.dma_semaphore, #tpu.memory_space<semaphore_mem>>) src(%arg8 : memref<4x4x8x128xf32, #tpu.memory_space<vmem>>) dst(%dma_wait3A_201 : memref<4x4x8x128xf32, #tpu.memory_space<hbm>>)
      %parallel_loop3A_202 = arith.constant 0 : i32
      %parallel_loop3A_203 = arith.constant 128 : i32
      %parallel_loop3A_204 = arith.constant 1 : i32
      scf.for %parallel_loop3A_357 = %parallel_loop3A_202 to %parallel_loop3A_203 step %parallel_loop3A_204  : i32 {
        %parallel_loop3A_358 = arith.constant 32 : i32
        %parallel_loop3A_359 = arith.divsi %parallel_loop3A_357, %parallel_loop3A_358 : i32
        %parallel_loop3A_360 = arith.constant 0 : i32
        %parallel_loop3A_361 = arith.cmpi sgt, %parallel_loop3A_357, %parallel_loop3A_360 : i32
        %parallel_loop3A_362 = arith.extui %parallel_loop3A_361 : i1 to i32
        %parallel_loop3A_363 = arith.constant 0 : i32
        %parallel_loop3A_364 = arith.cmpi slt, %parallel_loop3A_357, %parallel_loop3A_363 : i32
        %parallel_loop3A_365 = arith.extui %parallel_loop3A_364 : i1 to i32
        %parallel_loop3A_366 = arith.subi %parallel_loop3A_362, %parallel_loop3A_365 : i32
        %parallel_loop3A_367 = arith.constant 0 : i32
        %parallel_loop3A_368 = arith.cmpi sgt, %parallel_loop3A_358, %parallel_loop3A_367 : i32
        %parallel_loop3A_369 = arith.extui %parallel_loop3A_368 : i1 to i32
        %parallel_loop3A_370 = arith.constant 0 : i32
        %parallel_loop3A_371 = arith.cmpi slt, %parallel_loop3A_358, %parallel_loop3A_370 : i32
        %parallel_loop3A_372 = arith.extui %parallel_loop3A_371 : i1 to i32
        %parallel_loop3A_373 = arith.subi %parallel_loop3A_369, %parallel_loop3A_372 : i32
        %parallel_loop3A_374 = arith.cmpi ne, %parallel_loop3A_366, %parallel_loop3A_373 : i32
        %parallel_loop3A_375 = arith.remsi %parallel_loop3A_357, %parallel_loop3A_358 : i32
        %parallel_loop3A_376 = arith.constant 0 : i32
        %parallel_loop3A_377 = arith.cmpi ne, %parallel_loop3A_375, %parallel_loop3A_376 : i32
        %parallel_loop3A_378 = arith.andi %parallel_loop3A_374, %parallel_loop3A_377 : i1
        %parallel_loop3A_379 = arith.constant 1 : i32
        %parallel_loop3A_380 = arith.subi %parallel_loop3A_359, %parallel_loop3A_379 : i32
        %parallel_loop3A_381 = arith.select %parallel_loop3A_378, %parallel_loop3A_380, %parallel_loop3A_359 : i32
        %parallel_loop3A_382 = arith.constant 32 : i32
        %parallel_loop3A_383 = arith.constant 0 : i32
        %parallel_loop3A_384 = arith.cmpi eq, %parallel_loop3A_382, %parallel_loop3A_383 : i32
        %parallel_loop3A_385 = arith.constant 1 : i32
        %parallel_loop3A_386 = arith.select %parallel_loop3A_384, %parallel_loop3A_385, %parallel_loop3A_382 : i32
        %parallel_loop3A_387 = arith.remsi %parallel_loop3A_357, %parallel_loop3A_386 : i32
        %parallel_loop3A_388 = arith.constant 0 : i32
        %parallel_loop3A_389 = arith.cmpi ne, %parallel_loop3A_387, %parallel_loop3A_388 : i32
        %parallel_loop3A_390 = arith.constant 0 : i32
        %parallel_loop3A_391 = arith.cmpi slt, %parallel_loop3A_387, %parallel_loop3A_390 : i32
        %parallel_loop3A_392 = arith.constant 0 : i32
        %parallel_loop3A_393 = arith.cmpi slt, %parallel_loop3A_386, %parallel_loop3A_392 : i32
        %parallel_loop3A_394 = arith.xori %parallel_loop3A_391, %parallel_loop3A_393 : i1
        %parallel_loop3A_395 = arith.andi %parallel_loop3A_394, %parallel_loop3A_389 : i1
        %parallel_loop3A_396 = arith.addi %parallel_loop3A_387, %parallel_loop3A_386 : i32
        %parallel_loop3A_397 = arith.select %parallel_loop3A_395, %parallel_loop3A_396, %parallel_loop3A_387 : i32
        %parallel_loop3A_398 = arith.constant 0 : i32
        %parallel_loop3A_399 = vector.broadcast %parallel_loop3A_398 : i32 to vector<16xi32>
        %parallel_loop3A_400 = vector.broadcast %parallel_loop3A_397 : i32 to vector<16xi32>
        %parallel_loop3A_401 = arith.addi %parallel_loop3A_399, %parallel_loop3A_400 : vector<16xi32>
        %parallel_loop3A_402 = arith.constant 128 : i32
        %parallel_loop3A_403 = arith.muli %parallel_loop3A_402, %parallel_loop3A_381 : i32
        %parallel_loop3A_404 = arith.constant 0 : i32
        %parallel_loop3A_405 = arith.addi %parallel_loop3A_403, %parallel_loop3A_404 : i32
        %parallel_loop3A_406 = vector.broadcast %parallel_loop3A_405 : i32 to vector<16xi32>
        %parallel_loop3A_407 = arith.addi %iota3A, %parallel_loop3A_406 : vector<16xi32>
        %parallel_loop3A_408 = tpu.vector_load_idx %arg6[%parallel_loop3A_407, %parallel_loop3A_401] : memref<512x32xf32, #tpu.memory_space<vmem>>[vector<16xi32>, vector<16xi32>], vector<16xf32>,
        %parallel_loop3A_409 = arith.constant 8 : i32
        %parallel_loop3A_410 = arith.divsi %parallel_loop3A_397, %parallel_loop3A_409 : i32
        %parallel_loop3A_411 = arith.constant 0 : i32
        %parallel_loop3A_412 = arith.cmpi sgt, %parallel_loop3A_397, %parallel_loop3A_411 : i32
        %parallel_loop3A_413 = arith.extui %parallel_loop3A_412 : i1 to i32
        %parallel_loop3A_414 = arith.constant 0 : i32
        %parallel_loop3A_415 = arith.cmpi slt, %parallel_loop3A_397, %parallel_loop3A_414 : i32
        %parallel_loop3A_416 = arith.extui %parallel_loop3A_415 : i1 to i32
        %parallel_loop3A_417 = arith.subi %parallel_loop3A_413, %parallel_loop3A_416 : i32
        %parallel_loop3A_418 = arith.constant 0 : i32
        %parallel_loop3A_419 = arith.cmpi sgt, %parallel_loop3A_409, %parallel_loop3A_418 : i32
        %parallel_loop3A_420 = arith.extui %parallel_loop3A_419 : i1 to i32
        %parallel_loop3A_421 = arith.constant 0 : i32
        %parallel_loop3A_422 = arith.cmpi slt, %parallel_loop3A_409, %parallel_loop3A_421 : i32
        %parallel_loop3A_423 = arith.extui %parallel_loop3A_422 : i1 to i32
        %parallel_loop3A_424 = arith.subi %parallel_loop3A_420, %parallel_loop3A_423 : i32
        %parallel_loop3A_425 = arith.cmpi ne, %parallel_loop3A_417, %parallel_loop3A_424 : i32
        %parallel_loop3A_426 = arith.remsi %parallel_loop3A_397, %parallel_loop3A_409 : i32
        %parallel_loop3A_427 = arith.constant 0 : i32
        %parallel_loop3A_428 = arith.cmpi ne, %parallel_loop3A_426, %parallel_loop3A_427 : i32
        %parallel_loop3A_429 = arith.andi %parallel_loop3A_425, %parallel_loop3A_428 : i1
        %parallel_loop3A_430 = arith.constant 1 : i32
        %parallel_loop3A_431 = arith.subi %parallel_loop3A_410, %parallel_loop3A_430 : i32
        %parallel_loop3A_432 = arith.select %parallel_loop3A_429, %parallel_loop3A_431, %parallel_loop3A_410 : i32
        %parallel_loop3A_433 = arith.constant 8 : i32
        %parallel_loop3A_434 = arith.constant 0 : i32
        %parallel_loop3A_435 = arith.cmpi eq, %parallel_loop3A_433, %parallel_loop3A_434 : i32
        %parallel_loop3A_436 = arith.constant 1 : i32
        %parallel_loop3A_437 = arith.select %parallel_loop3A_435, %parallel_loop3A_436, %parallel_loop3A_433 : i32
        %parallel_loop3A_438 = arith.remsi %parallel_loop3A_397, %parallel_loop3A_437 : i32
        %parallel_loop3A_439 = arith.constant 0 : i32
        %parallel_loop3A_440 = arith.cmpi ne, %parallel_loop3A_438, %parallel_loop3A_439 : i32
        %parallel_loop3A_441 = arith.constant 0 : i32
        %parallel_loop3A_442 = arith.cmpi slt, %parallel_loop3A_438, %parallel_loop3A_441 : i32
        %parallel_loop3A_443 = arith.constant 0 : i32
        %parallel_loop3A_444 = arith.cmpi slt, %parallel_loop3A_437, %parallel_loop3A_443 : i32
        %parallel_loop3A_445 = arith.xori %parallel_loop3A_442, %parallel_loop3A_444 : i1
        %parallel_loop3A_446 = arith.andi %parallel_loop3A_445, %parallel_loop3A_440 : i1
        %parallel_loop3A_447 = arith.addi %parallel_loop3A_438, %parallel_loop3A_437 : i32
        %parallel_loop3A_448 = arith.select %parallel_loop3A_446, %parallel_loop3A_447, %parallel_loop3A_438 : i32
        %parallel_loop3A_449 = arith.index_cast %parallel_loop3A_432 : i32 to index
        %parallel_loop3A_450 = arith.index_cast %parallel_loop3A_381 : i32 to index
        %parallel_loop3A_451 = arith.index_cast %parallel_loop3A_448 : i32 to index
        %parallel_loop3A_452 = arith.constant 0 : index
        %parallel_loop3A_453 = tpu.vector_load %arg8[%parallel_loop3A_449, %parallel_loop3A_450, %parallel_loop3A_451, %parallel_loop3A_452] {strides = array<i32>} : memref<4x4x8x128xf32, #tpu.memory_space<vmem>>, vector<16xf32>,
        tpu.vector_store %arg8[%parallel_loop3A_449, %parallel_loop3A_450, %parallel_loop3A_451, %parallel_loop3A_452], %parallel_loop3A_408 {strides = array<i32>} : memref<4x4x8x128xf32, #tpu.memory_space<vmem>>, vector<16xf32>,
        %parallel_loop3A_454 = arith.constant 16 : i32
        %parallel_loop3A_455 = arith.addi %parallel_loop3A_403, %parallel_loop3A_454 : i32
        %parallel_loop3A_456 = vector.broadcast %parallel_loop3A_455 : i32 to vector<16xi32>
        %parallel_loop3A_457 = arith.addi %iota3A, %parallel_loop3A_456 : vector<16xi32>
        %parallel_loop3A_458 = tpu.vector_load_idx %arg6[%parallel_loop3A_457, %parallel_loop3A_401] : memref<512x32xf32, #tpu.memory_space<vmem>>[vector<16xi32>, vector<16xi32>], vector<16xf32>,
        %parallel_loop3A_459 = arith.constant 8 : i32
        %parallel_loop3A_460 = arith.divsi %parallel_loop3A_397, %parallel_loop3A_459 : i32
        %parallel_loop3A_461 = arith.constant 0 : i32
        %parallel_loop3A_462 = arith.cmpi sgt, %parallel_loop3A_397, %parallel_loop3A_461 : i32
        %parallel_loop3A_463 = arith.extui %parallel_loop3A_462 : i1 to i32
        %parallel_loop3A_464 = arith.constant 0 : i32
        %parallel_loop3A_465 = arith.cmpi slt, %parallel_loop3A_397, %parallel_loop3A_464 : i32
        %parallel_loop3A_466 = arith.extui %parallel_loop3A_465 : i1 to i32
        %parallel_loop3A_467 = arith.subi %parallel_loop3A_463, %parallel_loop3A_466 : i32
        %parallel_loop3A_468 = arith.constant 0 : i32
        %parallel_loop3A_469 = arith.cmpi sgt, %parallel_loop3A_459, %parallel_loop3A_468 : i32
        %parallel_loop3A_470 = arith.extui %parallel_loop3A_469 : i1 to i32
        %parallel_loop3A_471 = arith.constant 0 : i32
        %parallel_loop3A_472 = arith.cmpi slt, %parallel_loop3A_459, %parallel_loop3A_471 : i32
        %parallel_loop3A_473 = arith.extui %parallel_loop3A_472 : i1 to i32
        %parallel_loop3A_474 = arith.subi %parallel_loop3A_470, %parallel_loop3A_473 : i32
        %parallel_loop3A_475 = arith.cmpi ne, %parallel_loop3A_467, %parallel_loop3A_474 : i32
        %parallel_loop3A_476 = arith.remsi %parallel_loop3A_397, %parallel_loop3A_459 : i32
        %parallel_loop3A_477 = arith.constant 0 : i32
        %parallel_loop3A_478 = arith.cmpi ne, %parallel_loop3A_476, %parallel_loop3A_477 : i32
        %parallel_loop3A_479 = arith.andi %parallel_loop3A_475, %parallel_loop3A_478 : i1
        %parallel_loop3A_480 = arith.constant 1 : i32
        %parallel_loop3A_481 = arith.subi %parallel_loop3A_460, %parallel_loop3A_480 : i32
        %parallel_loop3A_482 = arith.select %parallel_loop3A_479, %parallel_loop3A_481, %parallel_loop3A_460 : i32
        %parallel_loop3A_483 = arith.constant 8 : i32
        %parallel_loop3A_484 = arith.constant 0 : i32
        %parallel_loop3A_485 = arith.cmpi eq, %parallel_loop3A_483, %parallel_loop3A_484 : i32
        %parallel_loop3A_486 = arith.constant 1 : i32
        %parallel_loop3A_487 = arith.select %parallel_loop3A_485, %parallel_loop3A_486, %parallel_loop3A_483 : i32
        %parallel_loop3A_488 = arith.remsi %parallel_loop3A_397, %parallel_loop3A_487 : i32
        %parallel_loop3A_489 = arith.constant 0 : i32
        %parallel_loop3A_490 = arith.cmpi ne, %parallel_loop3A_488, %parallel_loop3A_489 : i32
        %parallel_loop3A_491 = arith.constant 0 : i32
        %parallel_loop3A_492 = arith.cmpi slt, %parallel_loop3A_488, %parallel_loop3A_491 : i32
        %parallel_loop3A_493 = arith.constant 0 : i32
        %parallel_loop3A_494 = arith.cmpi slt, %parallel_loop3A_487, %parallel_loop3A_493 : i32
        %parallel_loop3A_495 = arith.xori %parallel_loop3A_492, %parallel_loop3A_494 : i1
        %parallel_loop3A_496 = arith.andi %parallel_loop3A_495, %parallel_loop3A_490 : i1
        %parallel_loop3A_497 = arith.addi %parallel_loop3A_488, %parallel_loop3A_487 : i32
        %parallel_loop3A_498 = arith.select %parallel_loop3A_496, %parallel_loop3A_497, %parallel_loop3A_488 : i32
        %parallel_loop3A_499 = arith.index_cast %parallel_loop3A_482 : i32 to index
        %parallel_loop3A_500 = arith.index_cast %parallel_loop3A_381 : i32 to index
        %parallel_loop3A_501 = arith.index_cast %parallel_loop3A_498 : i32 to index
        %parallel_loop3A_502 = arith.constant 16 : index
        %parallel_loop3A_503 = tpu.vector_load %arg8[%parallel_loop3A_499, %parallel_loop3A_500, %parallel_loop3A_501, %parallel_loop3A_502] {strides = array<i32>} : memref<4x4x8x128xf32, #tpu.memory_space<vmem>>, vector<16xf32>,
        tpu.vector_store %arg8[%parallel_loop3A_499, %parallel_loop3A_500, %parallel_loop3A_501, %parallel_loop3A_502], %parallel_loop3A_458 {strides = array<i32>} : memref<4x4x8x128xf32, #tpu.memory_space<vmem>>, vector<16xf32>,
        %parallel_loop3A_504 = arith.constant 32 : i32
        %parallel_loop3A_505 = arith.addi %parallel_loop3A_403, %parallel_loop3A_504 : i32
        %parallel_loop3A_506 = vector.broadcast %parallel_loop3A_505 : i32 to vector<16xi32>
        %parallel_loop3A_507 = arith.addi %iota3A, %parallel_loop3A_506 : vector<16xi32>
        %parallel_loop3A_508 = tpu.vector_load_idx %arg6[%parallel_loop3A_507, %parallel_loop3A_401] : memref<512x32xf32, #tpu.memory_space<vmem>>[vector<16xi32>, vector<16xi32>], vector<16xf32>,
        %parallel_loop3A_509 = arith.constant 8 : i32
        %parallel_loop3A_510 = arith.divsi %parallel_loop3A_397, %parallel_loop3A_509 : i32
        %parallel_loop3A_511 = arith.constant 0 : i32
        %parallel_loop3A_512 = arith.cmpi sgt, %parallel_loop3A_397, %parallel_loop3A_511 : i32
        %parallel_loop3A_513 = arith.extui %parallel_loop3A_512 : i1 to i32
        %parallel_loop3A_514 = arith.constant 0 : i32
        %parallel_loop3A_515 = arith.cmpi slt, %parallel_loop3A_397, %parallel_loop3A_514 : i32
        %parallel_loop3A_516 = arith.extui %parallel_loop3A_515 : i1 to i32
        %parallel_loop3A_517 = arith.subi %parallel_loop3A_513, %parallel_loop3A_516 : i32
        %parallel_loop3A_518 = arith.constant 0 : i32
        %parallel_loop3A_519 = arith.cmpi sgt, %parallel_loop3A_509, %parallel_loop3A_518 : i32
        %parallel_loop3A_520 = arith.extui %parallel_loop3A_519 : i1 to i32
        %parallel_loop3A_521 = arith.constant 0 : i32
        %parallel_loop3A_522 = arith.cmpi slt, %parallel_loop3A_509, %parallel_loop3A_521 : i32
        %parallel_loop3A_523 = arith.extui %parallel_loop3A_522 : i1 to i32
        %parallel_loop3A_524 = arith.subi %parallel_loop3A_520, %parallel_loop3A_523 : i32
        %parallel_loop3A_525 = arith.cmpi ne, %parallel_loop3A_517, %parallel_loop3A_524 : i32
        %parallel_loop3A_526 = arith.remsi %parallel_loop3A_397, %parallel_loop3A_509 : i32
        %parallel_loop3A_527 = arith.constant 0 : i32
        %parallel_loop3A_528 = arith.cmpi ne, %parallel_loop3A_526, %parallel_loop3A_527 : i32
        %parallel_loop3A_529 = arith.andi %parallel_loop3A_525, %parallel_loop3A_528 : i1
        %parallel_loop3A_530 = arith.constant 1 : i32
        %parallel_loop3A_531 = arith.subi %parallel_loop3A_510, %parallel_loop3A_530 : i32
        %parallel_loop3A_532 = arith.select %parallel_loop3A_529, %parallel_loop3A_531, %parallel_loop3A_510 : i32
        %parallel_loop3A_533 = arith.constant 8 : i32
        %parallel_loop3A_534 = arith.constant 0 : i32
        %parallel_loop3A_535 = arith.cmpi eq, %parallel_loop3A_533, %parallel_loop3A_534 : i32
        %parallel_loop3A_536 = arith.constant 1 : i32
        %parallel_loop3A_537 = arith.select %parallel_loop3A_535, %parallel_loop3A_536, %parallel_loop3A_533 : i32
        %parallel_loop3A_538 = arith.remsi %parallel_loop3A_397, %parallel_loop3A_537 : i32
        %parallel_loop3A_539 = arith.constant 0 : i32
        %parallel_loop3A_540 = arith.cmpi ne, %parallel_loop3A_538, %parallel_loop3A_539 : i32
        %parallel_loop3A_541 = arith.constant 0 : i32
        %parallel_loop3A_542 = arith.cmpi slt, %parallel_loop3A_538, %parallel_loop3A_541 : i32
        %parallel_loop3A_543 = arith.constant 0 : i32
        %parallel_loop3A_544 = arith.cmpi slt, %parallel_loop3A_537, %parallel_loop3A_543 : i32
        %parallel_loop3A_545 = arith.xori %parallel_loop3A_542, %parallel_loop3A_544 : i1
        %parallel_loop3A_546 = arith.andi %parallel_loop3A_545, %parallel_loop3A_540 : i1
        %parallel_loop3A_547 = arith.addi %parallel_loop3A_538, %parallel_loop3A_537 : i32
        %parallel_loop3A_548 = arith.select %parallel_loop3A_546, %parallel_loop3A_547, %parallel_loop3A_538 : i32
        %parallel_loop3A_549 = arith.index_cast %parallel_loop3A_532 : i32 to index
        %parallel_loop3A_550 = arith.index_cast %parallel_loop3A_381 : i32 to index
        %parallel_loop3A_551 = arith.index_cast %parallel_loop3A_548 : i32 to index
        %parallel_loop3A_552 = arith.constant 32 : index
        %parallel_loop3A_553 = tpu.vector_load %arg8[%parallel_loop3A_549, %parallel_loop3A_550, %parallel_loop3A_551, %parallel_loop3A_552] {strides = array<i32>} : memref<4x4x8x128xf32, #tpu.memory_space<vmem>>, vector<16xf32>,
        tpu.vector_store %arg8[%parallel_loop3A_549, %parallel_loop3A_550, %parallel_loop3A_551, %parallel_loop3A_552], %parallel_loop3A_508 {strides = array<i32>} : memref<4x4x8x128xf32, #tpu.memory_space<vmem>>, vector<16xf32>,
        %parallel_loop3A_554 = arith.constant 48 : i32
        %parallel_loop3A_555 = arith.addi %parallel_loop3A_403, %parallel_loop3A_554 : i32
        %parallel_loop3A_556 = vector.broadcast %parallel_loop3A_555 : i32 to vector<16xi32>
        %parallel_loop3A_557 = arith.addi %iota3A, %parallel_loop3A_556 : vector<16xi32>
        %parallel_loop3A_558 = tpu.vector_load_idx %arg6[%parallel_loop3A_557, %parallel_loop3A_401] : memref<512x32xf32, #tpu.memory_space<vmem>>[vector<16xi32>, vector<16xi32>], vector<16xf32>,
        %parallel_loop3A_559 = arith.constant 8 : i32
        %parallel_loop3A_560 = arith.divsi %parallel_loop3A_397, %parallel_loop3A_559 : i32
        %parallel_loop3A_561 = arith.constant 0 : i32
        %parallel_loop3A_562 = arith.cmpi sgt, %parallel_loop3A_397, %parallel_loop3A_561 : i32
        %parallel_loop3A_563 = arith.extui %parallel_loop3A_562 : i1 to i32
        %parallel_loop3A_564 = arith.constant 0 : i32
        %parallel_loop3A_565 = arith.cmpi slt, %parallel_loop3A_397, %parallel_loop3A_564 : i32
        %parallel_loop3A_566 = arith.extui %parallel_loop3A_565 : i1 to i32
        %parallel_loop3A_567 = arith.subi %parallel_loop3A_563, %parallel_loop3A_566 : i32
        %parallel_loop3A_568 = arith.constant 0 : i32
        %parallel_loop3A_569 = arith.cmpi sgt, %parallel_loop3A_559, %parallel_loop3A_568 : i32
        %parallel_loop3A_570 = arith.extui %parallel_loop3A_569 : i1 to i32
        %parallel_loop3A_571 = arith.constant 0 : i32
        %parallel_loop3A_572 = arith.cmpi slt, %parallel_loop3A_559, %parallel_loop3A_571 : i32
        %parallel_loop3A_573 = arith.extui %parallel_loop3A_572 : i1 to i32
        %parallel_loop3A_574 = arith.subi %parallel_loop3A_570, %parallel_loop3A_573 : i32
        %parallel_loop3A_575 = arith.cmpi ne, %parallel_loop3A_567, %parallel_loop3A_574 : i32
        %parallel_loop3A_576 = arith.remsi %parallel_loop3A_397, %parallel_loop3A_559 : i32
        %parallel_loop3A_577 = arith.constant 0 : i32
        %parallel_loop3A_578 = arith.cmpi ne, %parallel_loop3A_576, %parallel_loop3A_577 : i32
        %parallel_loop3A_579 = arith.andi %parallel_loop3A_575, %parallel_loop3A_578 : i1
        %parallel_loop3A_580 = arith.constant 1 : i32
        %parallel_loop3A_581 = arith.subi %parallel_loop3A_560, %parallel_loop3A_580 : i32
        %parallel_loop3A_582 = arith.select %parallel_loop3A_579, %parallel_loop3A_581, %parallel_loop3A_560 : i32
        %parallel_loop3A_583 = arith.constant 8 : i32
        %parallel_loop3A_584 = arith.constant 0 : i32
        %parallel_loop3A_585 = arith.cmpi eq, %parallel_loop3A_583, %parallel_loop3A_584 : i32
        %parallel_loop3A_586 = arith.constant 1 : i32
        %parallel_loop3A_587 = arith.select %parallel_loop3A_585, %parallel_loop3A_586, %parallel_loop3A_583 : i32
        %parallel_loop3A_588 = arith.remsi %parallel_loop3A_397, %parallel_loop3A_587 : i32
        %parallel_loop3A_589 = arith.constant 0 : i32
        %parallel_loop3A_590 = arith.cmpi ne, %parallel_loop3A_588, %parallel_loop3A_589 : i32
        %parallel_loop3A_591 = arith.constant 0 : i32
        %parallel_loop3A_592 = arith.cmpi slt, %parallel_loop3A_588, %parallel_loop3A_591 : i32
        %parallel_loop3A_593 = arith.constant 0 : i32
        %parallel_loop3A_594 = arith.cmpi slt, %parallel_loop3A_587, %parallel_loop3A_593 : i32
        %parallel_loop3A_595 = arith.xori %parallel_loop3A_592, %parallel_loop3A_594 : i1
        %parallel_loop3A_596 = arith.andi %parallel_loop3A_595, %parallel_loop3A_590 : i1
        %parallel_loop3A_597 = arith.addi %parallel_loop3A_588, %parallel_loop3A_587 : i32
        %parallel_loop3A_598 = arith.select %parallel_loop3A_596, %parallel_loop3A_597, %parallel_loop3A_588 : i32
        %parallel_loop3A_599 = arith.index_cast %parallel_loop3A_582 : i32 to index
        %parallel_loop3A_600 = arith.index_cast %parallel_loop3A_381 : i32 to index
        %parallel_loop3A_601 = arith.index_cast %parallel_loop3A_598 : i32 to index
        %parallel_loop3A_602 = arith.constant 48 : index
        %parallel_loop3A_603 = tpu.vector_load %arg8[%parallel_loop3A_599, %parallel_loop3A_600, %parallel_loop3A_601, %parallel_loop3A_602] {strides = array<i32>} : memref<4x4x8x128xf32, #tpu.memory_space<vmem>>, vector<16xf32>,
        tpu.vector_store %arg8[%parallel_loop3A_599, %parallel_loop3A_600, %parallel_loop3A_601, %parallel_loop3A_602], %parallel_loop3A_558 {strides = array<i32>} : memref<4x4x8x128xf32, #tpu.memory_space<vmem>>, vector<16xf32>,
        %parallel_loop3A_604 = arith.constant 64 : i32
        %parallel_loop3A_605 = arith.addi %parallel_loop3A_403, %parallel_loop3A_604 : i32
        %parallel_loop3A_606 = vector.broadcast %parallel_loop3A_605 : i32 to vector<16xi32>
        %parallel_loop3A_607 = arith.addi %iota3A, %parallel_loop3A_606 : vector<16xi32>
        %parallel_loop3A_608 = tpu.vector_load_idx %arg6[%parallel_loop3A_607, %parallel_loop3A_401] : memref<512x32xf32, #tpu.memory_space<vmem>>[vector<16xi32>, vector<16xi32>], vector<16xf32>,
        %parallel_loop3A_609 = arith.constant 8 : i32
        %parallel_loop3A_610 = arith.divsi %parallel_loop3A_397, %parallel_loop3A_609 : i32
        %parallel_loop3A_611 = arith.constant 0 : i32
        %parallel_loop3A_612 = arith.cmpi sgt, %parallel_loop3A_397, %parallel_loop3A_611 : i32
        %parallel_loop3A_613 = arith.extui %parallel_loop3A_612 : i1 to i32
        %parallel_loop3A_614 = arith.constant 0 : i32
        %parallel_loop3A_615 = arith.cmpi slt, %parallel_loop3A_397, %parallel_loop3A_614 : i32
        %parallel_loop3A_616 = arith.extui %parallel_loop3A_615 : i1 to i32
        %parallel_loop3A_617 = arith.subi %parallel_loop3A_613, %parallel_loop3A_616 : i32
        %parallel_loop3A_618 = arith.constant 0 : i32
        %parallel_loop3A_619 = arith.cmpi sgt, %parallel_loop3A_609, %parallel_loop3A_618 : i32
        %parallel_loop3A_620 = arith.extui %parallel_loop3A_619 : i1 to i32
        %parallel_loop3A_621 = arith.constant 0 : i32
        %parallel_loop3A_622 = arith.cmpi slt, %parallel_loop3A_609, %parallel_loop3A_621 : i32
        %parallel_loop3A_623 = arith.extui %parallel_loop3A_622 : i1 to i32
        %parallel_loop3A_624 = arith.subi %parallel_loop3A_620, %parallel_loop3A_623 : i32
        %parallel_loop3A_625 = arith.cmpi ne, %parallel_loop3A_617, %parallel_loop3A_624 : i32
        %parallel_loop3A_626 = arith.remsi %parallel_loop3A_397, %parallel_loop3A_609 : i32
        %parallel_loop3A_627 = arith.constant 0 : i32
        %parallel_loop3A_628 = arith.cmpi ne, %parallel_loop3A_626, %parallel_loop3A_627 : i32
        %parallel_loop3A_629 = arith.andi %parallel_loop3A_625, %parallel_loop3A_628 : i1
        %parallel_loop3A_630 = arith.constant 1 : i32
        %parallel_loop3A_631 = arith.subi %parallel_loop3A_610, %parallel_loop3A_630 : i32
        %parallel_loop3A_632 = arith.select %parallel_loop3A_629, %parallel_loop3A_631, %parallel_loop3A_610 : i32
        %parallel_loop3A_633 = arith.constant 8 : i32
        %parallel_loop3A_634 = arith.constant 0 : i32
        %parallel_loop3A_635 = arith.cmpi eq, %parallel_loop3A_633, %parallel_loop3A_634 : i32
        %parallel_loop3A_636 = arith.constant 1 : i32
        %parallel_loop3A_637 = arith.select %parallel_loop3A_635, %parallel_loop3A_636, %parallel_loop3A_633 : i32
        %parallel_loop3A_638 = arith.remsi %parallel_loop3A_397, %parallel_loop3A_637 : i32
        %parallel_loop3A_639 = arith.constant 0 : i32
        %parallel_loop3A_640 = arith.cmpi ne, %parallel_loop3A_638, %parallel_loop3A_639 : i32
        %parallel_loop3A_641 = arith.constant 0 : i32
        %parallel_loop3A_642 = arith.cmpi slt, %parallel_loop3A_638, %parallel_loop3A_641 : i32
        %parallel_loop3A_643 = arith.constant 0 : i32
        %parallel_loop3A_644 = arith.cmpi slt, %parallel_loop3A_637, %parallel_loop3A_643 : i32
        %parallel_loop3A_645 = arith.xori %parallel_loop3A_642, %parallel_loop3A_644 : i1
        %parallel_loop3A_646 = arith.andi %parallel_loop3A_645, %parallel_loop3A_640 : i1
        %parallel_loop3A_647 = arith.addi %parallel_loop3A_638, %parallel_loop3A_637 : i32
        %parallel_loop3A_648 = arith.select %parallel_loop3A_646, %parallel_loop3A_647, %parallel_loop3A_638 : i32
        %parallel_loop3A_649 = arith.index_cast %parallel_loop3A_632 : i32 to index
        %parallel_loop3A_650 = arith.index_cast %parallel_loop3A_381 : i32 to index
        %parallel_loop3A_651 = arith.index_cast %parallel_loop3A_648 : i32 to index
        %parallel_loop3A_652 = arith.constant 64 : index
        %parallel_loop3A_653 = tpu.vector_load %arg8[%parallel_loop3A_649, %parallel_loop3A_650, %parallel_loop3A_651, %parallel_loop3A_652] {strides = array<i32>} : memref<4x4x8x128xf32, #tpu.memory_space<vmem>>, vector<16xf32>,
        tpu.vector_store %arg8[%parallel_loop3A_649, %parallel_loop3A_650, %parallel_loop3A_651, %parallel_loop3A_652], %parallel_loop3A_608 {strides = array<i32>} : memref<4x4x8x128xf32, #tpu.memory_space<vmem>>, vector<16xf32>,
        %parallel_loop3A_654 = arith.constant 80 : i32
        %parallel_loop3A_655 = arith.addi %parallel_loop3A_403, %parallel_loop3A_654 : i32
        %parallel_loop3A_656 = vector.broadcast %parallel_loop3A_655 : i32 to vector<16xi32>
        %parallel_loop3A_657 = arith.addi %iota3A, %parallel_loop3A_656 : vector<16xi32>
        %parallel_loop3A_658 = tpu.vector_load_idx %arg6[%parallel_loop3A_657, %parallel_loop3A_401] : memref<512x32xf32, #tpu.memory_space<vmem>>[vector<16xi32>, vector<16xi32>], vector<16xf32>,
        %parallel_loop3A_659 = arith.constant 8 : i32
        %parallel_loop3A_660 = arith.divsi %parallel_loop3A_397, %parallel_loop3A_659 : i32
        %parallel_loop3A_661 = arith.constant 0 : i32
        %parallel_loop3A_662 = arith.cmpi sgt, %parallel_loop3A_397, %parallel_loop3A_661 : i32
        %parallel_loop3A_663 = arith.extui %parallel_loop3A_662 : i1 to i32
        %parallel_loop3A_664 = arith.constant 0 : i32
        %parallel_loop3A_665 = arith.cmpi slt, %parallel_loop3A_397, %parallel_loop3A_664 : i32
        %parallel_loop3A_666 = arith.extui %parallel_loop3A_665 : i1 to i32
        %parallel_loop3A_667 = arith.subi %parallel_loop3A_663, %parallel_loop3A_666 : i32
        %parallel_loop3A_668 = arith.constant 0 : i32
        %parallel_loop3A_669 = arith.cmpi sgt, %parallel_loop3A_659, %parallel_loop3A_668 : i32
        %parallel_loop3A_670 = arith.extui %parallel_loop3A_669 : i1 to i32
        %parallel_loop3A_671 = arith.constant 0 : i32
        %parallel_loop3A_672 = arith.cmpi slt, %parallel_loop3A_659, %parallel_loop3A_671 : i32
        %parallel_loop3A_673 = arith.extui %parallel_loop3A_672 : i1 to i32
        %parallel_loop3A_674 = arith.subi %parallel_loop3A_670, %parallel_loop3A_673 : i32
        %parallel_loop3A_675 = arith.cmpi ne, %parallel_loop3A_667, %parallel_loop3A_674 : i32
        %parallel_loop3A_676 = arith.remsi %parallel_loop3A_397, %parallel_loop3A_659 : i32
        %parallel_loop3A_677 = arith.constant 0 : i32
        %parallel_loop3A_678 = arith.cmpi ne, %parallel_loop3A_676, %parallel_loop3A_677 : i32
        %parallel_loop3A_679 = arith.andi %parallel_loop3A_675, %parallel_loop3A_678 : i1
        %parallel_loop3A_680 = arith.constant 1 : i32
        %parallel_loop3A_681 = arith.subi %parallel_loop3A_660, %parallel_loop3A_680 : i32
        %parallel_loop3A_682 = arith.select %parallel_loop3A_679, %parallel_loop3A_681, %parallel_loop3A_660 : i32
        %parallel_loop3A_683 = arith.constant 8 : i32
        %parallel_loop3A_684 = arith.constant 0 : i32
        %parallel_loop3A_685 = arith.cmpi eq, %parallel_loop3A_683, %parallel_loop3A_684 : i32
        %parallel_loop3A_686 = arith.constant 1 : i32
        %parallel_loop3A_687 = arith.select %parallel_loop3A_685, %parallel_loop3A_686, %parallel_loop3A_683 : i32
        %parallel_loop3A_688 = arith.remsi %parallel_loop3A_397, %parallel_loop3A_687 : i32
        %parallel_loop3A_689 = arith.constant 0 : i32
        %parallel_loop3A_690 = arith.cmpi ne, %parallel_loop3A_688, %parallel_loop3A_689 : i32
        %parallel_loop3A_691 = arith.constant 0 : i32
        %parallel_loop3A_692 = arith.cmpi slt, %parallel_loop3A_688, %parallel_loop3A_691 : i32
        %parallel_loop3A_693 = arith.constant 0 : i32
        %parallel_loop3A_694 = arith.cmpi slt, %parallel_loop3A_687, %parallel_loop3A_693 : i32
        %parallel_loop3A_695 = arith.xori %parallel_loop3A_692, %parallel_loop3A_694 : i1
        %parallel_loop3A_696 = arith.andi %parallel_loop3A_695, %parallel_loop3A_690 : i1
        %parallel_loop3A_697 = arith.addi %parallel_loop3A_688, %parallel_loop3A_687 : i32
        %parallel_loop3A_698 = arith.select %parallel_loop3A_696, %parallel_loop3A_697, %parallel_loop3A_688 : i32
        %parallel_loop3A_699 = arith.index_cast %parallel_loop3A_682 : i32 to index
        %parallel_loop3A_700 = arith.index_cast %parallel_loop3A_381 : i32 to index
        %parallel_loop3A_701 = arith.index_cast %parallel_loop3A_698 : i32 to index
        %parallel_loop3A_702 = arith.constant 80 : index
        %parallel_loop3A_703 = tpu.vector_load %arg8[%parallel_loop3A_699, %parallel_loop3A_700, %parallel_loop3A_701, %parallel_loop3A_702] {strides = array<i32>} : memref<4x4x8x128xf32, #tpu.memory_space<vmem>>, vector<16xf32>,
        tpu.vector_store %arg8[%parallel_loop3A_699, %parallel_loop3A_700, %parallel_loop3A_701, %parallel_loop3A_702], %parallel_loop3A_658 {strides = array<i32>} : memref<4x4x8x128xf32, #tpu.memory_space<vmem>>, vector<16xf32>,
        %parallel_loop3A_704 = arith.constant 96 : i32
        %parallel_loop3A_705 = arith.addi %parallel_loop3A_403, %parallel_loop3A_704 : i32
        %parallel_loop3A_706 = vector.broadcast %parallel_loop3A_705 : i32 to vector<16xi32>
        %parallel_loop3A_707 = arith.addi %iota3A, %parallel_loop3A_706 : vector<16xi32>
        %parallel_loop3A_708 = tpu.vector_load_idx %arg6[%parallel_loop3A_707, %parallel_loop3A_401] : memref<512x32xf32, #tpu.memory_space<vmem>>[vector<16xi32>, vector<16xi32>], vector<16xf32>,
        %parallel_loop3A_709 = arith.constant 8 : i32
        %parallel_loop3A_710 = arith.divsi %parallel_loop3A_397, %parallel_loop3A_709 : i32
        %parallel_loop3A_711 = arith.constant 0 : i32
        %parallel_loop3A_712 = arith.cmpi sgt, %parallel_loop3A_397, %parallel_loop3A_711 : i32
        %parallel_loop3A_713 = arith.extui %parallel_loop3A_712 : i1 to i32
        %parallel_loop3A_714 = arith.constant 0 : i32
        %parallel_loop3A_715 = arith.cmpi slt, %parallel_loop3A_397, %parallel_loop3A_714 : i32
        %parallel_loop3A_716 = arith.extui %parallel_loop3A_715 : i1 to i32
        %parallel_loop3A_717 = arith.subi %parallel_loop3A_713, %parallel_loop3A_716 : i32
        %parallel_loop3A_718 = arith.constant 0 : i32
        %parallel_loop3A_719 = arith.cmpi sgt, %parallel_loop3A_709, %parallel_loop3A_718 : i32
        %parallel_loop3A_720 = arith.extui %parallel_loop3A_719 : i1 to i32
        %parallel_loop3A_721 = arith.constant 0 : i32
        %parallel_loop3A_722 = arith.cmpi slt, %parallel_loop3A_709, %parallel_loop3A_721 : i32
        %parallel_loop3A_723 = arith.extui %parallel_loop3A_722 : i1 to i32
        %parallel_loop3A_724 = arith.subi %parallel_loop3A_720, %parallel_loop3A_723 : i32
        %parallel_loop3A_725 = arith.cmpi ne, %parallel_loop3A_717, %parallel_loop3A_724 : i32
        %parallel_loop3A_726 = arith.remsi %parallel_loop3A_397, %parallel_loop3A_709 : i32
        %parallel_loop3A_727 = arith.constant 0 : i32
        %parallel_loop3A_728 = arith.cmpi ne, %parallel_loop3A_726, %parallel_loop3A_727 : i32
        %parallel_loop3A_729 = arith.andi %parallel_loop3A_725, %parallel_loop3A_728 : i1
        %parallel_loop3A_730 = arith.constant 1 : i32
        %parallel_loop3A_731 = arith.subi %parallel_loop3A_710, %parallel_loop3A_730 : i32
        %parallel_loop3A_732 = arith.select %parallel_loop3A_729, %parallel_loop3A_731, %parallel_loop3A_710 : i32
        %parallel_loop3A_733 = arith.constant 8 : i32
        %parallel_loop3A_734 = arith.constant 0 : i32
        %parallel_loop3A_735 = arith.cmpi eq, %parallel_loop3A_733, %parallel_loop3A_734 : i32
        %parallel_loop3A_736 = arith.constant 1 : i32
        %parallel_loop3A_737 = arith.select %parallel_loop3A_735, %parallel_loop3A_736, %parallel_loop3A_733 : i32
        %parallel_loop3A_738 = arith.remsi %parallel_loop3A_397, %parallel_loop3A_737 : i32
        %parallel_loop3A_739 = arith.constant 0 : i32
        %parallel_loop3A_740 = arith.cmpi ne, %parallel_loop3A_738, %parallel_loop3A_739 : i32
        %parallel_loop3A_741 = arith.constant 0 : i32
        %parallel_loop3A_742 = arith.cmpi slt, %parallel_loop3A_738, %parallel_loop3A_741 : i32
        %parallel_loop3A_743 = arith.constant 0 : i32
        %parallel_loop3A_744 = arith.cmpi slt, %parallel_loop3A_737, %parallel_loop3A_743 : i32
        %parallel_loop3A_745 = arith.xori %parallel_loop3A_742, %parallel_loop3A_744 : i1
        %parallel_loop3A_746 = arith.andi %parallel_loop3A_745, %parallel_loop3A_740 : i1
        %parallel_loop3A_747 = arith.addi %parallel_loop3A_738, %parallel_loop3A_737 : i32
        %parallel_loop3A_748 = arith.select %parallel_loop3A_746, %parallel_loop3A_747, %parallel_loop3A_738 : i32
        %parallel_loop3A_749 = arith.index_cast %parallel_loop3A_732 : i32 to index
        %parallel_loop3A_750 = arith.index_cast %parallel_loop3A_381 : i32 to index
        %parallel_loop3A_751 = arith.index_cast %parallel_loop3A_748 : i32 to index
        %parallel_loop3A_752 = arith.constant 96 : index
        %parallel_loop3A_753 = tpu.vector_load %arg8[%parallel_loop3A_749, %parallel_loop3A_750, %parallel_loop3A_751, %parallel_loop3A_752] {strides = array<i32>} : memref<4x4x8x128xf32, #tpu.memory_space<vmem>>, vector<16xf32>,
        tpu.vector_store %arg8[%parallel_loop3A_749, %parallel_loop3A_750, %parallel_loop3A_751, %parallel_loop3A_752], %parallel_loop3A_708 {strides = array<i32>} : memref<4x4x8x128xf32, #tpu.memory_space<vmem>>, vector<16xf32>,
        %parallel_loop3A_754 = arith.constant 112 : i32
        %parallel_loop3A_755 = arith.addi %parallel_loop3A_403, %parallel_loop3A_754 : i32
        %parallel_loop3A_756 = vector.broadcast %parallel_loop3A_755 : i32 to vector<16xi32>
        %parallel_loop3A_757 = arith.addi %iota3A, %parallel_loop3A_756 : vector<16xi32>
        %parallel_loop3A_758 = tpu.vector_load_idx %arg6[%parallel_loop3A_757, %parallel_loop3A_401] : memref<512x32xf32, #tpu.memory_space<vmem>>[vector<16xi32>, vector<16xi32>], vector<16xf32>,
        %parallel_loop3A_759 = arith.constant 8 : i32
        %parallel_loop3A_760 = arith.divsi %parallel_loop3A_397, %parallel_loop3A_759 : i32
        %parallel_loop3A_761 = arith.constant 0 : i32
        %parallel_loop3A_762 = arith.cmpi sgt, %parallel_loop3A_397, %parallel_loop3A_761 : i32
        %parallel_loop3A_763 = arith.extui %parallel_loop3A_762 : i1 to i32
        %parallel_loop3A_764 = arith.constant 0 : i32
        %parallel_loop3A_765 = arith.cmpi slt, %parallel_loop3A_397, %parallel_loop3A_764 : i32
        %parallel_loop3A_766 = arith.extui %parallel_loop3A_765 : i1 to i32
        %parallel_loop3A_767 = arith.subi %parallel_loop3A_763, %parallel_loop3A_766 : i32
        %parallel_loop3A_768 = arith.constant 0 : i32
        %parallel_loop3A_769 = arith.cmpi sgt, %parallel_loop3A_759, %parallel_loop3A_768 : i32
        %parallel_loop3A_770 = arith.extui %parallel_loop3A_769 : i1 to i32
        %parallel_loop3A_771 = arith.constant 0 : i32
        %parallel_loop3A_772 = arith.cmpi slt, %parallel_loop3A_759, %parallel_loop3A_771 : i32
        %parallel_loop3A_773 = arith.extui %parallel_loop3A_772 : i1 to i32
        %parallel_loop3A_774 = arith.subi %parallel_loop3A_770, %parallel_loop3A_773 : i32
        %parallel_loop3A_775 = arith.cmpi ne, %parallel_loop3A_767, %parallel_loop3A_774 : i32
        %parallel_loop3A_776 = arith.remsi %parallel_loop3A_397, %parallel_loop3A_759 : i32
        %parallel_loop3A_777 = arith.constant 0 : i32
        %parallel_loop3A_778 = arith.cmpi ne, %parallel_loop3A_776, %parallel_loop3A_777 : i32
        %parallel_loop3A_779 = arith.andi %parallel_loop3A_775, %parallel_loop3A_778 : i1
        %parallel_loop3A_780 = arith.constant 1 : i32
        %parallel_loop3A_781 = arith.subi %parallel_loop3A_760, %parallel_loop3A_780 : i32
        %parallel_loop3A_782 = arith.select %parallel_loop3A_779, %parallel_loop3A_781, %parallel_loop3A_760 : i32
        %parallel_loop3A_783 = arith.constant 8 : i32
        %parallel_loop3A_784 = arith.constant 0 : i32
        %parallel_loop3A_785 = arith.cmpi eq, %parallel_loop3A_783, %parallel_loop3A_784 : i32
        %parallel_loop3A_786 = arith.constant 1 : i32
        %parallel_loop3A_787 = arith.select %parallel_loop3A_785, %parallel_loop3A_786, %parallel_loop3A_783 : i32
        %parallel_loop3A_788 = arith.remsi %parallel_loop3A_397, %parallel_loop3A_787 : i32
        %parallel_loop3A_789 = arith.constant 0 : i32
        %parallel_loop3A_790 = arith.cmpi ne, %parallel_loop3A_788, %parallel_loop3A_789 : i32
        %parallel_loop3A_791 = arith.constant 0 : i32
        %parallel_loop3A_792 = arith.cmpi slt, %parallel_loop3A_788, %parallel_loop3A_791 : i32
        %parallel_loop3A_793 = arith.constant 0 : i32
        %parallel_loop3A_794 = arith.cmpi slt, %parallel_loop3A_787, %parallel_loop3A_793 : i32
        %parallel_loop3A_795 = arith.xori %parallel_loop3A_792, %parallel_loop3A_794 : i1
        %parallel_loop3A_796 = arith.andi %parallel_loop3A_795, %parallel_loop3A_790 : i1
        %parallel_loop3A_797 = arith.addi %parallel_loop3A_788, %parallel_loop3A_787 : i32
        %parallel_loop3A_798 = arith.select %parallel_loop3A_796, %parallel_loop3A_797, %parallel_loop3A_788 : i32
        %parallel_loop3A_799 = arith.index_cast %parallel_loop3A_782 : i32 to index
        %parallel_loop3A_800 = arith.index_cast %parallel_loop3A_381 : i32 to index
        %parallel_loop3A_801 = arith.index_cast %parallel_loop3A_798 : i32 to index
        %parallel_loop3A_802 = arith.constant 112 : index
        %parallel_loop3A_803 = tpu.vector_load %arg8[%parallel_loop3A_799, %parallel_loop3A_800, %parallel_loop3A_801, %parallel_loop3A_802] {strides = array<i32>} : memref<4x4x8x128xf32, #tpu.memory_space<vmem>>, vector<16xf32>,
        tpu.vector_store %arg8[%parallel_loop3A_799, %parallel_loop3A_800, %parallel_loop3A_801, %parallel_loop3A_802], %parallel_loop3A_758 {strides = array<i32>} : memref<4x4x8x128xf32, #tpu.memory_space<vmem>>, vector<16xf32>,
      } {sc.loop_unroll_factor = 8 : i64, sc.parallel_access}
      %add3A_205 = arith.addi %mul3A_2, %add3A_183 : i32
      %jit3A_206 = arith.constant 8 : i32
      %div3A_207 = arith.divsi %add3A_205, %jit3A_206 : i32
      %sign3A_208 = arith.constant 0 : i32
      %sign3A_209 = arith.cmpi sgt, %add3A_205, %sign3A_208 : i32
      %sign3A_210 = arith.extui %sign3A_209 : i1 to i32
      %sign3A_211 = arith.constant 0 : i32
      %sign3A_212 = arith.cmpi slt, %add3A_205, %sign3A_211 : i32
      %sign3A_213 = arith.extui %sign3A_212 : i1 to i32
      %sign3A_214 = arith.subi %sign3A_210, %sign3A_213 : i32
      %sign3A_215 = arith.constant 0 : i32
      %sign3A_216 = arith.cmpi sgt, %jit3A_206, %sign3A_215 : i32
      %sign3A_217 = arith.extui %sign3A_216 : i1 to i32
      %sign3A_218 = arith.constant 0 : i32
      %sign3A_219 = arith.cmpi slt, %jit3A_206, %sign3A_218 : i32
      %sign3A_220 = arith.extui %sign3A_219 : i1 to i32
      %sign3A_221 = arith.subi %sign3A_217, %sign3A_220 : i32
      %ne3A_222 = arith.cmpi ne, %sign3A_214, %sign3A_221 : i32
      %rem3A_223 = arith.remsi %add3A_205, %jit3A_206 : i32
      %ne3A_224 = arith.constant 0 : i32
      %ne3A_225 = arith.cmpi ne, %rem3A_223, %ne3A_224 : i32
      %and3A_226 = arith.andi %ne3A_222, %ne3A_225 : i1
      %sub3A_227 = arith.constant 1 : i32
      %sub3A_228 = arith.subi %div3A_207, %sub3A_227 : i32
      %select_n3A_229 = arith.select %and3A_226, %sub3A_228, %div3A_207 : i32
      %jit3A_230 = arith.constant 8 : i32
      %eq3A_231 = arith.constant 0 : i32
      %eq3A_232 = arith.cmpi eq, %jit3A_230, %eq3A_231 : i32
      %jit3A_233 = arith.constant 1 : i32
      %select_n3A_234 = arith.select %eq3A_232, %jit3A_233, %jit3A_230 : i32
      %rem3A_235 = arith.remsi %add3A_205, %select_n3A_234 : i32
      %ne3A_236 = arith.constant 0 : i32
      %ne3A_237 = arith.cmpi ne, %rem3A_235, %ne3A_236 : i32
      %lt3A_238 = arith.constant 0 : i32
      %lt3A_239 = arith.cmpi slt, %rem3A_235, %lt3A_238 : i32
      %lt3A_240 = arith.constant 0 : i32
      %lt3A_241 = arith.cmpi slt, %select_n3A_234, %lt3A_240 : i32
      %ne3A_242 = arith.xori %lt3A_239, %lt3A_241 : i1
      %and3A_243 = arith.andi %ne3A_242, %ne3A_237 : i1
      %add3A_244 = arith.addi %rem3A_235, %select_n3A_234 : i32
      %select_n3A_245 = arith.select %and3A_243, %add3A_244, %rem3A_235 : i32
      %mul3A_246 = arith.constant 4 : i32
      %mul3A_247 = arith.muli %mul3A_246, %select_n3A_245 : i32
      %dma_start3A_248 = arith.constant 0 : i32
      %dma_start3A_249 = arith.constant 0 : i32
      %dma_start3A_250 = arith.constant 0 : i32
      %dma_start3A_251 = tpu.memref_slice %arg4[%select_n3A_229, %dma_start3A_248, %mul3A_247, %dma_start3A_249, %dma_start3A_250] : memref<200x4x32x8x128xf32, #tpu.memory_space<hbm>> -> memref<1x4x4x8x128xf32, #tpu.memory_space<hbm>>
      %dma_start3A_252 = tpu.memref_squeeze %dma_start3A_251 : memref<1x4x4x8x128xf32, #tpu.memory_space<hbm>> -> memref<4x4x8x128xf32, #tpu.memory_space<hbm>>
      %dma_start3A_253 = arith.constant 0 : i32
      %dma_start3A_254 = arith.constant 0 : i32
      %dma_start3A_255 = arith.constant 0 : i32
      %dma_start3A_256 = tpu.memref_slice %arg4[%select_n3A_229, %dma_start3A_253, %mul3A_247, %dma_start3A_254, %dma_start3A_255] : memref<200x4x32x8x128xf32, #tpu.memory_space<hbm>> -> memref<1x4x4x8x128xf32, #tpu.memory_space<hbm>>
      %dma_start3A_257 = tpu.memref_squeeze %dma_start3A_256 : memref<1x4x4x8x128xf32, #tpu.memory_space<hbm>> -> memref<4x4x8x128xf32, #tpu.memory_space<hbm>>
      tpu.enqueue_dma source(%arg8 : memref<4x4x8x128xf32, #tpu.memory_space<vmem>>) target(%dma_start3A_257 : memref<4x4x8x128xf32, #tpu.memory_space<hbm>>) target_semaphore(%arg12 : memref<!tpu.dma_semaphore, #tpu.memory_space<semaphore_mem>>)
      %add3A_258 = arith.constant 2 : i32
      %add3A_259 = arith.addi %add3A_183, %add3A_258 : i32
      %min3A = arith.constant 49 : i32
      %min3A_260 = arith.minsi %add3A_259, %min3A : i32
      %mul3A_261 = arith.constant 512 : i32
      %mul3A_262 = arith.muli %min3A_260, %mul3A_261 : i32
      %dma_start3A_263 = tpu.memref_slice %arg5[%mul3A_262] : memref<25600xi32, #tpu.memory_space<vmem>> -> memref<512xi32, #tpu.memory_space<vmem>>
      %dma_start3A_264 = arith.constant 0 : i32
      %dma_start3A_265 = arith.constant 0 : i32
      %dma_start3A_266 = tpu.memref_slice %arg3[%dma_start3A_264, %dma_start3A_265] : memref<1000000x32xf32, #tpu.memory_space<hbm>> -> memref<1000000x32xf32, #tpu.memory_space<hbm>>
      tpu.enqueue_indirect_dma source(%dma_start3A_266 : memref<1000000x32xf32, #tpu.memory_space<hbm>>) target(%arg6 : memref<512x32xf32, #tpu.memory_space<vmem>>) offsets(%dma_start3A_263 : memref<512xi32, #tpu.memory_space<vmem>>) semaphore(%arg10 : memref<!tpu.dma_semaphore, #tpu.memory_space<semaphore_mem>>)
      %mul3A_267 = arith.constant 2 : i32
      %mul3A_268 = arith.muli %mul3A_267, %scan3A_177 : i32
      %add3A_269 = arith.constant 2 : i32
      %add3A_270 = arith.addi %mul3A_268, %add3A_269 : i32
      %add3A_271 = arith.constant 1 : i32
      %add3A_272 = arith.addi %add3A_270, %add3A_271 : i32
      %dma_wait3A_273 = arith.constant 0 : i32
      %dma_wait3A_274 = tpu.memref_slice %arg5[%dma_wait3A_273] : memref<25600xi32, #tpu.memory_space<vmem>> -> memref<512xi32, #tpu.memory_space<vmem>>
      %dma_wait3A_275 = arith.constant 0 : i32
      %dma_wait3A_276 = arith.constant 0 : i32
      %dma_wait3A_277 = tpu.memref_slice %arg3[%dma_wait3A_275, %dma_wait3A_276] : memref<1000000x32xf32, #tpu.memory_space<hbm>> -> memref<1000000x32xf32, #tpu.memory_space<hbm>>
      tpu.wait_indirect_dma semaphore(%arg11 : memref<!tpu.dma_semaphore, #tpu.memory_space<semaphore_mem>>) src(%dma_wait3A_277 : memref<1000000x32xf32, #tpu.memory_space<hbm>>) dst(%arg7 : memref<512x32xf32, #tpu.memory_space<vmem>>)
      %dma_wait3A_278 = arith.constant 0 : i32
      %dma_wait3A_279 = arith.constant 0 : i32
      %dma_wait3A_280 = arith.constant 0 : i32
      %dma_wait3A_281 = arith.constant 0 : i32
      %dma_wait3A_282 = arith.constant 0 : i32
      %dma_wait3A_283 = tpu.memref_slice %arg4[%dma_wait3A_278, %dma_wait3A_279, %dma_wait3A_280, %dma_wait3A_281, %dma_wait3A_282] : memref<200x4x32x8x128xf32, #tpu.memory_space<hbm>> -> memref<1x4x4x8x128xf32, #tpu.memory_space<hbm>>
      %dma_wait3A_284 = tpu.memref_squeeze %dma_wait3A_283 : memref<1x4x4x8x128xf32, #tpu.memory_space<hbm>> -> memref<4x4x8x128xf32, #tpu.memory_space<hbm>>
      %dma_wait3A_285 = arith.constant 0 : i32
      %dma_wait3A_286 = arith.constant 0 : i32
      %dma_wait3A_287 = arith.constant 0 : i32
      %dma_wait3A_288 = arith.constant 0 : i32
      %dma_wait3A_289 = tpu.memref_slice %arg4[%dma_wait3A_278, %dma_wait3A_285, %dma_wait3A_286, %dma_wait3A_287, %dma_wait3A_288] : memref<200x4x32x8x128xf32, #tpu.memory_space<hbm>> -> memref<1x4x4x8x128xf32, #tpu.memory_space<hbm>>
      %dma_wait3A_290 = tpu.memref_squeeze %dma_wait3A_289 : memref<1x4x4x8x128xf32, #tpu.memory_space<hbm>> -> memref<4x4x8x128xf32, #tpu.memory_space<hbm>>
      tpu.wait_dma2 semaphore(%arg13 : memref<!tpu.dma_semaphore, #tpu.memory_space<semaphore_mem>>) src(%arg9 : memref<4x4x8x128xf32, #tpu.memory_space<vmem>>) dst(%dma_wait3A_290 : memref<4x4x8x128xf32, #tpu.memory_space<hbm>>)
      %parallel_loop3A_291 = arith.constant 0 : i32
      %parallel_loop3A_292 = arith.constant 128 : i32
      %parallel_loop3A_293 = arith.constant 1 : i32
      scf.for %parallel_loop3A_357 = %parallel_loop3A_291 to %parallel_loop3A_292 step %parallel_loop3A_293  : i32 {
        %parallel_loop3A_358 = arith.constant 32 : i32
        %parallel_loop3A_359 = arith.divsi %parallel_loop3A_357, %parallel_loop3A_358 : i32
        %parallel_loop3A_360 = arith.constant 0 : i32
        %parallel_loop3A_361 = arith.cmpi sgt, %parallel_loop3A_357, %parallel_loop3A_360 : i32
        %parallel_loop3A_362 = arith.extui %parallel_loop3A_361 : i1 to i32
        %parallel_loop3A_363 = arith.constant 0 : i32
        %parallel_loop3A_364 = arith.cmpi slt, %parallel_loop3A_357, %parallel_loop3A_363 : i32
        %parallel_loop3A_365 = arith.extui %parallel_loop3A_364 : i1 to i32
        %parallel_loop3A_366 = arith.subi %parallel_loop3A_362, %parallel_loop3A_365 : i32
        %parallel_loop3A_367 = arith.constant 0 : i32
        %parallel_loop3A_368 = arith.cmpi sgt, %parallel_loop3A_358, %parallel_loop3A_367 : i32
        %parallel_loop3A_369 = arith.extui %parallel_loop3A_368 : i1 to i32
        %parallel_loop3A_370 = arith.constant 0 : i32
        %parallel_loop3A_371 = arith.cmpi slt, %parallel_loop3A_358, %parallel_loop3A_370 : i32
        %parallel_loop3A_372 = arith.extui %parallel_loop3A_371 : i1 to i32
        %parallel_loop3A_373 = arith.subi %parallel_loop3A_369, %parallel_loop3A_372 : i32
        %parallel_loop3A_374 = arith.cmpi ne, %parallel_loop3A_366, %parallel_loop3A_373 : i32
        %parallel_loop3A_375 = arith.remsi %parallel_loop3A_357, %parallel_loop3A_358 : i32
        %parallel_loop3A_376 = arith.constant 0 : i32
        %parallel_loop3A_377 = arith.cmpi ne, %parallel_loop3A_375, %parallel_loop3A_376 : i32
        %parallel_loop3A_378 = arith.andi %parallel_loop3A_374, %parallel_loop3A_377 : i1
        %parallel_loop3A_379 = arith.constant 1 : i32
        %parallel_loop3A_380 = arith.subi %parallel_loop3A_359, %parallel_loop3A_379 : i32
        %parallel_loop3A_381 = arith.select %parallel_loop3A_378, %parallel_loop3A_380, %parallel_loop3A_359 : i32
        %parallel_loop3A_382 = arith.constant 32 : i32
        %parallel_loop3A_383 = arith.constant 0 : i32
        %parallel_loop3A_384 = arith.cmpi eq, %parallel_loop3A_382, %parallel_loop3A_383 : i32
        %parallel_loop3A_385 = arith.constant 1 : i32
        %parallel_loop3A_386 = arith.select %parallel_loop3A_384, %parallel_loop3A_385, %parallel_loop3A_382 : i32
        %parallel_loop3A_387 = arith.remsi %parallel_loop3A_357, %parallel_loop3A_386 : i32
        %parallel_loop3A_388 = arith.constant 0 : i32
        %parallel_loop3A_389 = arith.cmpi ne, %parallel_loop3A_387, %parallel_loop3A_388 : i32
        %parallel_loop3A_390 = arith.constant 0 : i32
        %parallel_loop3A_391 = arith.cmpi slt, %parallel_loop3A_387, %parallel_loop3A_390 : i32
        %parallel_loop3A_392 = arith.constant 0 : i32
        %parallel_loop3A_393 = arith.cmpi slt, %parallel_loop3A_386, %parallel_loop3A_392 : i32
        %parallel_loop3A_394 = arith.xori %parallel_loop3A_391, %parallel_loop3A_393 : i1
        %parallel_loop3A_395 = arith.andi %parallel_loop3A_394, %parallel_loop3A_389 : i1
        %parallel_loop3A_396 = arith.addi %parallel_loop3A_387, %parallel_loop3A_386 : i32
        %parallel_loop3A_397 = arith.select %parallel_loop3A_395, %parallel_loop3A_396, %parallel_loop3A_387 : i32
        %parallel_loop3A_398 = arith.constant 0 : i32
        %parallel_loop3A_399 = vector.broadcast %parallel_loop3A_398 : i32 to vector<16xi32>
        %parallel_loop3A_400 = vector.broadcast %parallel_loop3A_397 : i32 to vector<16xi32>
        %parallel_loop3A_401 = arith.addi %parallel_loop3A_399, %parallel_loop3A_400 : vector<16xi32>
        %parallel_loop3A_402 = arith.constant 128 : i32
        %parallel_loop3A_403 = arith.muli %parallel_loop3A_402, %parallel_loop3A_381 : i32
        %parallel_loop3A_404 = arith.constant 0 : i32
        %parallel_loop3A_405 = arith.addi %parallel_loop3A_403, %parallel_loop3A_404 : i32
        %parallel_loop3A_406 = vector.broadcast %parallel_loop3A_405 : i32 to vector<16xi32>
        %parallel_loop3A_407 = arith.addi %iota3A, %parallel_loop3A_406 : vector<16xi32>
        %parallel_loop3A_408 = tpu.vector_load_idx %arg7[%parallel_loop3A_407, %parallel_loop3A_401] : memref<512x32xf32, #tpu.memory_space<vmem>>[vector<16xi32>, vector<16xi32>], vector<16xf32>,
        %parallel_loop3A_409 = arith.constant 8 : i32
        %parallel_loop3A_410 = arith.divsi %parallel_loop3A_397, %parallel_loop3A_409 : i32
        %parallel_loop3A_411 = arith.constant 0 : i32
        %parallel_loop3A_412 = arith.cmpi sgt, %parallel_loop3A_397, %parallel_loop3A_411 : i32
        %parallel_loop3A_413 = arith.extui %parallel_loop3A_412 : i1 to i32
        %parallel_loop3A_414 = arith.constant 0 : i32
        %parallel_loop3A_415 = arith.cmpi slt, %parallel_loop3A_397, %parallel_loop3A_414 : i32
        %parallel_loop3A_416 = arith.extui %parallel_loop3A_415 : i1 to i32
        %parallel_loop3A_417 = arith.subi %parallel_loop3A_413, %parallel_loop3A_416 : i32
        %parallel_loop3A_418 = arith.constant 0 : i32
        %parallel_loop3A_419 = arith.cmpi sgt, %parallel_loop3A_409, %parallel_loop3A_418 : i32
        %parallel_loop3A_420 = arith.extui %parallel_loop3A_419 : i1 to i32
        %parallel_loop3A_421 = arith.constant 0 : i32
        %parallel_loop3A_422 = arith.cmpi slt, %parallel_loop3A_409, %parallel_loop3A_421 : i32
        %parallel_loop3A_423 = arith.extui %parallel_loop3A_422 : i1 to i32
        %parallel_loop3A_424 = arith.subi %parallel_loop3A_420, %parallel_loop3A_423 : i32
        %parallel_loop3A_425 = arith.cmpi ne, %parallel_loop3A_417, %parallel_loop3A_424 : i32
        %parallel_loop3A_426 = arith.remsi %parallel_loop3A_397, %parallel_loop3A_409 : i32
        %parallel_loop3A_427 = arith.constant 0 : i32
        %parallel_loop3A_428 = arith.cmpi ne, %parallel_loop3A_426, %parallel_loop3A_427 : i32
        %parallel_loop3A_429 = arith.andi %parallel_loop3A_425, %parallel_loop3A_428 : i1
        %parallel_loop3A_430 = arith.constant 1 : i32
        %parallel_loop3A_431 = arith.subi %parallel_loop3A_410, %parallel_loop3A_430 : i32
        %parallel_loop3A_432 = arith.select %parallel_loop3A_429, %parallel_loop3A_431, %parallel_loop3A_410 : i32
        %parallel_loop3A_433 = arith.constant 8 : i32
        %parallel_loop3A_434 = arith.constant 0 : i32
        %parallel_loop3A_435 = arith.cmpi eq, %parallel_loop3A_433, %parallel_loop3A_434 : i32
        %parallel_loop3A_436 = arith.constant 1 : i32
        %parallel_loop3A_437 = arith.select %parallel_loop3A_435, %parallel_loop3A_436, %parallel_loop3A_433 : i32
        %parallel_loop3A_438 = arith.remsi %parallel_loop3A_397, %parallel_loop3A_437 : i32
        %parallel_loop3A_439 = arith.constant 0 : i32
        %parallel_loop3A_440 = arith.cmpi ne, %parallel_loop3A_438, %parallel_loop3A_439 : i32
        %parallel_loop3A_441 = arith.constant 0 : i32
        %parallel_loop3A_442 = arith.cmpi slt, %parallel_loop3A_438, %parallel_loop3A_441 : i32
        %parallel_loop3A_443 = arith.constant 0 : i32
        %parallel_loop3A_444 = arith.cmpi slt, %parallel_loop3A_437, %parallel_loop3A_443 : i32
        %parallel_loop3A_445 = arith.xori %parallel_loop3A_442, %parallel_loop3A_444 : i1
        %parallel_loop3A_446 = arith.andi %parallel_loop3A_445, %parallel_loop3A_440 : i1
        %parallel_loop3A_447 = arith.addi %parallel_loop3A_438, %parallel_loop3A_437 : i32
        %parallel_loop3A_448 = arith.select %parallel_loop3A_446, %parallel_loop3A_447, %parallel_loop3A_438 : i32
        %parallel_loop3A_449 = arith.index_cast %parallel_loop3A_432 : i32 to index
        %parallel_loop3A_450 = arith.index_cast %parallel_loop3A_381 : i32 to index
        %parallel_loop3A_451 = arith.index_cast %parallel_loop3A_448 : i32 to index
        %parallel_loop3A_452 = arith.constant 0 : index
        %parallel_loop3A_453 = tpu.vector_load %arg9[%parallel_loop3A_449, %parallel_loop3A_450, %parallel_loop3A_451, %parallel_loop3A_452] {strides = array<i32>} : memref<4x4x8x128xf32, #tpu.memory_space<vmem>>, vector<16xf32>,
        tpu.vector_store %arg9[%parallel_loop3A_449, %parallel_loop3A_450, %parallel_loop3A_451, %parallel_loop3A_452], %parallel_loop3A_408 {strides = array<i32>} : memref<4x4x8x128xf32, #tpu.memory_space<vmem>>, vector<16xf32>,
        %parallel_loop3A_454 = arith.constant 16 : i32
        %parallel_loop3A_455 = arith.addi %parallel_loop3A_403, %parallel_loop3A_454 : i32
        %parallel_loop3A_456 = vector.broadcast %parallel_loop3A_455 : i32 to vector<16xi32>
        %parallel_loop3A_457 = arith.addi %iota3A, %parallel_loop3A_456 : vector<16xi32>
        %parallel_loop3A_458 = tpu.vector_load_idx %arg7[%parallel_loop3A_457, %parallel_loop3A_401] : memref<512x32xf32, #tpu.memory_space<vmem>>[vector<16xi32>, vector<16xi32>], vector<16xf32>,
        %parallel_loop3A_459 = arith.constant 8 : i32
        %parallel_loop3A_460 = arith.divsi %parallel_loop3A_397, %parallel_loop3A_459 : i32
        %parallel_loop3A_461 = arith.constant 0 : i32
        %parallel_loop3A_462 = arith.cmpi sgt, %parallel_loop3A_397, %parallel_loop3A_461 : i32
        %parallel_loop3A_463 = arith.extui %parallel_loop3A_462 : i1 to i32
        %parallel_loop3A_464 = arith.constant 0 : i32
        %parallel_loop3A_465 = arith.cmpi slt, %parallel_loop3A_397, %parallel_loop3A_464 : i32
        %parallel_loop3A_466 = arith.extui %parallel_loop3A_465 : i1 to i32
        %parallel_loop3A_467 = arith.subi %parallel_loop3A_463, %parallel_loop3A_466 : i32
        %parallel_loop3A_468 = arith.constant 0 : i32
        %parallel_loop3A_469 = arith.cmpi sgt, %parallel_loop3A_459, %parallel_loop3A_468 : i32
        %parallel_loop3A_470 = arith.extui %parallel_loop3A_469 : i1 to i32
        %parallel_loop3A_471 = arith.constant 0 : i32
        %parallel_loop3A_472 = arith.cmpi slt, %parallel_loop3A_459, %parallel_loop3A_471 : i32
        %parallel_loop3A_473 = arith.extui %parallel_loop3A_472 : i1 to i32
        %parallel_loop3A_474 = arith.subi %parallel_loop3A_470, %parallel_loop3A_473 : i32
        %parallel_loop3A_475 = arith.cmpi ne, %parallel_loop3A_467, %parallel_loop3A_474 : i32
        %parallel_loop3A_476 = arith.remsi %parallel_loop3A_397, %parallel_loop3A_459 : i32
        %parallel_loop3A_477 = arith.constant 0 : i32
        %parallel_loop3A_478 = arith.cmpi ne, %parallel_loop3A_476, %parallel_loop3A_477 : i32
        %parallel_loop3A_479 = arith.andi %parallel_loop3A_475, %parallel_loop3A_478 : i1
        %parallel_loop3A_480 = arith.constant 1 : i32
        %parallel_loop3A_481 = arith.subi %parallel_loop3A_460, %parallel_loop3A_480 : i32
        %parallel_loop3A_482 = arith.select %parallel_loop3A_479, %parallel_loop3A_481, %parallel_loop3A_460 : i32
        %parallel_loop3A_483 = arith.constant 8 : i32
        %parallel_loop3A_484 = arith.constant 0 : i32
        %parallel_loop3A_485 = arith.cmpi eq, %parallel_loop3A_483, %parallel_loop3A_484 : i32
        %parallel_loop3A_486 = arith.constant 1 : i32
        %parallel_loop3A_487 = arith.select %parallel_loop3A_485, %parallel_loop3A_486, %parallel_loop3A_483 : i32
        %parallel_loop3A_488 = arith.remsi %parallel_loop3A_397, %parallel_loop3A_487 : i32
        %parallel_loop3A_489 = arith.constant 0 : i32
        %parallel_loop3A_490 = arith.cmpi ne, %parallel_loop3A_488, %parallel_loop3A_489 : i32
        %parallel_loop3A_491 = arith.constant 0 : i32
        %parallel_loop3A_492 = arith.cmpi slt, %parallel_loop3A_488, %parallel_loop3A_491 : i32
        %parallel_loop3A_493 = arith.constant 0 : i32
        %parallel_loop3A_494 = arith.cmpi slt, %parallel_loop3A_487, %parallel_loop3A_493 : i32
        %parallel_loop3A_495 = arith.xori %parallel_loop3A_492, %parallel_loop3A_494 : i1
        %parallel_loop3A_496 = arith.andi %parallel_loop3A_495, %parallel_loop3A_490 : i1
        %parallel_loop3A_497 = arith.addi %parallel_loop3A_488, %parallel_loop3A_487 : i32
        %parallel_loop3A_498 = arith.select %parallel_loop3A_496, %parallel_loop3A_497, %parallel_loop3A_488 : i32
        %parallel_loop3A_499 = arith.index_cast %parallel_loop3A_482 : i32 to index
        %parallel_loop3A_500 = arith.index_cast %parallel_loop3A_381 : i32 to index
        %parallel_loop3A_501 = arith.index_cast %parallel_loop3A_498 : i32 to index
        %parallel_loop3A_502 = arith.constant 16 : index
        %parallel_loop3A_503 = tpu.vector_load %arg9[%parallel_loop3A_499, %parallel_loop3A_500, %parallel_loop3A_501, %parallel_loop3A_502] {strides = array<i32>} : memref<4x4x8x128xf32, #tpu.memory_space<vmem>>, vector<16xf32>,
        tpu.vector_store %arg9[%parallel_loop3A_499, %parallel_loop3A_500, %parallel_loop3A_501, %parallel_loop3A_502], %parallel_loop3A_458 {strides = array<i32>} : memref<4x4x8x128xf32, #tpu.memory_space<vmem>>, vector<16xf32>,
        %parallel_loop3A_504 = arith.constant 32 : i32
        %parallel_loop3A_505 = arith.addi %parallel_loop3A_403, %parallel_loop3A_504 : i32
        %parallel_loop3A_506 = vector.broadcast %parallel_loop3A_505 : i32 to vector<16xi32>
        %parallel_loop3A_507 = arith.addi %iota3A, %parallel_loop3A_506 : vector<16xi32>
        %parallel_loop3A_508 = tpu.vector_load_idx %arg7[%parallel_loop3A_507, %parallel_loop3A_401] : memref<512x32xf32, #tpu.memory_space<vmem>>[vector<16xi32>, vector<16xi32>], vector<16xf32>,
        %parallel_loop3A_509 = arith.constant 8 : i32
        %parallel_loop3A_510 = arith.divsi %parallel_loop3A_397, %parallel_loop3A_509 : i32
        %parallel_loop3A_511 = arith.constant 0 : i32
        %parallel_loop3A_512 = arith.cmpi sgt, %parallel_loop3A_397, %parallel_loop3A_511 : i32
        %parallel_loop3A_513 = arith.extui %parallel_loop3A_512 : i1 to i32
        %parallel_loop3A_514 = arith.constant 0 : i32
        %parallel_loop3A_515 = arith.cmpi slt, %parallel_loop3A_397, %parallel_loop3A_514 : i32
        %parallel_loop3A_516 = arith.extui %parallel_loop3A_515 : i1 to i32
        %parallel_loop3A_517 = arith.subi %parallel_loop3A_513, %parallel_loop3A_516 : i32
        %parallel_loop3A_518 = arith.constant 0 : i32
        %parallel_loop3A_519 = arith.cmpi sgt, %parallel_loop3A_509, %parallel_loop3A_518 : i32
        %parallel_loop3A_520 = arith.extui %parallel_loop3A_519 : i1 to i32
        %parallel_loop3A_521 = arith.constant 0 : i32
        %parallel_loop3A_522 = arith.cmpi slt, %parallel_loop3A_509, %parallel_loop3A_521 : i32
        %parallel_loop3A_523 = arith.extui %parallel_loop3A_522 : i1 to i32
        %parallel_loop3A_524 = arith.subi %parallel_loop3A_520, %parallel_loop3A_523 : i32
        %parallel_loop3A_525 = arith.cmpi ne, %parallel_loop3A_517, %parallel_loop3A_524 : i32
        %parallel_loop3A_526 = arith.remsi %parallel_loop3A_397, %parallel_loop3A_509 : i32
        %parallel_loop3A_527 = arith.constant 0 : i32
        %parallel_loop3A_528 = arith.cmpi ne, %parallel_loop3A_526, %parallel_loop3A_527 : i32
        %parallel_loop3A_529 = arith.andi %parallel_loop3A_525, %parallel_loop3A_528 : i1
        %parallel_loop3A_530 = arith.constant 1 : i32
        %parallel_loop3A_531 = arith.subi %parallel_loop3A_510, %parallel_loop3A_530 : i32
        %parallel_loop3A_532 = arith.select %parallel_loop3A_529, %parallel_loop3A_531, %parallel_loop3A_510 : i32
        %parallel_loop3A_533 = arith.constant 8 : i32
        %parallel_loop3A_534 = arith.constant 0 : i32
        %parallel_loop3A_535 = arith.cmpi eq, %parallel_loop3A_533, %parallel_loop3A_534 : i32
        %parallel_loop3A_536 = arith.constant 1 : i32
        %parallel_loop3A_537 = arith.select %parallel_loop3A_535, %parallel_loop3A_536, %parallel_loop3A_533 : i32
        %parallel_loop3A_538 = arith.remsi %parallel_loop3A_397, %parallel_loop3A_537 : i32
        %parallel_loop3A_539 = arith.constant 0 : i32
        %parallel_loop3A_540 = arith.cmpi ne, %parallel_loop3A_538, %parallel_loop3A_539 : i32
        %parallel_loop3A_541 = arith.constant 0 : i32
        %parallel_loop3A_542 = arith.cmpi slt, %parallel_loop3A_538, %parallel_loop3A_541 : i32
        %parallel_loop3A_543 = arith.constant 0 : i32
        %parallel_loop3A_544 = arith.cmpi slt, %parallel_loop3A_537, %parallel_loop3A_543 : i32
        %parallel_loop3A_545 = arith.xori %parallel_loop3A_542, %parallel_loop3A_544 : i1
        %parallel_loop3A_546 = arith.andi %parallel_loop3A_545, %parallel_loop3A_540 : i1
        %parallel_loop3A_547 = arith.addi %parallel_loop3A_538, %parallel_loop3A_537 : i32
        %parallel_loop3A_548 = arith.select %parallel_loop3A_546, %parallel_loop3A_547, %parallel_loop3A_538 : i32
        %parallel_loop3A_549 = arith.index_cast %parallel_loop3A_532 : i32 to index
        %parallel_loop3A_550 = arith.index_cast %parallel_loop3A_381 : i32 to index
        %parallel_loop3A_551 = arith.index_cast %parallel_loop3A_548 : i32 to index
        %parallel_loop3A_552 = arith.constant 32 : index
        %parallel_loop3A_553 = tpu.vector_load %arg9[%parallel_loop3A_549, %parallel_loop3A_550, %parallel_loop3A_551, %parallel_loop3A_552] {strides = array<i32>} : memref<4x4x8x128xf32, #tpu.memory_space<vmem>>, vector<16xf32>,
        tpu.vector_store %arg9[%parallel_loop3A_549, %parallel_loop3A_550, %parallel_loop3A_551, %parallel_loop3A_552], %parallel_loop3A_508 {strides = array<i32>} : memref<4x4x8x128xf32, #tpu.memory_space<vmem>>, vector<16xf32>,
        %parallel_loop3A_554 = arith.constant 48 : i32
        %parallel_loop3A_555 = arith.addi %parallel_loop3A_403, %parallel_loop3A_554 : i32
        %parallel_loop3A_556 = vector.broadcast %parallel_loop3A_555 : i32 to vector<16xi32>
        %parallel_loop3A_557 = arith.addi %iota3A, %parallel_loop3A_556 : vector<16xi32>
        %parallel_loop3A_558 = tpu.vector_load_idx %arg7[%parallel_loop3A_557, %parallel_loop3A_401] : memref<512x32xf32, #tpu.memory_space<vmem>>[vector<16xi32>, vector<16xi32>], vector<16xf32>,
        %parallel_loop3A_559 = arith.constant 8 : i32
        %parallel_loop3A_560 = arith.divsi %parallel_loop3A_397, %parallel_loop3A_559 : i32
        %parallel_loop3A_561 = arith.constant 0 : i32
        %parallel_loop3A_562 = arith.cmpi sgt, %parallel_loop3A_397, %parallel_loop3A_561 : i32
        %parallel_loop3A_563 = arith.extui %parallel_loop3A_562 : i1 to i32
        %parallel_loop3A_564 = arith.constant 0 : i32
        %parallel_loop3A_565 = arith.cmpi slt, %parallel_loop3A_397, %parallel_loop3A_564 : i32
        %parallel_loop3A_566 = arith.extui %parallel_loop3A_565 : i1 to i32
        %parallel_loop3A_567 = arith.subi %parallel_loop3A_563, %parallel_loop3A_566 : i32
        %parallel_loop3A_568 = arith.constant 0 : i32
        %parallel_loop3A_569 = arith.cmpi sgt, %parallel_loop3A_559, %parallel_loop3A_568 : i32
        %parallel_loop3A_570 = arith.extui %parallel_loop3A_569 : i1 to i32
        %parallel_loop3A_571 = arith.constant 0 : i32
        %parallel_loop3A_572 = arith.cmpi slt, %parallel_loop3A_559, %parallel_loop3A_571 : i32
        %parallel_loop3A_573 = arith.extui %parallel_loop3A_572 : i1 to i32
        %parallel_loop3A_574 = arith.subi %parallel_loop3A_570, %parallel_loop3A_573 : i32
        %parallel_loop3A_575 = arith.cmpi ne, %parallel_loop3A_567, %parallel_loop3A_574 : i32
        %parallel_loop3A_576 = arith.remsi %parallel_loop3A_397, %parallel_loop3A_559 : i32
        %parallel_loop3A_577 = arith.constant 0 : i32
        %parallel_loop3A_578 = arith.cmpi ne, %parallel_loop3A_576, %parallel_loop3A_577 : i32
        %parallel_loop3A_579 = arith.andi %parallel_loop3A_575, %parallel_loop3A_578 : i1
        %parallel_loop3A_580 = arith.constant 1 : i32
        %parallel_loop3A_581 = arith.subi %parallel_loop3A_560, %parallel_loop3A_580 : i32
        %parallel_loop3A_582 = arith.select %parallel_loop3A_579, %parallel_loop3A_581, %parallel_loop3A_560 : i32
        %parallel_loop3A_583 = arith.constant 8 : i32
        %parallel_loop3A_584 = arith.constant 0 : i32
        %parallel_loop3A_585 = arith.cmpi eq, %parallel_loop3A_583, %parallel_loop3A_584 : i32
        %parallel_loop3A_586 = arith.constant 1 : i32
        %parallel_loop3A_587 = arith.select %parallel_loop3A_585, %parallel_loop3A_586, %parallel_loop3A_583 : i32
        %parallel_loop3A_588 = arith.remsi %parallel_loop3A_397, %parallel_loop3A_587 : i32
        %parallel_loop3A_589 = arith.constant 0 : i32
        %parallel_loop3A_590 = arith.cmpi ne, %parallel_loop3A_588, %parallel_loop3A_589 : i32
        %parallel_loop3A_591 = arith.constant 0 : i32
        %parallel_loop3A_592 = arith.cmpi slt, %parallel_loop3A_588, %parallel_loop3A_591 : i32
        %parallel_loop3A_593 = arith.constant 0 : i32
        %parallel_loop3A_594 = arith.cmpi slt, %parallel_loop3A_587, %parallel_loop3A_593 : i32
        %parallel_loop3A_595 = arith.xori %parallel_loop3A_592, %parallel_loop3A_594 : i1
        %parallel_loop3A_596 = arith.andi %parallel_loop3A_595, %parallel_loop3A_590 : i1
        %parallel_loop3A_597 = arith.addi %parallel_loop3A_588, %parallel_loop3A_587 : i32
        %parallel_loop3A_598 = arith.select %parallel_loop3A_596, %parallel_loop3A_597, %parallel_loop3A_588 : i32
        %parallel_loop3A_599 = arith.index_cast %parallel_loop3A_582 : i32 to index
        %parallel_loop3A_600 = arith.index_cast %parallel_loop3A_381 : i32 to index
        %parallel_loop3A_601 = arith.index_cast %parallel_loop3A_598 : i32 to index
        %parallel_loop3A_602 = arith.constant 48 : index
        %parallel_loop3A_603 = tpu.vector_load %arg9[%parallel_loop3A_599, %parallel_loop3A_600, %parallel_loop3A_601, %parallel_loop3A_602] {strides = array<i32>} : memref<4x4x8x128xf32, #tpu.memory_space<vmem>>, vector<16xf32>,
        tpu.vector_store %arg9[%parallel_loop3A_599, %parallel_loop3A_600, %parallel_loop3A_601, %parallel_loop3A_602], %parallel_loop3A_558 {strides = array<i32>} : memref<4x4x8x128xf32, #tpu.memory_space<vmem>>, vector<16xf32>,
        %parallel_loop3A_604 = arith.constant 64 : i32
        %parallel_loop3A_605 = arith.addi %parallel_loop3A_403, %parallel_loop3A_604 : i32
        %parallel_loop3A_606 = vector.broadcast %parallel_loop3A_605 : i32 to vector<16xi32>
        %parallel_loop3A_607 = arith.addi %iota3A, %parallel_loop3A_606 : vector<16xi32>
        %parallel_loop3A_608 = tpu.vector_load_idx %arg7[%parallel_loop3A_607, %parallel_loop3A_401] : memref<512x32xf32, #tpu.memory_space<vmem>>[vector<16xi32>, vector<16xi32>], vector<16xf32>,
        %parallel_loop3A_609 = arith.constant 8 : i32
        %parallel_loop3A_610 = arith.divsi %parallel_loop3A_397, %parallel_loop3A_609 : i32
        %parallel_loop3A_611 = arith.constant 0 : i32
        %parallel_loop3A_612 = arith.cmpi sgt, %parallel_loop3A_397, %parallel_loop3A_611 : i32
        %parallel_loop3A_613 = arith.extui %parallel_loop3A_612 : i1 to i32
        %parallel_loop3A_614 = arith.constant 0 : i32
        %parallel_loop3A_615 = arith.cmpi slt, %parallel_loop3A_397, %parallel_loop3A_614 : i32
        %parallel_loop3A_616 = arith.extui %parallel_loop3A_615 : i1 to i32
        %parallel_loop3A_617 = arith.subi %parallel_loop3A_613, %parallel_loop3A_616 : i32
        %parallel_loop3A_618 = arith.constant 0 : i32
        %parallel_loop3A_619 = arith.cmpi sgt, %parallel_loop3A_609, %parallel_loop3A_618 : i32
        %parallel_loop3A_620 = arith.extui %parallel_loop3A_619 : i1 to i32
        %parallel_loop3A_621 = arith.constant 0 : i32
        %parallel_loop3A_622 = arith.cmpi slt, %parallel_loop3A_609, %parallel_loop3A_621 : i32
        %parallel_loop3A_623 = arith.extui %parallel_loop3A_622 : i1 to i32
        %parallel_loop3A_624 = arith.subi %parallel_loop3A_620, %parallel_loop3A_623 : i32
        %parallel_loop3A_625 = arith.cmpi ne, %parallel_loop3A_617, %parallel_loop3A_624 : i32
        %parallel_loop3A_626 = arith.remsi %parallel_loop3A_397, %parallel_loop3A_609 : i32
        %parallel_loop3A_627 = arith.constant 0 : i32
        %parallel_loop3A_628 = arith.cmpi ne, %parallel_loop3A_626, %parallel_loop3A_627 : i32
        %parallel_loop3A_629 = arith.andi %parallel_loop3A_625, %parallel_loop3A_628 : i1
        %parallel_loop3A_630 = arith.constant 1 : i32
        %parallel_loop3A_631 = arith.subi %parallel_loop3A_610, %parallel_loop3A_630 : i32
        %parallel_loop3A_632 = arith.select %parallel_loop3A_629, %parallel_loop3A_631, %parallel_loop3A_610 : i32
        %parallel_loop3A_633 = arith.constant 8 : i32
        %parallel_loop3A_634 = arith.constant 0 : i32
        %parallel_loop3A_635 = arith.cmpi eq, %parallel_loop3A_633, %parallel_loop3A_634 : i32
        %parallel_loop3A_636 = arith.constant 1 : i32
        %parallel_loop3A_637 = arith.select %parallel_loop3A_635, %parallel_loop3A_636, %parallel_loop3A_633 : i32
        %parallel_loop3A_638 = arith.remsi %parallel_loop3A_397, %parallel_loop3A_637 : i32
        %parallel_loop3A_639 = arith.constant 0 : i32
        %parallel_loop3A_640 = arith.cmpi ne, %parallel_loop3A_638, %parallel_loop3A_639 : i32
        %parallel_loop3A_641 = arith.constant 0 : i32
        %parallel_loop3A_642 = arith.cmpi slt, %parallel_loop3A_638, %parallel_loop3A_641 : i32
        %parallel_loop3A_643 = arith.constant 0 : i32
        %parallel_loop3A_644 = arith.cmpi slt, %parallel_loop3A_637, %parallel_loop3A_643 : i32
        %parallel_loop3A_645 = arith.xori %parallel_loop3A_642, %parallel_loop3A_644 : i1
        %parallel_loop3A_646 = arith.andi %parallel_loop3A_645, %parallel_loop3A_640 : i1
        %parallel_loop3A_647 = arith.addi %parallel_loop3A_638, %parallel_loop3A_637 : i32
        %parallel_loop3A_648 = arith.select %parallel_loop3A_646, %parallel_loop3A_647, %parallel_loop3A_638 : i32
        %parallel_loop3A_649 = arith.index_cast %parallel_loop3A_632 : i32 to index
        %parallel_loop3A_650 = arith.index_cast %parallel_loop3A_381 : i32 to index
        %parallel_loop3A_651 = arith.index_cast %parallel_loop3A_648 : i32 to index
        %parallel_loop3A_652 = arith.constant 64 : index
        %parallel_loop3A_653 = tpu.vector_load %arg9[%parallel_loop3A_649, %parallel_loop3A_650, %parallel_loop3A_651, %parallel_loop3A_652] {strides = array<i32>} : memref<4x4x8x128xf32, #tpu.memory_space<vmem>>, vector<16xf32>,
        tpu.vector_store %arg9[%parallel_loop3A_649, %parallel_loop3A_650, %parallel_loop3A_651, %parallel_loop3A_652], %parallel_loop3A_608 {strides = array<i32>} : memref<4x4x8x128xf32, #tpu.memory_space<vmem>>, vector<16xf32>,
        %parallel_loop3A_654 = arith.constant 80 : i32
        %parallel_loop3A_655 = arith.addi %parallel_loop3A_403, %parallel_loop3A_654 : i32
        %parallel_loop3A_656 = vector.broadcast %parallel_loop3A_655 : i32 to vector<16xi32>
        %parallel_loop3A_657 = arith.addi %iota3A, %parallel_loop3A_656 : vector<16xi32>
        %parallel_loop3A_658 = tpu.vector_load_idx %arg7[%parallel_loop3A_657, %parallel_loop3A_401] : memref<512x32xf32, #tpu.memory_space<vmem>>[vector<16xi32>, vector<16xi32>], vector<16xf32>,
        %parallel_loop3A_659 = arith.constant 8 : i32
        %parallel_loop3A_660 = arith.divsi %parallel_loop3A_397, %parallel_loop3A_659 : i32
        %parallel_loop3A_661 = arith.constant 0 : i32
        %parallel_loop3A_662 = arith.cmpi sgt, %parallel_loop3A_397, %parallel_loop3A_661 : i32
        %parallel_loop3A_663 = arith.extui %parallel_loop3A_662 : i1 to i32
        %parallel_loop3A_664 = arith.constant 0 : i32
        %parallel_loop3A_665 = arith.cmpi slt, %parallel_loop3A_397, %parallel_loop3A_664 : i32
        %parallel_loop3A_666 = arith.extui %parallel_loop3A_665 : i1 to i32
        %parallel_loop3A_667 = arith.subi %parallel_loop3A_663, %parallel_loop3A_666 : i32
        %parallel_loop3A_668 = arith.constant 0 : i32
        %parallel_loop3A_669 = arith.cmpi sgt, %parallel_loop3A_659, %parallel_loop3A_668 : i32
        %parallel_loop3A_670 = arith.extui %parallel_loop3A_669 : i1 to i32
        %parallel_loop3A_671 = arith.constant 0 : i32
        %parallel_loop3A_672 = arith.cmpi slt, %parallel_loop3A_659, %parallel_loop3A_671 : i32
        %parallel_loop3A_673 = arith.extui %parallel_loop3A_672 : i1 to i32
        %parallel_loop3A_674 = arith.subi %parallel_loop3A_670, %parallel_loop3A_673 : i32
        %parallel_loop3A_675 = arith.cmpi ne, %parallel_loop3A_667, %parallel_loop3A_674 : i32
        %parallel_loop3A_676 = arith.remsi %parallel_loop3A_397, %parallel_loop3A_659 : i32
        %parallel_loop3A_677 = arith.constant 0 : i32
        %parallel_loop3A_678 = arith.cmpi ne, %parallel_loop3A_676, %parallel_loop3A_677 : i32
        %parallel_loop3A_679 = arith.andi %parallel_loop3A_675, %parallel_loop3A_678 : i1
        %parallel_loop3A_680 = arith.constant 1 : i32
        %parallel_loop3A_681 = arith.subi %parallel_loop3A_660, %parallel_loop3A_680 : i32
        %parallel_loop3A_682 = arith.select %parallel_loop3A_679, %parallel_loop3A_681, %parallel_loop3A_660 : i32
        %parallel_loop3A_683 = arith.constant 8 : i32
        %parallel_loop3A_684 = arith.constant 0 : i32
        %parallel_loop3A_685 = arith.cmpi eq, %parallel_loop3A_683, %parallel_loop3A_684 : i32
        %parallel_loop3A_686 = arith.constant 1 : i32
        %parallel_loop3A_687 = arith.select %parallel_loop3A_685, %parallel_loop3A_686, %parallel_loop3A_683 : i32
        %parallel_loop3A_688 = arith.remsi %parallel_loop3A_397, %parallel_loop3A_687 : i32
        %parallel_loop3A_689 = arith.constant 0 : i32
        %parallel_loop3A_690 = arith.cmpi ne, %parallel_loop3A_688, %parallel_loop3A_689 : i32
        %parallel_loop3A_691 = arith.constant 0 : i32
        %parallel_loop3A_692 = arith.cmpi slt, %parallel_loop3A_688, %parallel_loop3A_691 : i32
        %parallel_loop3A_693 = arith.constant 0 : i32
        %parallel_loop3A_694 = arith.cmpi slt, %parallel_loop3A_687, %parallel_loop3A_693 : i32
        %parallel_loop3A_695 = arith.xori %parallel_loop3A_692, %parallel_loop3A_694 : i1
        %parallel_loop3A_696 = arith.andi %parallel_loop3A_695, %parallel_loop3A_690 : i1
        %parallel_loop3A_697 = arith.addi %parallel_loop3A_688, %parallel_loop3A_687 : i32
        %parallel_loop3A_698 = arith.select %parallel_loop3A_696, %parallel_loop3A_697, %parallel_loop3A_688 : i32
        %parallel_loop3A_699 = arith.index_cast %parallel_loop3A_682 : i32 to index
        %parallel_loop3A_700 = arith.index_cast %parallel_loop3A_381 : i32 to index
        %parallel_loop3A_701 = arith.index_cast %parallel_loop3A_698 : i32 to index
        %parallel_loop3A_702 = arith.constant 80 : index
        %parallel_loop3A_703 = tpu.vector_load %arg9[%parallel_loop3A_699, %parallel_loop3A_700, %parallel_loop3A_701, %parallel_loop3A_702] {strides = array<i32>} : memref<4x4x8x128xf32, #tpu.memory_space<vmem>>, vector<16xf32>,
        tpu.vector_store %arg9[%parallel_loop3A_699, %parallel_loop3A_700, %parallel_loop3A_701, %parallel_loop3A_702], %parallel_loop3A_658 {strides = array<i32>} : memref<4x4x8x128xf32, #tpu.memory_space<vmem>>, vector<16xf32>,
        %parallel_loop3A_704 = arith.constant 96 : i32
        %parallel_loop3A_705 = arith.addi %parallel_loop3A_403, %parallel_loop3A_704 : i32
        %parallel_loop3A_706 = vector.broadcast %parallel_loop3A_705 : i32 to vector<16xi32>
        %parallel_loop3A_707 = arith.addi %iota3A, %parallel_loop3A_706 : vector<16xi32>
        %parallel_loop3A_708 = tpu.vector_load_idx %arg7[%parallel_loop3A_707, %parallel_loop3A_401] : memref<512x32xf32, #tpu.memory_space<vmem>>[vector<16xi32>, vector<16xi32>], vector<16xf32>,
        %parallel_loop3A_709 = arith.constant 8 : i32
        %parallel_loop3A_710 = arith.divsi %parallel_loop3A_397, %parallel_loop3A_709 : i32
        %parallel_loop3A_711 = arith.constant 0 : i32
        %parallel_loop3A_712 = arith.cmpi sgt, %parallel_loop3A_397, %parallel_loop3A_711 : i32
        %parallel_loop3A_713 = arith.extui %parallel_loop3A_712 : i1 to i32
        %parallel_loop3A_714 = arith.constant 0 : i32
        %parallel_loop3A_715 = arith.cmpi slt, %parallel_loop3A_397, %parallel_loop3A_714 : i32
        %parallel_loop3A_716 = arith.extui %parallel_loop3A_715 : i1 to i32
        %parallel_loop3A_717 = arith.subi %parallel_loop3A_713, %parallel_loop3A_716 : i32
        %parallel_loop3A_718 = arith.constant 0 : i32
        %parallel_loop3A_719 = arith.cmpi sgt, %parallel_loop3A_709, %parallel_loop3A_718 : i32
        %parallel_loop3A_720 = arith.extui %parallel_loop3A_719 : i1 to i32
        %parallel_loop3A_721 = arith.constant 0 : i32
        %parallel_loop3A_722 = arith.cmpi slt, %parallel_loop3A_709, %parallel_loop3A_721 : i32
        %parallel_loop3A_723 = arith.extui %parallel_loop3A_722 : i1 to i32
        %parallel_loop3A_724 = arith.subi %parallel_loop3A_720, %parallel_loop3A_723 : i32
        %parallel_loop3A_725 = arith.cmpi ne, %parallel_loop3A_717, %parallel_loop3A_724 : i32
        %parallel_loop3A_726 = arith.remsi %parallel_loop3A_397, %parallel_loop3A_709 : i32
        %parallel_loop3A_727 = arith.constant 0 : i32
        %parallel_loop3A_728 = arith.cmpi ne, %parallel_loop3A_726, %parallel_loop3A_727 : i32
        %parallel_loop3A_729 = arith.andi %parallel_loop3A_725, %parallel_loop3A_728 : i1
        %parallel_loop3A_730 = arith.constant 1 : i32
        %parallel_loop3A_731 = arith.subi %parallel_loop3A_710, %parallel_loop3A_730 : i32
        %parallel_loop3A_732 = arith.select %parallel_loop3A_729, %parallel_loop3A_731, %parallel_loop3A_710 : i32
        %parallel_loop3A_733 = arith.constant 8 : i32
        %parallel_loop3A_734 = arith.constant 0 : i32
        %parallel_loop3A_735 = arith.cmpi eq, %parallel_loop3A_733, %parallel_loop3A_734 : i32
        %parallel_loop3A_736 = arith.constant 1 : i32
        %parallel_loop3A_737 = arith.select %parallel_loop3A_735, %parallel_loop3A_736, %parallel_loop3A_733 : i32
        %parallel_loop3A_738 = arith.remsi %parallel_loop3A_397, %parallel_loop3A_737 : i32
        %parallel_loop3A_739 = arith.constant 0 : i32
        %parallel_loop3A_740 = arith.cmpi ne, %parallel_loop3A_738, %parallel_loop3A_739 : i32
        %parallel_loop3A_741 = arith.constant 0 : i32
        %parallel_loop3A_742 = arith.cmpi slt, %parallel_loop3A_738, %parallel_loop3A_741 : i32
        %parallel_loop3A_743 = arith.constant 0 : i32
        %parallel_loop3A_744 = arith.cmpi slt, %parallel_loop3A_737, %parallel_loop3A_743 : i32
        %parallel_loop3A_745 = arith.xori %parallel_loop3A_742, %parallel_loop3A_744 : i1
        %parallel_loop3A_746 = arith.andi %parallel_loop3A_745, %parallel_loop3A_740 : i1
        %parallel_loop3A_747 = arith.addi %parallel_loop3A_738, %parallel_loop3A_737 : i32
        %parallel_loop3A_748 = arith.select %parallel_loop3A_746, %parallel_loop3A_747, %parallel_loop3A_738 : i32
        %parallel_loop3A_749 = arith.index_cast %parallel_loop3A_732 : i32 to index
        %parallel_loop3A_750 = arith.index_cast %parallel_loop3A_381 : i32 to index
        %parallel_loop3A_751 = arith.index_cast %parallel_loop3A_748 : i32 to index
        %parallel_loop3A_752 = arith.constant 96 : index
        %parallel_loop3A_753 = tpu.vector_load %arg9[%parallel_loop3A_749, %parallel_loop3A_750, %parallel_loop3A_751, %parallel_loop3A_752] {strides = array<i32>} : memref<4x4x8x128xf32, #tpu.memory_space<vmem>>, vector<16xf32>,
        tpu.vector_store %arg9[%parallel_loop3A_749, %parallel_loop3A_750, %parallel_loop3A_751, %parallel_loop3A_752], %parallel_loop3A_708 {strides = array<i32>} : memref<4x4x8x128xf32, #tpu.memory_space<vmem>>, vector<16xf32>,
        %parallel_loop3A_754 = arith.constant 112 : i32
        %parallel_loop3A_755 = arith.addi %parallel_loop3A_403, %parallel_loop3A_754 : i32
        %parallel_loop3A_756 = vector.broadcast %parallel_loop3A_755 : i32 to vector<16xi32>
        %parallel_loop3A_757 = arith.addi %iota3A, %parallel_loop3A_756 : vector<16xi32>
        %parallel_loop3A_758 = tpu.vector_load_idx %arg7[%parallel_loop3A_757, %parallel_loop3A_401] : memref<512x32xf32, #tpu.memory_space<vmem>>[vector<16xi32>, vector<16xi32>], vector<16xf32>,
        %parallel_loop3A_759 = arith.constant 8 : i32
        %parallel_loop3A_760 = arith.divsi %parallel_loop3A_397, %parallel_loop3A_759 : i32
        %parallel_loop3A_761 = arith.constant 0 : i32
        %parallel_loop3A_762 = arith.cmpi sgt, %parallel_loop3A_397, %parallel_loop3A_761 : i32
        %parallel_loop3A_763 = arith.extui %parallel_loop3A_762 : i1 to i32
        %parallel_loop3A_764 = arith.constant 0 : i32
        %parallel_loop3A_765 = arith.cmpi slt, %parallel_loop3A_397, %parallel_loop3A_764 : i32
        %parallel_loop3A_766 = arith.extui %parallel_loop3A_765 : i1 to i32
        %parallel_loop3A_767 = arith.subi %parallel_loop3A_763, %parallel_loop3A_766 : i32
        %parallel_loop3A_768 = arith.constant 0 : i32
        %parallel_loop3A_769 = arith.cmpi sgt, %parallel_loop3A_759, %parallel_loop3A_768 : i32
        %parallel_loop3A_770 = arith.extui %parallel_loop3A_769 : i1 to i32
        %parallel_loop3A_771 = arith.constant 0 : i32
        %parallel_loop3A_772 = arith.cmpi slt, %parallel_loop3A_759, %parallel_loop3A_771 : i32
        %parallel_loop3A_773 = arith.extui %parallel_loop3A_772 : i1 to i32
        %parallel_loop3A_774 = arith.subi %parallel_loop3A_770, %parallel_loop3A_773 : i32
        %parallel_loop3A_775 = arith.cmpi ne, %parallel_loop3A_767, %parallel_loop3A_774 : i32
        %parallel_loop3A_776 = arith.remsi %parallel_loop3A_397, %parallel_loop3A_759 : i32
        %parallel_loop3A_777 = arith.constant 0 : i32
        %parallel_loop3A_778 = arith.cmpi ne, %parallel_loop3A_776, %parallel_loop3A_777 : i32
        %parallel_loop3A_779 = arith.andi %parallel_loop3A_775, %parallel_loop3A_778 : i1
        %parallel_loop3A_780 = arith.constant 1 : i32
        %parallel_loop3A_781 = arith.subi %parallel_loop3A_760, %parallel_loop3A_780 : i32
        %parallel_loop3A_782 = arith.select %parallel_loop3A_779, %parallel_loop3A_781, %parallel_loop3A_760 : i32
        %parallel_loop3A_783 = arith.constant 8 : i32
        %parallel_loop3A_784 = arith.constant 0 : i32
        %parallel_loop3A_785 = arith.cmpi eq, %parallel_loop3A_783, %parallel_loop3A_784 : i32
        %parallel_loop3A_786 = arith.constant 1 : i32
        %parallel_loop3A_787 = arith.select %parallel_loop3A_785, %parallel_loop3A_786, %parallel_loop3A_783 : i32
        %parallel_loop3A_788 = arith.remsi %parallel_loop3A_397, %parallel_loop3A_787 : i32
        %parallel_loop3A_789 = arith.constant 0 : i32
        %parallel_loop3A_790 = arith.cmpi ne, %parallel_loop3A_788, %parallel_loop3A_789 : i32
        %parallel_loop3A_791 = arith.constant 0 : i32
        %parallel_loop3A_792 = arith.cmpi slt, %parallel_loop3A_788, %parallel_loop3A_791 : i32
        %parallel_loop3A_793 = arith.constant 0 : i32
        %parallel_loop3A_794 = arith.cmpi slt, %parallel_loop3A_787, %parallel_loop3A_793 : i32
        %parallel_loop3A_795 = arith.xori %parallel_loop3A_792, %parallel_loop3A_794 : i1
        %parallel_loop3A_796 = arith.andi %parallel_loop3A_795, %parallel_loop3A_790 : i1
        %parallel_loop3A_797 = arith.addi %parallel_loop3A_788, %parallel_loop3A_787 : i32
        %parallel_loop3A_798 = arith.select %parallel_loop3A_796, %parallel_loop3A_797, %parallel_loop3A_788 : i32
        %parallel_loop3A_799 = arith.index_cast %parallel_loop3A_782 : i32 to index
        %parallel_loop3A_800 = arith.index_cast %parallel_loop3A_381 : i32 to index
        %parallel_loop3A_801 = arith.index_cast %parallel_loop3A_798 : i32 to index
        %parallel_loop3A_802 = arith.constant 112 : index
        %parallel_loop3A_803 = tpu.vector_load %arg9[%parallel_loop3A_799, %parallel_loop3A_800, %parallel_loop3A_801, %parallel_loop3A_802] {strides = array<i32>} : memref<4x4x8x128xf32, #tpu.memory_space<vmem>>, vector<16xf32>,
        tpu.vector_store %arg9[%parallel_loop3A_799, %parallel_loop3A_800, %parallel_loop3A_801, %parallel_loop3A_802], %parallel_loop3A_758 {strides = array<i32>} : memref<4x4x8x128xf32, #tpu.memory_space<vmem>>, vector<16xf32>,
      } {sc.loop_unroll_factor = 8 : i64, sc.parallel_access}
      %add3A_294 = arith.addi %mul3A_2, %add3A_272 : i32
      %jit3A_295 = arith.constant 8 : i32
      %div3A_296 = arith.divsi %add3A_294, %jit3A_295 : i32
      %sign3A_297 = arith.constant 0 : i32
      %sign3A_298 = arith.cmpi sgt, %add3A_294, %sign3A_297 : i32
      %sign3A_299 = arith.extui %sign3A_298 : i1 to i32
      %sign3A_300 = arith.constant 0 : i32
      %sign3A_301 = arith.cmpi slt, %add3A_294, %sign3A_300 : i32
      %sign3A_302 = arith.extui %sign3A_301 : i1 to i32
      %sign3A_303 = arith.subi %sign3A_299, %sign3A_302 : i32
      %sign3A_304 = arith.constant 0 : i32
      %sign3A_305 = arith.cmpi sgt, %jit3A_295, %sign3A_304 : i32
      %sign3A_306 = arith.extui %sign3A_305 : i1 to i32
      %sign3A_307 = arith.constant 0 : i32
      %sign3A_308 = arith.cmpi slt, %jit3A_295, %sign3A_307 : i32
      %sign3A_309 = arith.extui %sign3A_308 : i1 to i32
      %sign3A_310 = arith.subi %sign3A_306, %sign3A_309 : i32
      %ne3A_311 = arith.cmpi ne, %sign3A_303, %sign3A_310 : i32
      %rem3A_312 = arith.remsi %add3A_294, %jit3A_295 : i32
      %ne3A_313 = arith.constant 0 : i32
      %ne3A_314 = arith.cmpi ne, %rem3A_312, %ne3A_313 : i32
      %and3A_315 = arith.andi %ne3A_311, %ne3A_314 : i1
      %sub3A_316 = arith.constant 1 : i32
      %sub3A_317 = arith.subi %div3A_296, %sub3A_316 : i32
      %select_n3A_318 = arith.select %and3A_315, %sub3A_317, %div3A_296 : i32
      %jit3A_319 = arith.constant 8 : i32
      %eq3A_320 = arith.constant 0 : i32
      %eq3A_321 = arith.cmpi eq, %jit3A_319, %eq3A_320 : i32
      %jit3A_322 = arith.constant 1 : i32
      %select_n3A_323 = arith.select %eq3A_321, %jit3A_322, %jit3A_319 : i32
      %rem3A_324 = arith.remsi %add3A_294, %select_n3A_323 : i32
      %ne3A_325 = arith.constant 0 : i32
      %ne3A_326 = arith.cmpi ne, %rem3A_324, %ne3A_325 : i32
      %lt3A_327 = arith.constant 0 : i32
      %lt3A_328 = arith.cmpi slt, %rem3A_324, %lt3A_327 : i32
      %lt3A_329 = arith.constant 0 : i32
      %lt3A_330 = arith.cmpi slt, %select_n3A_323, %lt3A_329 : i32
      %ne3A_331 = arith.xori %lt3A_328, %lt3A_330 : i1
      %and3A_332 = arith.andi %ne3A_331, %ne3A_326 : i1
      %add3A_333 = arith.addi %rem3A_324, %select_n3A_323 : i32
      %select_n3A_334 = arith.select %and3A_332, %add3A_333, %rem3A_324 : i32
      %mul3A_335 = arith.constant 4 : i32
      %mul3A_336 = arith.muli %mul3A_335, %select_n3A_334 : i32
      %dma_start3A_337 = arith.constant 0 : i32
      %dma_start3A_338 = arith.constant 0 : i32
      %dma_start3A_339 = arith.constant 0 : i32
      %dma_start3A_340 = tpu.memref_slice %arg4[%select_n3A_318, %dma_start3A_337, %mul3A_336, %dma_start3A_338, %dma_start3A_339] : memref<200x4x32x8x128xf32, #tpu.memory_space<hbm>> -> memref<1x4x4x8x128xf32, #tpu.memory_space<hbm>>
      %dma_start3A_341 = tpu.memref_squeeze %dma_start3A_340 : memref<1x4x4x8x128xf32, #tpu.memory_space<hbm>> -> memref<4x4x8x128xf32, #tpu.memory_space<hbm>>
      %dma_start3A_342 = arith.constant 0 : i32
      %dma_start3A_343 = arith.constant 0 : i32
      %dma_start3A_344 = arith.constant 0 : i32
      %dma_start3A_345 = tpu.memref_slice %arg4[%select_n3A_318, %dma_start3A_342, %mul3A_336, %dma_start3A_343, %dma_start3A_344] : memref<200x4x32x8x128xf32, #tpu.memory_space<hbm>> -> memref<1x4x4x8x128xf32, #tpu.memory_space<hbm>>
      %dma_start3A_346 = tpu.memref_squeeze %dma_start3A_345 : memref<1x4x4x8x128xf32, #tpu.memory_space<hbm>> -> memref<4x4x8x128xf32, #tpu.memory_space<hbm>>
      tpu.enqueue_dma source(%arg9 : memref<4x4x8x128xf32, #tpu.memory_space<vmem>>) target(%dma_start3A_346 : memref<4x4x8x128xf32, #tpu.memory_space<hbm>>) target_semaphore(%arg13 : memref<!tpu.dma_semaphore, #tpu.memory_space<semaphore_mem>>)
      %add3A_347 = arith.constant 2 : i32
      %add3A_348 = arith.addi %add3A_272, %add3A_347 : i32
      %min3A_349 = arith.constant 49 : i32
      %min3A_350 = arith.minsi %add3A_348, %min3A_349 : i32
      %mul3A_351 = arith.constant 512 : i32
      %mul3A_352 = arith.muli %min3A_350, %mul3A_351 : i32
      %dma_start3A_353 = tpu.memref_slice %arg5[%mul3A_352] : memref<25600xi32, #tpu.memory_space<vmem>> -> memref<512xi32, #tpu.memory_space<vmem>>
      %dma_start3A_354 = arith.constant 0 : i32
      %dma_start3A_355 = arith.constant 0 : i32
      %dma_start3A_356 = tpu.memref_slice %arg3[%dma_start3A_354, %dma_start3A_355] : memref<1000000x32xf32, #tpu.memory_space<hbm>> -> memref<1000000x32xf32, #tpu.memory_space<hbm>>
      tpu.enqueue_indirect_dma source(%dma_start3A_356 : memref<1000000x32xf32, #tpu.memory_space<hbm>>) target(%arg7 : memref<512x32xf32, #tpu.memory_space<vmem>>) offsets(%dma_start3A_353 : memref<512xi32, #tpu.memory_space<vmem>>) semaphore(%arg11 : memref<!tpu.dma_semaphore, #tpu.memory_space<semaphore_mem>>)
    }
    %scan3A_140 = arith.constant 24 : i32
    %dma_wait3A_141 = arith.constant 0 : i32
    %dma_wait3A_142 = tpu.memref_slice %arg5[%dma_wait3A_141] : memref<25600xi32, #tpu.memory_space<vmem>> -> memref<512xi32, #tpu.memory_space<vmem>>
    %dma_wait3A_143 = arith.constant 0 : i32
    %dma_wait3A_144 = arith.constant 0 : i32
    %dma_wait3A_145 = tpu.memref_slice %arg3[%dma_wait3A_143, %dma_wait3A_144] : memref<1000000x32xf32, #tpu.memory_space<hbm>> -> memref<1000000x32xf32, #tpu.memory_space<hbm>>
    tpu.wait_indirect_dma semaphore(%arg10 : memref<!tpu.dma_semaphore, #tpu.memory_space<semaphore_mem>>) src(%dma_wait3A_145 : memref<1000000x32xf32, #tpu.memory_space<hbm>>) dst(%arg6 : memref<512x32xf32, #tpu.memory_space<vmem>>)
    %dma_wait3A_146 = arith.constant 0 : i32
    %dma_wait3A_147 = tpu.memref_slice %arg5[%dma_wait3A_146] : memref<25600xi32, #tpu.memory_space<vmem>> -> memref<512xi32, #tpu.memory_space<vmem>>
    %dma_wait3A_148 = arith.constant 0 : i32
    %dma_wait3A_149 = arith.constant 0 : i32
    %dma_wait3A_150 = tpu.memref_slice %arg3[%dma_wait3A_148, %dma_wait3A_149] : memref<1000000x32xf32, #tpu.memory_space<hbm>> -> memref<1000000x32xf32, #tpu.memory_space<hbm>>
    tpu.wait_indirect_dma semaphore(%arg11 : memref<!tpu.dma_semaphore, #tpu.memory_space<semaphore_mem>>) src(%dma_wait3A_150 : memref<1000000x32xf32, #tpu.memory_space<hbm>>) dst(%arg7 : memref<512x32xf32, #tpu.memory_space<vmem>>)
    %dma_wait3A_151 = arith.constant 0 : i32
    %dma_wait3A_152 = arith.constant 0 : i32
    %dma_wait3A_153 = arith.constant 0 : i32
    %dma_wait3A_154 = arith.constant 0 : i32
    %dma_wait3A_155 = arith.constant 0 : i32
    %dma_wait3A_156 = tpu.memref_slice %arg4[%dma_wait3A_151, %dma_wait3A_152, %dma_wait3A_153, %dma_wait3A_154, %dma_wait3A_155] : memref<200x4x32x8x128xf32, #tpu.memory_space<hbm>> -> memref<1x4x4x8x128xf32, #tpu.memory_space<hbm>>
    %dma_wait3A_157 = tpu.memref_squeeze %dma_wait3A_156 : memref<1x4x4x8x128xf32, #tpu.memory_space<hbm>> -> memref<4x4x8x128xf32, #tpu.memory_space<hbm>>
    %dma_wait3A_158 = arith.constant 0 : i32
    %dma_wait3A_159 = arith.constant 0 : i32
    %dma_wait3A_160 = arith.constant 0 : i32
    %dma_wait3A_161 = arith.constant 0 : i32
    %dma_wait3A_162 = tpu.memref_slice %arg4[%dma_wait3A_151, %dma_wait3A_158, %dma_wait3A_159, %dma_wait3A_160, %dma_wait3A_161] : memref<200x4x32x8x128xf32, #tpu.memory_space<hbm>> -> memref<1x4x4x8x128xf32, #tpu.memory_space<hbm>>
    %dma_wait3A_163 = tpu.memref_squeeze %dma_wait3A_162 : memref<1x4x4x8x128xf32, #tpu.memory_space<hbm>> -> memref<4x4x8x128xf32, #tpu.memory_space<hbm>>
    tpu.wait_dma2 semaphore(%arg12 : memref<!tpu.dma_semaphore, #tpu.memory_space<semaphore_mem>>) src(%arg8 : memref<4x4x8x128xf32, #tpu.memory_space<vmem>>) dst(%dma_wait3A_163 : memref<4x4x8x128xf32, #tpu.memory_space<hbm>>)
    %dma_wait3A_164 = arith.constant 0 : i32
    %dma_wait3A_165 = arith.constant 0 : i32
    %dma_wait3A_166 = arith.constant 0 : i32
    %dma_wait3A_167 = arith.constant 0 : i32
    %dma_wait3A_168 = arith.constant 0 : i32
    %dma_wait3A_169 = tpu.memref_slice %arg4[%dma_wait3A_164, %dma_wait3A_165, %dma_wait3A_166, %dma_wait3A_167, %dma_wait3A_168] : memref<200x4x32x8x128xf32, #tpu.memory_space<hbm>> -> memref<1x4x4x8x128xf32, #tpu.memory_space<hbm>>
    %dma_wait3A_170 = tpu.memref_squeeze %dma_wait3A_169 : memref<1x4x4x8x128xf32, #tpu.memory_space<hbm>> -> memref<4x4x8x128xf32, #tpu.memory_space<hbm>>
    %dma_wait3A_171 = arith.constant 0 : i32
    %dma_wait3A_172 = arith.constant 0 : i32
    %dma_wait3A_173 = arith.constant 0 : i32
    %dma_wait3A_174 = arith.constant 0 : i32
    %dma_wait3A_175 = tpu.memref_slice %arg4[%dma_wait3A_164, %dma_wait3A_171, %dma_wait3A_172, %dma_wait3A_173, %dma_wait3A_174] : memref<200x4x32x8x128xf32, #tpu.memory_space<hbm>> -> memref<1x4x4x8x128xf32, #tpu.memory_space<hbm>>
    %dma_wait3A_176 = tpu.memref_squeeze %dma_wait3A_175 : memref<1x4x4x8x128xf32, #tpu.memory_space<hbm>> -> memref<4x4x8x128xf32, #tpu.memory_space<hbm>>
    tpu.wait_dma2 semaphore(%arg13 : memref<!tpu.dma_semaphore, #tpu.memory_space<semaphore_mem>>) src(%arg9 : memref<4x4x8x128xf32, #tpu.memory_space<vmem>>) dst(%dma_wait3A_176 : memref<4x4x8x128xf32, #tpu.memory_space<hbm>>)
    return
  }
}

</mosaic_0001>

<sc_bundles>
// kernel: kernel.3.cloned.1.call-start
scs
__scs_entry_jumppad:
0x0: {  	(pc) =	sbr.rel $0x88, $3  }
0x1: {  	(tag) =	ssettag $0x0;
	lr =	simm.s32 $0x1  }
0x2: {  	[smem:$0x3F9F] =	sst lr;
	_ =	strace $0xD0000000  }
0x3: {  	_ = 	snop  }
0x4: {  	_ = 	snop  }
0x5: {  	_ = 	snop  }
0x6: {  	_ = 	snop  }
0x7: {  	_ = 	snop  }
__scs_overlays_trampoline_lowered:
0x8: {  	[smem:$0x3FAE] =	sst s0  }
0x9: {  	[smem:$0x3FAF] =	sst s1  }
0xa: {  	[smem:$0x3FB0] =	sst s2  }
0xb: {  	[smem:$0x3FB1] =	sst s3  }
0xc: {  	[smem:$0x3FB2] =	sst s4  }
0xd: {  	[smem:$0x3FB3] =	sst s5  }
0xe: {  	[smem:$0x3FB4] =	sst s6  }
0xf: {  	[smem:$0x3FB5] =	sst s7  }
0x10: {  	[smem:$0x3FB6] =	sst s8  }
0x11: {  	[smem:$0x3FB7] =	sst s9;
	s0 =	simm.s32 @!p0 $0x0  }
0x12: {  	s1 =	sld [smem:$0x3F9D];
	s0 =	simm.s32 @p0 $0x1  }
0x13: {  	[smem:$0x3FB8] =	sst s0;
	s0 =	simm.s32 @!p1 $0x0  }
0x14: {  	s2 =	sld [smem:$0x3F9C];
	s0 =	simm.s32 @p1 $0x1  }
0x15: {  	[smem:$0x3FB9] =	sst s0;
	s0 =	simm.s32 @!p2 $0x0  }
0x16: {  	s3 =	sld [smem:$0x3FDB];
	s0 =	simm.s32 @p2 $0x1  }
0x17: {  	s4 =	simm.s32 $0x1BF5;
	[smem:$0x3FBB] =	sst s0  }
0x18: {  	s0 =	sld [smem:$0x3F9E];
	_ =	swait.ge [sflag:s4], $0x0  }
0x19: {  	s7 =	sld [smem:$0x3F9F]  }
0x1a: {  	s8 =	sadd.s32 $0xFFFFE003, lr  }
0x1b: {  	s9 =	sadd.s32 $0xFFFFFEF7, lr;
	s5 =	simm.s32 $0xFFFFFFFF;
	p2 =	slt.u32 s8, $0xFFFFF086  }
0x1c: {  	p1 =	slt.u32 s9, $0xF7A;
	s5 =	simm.s32 @!p2 $0x0  }
0x1d: {  	s5 =	simm.s32 @p1 $0x1;
	p0 =	seq.s32 s7, s2  }
0x1e: {  	s7 =	smul.u32 @!p0 $0xF7A, s2;
	p2 =	seq.s32 @!p0 s5, $0x0  }
0x1f: {  	s9 =	smul.u32 $0xF7A, s1;
	s8 =	simm.s32 @!p0 $0x1BF5;
	p2 =	por !p2, p0  }
0x20: {  	[sflag:s8] =	ssyncset.s32 @!p0 $0xFFFFF086;
	s6 =	sadd.s32 @!p0 s3, s7;
	s7 =	simm.s32 @!p0 $0x108  }
0x21: {  	s3 =	sadd.s32 s3, s9;
	s6 =	sadd.s32 @!p0 $0x88, s6;
	s7 =	simm.s32 @p2 $0x1082  }
0x22: {  	[simem:s7], [sflag:s8] =	dma.local @!p0 [hbm:s6], $0xF7A  }
0x23: {  	s9 =	sor.u32 $0xD0000000, s2;
	s6 =	simm.s32 $0x108;
	_ =	swait.ge @!p0 [sflag:s8], $0x0  }
0x24: {  	s3 =	sadd.s32 $0x88, s3;
	s6 =	simm.s32 @!p1 $0x1082;
	[sflag:s4] =	ssyncset.s32 $0xFFFFF086  }
0x25: {  	[simem:s6], [sflag:s4] =	dma.local [hbm:s3], $0xF7A  }
0x26: {  	[smem:$0x3F9F] =	sst s1;
	(tag) =	ssettag s2;
	_ =	strace s9  }
0x27: {  	s1 =	sld [smem:$0x3FAF]  }
0x28: {  	s2 =	sld [smem:$0x3FB0]  }
0x29: {  	s4 =	sld [smem:$0x3FB2]  }
0x2a: {  	p0 =	seq.s32 s5, $0x0;
	s5 =	sld [smem:$0x3FB3]  }
0x2b: {  	s6 =	sld [smem:$0x3FB4]  }
0x2c: {  	s7 =	sld [smem:$0x3FB5]  }
0x2d: {  	s3 =	simm.s32 $0x108;
	s8 =	sld [smem:$0x3FB6]  }
0x2e: {  	s3 =	simm.s32 @!p0 $0x1082;
	s9 =	sld [smem:$0x3FB7]  }
0x2f: {  	lr =	sadd.s32 s0, s3;
	s0 =	sld [smem:$0x3FAE]  }
0x30: {  	s3 =	sld [smem:$0x3FB1]  }
0x31: {  	[smem:$0x3FBA] =	sst s10  }
0x32: {  	s10 =	sld [smem:$0x3FB8];
	_ =	sdelay $0x3  }
0x33: {  	p0 =	seq.s32 s10, $0x1;
	s10 =	sld [smem:$0x3FBA];
	_ =	sdelay $0x3  }
0x34: {  	[smem:$0x3FBA] =	sst s10  }
0x35: {  	s10 =	sld [smem:$0x3FB9];
	_ =	sdelay $0x3  }
0x36: {  	p1 =	seq.s32 s10, $0x1;
	s10 =	sld [smem:$0x3FBA];
	_ =	sdelay $0x3  }
0x37: {  	[smem:$0x3FBA] =	sst s10  }
0x38: {  	s10 =	sld [smem:$0x3FBB]  }
0x39: {  	_ = 	snop;
	(pc) =	sbr.ind lr, $3  }
0x3a: {  	_ = 	snop  }
0x3b: {  	_ = 	snop  }
0x3c: {  	p2 =	seq.s32 s10, $0x1;
	s10 =	sld [smem:$0x3FBA]  }
0x3d: {  	_ =	shalt  }
0x3e: {  	_ =	shalt  }
0x3f: {  	_ =	shalt  }
0x40: {  	_ =	shalt  }
0x41: {  	_ =	shalt  }
0x42: {  	_ =	shalt  }
0x43: {  	_ =	shalt  }
0x44: {  	_ =	shalt  }
0x45: {  	_ =	shalt  }
0x46: {  	_ =	shalt  }
0x47: {  	_ =	shalt  }
0x48: {  	_ =	shalt  }
0x49: {  	_ =	shalt  }
0x4a: {  	_ =	shalt  }
0x4b: {  	_ =	shalt  }
0x4c: {  	_ =	shalt  }
0x4d: {  	_ =	shalt  }
0x4e: {  	_ =	shalt  }
0x4f: {  	_ =	shalt  }
0x50: {  	_ =	shalt  }
0x51: {  	_ =	shalt  }
0x52: {  	_ =	shalt  }
0x53: {  	_ =	shalt  }
0x54: {  	_ =	shalt  }
0x55: {  	_ =	shalt  }
0x56: {  	_ =	shalt  }
0x57: {  	_ =	shalt  }
0x58: {  	_ =	shalt  }
0x59: {  	_ =	shalt  }
0x5a: {  	_ =	shalt  }
0x5b: {  	_ =	shalt  }
0x5c: {  	_ =	shalt  }
0x5d: {  	_ =	shalt  }
0x5e: {  	_ =	shalt  }
0x5f: {  	_ =	shalt  }
0x60: {  	_ =	shalt  }
0x61: {  	_ =	shalt  }
0x62: {  	_ =	shalt  }
0x63: {  	_ =	shalt  }
0x64: {  	_ =	shalt  }
0x65: {  	_ =	shalt  }
0x66: {  	_ =	shalt  }
0x67: {  	_ =	shalt  }
0x68: {  	_ =	shalt  }
0x69: {  	_ =	shalt  }
0x6a: {  	_ =	shalt  }
0x6b: {  	_ =	shalt  }
0x6c: {  	_ =	shalt  }
0x6d: {  	_ =	shalt  }
0x6e: {  	_ =	shalt  }
0x6f: {  	_ =	shalt  }
0x70: {  	_ =	shalt  }
0x71: {  	_ =	shalt  }
0x72: {  	_ =	shalt  }
0x73: {  	_ =	shalt  }
0x74: {  	_ =	shalt  }
0x75: {  	_ =	shalt  }
0x76: {  	_ =	shalt  }
0x77: {  	_ =	shalt  }
0x78: {  	_ =	shalt  }
0x79: {  	_ =	shalt  }
0x7a: {  	_ =	shalt  }
0x7b: {  	_ =	shalt  }
0x7c: {  	_ =	shalt  }
0x7d: {  	_ =	shalt  }
0x7e: {  	_ =	shalt  }
0x7f: {  	_ =	shalt  }
0x80: {  	_ =	shalt  }
0x81: {  	_ =	shalt  }
0x82: {  	_ =	shalt  }
0x83: {  	_ =	shalt  }
0x84: {  	_ =	shalt  }
0x85: {  	_ =	shalt  }
0x86: {  	_ =	shalt  }
0x87: {  	_ =	shalt  }
.Lfunc_end0:
.L_simem_size_0:
called_computation_lowered:
.L_overlay_start_0:
0x88: {  	s2 =	sld [smem:$0x3FD9]  }
0x89: {  	s3 =	sld [smem:$0x3FFE];
	_ =	sdelay $0x1  }
0x8a: {  	s1 =	srdreg.scid  }
0x8b: {  	s0 =	sand.u32 $0x1, s1  }
0x8c: {  	s17 =	sshll.u32 s0, $0xA;
	s2 =	sadd.s32 s3, s2  }
0x8d: {  	s2 =	sadd.s32 s2, s17  }
0x8e: {  	[smem:$0x3FC6] =	sst s2  }
0x8f: {  	_ = 	snop  }
0x90: {  	s2 =	sld [smem:$0x3FD0];
	(tm) =	ssettm $0x1  }
0x91: {  	s18 =	sld [smem:$0x3FFB];
	_ =	sdelay $0x3  }
0x92: {  	_ =	strace s18  }
0x93: {  	s3 =	sld [smem:$0x3FFC];
	_ =	sdelay $0x3  }
0x94: {  	_ =	strace s3  }
0x95: {  	s3 =	sld [smem:$0x3FFD];
	_ =	sdelay $0x3  }
0x96: {  	_ =	strace s3  }
0x97: {  	_ =	strace $0x8FFFFFFF  }
0x98: {  	s19 =	sld [smem:$0x3FDB];
	_ =	sdelay $0x1  }
0x99: {  	s4 =	simm.s32 $_scs_section_size  }
0x9a: {  	s5 =	simm.s32 $_size__tile_overlayer_lowered;
	s6 =	simm.s32 $_tile_overlayer_lowered  }
0x9b: {  	s22 =	simm.s32 $0x1BFF;
	s21 =	sshll.u32 s6, $0x1;
	s3 =	sadd.s32 s4, s19  }
0x9c: {  	s7 =	simm.s32 $0x0;
	s20 =	sshll.u32 s5, $0x1;
	s5 =	sadd.s32 s21, s3  }
0x9d: {  	[timem:s7], [sflag:s22] =	dma.local [hbm:s5], s20  }
0x9e: {  	_ =	swait.ge [sflag:s22], s20  }
0x9f: {  	s4 =	ssub.s32 $0x0, s20;
	[sflag:s22] =	ssyncset.done $0x0  }
0xa0: {  	[sflag:s22] =	ssyncadd.s32 s4;
	_ =	sdelay $0x1  }
0xa1: {  	s23 =	simm.s32 $0x1B8B  }
0xa2: {  	_ =	swait.ge [sflag:s23], $0x1  }
0xa3: {  	[sflag:s23] =	ssyncset.done $0x0  }
0xa4: {  	s25 =	simm.s32 $0x1B8E;
	s24 =	sld [smem:$0x3FFE];
	[sflag:s23] =	ssyncadd.s32 $0xFFFFFFFF  }
0xa5: {  	s26 =	simm.s32 $execute0_lowered;
	[smem:$0x3FD2] =	sst s25  }
0xa6: {  	s5 =	sshll.u32 s26, $0x1;
	_ =	strace $0x80000046;
	[dreg:$0x1] =	wrdreg $0xFFFFFFFF  }
0xa7: {  	s28 =	simm.s32 $_size_execute0_lowered;
	s3 =	sadd.s32 s3, s5;
	[dreg:$0x0] =	wrdreg $0x0  }
0xa8: {  	s5 =	sshll.u32 s28, $0x1;
	[dreg:$0x2] =	wrdreg s3  }
0xa9: {  	[dreg:$0x3] =	wrdreg s5  }
0xaa: {  	[dreg:$0x4] =	wrdreg $0xC0  }
0xab: {  	_ =	task [dreg:s7], $0x5FFFF  }
0xac: {  	[dreg:$0x1] =	wrdreg $0xFFFFFFFF  }
0xad: {  	[dreg:$0x0] =	wrdreg $0x60  }
0xae: {  	[dreg:$0x2] =	wrdreg s24  }
0xaf: {  	[dreg:$0x3] =	wrdreg s2  }
0xb0: {  	[dreg:$0x4] =	wrdreg $0x9  }
0xb1: {  	_ =	task.clear_ibuf [dreg:s7], $0x5FFFF;
	_ =	strace $0x90000046  }
0xb2: {  	s29 =	simm.s32 $0x9;
	_ =	strace $0x80000048  }
0xb3: {  	_ =	swait.ge [sflag:s29], $0x1  }
0xb4: {  	[sflag:s29] =	ssyncadd.s32 $0xFFFFFFFF  }
0xb5: {  	_ =	strace $0x90000048  }
0xb6: {  	_ =	sfence  }
0xb7: {  	s30 =	sld [smem:$0x0];
	_ =	sdelay $0x2  }
0xb8: {  	s31 =	sshll.u32 s1, $0xD;
	s1 =	sshrl.u32 s1, $0x2  }
0xb9: {  	s3 =	sand.u32 $0x4000, s31;
	s1 =	sadd.s32 s1, s30  }
0xba: {  	s0 =	sor.u32 s3, s0;
	s1 =	sshll.u32 s1, $0x11  }
0xbb: {  	s0 =	sor.u32 s1, s0  }
0xbc: {  	s0 =	sadd.s32 $0x8F2B, s0  }
0xbd: {  	[sflag:s0] =	ssyncadd.remote.s32 $0x1  }
0xbe: {  	_ =	sfence.sel $0xFFFF  }
0xbf: {  	[dreg:$0x0] =	wrdreg $0xFFFFFFFF;
	(pc) =	sbr.abs _section_cstart, $3  }
0xc0: {  	[dreg:$0x1] =	wrdreg $0xFFFFFFFF  }
0xc1: {  	_ =	task.clear_ibuf [dreg:s7], $0x2FFFF;
	_ =	strace $0x9FFFFFFF  }
0xc2: {  	(tm) =	ssettm $0x7FFFFFFF  }
0xc3: {  	_ =	shalt  }
tec
execute0_lowered:
.L_overlay_start_1:
0x0: {  	(tag) =	ssettag $0x1  }
0x1: {  	s0 =	srdreg.scid  }
0x2: {  	s2 =	stileid.u32;
	s1 =	rddreg [dreg:$0x0];
	s28 =	simm.s32 $0x0  }
0x3: {  	s12 =	simm.s32 $0x200;
	s13 =	simm.s32 $0x6400;
	s14 =	simm.s32 $0xA400  }
0x4: {  	s15 =	simm.s32 $0x1;
	s16 =	simm.s32 $0x1000;
	s17 =	simm.s32 $0x8000  }
0x5: {  	s20 =	simm.s32 $0x2;
	s0 =	sand.u32 $0x1, s0;
	s3 =	sshll.u32 s2, $0x1  }
0x6: {  	s23 =	simm.s32 $0x3;
	s2 =	rddreg [dreg:$0x1];
	s5 =	sor.u32 s0, s3  }
0x7: {  	s24 =	simm.s32 $0x4;
	[smem:$0x7FF] =	sst s28;
	s4 =	smul.u32 $0xC8000, s5  }
0x8: {  	_ =	strace $0x80000047;
	s0 =	ssub.s32 $0x2, s0;
	s6 =	smul.u32 $0xC80, s5  }
0x9: {  	s7 =	sshll.u32 s5, $0xD;
	s30 =	sshrl.u32 s0, $0x1;
	s5 =	smul.u32 $0x32, s5  }
0xa: {  	s7 =	sand.u32 $0x6000, s7;
	s0 =	ssub.s32 s0, s30;
	s4 =	sand.u32 $0x1FE0000, s4  }
0xb: {  	s6 =	sadd.s32 s6, s1;
	s0 =	smax.u32 s0, $0x1;
	s7 =	sor.u32 s7, s4  }
0xc: {  	s31 =	sadd.s32 $0x600, s6;
	[dreg:$0x6] =	wrdreg s0;
	s29 =	sshrl.u32 s7, $0x3  }
0xd: {  	v1 =	vimm.s32 $0x0;
	vm0 =	vcmask $0x300;
	s4 =	sadd.s32 $0xF42A00, s1;
	[dreg:$0x4] =	wrdreg s31;
	s1 =	sadd.s32 s2, s29  }
0xe: {  	v0 =	vlaneseq.u32;
	v1 =	vsel vm0, $0x3, v1;
	s8 =	sadd.s32 $0x2, s5;
	[dreg:$0x3] =	wrdreg s1;
	s1 =	sadd.s32 $0x200, s1  }
0xf: {  	v0 =	vmul.u32 $0x20, v0;
	[tilespmem:$0x1FFF0] =	vst v1;
	s9 =	sadd.s32 $0x3, s5;
	[dreg:$0x5] =	wrdreg s1;
	s1 =	simm.s32 $0x0  }
.LBB2_1:
0x10: {  	s0 =	simm.s32 $0x0  }
0x11: {  	[dreg:$0x7] =	wrdreg s1;
	s3 =	simm.s32 $0x0;
	s7 =	sand.u32 $0x18, s0  }
0x12: {  	s18 =	rddreg [dreg:$0x4];
	s19 =	simm.s32 $0x5;
	s6 =	simm.s32 $0x0;
	v2 =	vmov s7  }
0x13: {  	[tilespmem:s3], [sflag:$0x5] =	stream.linear.gather [hbm4b:s18+s3], $0x6400, $0x38;
	v2 =	vshrl.u32 v2, $0x3;
	[tilespmem:$0x16400] =	vst v63  }
0x14: {  	_ =	swait.ge [sflag:s19], $0x6400;
	v9 =	vshll.u32 v2, v1;
	v2 =	vmov s6  }
0x15: {  	[sflag:s19] =	ssyncset.done $0x0;
	v3 =	vor.u32 $0x7, v9;
	v2 =	vshll.u32 v2, $0x5  }
0x16: {  	[sflag:s19] =	ssyncadd.s32 $0xFFFF9C00;
	v4 =	vor.u32 $0x2, v9;
	v8 =	vbroadcast v3, $0x0;
	v3 =	vor.u32 $0x1, v9  }
0x17: {  	[tilespmem:s13], [sflag:$0x1] =	stream.indirect.gather [hbm4b:s4+s12], $0x20, s3, s12, $0xb8;
	v5 =	vor.u32 $0x3, v9;
	v10 =	vor.u32 v0, v2;
	v2 =	vbroadcast v3, $0x0;
	[tilespmem:$0x16400] =	vst v63  }
0x18: {  	s21 =	sor.u32 $0x10, s6;
	v6 =	vor.u32 $0x4, v9;
	v3 =	vbroadcast v4, $0x0;
	v7 =	vor.u32 v10, v8  }
0x19: {  	v11 =	vor.u32 $0x5, v9;
	[tilespmem:s14], [sflag:$0x2] =	stream.indirect.gather [hbm4b:s4+s12], $0x20, s12, s12, $0xb8;
	v4 =	vbroadcast v5, $0x0;
	v12 =	vor.u32 v10, v2;
	[tilespmem:$0x16400] =	vst v63  }
0x1a: {  	v5 =	vbroadcast v6, $0x0;
	v6 =	vmov s21;
	_ =	swait.ge [sflag:s15], $0x4000;
	v13 =	vor.u32 v10, v3  }
0x1b: {  	v15 =	vshll.u32 v6, $0x5;
	v6 =	vbroadcast v11, $0x0;
	[sflag:s15] =	ssyncset.done $0x0;
	v16 =	vor.u32 v10, v4  }
0x1c: {  	v14 =	vor.u32 $0x6, v9;
	v11 =	vor.u32 v10, v5;
	[sflag:s15] =	ssyncadd.s32 $0xFFFFC000  }
0x1d: {  	v15 =	vor.u32 v0, v15;
	v18 =	vor.u32 v10, v6;
	v17 =	vld.idx.msk [tilespmem:v7+s13+$0x0], $0xffff;
	v7 =	vbroadcast v14, $0x0  }
0x1e: {  	v9 =	vbroadcast v9, $0x0;
	v14 =	vor.u32 v15, v8;
	v12 =	vld.idx.msk [tilespmem:v12+s13+$0x0], $0xffff  }
0x1f: {  	v13 =	vld.idx.msk [tilespmem:v13+s13+$0x0], $0xffff;
	v19 =	vor.u32 v10, v7  }
0x20: {  	s22 =	sand.u32 $0x3000, s3;
	v16 =	vld.idx.msk [tilespmem:v16+s13+$0x0], $0xffff;
	v10 =	vor.u32 v9, v10  }
0x21: {  	s5 =	sor.u32 $0x20, s6;
	s1 =	sadd.s32 $0x0, s22;
	v20 =	vor.u32 v15, v2;
	v11 =	vld.idx.msk [tilespmem:v11+s13+$0x0], $0xffff  }
0x22: {  	v21 =	vmov s5;
	v22 =	vor.u32 v15, v4;
	v18 =	vld.idx.msk [tilespmem:v18+s13+$0x0], $0xffff;
	[tilespmem:s1+$0xE780] =	vst v17  }
0x23: {  	v21 =	vshll.u32 v21, $0x5;
	v23 =	vor.u32 v15, v5;
	v14 =	vld.idx.msk [tilespmem:v14+s13+$0x0], $0xffff  }
0x24: {  	v21 =	vor.u32 v0, v21;
	v17 =	vor.u32 v15, v3;
	[tilespmem:s1+$0xE480] =	vst v12;
	v12 =	vld.idx.msk [tilespmem:v19+s13+$0x0], $0xffff  }
0x25: {  	[tilespmem:s1+$0xE500] =	vst v13;
	v19 =	vor.u32 v21, v8;
	v10 =	vld.idx.msk [tilespmem:v10+s13+$0x0], $0xffff  }
0x26: {  	v13 =	vor.u32 v15, v6;
	[tilespmem:s1+$0xE580] =	vst v16;
	v20 =	vld.idx.msk [tilespmem:v20+s13+$0x0], $0xffff  }
0x27: {  	v16 =	vor.u32 v15, v7;
	[tilespmem:s1+$0xE600] =	vst v11;
	v22 =	vld.idx.msk [tilespmem:v22+s13+$0x0], $0xffff  }
0x28: {  	v11 =	vor.u32 v9, v15;
	[tilespmem:s1+$0xE680] =	vst v18;
	v23 =	vld.idx.msk [tilespmem:v23+s13+$0x0], $0xffff  }
0x29: {  	s25 =	sor.u32 $0x30, s6;
	s26 =	sshll.u32 s7, $0x9;
	v17 =	vld.idx.msk [tilespmem:v17+s13+$0x0], $0xffff;
	[tilespmem:s1+$0xE790] =	vst v14;
	v14 =	vor.u32 v21, v2  }
0x2a: {  	s19 =	sadd.s32 $0x0, s26;
	v15 =	vmov s25;
	v18 =	vld.idx.msk [tilespmem:v19+s13+$0x0], $0xffff;
	v19 =	vor.u32 v21, v3;
	[tilespmem:s1+$0xE700] =	vst v12  }
0x2b: {  	v15 =	vshll.u32 v15, $0x5;
	[tilespmem:s19+$0xE400] =	vst v10;
	v10 =	vld.idx.msk [tilespmem:v13+s13+$0x0], $0xffff;
	v13 =	vor.u32 v21, v4  }
0x2c: {  	v15 =	vor.u32 v0, v15;
	[tilespmem:s1+$0xE490] =	vst v20;
	v20 =	vor.u32 v21, v5;
	v16 =	vld.idx.msk [tilespmem:v16+s13+$0x0], $0xffff  }
0x2d: {  	v12 =	vor.u32 v15, v8;
	[tilespmem:s1+$0xE590] =	vst v22;
	v11 =	vld.idx.msk [tilespmem:v11+s13+$0x0], $0xffff  }
0x2e: {  	[tilespmem:s1+$0xE510] =	vst v17;
	v17 =	vor.u32 v21, v6;
	v14 =	vld.idx.msk [tilespmem:v14+s13+$0x0], $0xffff  }
0x2f: {  	s28 =	sor.u32 $0x40, s6;
	v22 =	vor.u32 v21, v7;
	[tilespmem:s1+$0xE610] =	vst v23;
	v19 =	vld.idx.msk [tilespmem:v19+s13+$0x0], $0xffff  }
0x30: {  	v24 =	vmov s28;
	[tilespmem:s1+$0xE7A0] =	vst v18;
	v18 =	vor.u32 v9, v21;
	v13 =	vld.idx.msk [tilespmem:v13+s13+$0x0], $0xffff  }
0x31: {  	v23 =	vor.u32 v15, v2;
	v21 =	vshll.u32 v24, $0x5;
	[tilespmem:s1+$0xE690] =	vst v10;
	v10 =	vld.idx.msk [tilespmem:v20+s13+$0x0], $0xffff  }
0x32: {  	v20 =	vor.u32 v15, v3;
	v12 =	vld.idx.msk [tilespmem:v12+s13+$0x0], $0xffff;
	v21 =	vor.u32 v0, v21;
	[tilespmem:s1+$0xE710] =	vst v16  }
0x33: {  	[tilespmem:s19+$0xE410] =	vst v11;
	v16 =	vor.u32 v21, v8;
	v11 =	vld.idx.msk [tilespmem:v17+s13+$0x0], $0xffff  }
0x34: {  	v17 =	vor.u32 v15, v4;
	[tilespmem:s1+$0xE4A0] =	vst v14;
	v14 =	vld.idx.msk [tilespmem:v22+s13+$0x0], $0xffff  }
0x35: {  	s29 =	sor.u32 $0x50, s6;
	v22 =	vor.u32 v15, v5;
	v18 =	vld.idx.msk [tilespmem:v18+s13+$0x0], $0xffff;
	[tilespmem:s1+$0xE520] =	vst v19  }
0x36: {  	v62 =	vmov s29;
	v19 =	vor.u32 v15, v6;
	v23 =	vld.idx.msk [tilespmem:v23+s13+$0x0], $0xffff;
	[tilespmem:s1+$0xE5A0] =	vst v13  }
0x37: {  	v24 =	vshll.u32 v62, $0x5;
	[tilespmem:s1+$0xE7B0] =	vst v12;
	v12 =	vor.u32 v15, v7;
	v20 =	vld.idx.msk [tilespmem:v20+s13+$0x0], $0xffff  }
0x38: {  	[tilespmem:s1+$0xE620] =	vst v10;
	v15 =	vor.u32 v9, v15;
	v13 =	vld.idx.msk [tilespmem:v16+s13+$0x0], $0xffff;
	v16 =	vor.u32 v0, v24  }
0x39: {  	v10 =	vld.idx.msk [tilespmem:v17+s13+$0x0], $0xffff;
	[tilespmem:s1+$0xE6A0] =	vst v11;
	v11 =	vor.u32 v16, v8  }
0x3a: {  	v17 =	vor.u32 v21, v2;
	v22 =	vld.idx.msk [tilespmem:v22+s13+$0x0], $0xffff;
	[tilespmem:s1+$0xE720] =	vst v14  }
0x3b: {  	v14 =	vor.u32 v21, v3;
	[tilespmem:s19+$0xE420] =	vst v18;
	v18 =	vld.idx.msk [tilespmem:v19+s13+$0x0], $0xffff  }
0x3c: {  	v19 =	vor.u32 v21, v4;
	[tilespmem:s1+$0xE4B0] =	vst v23;
	v12 =	vld.idx.msk [tilespmem:v12+s13+$0x0], $0xffff  }
0x3d: {  	s30 =	sor.u32 $0x60, s6;
	v23 =	vor.u32 v21, v5;
	v15 =	vld.idx.msk [tilespmem:v15+s13+$0x0], $0xffff;
	[tilespmem:s1+$0xE7C0] =	vst v13  }
0x3e: {  	v63 =	vmov s30;
	[tilespmem:s1+$0xE530] =	vst v20;
	v13 =	vor.u32 v21, v6;
	v11 =	vld.idx.msk [tilespmem:v11+s13+$0x0], $0xffff  }
0x3f: {  	v24 =	vshll.u32 v63, $0x5;
	v20 =	vor.u32 v21, v7;
	v17 =	vld.idx.msk [tilespmem:v17+s13+$0x0], $0xffff;
	[tilespmem:s1+$0xE5B0] =	vst v10  }
0x40: {  	v24 =	vor.u32 v0, v24;
	v21 =	vor.u32 v9, v21;
	v10 =	vld.idx.msk [tilespmem:v14+s13+$0x0], $0xffff;
	[tilespmem:s1+$0xE630] =	vst v22  }
0x41: {  	v14 =	vor.u32 v24, v8;
	v19 =	vld.idx.msk [tilespmem:v19+s13+$0x0], $0xffff;
	[tilespmem:s1+$0xE6B0] =	vst v18  }
0x42: {  	v18 =	vor.u32 v16, v2;
	v22 =	vld.idx.msk [tilespmem:v23+s13+$0x0], $0xffff;
	[tilespmem:s1+$0xE730] =	vst v12  }
0x43: {  	v12 =	vor.u32 v16, v3;
	[tilespmem:s19+$0xE430] =	vst v15;
	v13 =	vld.idx.msk [tilespmem:v13+s13+$0x0], $0xffff  }
0x44: {  	s31 =	sor.u32 $0x70, s6;
	v15 =	vor.u32 v16, v4;
	v20 =	vld.idx.msk [tilespmem:v20+s13+$0x0], $0xffff;
	[tilespmem:s1+$0xE7D0] =	vst v11  }
0x45: {  	v23 =	vmov s31;
	v21 =	vld.idx.msk [tilespmem:v21+s13+$0x0], $0xffff;
	v11 =	vor.u32 v16, v5;
	[tilespmem:s1+$0xE4C0] =	vst v17  }
0x46: {  	v25 =	vor.u32 v16, v6;
	v23 =	vshll.u32 v23, $0x5;
	v14 =	vld.idx.msk [tilespmem:v14+s13+$0x0], $0xffff;
	[tilespmem:s1+$0xE540] =	vst v10  }
0x47: {  	v27 =	vor.u32 v16, v7;
	v23 =	vor.u32 v0, v23;
	v10 =	vld.idx.msk [tilespmem:v18+s13+$0x0], $0xffff;
	[tilespmem:s1+$0xE5C0] =	vst v19  }
0x48: {  	v26 =	vor.u32 v9, v16;
	v8 =	vor.u32 v23, v8;
	[tilespmem:s1+$0xE640] =	vst v22;
	v28 =	vld.idx.msk [tilespmem:v12+s13+$0x0], $0xffff  }
0x49: {  	v29 =	vor.u32 v24, v2;
	v17 =	vor.u32 v24, v4;
	v30 =	vld.idx.msk [tilespmem:v15+s13+$0x0], $0xffff;
	[tilespmem:s1+$0xE6C0] =	vst v13  }
0x4a: {  	v16 =	vor.u32 v23, v3;
	v18 =	vor.u32 v24, v3;
	[tilespmem:s1+$0xE740] =	vst v20;
	v19 =	vld.idx.msk [tilespmem:v11+s13+$0x0], $0xffff  }
0x4b: {  	v3 =	vor.u32 v23, v4;
	v4 =	vor.u32 v23, v5;
	[tilespmem:s19+$0xE440] =	vst v21;
	v20 =	vld.idx.msk [tilespmem:v25+s13+$0x0], $0xffff  }
0x4c: {  	v12 =	vor.u32 v24, v6;
	v15 =	vor.u32 v23, v2;
	v22 =	vld.idx.msk [tilespmem:v27+s13+$0x0], $0xffff;
	[tilespmem:s1+$0xE7E0] =	vst v14  }
0x4d: {  	v13 =	vor.u32 v24, v5;
	v11 =	vor.u32 v9, v24;
	v21 =	vld.idx.msk [tilespmem:v8+s13+$0x0], $0xffff;
	[tilespmem:s1+$0xE4D0] =	vst v10  }
0x4e: {  	v5 =	vld.idx.msk [tilespmem:v26+s13+$0x0], $0xffff;
	v14 =	vor.u32 v24, v7;
	v8 =	vor.u32 v23, v6;
	[tilespmem:s1+$0xE550] =	vst v28  }
0x4f: {  	s22 =	simm.s32 $0x0;
	v10 =	vor.u32 v9, v23;
	v9 =	vor.u32 v23, v7;
	v2 =	vld.idx.msk [tilespmem:v29+s13+$0x0], $0xffff;
	[tilespmem:s1+$0xE5D0] =	vst v30  }
.LBB2_2:
0x50: {  	s0 =	sadd.s32 $0x8, s0;
	v6 =	vld.idx.msk [tilespmem:v18+s13+$0x0], $0xffff;
	[tilespmem:s1+$0xE650] =	vst v19  }
0x51: {  	s5 =	sand.u32 $0x18, s0;
	p0 =	slt.u32 s0, $0x78;
	v7 =	vld.idx.msk [tilespmem:v17+s13+$0x0], $0xffff;
	[tilespmem:s1+$0xE6D0] =	vst v20  }
0x52: {  	v17 =	vmov s5;
	s6 =	sshll.u32 s5, $0x9;
	v13 =	vld.idx.msk [tilespmem:v13+s13+$0x0], $0xffff;
	[tilespmem:s1+$0xE7F0] =	vst v21  }
0x53: {  	s7 =	sshrl.u32 s0, $0x5;
	v17 =	vshrl.u32 v17, $0x3;
	v12 =	vld.idx.msk [tilespmem:v12+s13+$0x0], $0xffff;
	[tilespmem:s1+$0xE750] =	vst v22  }
0x54: {  	s26 =	sshll.u32 s7, $0x7;
	v17 =	vshll.u32 v17, v1;
	[tilespmem:s19+$0xE450] =	vst v5;
	v5 =	vld.idx.msk [tilespmem:v14+s13+$0x0], $0xffff  }
0x55: {  	v14 =	vmov s26;
	v18 =	vor.u32 $0x1, v17;
	v19 =	vor.u32 $0x7, v17;
	v11 =	vld.idx.msk [tilespmem:v11+s13+$0x0], $0xffff;
	[tilespmem:s1+$0xE4E0] =	vst v2  }
0x56: {  	v14 =	vshll.u32 v14, $0x5;
	v20 =	vor.u32 $0x2, v17;
	v2 =	vbroadcast v19, $0x0;
	v15 =	vld.idx.msk [tilespmem:v15+s13+$0x0], $0xffff;
	[tilespmem:s1+$0xE560] =	vst v6  }
0x57: {  	v14 =	vor.u32 v0, v14;
	v6 =	vor.u32 $0x3, v17;
	v19 =	vor.u32 $0x4, v17;
	v16 =	vld.idx.msk [tilespmem:v16+s13+$0x0], $0xffff;
	[tilespmem:s1+$0xE5E0] =	vst v7  }
0x58: {  	v21 =	vor.u32 $0x5, v17;
	v22 =	vor.u32 $0x6, v17;
	v23 =	vor.u32 v14, v2;
	v24 =	vld.idx.msk [tilespmem:v3+s13+$0x0], $0xffff;
	[tilespmem:s1+$0xE660] =	vst v13  }
0x59: {  	v7 =	vbroadcast v18, $0x0;
	v3 =	vbroadcast v20, $0x0;
	v13 =	vld.idx.msk [tilespmem:v4+s13+$0x0], $0xffff;
	[tilespmem:s1+$0xE6E0] =	vst v12  }
0x5a: {  	v6 =	vbroadcast v6, $0x0;
	v4 =	vbroadcast v19, $0x0;
	v12 =	vld.idx.msk [tilespmem:v8+s13+$0x0], $0xffff;
	[tilespmem:s1+$0xE760] =	vst v5  }
0x5b: {  	s5 =	sor.u32 $0x10, s26;
	v18 =	vor.u32 v14, v7;
	v8 =	vbroadcast v21, $0x0;
	v5 =	vbroadcast v22, $0x0;
	[tilespmem:s19+$0xE460] =	vst v11;
	v11 =	vld.idx.msk [tilespmem:v9+s13+$0x0], $0xffff  }
0x5c: {  	v19 =	vor.u32 v14, v3;
	v9 =	vbroadcast v17, $0x0;
	v17 =	vmov s5;
	v10 =	vld.idx.msk [tilespmem:v10+s13+$0x0], $0xffff;
	[tilespmem:s1+$0xE4F0] =	vst v15  }
0x5d: {  	v20 =	vor.u32 v14, v4;
	v15 =	vshll.u32 v17, $0x5;
	v17 =	vor.u32 v14, v6;
	v21 =	vld.idx.msk [tilespmem:v23+s13+$0x0], $0xffff;
	[tilespmem:s1+$0xE570] =	vst v16  }
0x5e: {  	v22 =	vor.u32 v14, v5;
	v15 =	vor.u32 v0, v15;
	v16 =	vor.u32 v14, v8;
	[tilespmem:s1+$0xE5F0] =	vst v24  }
0x5f: {  	v14 =	vor.u32 v9, v14;
	v23 =	vor.u32 v15, v7;
	v24 =	vor.u32 v15, v2;
	[tilespmem:s1+$0xE670] =	vst v13  }
0x60: {  	s22 =	sadd.s32 $0x1000, s22;
	v25 =	vor.u32 v15, v6;
	v26 =	vor.u32 v15, v4;
	v13 =	vld.idx.msk [tilespmem:v18+s13+$0x0], $0xffff;
	v18 =	vor.u32 v15, v3  }
0x61: {  	s5 =	sshll.u32 s7, $0xA;
	s7 =	sand.u32 $0x3000, s22;
	v27 =	vor.u32 v9, v15;
	v28 =	vor.u32 v15, v8;
	v15 =	vor.u32 v15, v5;
	v19 =	vld.idx.msk [tilespmem:v19+s13+$0x0], $0xffff  }
0x62: {  	s10 =	sor.u32 $0x20, s26;
	s6 =	sadd.s32 s5, s6;
	s5 =	sadd.s32 s5, s7;
	v17 =	vld.idx.msk [tilespmem:v17+s13+$0x0], $0xffff;
	[tilespmem:s1+$0xE6F0] =	vst v12  }
0x63: {  	v12 =	vmov s10;
	v20 =	vld.idx.msk [tilespmem:v20+s13+$0x0], $0xffff;
	[tilespmem:s5+$0xE780] =	vst v21  }
0x64: {  	v12 =	vshll.u32 v12, $0x5;
	v21 =	vld.idx.msk [tilespmem:v24+s13+$0x0], $0xffff;
	[tilespmem:s1+$0xE770] =	vst v11;
	s1 =	smov.u32 s5  }
0x65: {  	v11 =	vor.u32 v0, v12;
	v12 =	vld.idx.msk [tilespmem:v16+s13+$0x0], $0xffff;
	[tilespmem:s19+$0xE470] =	vst v10;
	s19 =	smov.u32 s6  }
0x66: {  	v10 =	vor.u32 v11, v7;
	v16 =	vor.u32 v11, v2;
	[tilespmem:s1+$0xE480] =	vst v13;
	v13 =	vld.idx.msk [tilespmem:v22+s13+$0x0], $0xffff  }
0x67: {  	v22 =	vor.u32 v11, v6;
	v14 =	vld.idx.msk [tilespmem:v14+s13+$0x0], $0xffff;
	[tilespmem:s1+$0xE500] =	vst v19;
	v19 =	vor.u32 v11, v3  }
0x68: {  	v24 =	vor.u32 v11, v8;
	v23 =	vld.idx.msk [tilespmem:v23+s13+$0x0], $0xffff;
	[tilespmem:s1+$0xE580] =	vst v17;
	v17 =	vor.u32 v11, v4  }
0x69: {  	s5 =	sor.u32 $0x30, s26;
	v29 =	vor.u32 v9, v11;
	v11 =	vor.u32 v11, v5;
	v18 =	vld.idx.msk [tilespmem:v18+s13+$0x0], $0xffff;
	[tilespmem:s1+$0xE600] =	vst v20  }
0x6a: {  	v20 =	vmov s5;
	v25 =	vld.idx.msk [tilespmem:v25+s13+$0x0], $0xffff;
	[tilespmem:s1+$0xE790] =	vst v21  }
0x6b: {  	v20 =	vshll.u32 v20, $0x5;
	[tilespmem:s1+$0xE680] =	vst v12;
	v12 =	vld.idx.msk [tilespmem:v16+s13+$0x0], $0xffff  }
0x6c: {  	v16 =	vor.u32 v0, v20;
	v20 =	vld.idx.msk [tilespmem:v26+s13+$0x0], $0xffff;
	[tilespmem:s1+$0xE700] =	vst v13  }
0x6d: {  	v13 =	vor.u32 v16, v7;
	v21 =	vor.u32 v16, v2;
	[tilespmem:s19+$0xE400] =	vst v14;
	v14 =	vld.idx.msk [tilespmem:v28+s13+$0x0], $0xffff  }
0x6e: {  	v26 =	vor.u32 v16, v6;
	[tilespmem:s1+$0xE490] =	vst v23;
	v23 =	vor.u32 v16, v3;
	v15 =	vld.idx.msk [tilespmem:v15+s13+$0x0], $0xffff  }
0x6f: {  	v28 =	vor.u32 v16, v8;
	v27 =	vld.idx.msk [tilespmem:v27+s13+$0x0], $0xffff;
	[tilespmem:s1+$0xE510] =	vst v18;
	v18 =	vor.u32 v16, v4  }
0x70: {  	s5 =	sor.u32 $0x40, s26;
	v30 =	vor.u32 v9, v16;
	v16 =	vor.u32 v16, v5;
	v10 =	vld.idx.msk [tilespmem:v10+s13+$0x0], $0xffff;
	[tilespmem:s1+$0xE590] =	vst v25  }
0x71: {  	v25 =	vmov s5;
	v19 =	vld.idx.msk [tilespmem:v19+s13+$0x0], $0xffff;
	[tilespmem:s1+$0xE7A0] =	vst v12  }
0x72: {  	v12 =	vshll.u32 v25, $0x5;
	[tilespmem:s1+$0xE610] =	vst v20;
	v20 =	vld.idx.msk [tilespmem:v21+s13+$0x0], $0xffff  }
0x73: {  	v12 =	vor.u32 v0, v12;
	v21 =	vld.idx.msk [tilespmem:v22+s13+$0x0], $0xffff;
	[tilespmem:s1+$0xE690] =	vst v14  }
0x74: {  	v14 =	vor.u32 v12, v7;
	v17 =	vld.idx.msk [tilespmem:v17+s13+$0x0], $0xffff;
	[tilespmem:s1+$0xE710] =	vst v15;
	v15 =	vor.u32 v12, v2  }
0x75: {  	v22 =	vor.u32 v12, v3;
	v25 =	vor.u32 v12, v6;
	[tilespmem:s19+$0xE410] =	vst v27;
	v24 =	vld.idx.msk [tilespmem:v24+s13+$0x0], $0xffff  }
0x76: {  	v27 =	vor.u32 v12, v8;
	[tilespmem:s1+$0xE4A0] =	vst v10;
	v10 =	vor.u32 v12, v4;
	v11 =	vld.idx.msk [tilespmem:v11+s13+$0x0], $0xffff  }
0x77: {  	s5 =	sor.u32 $0x50, s26;
	v31 =	vor.u32 v9, v12;
	v29 =	vld.idx.msk [tilespmem:v29+s13+$0x0], $0xffff;
	[tilespmem:s1+$0xE520] =	vst v19;
	v19 =	vor.u32 v12, v5  }
0x78: {  	v12 =	vmov s5;
	v13 =	vld.idx.msk [tilespmem:v13+s13+$0x0], $0xffff;
	[tilespmem:s1+$0xE7B0] =	vst v20  }
0x79: {  	v12 =	vshll.u32 v12, $0x5;
	[tilespmem:s1+$0xE5A0] =	vst v21;
	v15 =	vld.idx.msk [tilespmem:v15+s13+$0x0], $0xffff  }
0x7a: {  	v12 =	vor.u32 v0, v12;
	v20 =	vld.idx.msk [tilespmem:v23+s13+$0x0], $0xffff;
	[tilespmem:s1+$0xE620] =	vst v17  }
0x7b: {  	v21 =	vor.u32 v12, v7;
	v23 =	vor.u32 v12, v2;
	v17 =	vld.idx.msk [tilespmem:v26+s13+$0x0], $0xffff;
	[tilespmem:s1+$0xE6A0] =	vst v24  }
0x7c: {  	v24 =	vor.u32 v12, v3;
	v26 =	vor.u32 v12, v6;
	v18 =	vld.idx.msk [tilespmem:v18+s13+$0x0], $0xffff;
	[tilespmem:s1+$0xE720] =	vst v11  }
0x7d: {  	[tilespmem:s19+$0xE420] =	vst v29;
	v29 =	vor.u32 v12, v4;
	v11 =	vld.idx.msk [tilespmem:v28+s13+$0x0], $0xffff;
	v28 =	vor.u32 v12, v8  }
0x7e: {  	s5 =	sor.u32 $0x60, s26;
	v32 =	vor.u32 v9, v12;
	v33 =	vor.u32 v12, v5;
	[tilespmem:s1+$0xE4B0] =	vst v13;
	v16 =	vld.idx.msk [tilespmem:v16+s13+$0x0], $0xffff  }
0x7f: {  	v12 =	vmov s5;
	v30 =	vld.idx.msk [tilespmem:v30+s13+$0x0], $0xffff;
	[tilespmem:s1+$0xE7C0] =	vst v15  }
0x80: {  	v12 =	vshll.u32 v12, $0x5;
	[tilespmem:s1+$0xE530] =	vst v20;
	v15 =	vld.idx.msk [tilespmem:v23+s13+$0x0], $0xffff  }
0x81: {  	v20 =	vor.u32 v0, v12;
	v23 =	vld.idx.msk [tilespmem:v14+s13+$0x0], $0xffff;
	[tilespmem:s1+$0xE5B0] =	vst v17  }
0x82: {  	v34 =	vor.u32 v20, v7;
	v35 =	vor.u32 v20, v2;
	v22 =	vld.idx.msk [tilespmem:v22+s13+$0x0], $0xffff;
	[tilespmem:s1+$0xE630] =	vst v18  }
0x83: {  	v17 =	vor.u32 v20, v6;
	v18 =	vor.u32 v20, v3;
	v25 =	vld.idx.msk [tilespmem:v25+s13+$0x0], $0xffff;
	[tilespmem:s1+$0xE6B0] =	vst v11  }
0x84: {  	v13 =	vor.u32 v20, v4;
	v12 =	vor.u32 v20, v8;
	v10 =	vld.idx.msk [tilespmem:v10+s13+$0x0], $0xffff;
	[tilespmem:s1+$0xE730] =	vst v16  }
0x85: {  	s5 =	sor.u32 $0x70, s26;
	v14 =	vor.u32 v20, v5;
	v11 =	vor.u32 v9, v20;
	[tilespmem:s19+$0xE430] =	vst v30;
	v27 =	vld.idx.msk [tilespmem:v27+s13+$0x0], $0xffff  }
0x86: {  	v16 =	vmov s5;
	v20 =	vld.idx.msk [tilespmem:v19+s13+$0x0], $0xffff;
	[tilespmem:s1+$0xE7D0] =	vst v15  }
0x87: {  	v15 =	vshll.u32 v16, $0x5;
	[tilespmem:s1+$0xE4C0] =	vst v23;
	v23 =	vld.idx.msk [tilespmem:v35+s13+$0x0], $0xffff  }
0x88: {  	v30 =	vld.idx.msk [tilespmem:v31+s13+$0x0], $0xffff;
	v31 =	vor.u32 v0, v15;
	[tilespmem:s1+$0xE540] =	vst v22  }
0x89: {  	v22 =	vld.idx.msk [tilespmem:v21+s13+$0x0], $0xffff;
	v15 =	vor.u32 v31, v7;
	[tilespmem:s1+$0xE5C0] =	vst v25;
	v2 =	vor.u32 v31, v2  }
0x8a: {  	v16 =	vor.u32 v31, v3;
	v3 =	vor.u32 v31, v6;
	v7 =	vld.idx.msk [tilespmem:v24+s13+$0x0], $0xffff;
	[tilespmem:s1+$0xE640] =	vst v10  }
0x8b: {  	v4 =	vor.u32 v31, v4;
	v8 =	vor.u32 v31, v8;
	v6 =	vld.idx.msk [tilespmem:v26+s13+$0x0], $0xffff;
	[tilespmem:s1+$0xE6C0] =	vst v27  }
0x8c: {  	v10 =	vor.u32 v9, v31;
	v9 =	vor.u32 v31, v5;
	v19 =	vld.idx.msk [tilespmem:v29+s13+$0x0], $0xffff;
	[tilespmem:s1+$0xE740] =	vst v20  }
.Ltmp0:
0x8d: {  	v20 =	vld.idx.msk [tilespmem:v28+s13+$0x0], $0xffff;
	[tilespmem:s1+$0xE7E0] =	vst v23;
	(pc) =	sbr.rel @p0 .LBB2_2-.Ltmp0, $4  }
0x8e: {  	[tilespmem:s19+$0xE440] =	vst v30;
	v21 =	vld.idx.msk [tilespmem:v2+s13+$0x0], $0xffff  }
0x8f: {  	[tilespmem:s1+$0xE4D0] =	vst v22;
	v22 =	vld.idx.msk [tilespmem:v33+s13+$0x0], $0xffff  }
0x90: {  	v5 =	vld.idx.msk [tilespmem:v32+s13+$0x0], $0xffff;
	[tilespmem:s1+$0xE550] =	vst v7  }
0x91: {  	v2 =	vld.idx.msk [tilespmem:v34+s13+$0x0], $0xffff;
	[tilespmem:s1+$0xE5D0] =	vst v6  }
0x92: {  	_ =	sdelay $0x2  }
0x93: {  	[tilespmem:s1+$0xE650] =	vst v19  }
0x94: {  	v6 =	vld.idx.msk [tilespmem:v18+s13+$0x0], $0xffff;
	[tilespmem:s1+$0xE6D0] =	vst v20  }
0x95: {  	v7 =	vld.idx.msk [tilespmem:v17+s13+$0x0], $0xffff;
	[tilespmem:s1+$0xE7F0] =	vst v21  }
0x96: {  	v13 =	vld.idx.msk [tilespmem:v13+s13+$0x0], $0xffff;
	[tilespmem:s1+$0xE750] =	vst v22  }
0x97: {  	v12 =	vld.idx.msk [tilespmem:v12+s13+$0x0], $0xffff;
	[tilespmem:s19+$0xE450] =	vst v5  }
0x98: {  	v61 =	vld.idx.msk [tilespmem:v14+s13+$0x0], $0xffff;
	[tilespmem:s1+$0xE4E0] =	vst v2  }
0x99: {  	v2 =	vld.idx.msk [tilespmem:v11+s13+$0x0], $0xffff;
	[tilespmem:s1+$0xE560] =	vst v6  }
0x9a: {  	v6 =	vld.idx.msk [tilespmem:v15+s13+$0x0], $0xffff;
	[tilespmem:s1+$0xE5E0] =	vst v7  }
0x9b: {  	v7 =	vld.idx.msk [tilespmem:v16+s13+$0x0], $0xffff;
	[tilespmem:s1+$0xE660] =	vst v13  }
0x9c: {  	v3 =	vld.idx.msk [tilespmem:v3+s13+$0x0], $0xffff;
	[tilespmem:s1+$0xE6E0] =	vst v12  }
0x9d: {  	v4 =	vld.idx.msk [tilespmem:v4+s13+$0x0], $0xffff;
	[tilespmem:s1+$0xE760] =	vst v61  }
0x9e: {  	v62 =	vld.idx.msk [tilespmem:v8+s13+$0x0], $0xffff;
	[tilespmem:s19+$0xE460] =	vst v2  }
0x9f: {  	v2 =	vld.idx.msk [tilespmem:v9+s13+$0x0], $0xffff;
	[tilespmem:s1+$0xE4F0] =	vst v6  }
0xa0: {  	s0 =	simm.s32 $0x0;
	v6 =	vld.idx.msk [tilespmem:v10+s13+$0x0], $0xffff;
	[tilespmem:s1+$0xE570] =	vst v7  }
0xa1: {  	s0 =	sand.u32 $0x18, s0;
	[tilespmem:s1+$0xE5F0] =	vst v3  }
0xa2: {  	v3 =	vmov s0;
	[tilespmem:s1+$0xE670] =	vst v4  }
0xa3: {  	v3 =	vshrl.u32 v3, $0x3;
	[tilespmem:s1+$0xE6F0] =	vst v62  }
0xa4: {  	s22 =	simm.s32 $0x0;
	v3 =	vshll.u32 v3, v1;
	[tilespmem:s1+$0xE770] =	vst v2  }
0xa5: {  	v2 =	vmov s22;
	v63 =	vor.u32 $0x1, v3;
	v32 =	vor.u32 $0x7, v3;
	[tilespmem:s19+$0xE470] =	vst v6  }
0xa6: {  	s3 =	simm.s32 $0xE400;
	v33 =	vor.u32 $0x2, v3;
	v2 =	vshll.u32 v2, $0x5;
	v17 =	vbroadcast v63, $0x0;
	s1 =	rddreg [dreg:$0x3]  }
0xa7: {  	v34 =	vor.u32 $0x4, v3;
	v16 =	vbroadcast v32, $0x0;
	v2 =	vor.u32 v0, v2;
	[hbm4b:s1+s16] =	stream.strided.scatter [tilespmem:s3], [sflag:$0x3], $0x4000, s17, s16, $0x38;
	[tilespmem:$0x16400] =	vst v63  }
0xa8: {  	s21 =	simm.s32 $0x400;
	v7 =	vor.u32 $0x6, v3;
	v10 =	vbroadcast v33, $0x0;
	v35 =	vor.u32 v2, v17  }
0xa9: {  	v6 =	vor.u32 $0x3, v3;
	v20 =	vbroadcast v34, $0x0;
	v36 =	vor.u32 v2, v16;
	[tilespmem:s13], [sflag:$0x1] =	stream.indirect.gather [hbm4b:s4+s12], $0x20, s21, s12, $0xb8;
	[tilespmem:$0x16400] =	vst v63  }
0xaa: {  	v11 =	vbroadcast v7, $0x0;
	v18 =	vbroadcast v6, $0x0;
	v6 =	vor.u32 v2, v10;
	_ =	swait.ge [sflag:s20], $0x4000  }
0xab: {  	s25 =	sor.u32 $0x10, s22;
	v8 =	vor.u32 v2, v20;
	[sflag:s20] =	ssyncset.done $0x0  }
0xac: {  	v9 =	vmov s25;
	v21 =	vbroadcast v3, $0x0;
	v12 =	vor.u32 v2, v11;
	[sflag:s20] =	ssyncadd.s32 $0xFFFFC000  }
0xad: {  	v9 =	vshll.u32 v9, $0x5;
	v3 =	vor.u32 $0x5, v3;
	v7 =	vor.u32 v2, v18;
	v5 =	vld.idx.msk [tilespmem:v35+s14+$0x0], $0xffff  }
0xae: {  	v9 =	vor.u32 v0, v9;
	v19 =	vbroadcast v3, $0x0;
	v13 =	vor.u32 v21, v2;
	v4 =	vld.idx.msk [tilespmem:v36+s14+$0x0], $0xffff  }
0xaf: {  	s26 =	simm.s32 $0x0;
	v3 =	vld.idx.msk [tilespmem:v6+s14+$0x0], $0xffff;
	v6 =	vor.u32 v9, v16  }
0xb0: {  	s1 =	sand.u32 $0x3000, s26;
	v2 =	vor.u32 v2, v19;
	v8 =	vld.idx.msk [tilespmem:v8+s14+$0x0], $0xffff  }
0xb1: {  	s5 =	sor.u32 $0x20, s22;
	v14 =	vor.u32 v9, v10;
	s1 =	sadd.s32 $0x0, s1;
	v12 =	vld.idx.msk [tilespmem:v12+s14+$0x0], $0xffff  }
0xb2: {  	v15 =	vmov s5;
	v22 =	vor.u32 v9, v17;
	s26 =	sadd.s32 $0x12400, s1;
	v7 =	vld.idx.msk [tilespmem:v7+s14+$0x0], $0xffff  }
0xb3: {  	v15 =	vshll.u32 v15, $0x5;
	v23 =	vor.u32 v9, v11;
	v13 =	vld.idx.msk [tilespmem:v13+s14+$0x0], $0xffff;
	[tilespmem:s26+$0x380] =	vst v4  }
0xb4: {  	v38 =	vor.u32 v9, v18;
	[tilespmem:s26+$0x100] =	vst v3;
	v3 =	vor.u32 v0, v15;
	v6 =	vld.idx.msk [tilespmem:v6+s14+$0x0], $0xffff  }
0xb5: {  	v2 =	vld.idx.msk [tilespmem:v2+s14+$0x0], $0xffff;
	[tilespmem:s26+$0x80] =	vst v5;
	v15 =	vor.u32 v3, v16  }
0xb6: {  	v24 =	vor.u32 v21, v9;
	[tilespmem:s26+$0x300] =	vst v12;
	v14 =	vld.idx.msk [tilespmem:v14+s14+$0x0], $0xffff  }
0xb7: {  	[tilespmem:s26+$0x200] =	vst v8;
	v12 =	vld.idx.msk [tilespmem:v22+s14+$0x0], $0xffff;
	v8 =	vor.u32 v3, v10  }
0xb8: {  	s0 =	sshll.u32 s0, $0x9;
	[tilespmem:s26+$0x180] =	vst v7;
	v23 =	vld.idx.msk [tilespmem:v23+s14+$0x0], $0xffff  }
0xb9: {  	s30 =	sor.u32 $0x30, s22;
	s0 =	sadd.s32 $0x0, s0;
	v5 =	vld.idx.msk [tilespmem:v38+s14+$0x0], $0xffff;
	[tilespmem:s26+$0x390] =	vst v6  }
0xba: {  	v37 =	vor.u32 v9, v20;
	v9 =	vor.u32 v9, v19;
	[tilespmem:s0+$0x12400] =	vst v13;
	v22 =	vmov s30;
	v13 =	vld.idx.msk [tilespmem:v15+s14+$0x0], $0xffff  }
0xbb: {  	v22 =	vshll.u32 v22, $0x5;
	v6 =	vor.u32 v3, v11;
	[tilespmem:s26+$0x110] =	vst v14;
	v15 =	vld.idx.msk [tilespmem:v24+s14+$0x0], $0xffff  }
0xbc: {  	v22 =	vor.u32 v0, v22;
	v24 =	vor.u32 v3, v18;
	v8 =	vld.idx.msk [tilespmem:v8+s14+$0x0], $0xffff  }
0xbd: {  	[tilespmem:s26+$0x280] =	vst v2;
	v7 =	vor.u32 v22, v16  }
0xbe: {  	v14 =	vor.u32 v21, v3;
	[tilespmem:s26+$0x310] =	vst v23  }
0xbf: {  	v40 =	vld.idx.msk [tilespmem:v9+s14+$0x0], $0xffff;
	v26 =	vor.u32 v22, v10;
	[tilespmem:s26+$0x190] =	vst v5  }
0xc0: {  	v6 =	vld.idx.msk [tilespmem:v6+s14+$0x0], $0xffff;
	[tilespmem:s26+$0x3A0] =	vst v13  }
0xc1: {  	s28 =	sadd.s32 $0x12400, s0;
	v25 =	vor.u32 v3, v17;
	[tilespmem:s26+$0x120] =	vst v8;
	v8 =	vld.idx.msk [tilespmem:v24+s14+$0x0], $0xffff  }
0xc2: {  	s31 =	sor.u32 $0x40, s22;
	v23 =	vor.u32 v3, v20;
	v3 =	vor.u32 v3, v19;
	[tilespmem:s28+$0x10] =	vst v15;
	v7 =	vld.idx.msk [tilespmem:v7+s14+$0x0], $0xffff  }
0xc3: {  	v2 =	vor.u32 v22, v18;
	[tilespmem:s26+$0x90] =	vst v12;
	v12 =	vmov s31;
	v14 =	vld.idx.msk [tilespmem:v14+s14+$0x0], $0xffff  }
0xc4: {  	v12 =	vshll.u32 v12, $0x5;
	v24 =	vld.idx.msk [tilespmem:v26+s14+$0x0], $0xffff;
	v26 =	vor.u32 v22, v11  }
0xc5: {  	v4 =	vld.idx.msk [tilespmem:v37+s14+$0x0], $0xffff;
	[tilespmem:s26+$0x290] =	vst v40;
	v13 =	vor.u32 v0, v12;
	v15 =	vor.u32 v21, v22  }
0xc6: {  	v25 =	vld.idx.msk [tilespmem:v25+s14+$0x0], $0xffff;
	v39 =	vor.u32 v13, v16;
	[tilespmem:s26+$0x320] =	vst v6  }
0xc7: {  	v3 =	vld.idx.msk [tilespmem:v3+s14+$0x0], $0xffff;
	[tilespmem:s26+$0x1A0] =	vst v8  }
0xc8: {  	s1 =	sor.u32 $0x50, s22;
	[tilespmem:s26+$0x3B0] =	vst v7;
	v7 =	vor.u32 v22, v17;
	v6 =	vld.idx.msk [tilespmem:v2+s14+$0x0], $0xffff  }
0xc9: {  	s29 =	simm.s32 $0x8;
	v27 =	vor.u32 v22, v19;
	v12 =	vmov s1;
	[tilespmem:s28+$0x20] =	vst v14;
	v41 =	vld.idx.msk [tilespmem:v26+s14+$0x0], $0xffff  }
0xca: {  	s6 =	sand.u32 $0x18, s29;
	[tilespmem:s26+$0x210] =	vst v4;
	v9 =	vshll.u32 v12, $0x5;
	v8 =	vld.idx.msk [tilespmem:v15+s14+$0x0], $0xffff;
	v15 =	vor.u32 v13, v18  }
0xcb: {  	[tilespmem:s26+$0xA0] =	vst v25;
	v12 =	vor.u32 v0, v9;
	v2 =	vmov s6;
	v26 =	vor.u32 v13, v11;
	v5 =	vld.idx.msk [tilespmem:v39+s14+$0x0], $0xffff  }
0xcc: {  	v23 =	vld.idx.msk [tilespmem:v23+s14+$0x0], $0xffff;
	v29 =	vor.u32 v13, v17;
	v9 =	vor.u32 v12, v16;
	[tilespmem:s26+$0x2A0] =	vst v3;
	v2 =	vshrl.u32 v2, $0x3  }
0xcd: {  	s30 =	simm.s32 $0x0;
	v14 =	vor.u32 v21, v13;
	v25 =	vshll.u32 v2, v1;
	v7 =	vld.idx.msk [tilespmem:v7+s14+$0x0], $0xffff;
	[tilespmem:s26+$0x1B0] =	vst v6  }
0xce: {  	v27 =	vld.idx.msk [tilespmem:v27+s14+$0x0], $0xffff;
	v2 =	vmov s30;
	v28 =	vor.u32 $0x1, v25;
	v43 =	vor.u32 $0x4, v25;
	[tilespmem:s26+$0x330] =	vst v41  }
0xcf: {  	v42 =	vshll.u32 v2, $0x5;
	v2 =	vbroadcast v43, $0x0;
	[tilespmem:s28+$0x30] =	vst v8;
	v8 =	vor.u32 v13, v10;
	v15 =	vld.idx.msk [tilespmem:v15+s14+$0x0], $0xffff  }
0xd0: {  	v22 =	vor.u32 v22, v20;
	v61 =	vbroadcast v28, $0x0;
	v30 =	vor.u32 v0, v42;
	[tilespmem:s26+$0x3C0] =	vst v5;
	v26 =	vld.idx.msk [tilespmem:v26+s14+$0x0], $0xffff  }
0xd1: {  	[tilespmem:s26+$0x220] =	vst v23;
	v6 =	vor.u32 $0x2, v25;
	v23 =	vor.u32 v30, v2;
	v28 =	vld.idx.msk [tilespmem:v9+s14+$0x0], $0xffff  }
0xd2: {  	v5 =	vbroadcast v6, $0x0;
	v6 =	vor.u32 $0x3, v25;
	v9 =	vld.idx.msk [tilespmem:v14+s14+$0x0], $0xffff;
	v14 =	vor.u32 v30, v61;
	[tilespmem:s26+$0xB0] =	vst v7  }
0xd3: {  	v32 =	vor.u32 v12, v11;
	[tilespmem:s26+$0x130] =	vst v24;
	v48 =	vbroadcast v6, $0x0;
	v24 =	vld.idx.msk [tilespmem:v29+s14+$0x0], $0xffff  }
0xd4: {  	[tilespmem:s26+$0x2B0] =	vst v27;
	v31 =	vor.u32 v30, v5;
	v29 =	vld.idx.msk [tilespmem:v8+s14+$0x0], $0xffff  }
0xd5: {  	v33 =	vor.u32 v30, v48;
	[tilespmem:s26+$0x1C0] =	vst v15;
	v15 =	vld.idx.msk [tilespmem:v22+s14+$0x0], $0xffff  }
0xd6: {  	s3 =	sor.u32 $0x10, s30;
	v34 =	vor.u32 v12, v10;
	v7 =	vor.u32 $0x6, v25;
	v22 =	vor.u32 v13, v19;
	[tilespmem:s26+$0x340] =	vst v26;
	v23 =	vld.idx.msk [tilespmem:v23+s14+$0x0], $0xffff  }
0xd7: {  	v4 =	vbroadcast v25, $0x0;
	v3 =	vbroadcast v7, $0x0;
	v8 =	vmov s3;
	v14 =	vld.idx.msk [tilespmem:v14+s14+$0x0], $0xffff;
	[tilespmem:s28+$0x40] =	vst v9  }
0xd8: {  	s1 =	simm.s32 $0x1000;
	v13 =	vor.u32 v13, v20;
	v9 =	vor.u32 $0x5, v25;
	v26 =	vshll.u32 v8, $0x5;
	v32 =	vld.idx.msk [tilespmem:v32+s14+$0x0], $0xffff;
	[tilespmem:s26+$0x3D0] =	vst v28  }
0xd9: {  	s5 =	sand.u32 $0x3000, s1;
	v25 =	vor.u32 $0x7, v25;
	v35 =	vor.u32 v30, v3;
	v31 =	vld.idx.msk [tilespmem:v31+s14+$0x0], $0xffff;
	v26 =	vor.u32 v0, v26;
	[tilespmem:s26+$0xC0] =	vst v24  }
0xda: {  	s0 =	sadd.s32 $0x0, s5;
	v6 =	vbroadcast v9, $0x0;
	v9 =	vbroadcast v25, $0x0;
	v25 =	vor.u32 v26, v5;
	[tilespmem:s26+$0x140] =	vst v29;
	v29 =	vld.idx.msk [tilespmem:v33+s14+$0x0], $0xffff  }
0xdb: {  	s7 =	sor.u32 $0x60, s22;
	s0 =	sadd.s32 $0x12400, s0;
	v24 =	vor.u32 v4, v30;
	[tilespmem:s26+$0x230] =	vst v15;
	v22 =	vld.idx.msk [tilespmem:v22+s14+$0x0], $0xffff  }
0xdc: {  	v28 =	vmov s7;
	v27 =	vor.u32 v30, v6;
	v15 =	vor.u32 v30, v9;
	[tilespmem:s0+$0x200] =	vst v23;
	v30 =	vld.idx.msk [tilespmem:v34+s14+$0x0], $0xffff  }
0xdd: {  	v28 =	vshll.u32 v28, $0x5;
	[tilespmem:s26+$0x350] =	vst v32;
	v13 =	vld.idx.msk [tilespmem:v13+s14+$0x0], $0xffff  }
0xde: {  	v28 =	vor.u32 v0, v28;
	v44 =	vld.idx.msk [tilespmem:v35+s14+$0x0], $0xffff;
	[tilespmem:s0+$0x100] =	vst v31;
	v31 =	vor.u32 v26, v61  }
0xdf: {  	s10 =	sor.u32 $0x20, s30;
	v46 =	vor.u32 v28, v16;
	[tilespmem:s0+$0x80] =	vst v14;
	v25 =	vld.idx.msk [tilespmem:v25+s14+$0x0], $0xffff  }
0xe0: {  	v47 =	vmov s10;
	v49 =	vor.u32 v26, v2;
	v24 =	vld.idx.msk [tilespmem:v24+s14+$0x0], $0xffff;
	[tilespmem:s26+$0x2C0] =	vst v22  }
0xe1: {  	v23 =	vor.u32 v26, v3;
	v14 =	vshll.u32 v47, $0x5;
	v27 =	vld.idx.msk [tilespmem:v27+s14+$0x0], $0xffff;
	[tilespmem:s0+$0x180] =	vst v29  }
0xe2: {  	v50 =	vor.u32 v26, v48;
	v36 =	vor.u32 v0, v14;
	v15 =	vld.idx.msk [tilespmem:v15+s14+$0x0], $0xffff;
	[tilespmem:s26+$0x150] =	vst v30  }
0xe3: {  	s6 =	sshll.u32 s6, $0x9;
	v22 =	vor.u32 v36, v5;
	[tilespmem:s0+$0x300] =	vst v44;
	v14 =	vld.idx.msk [tilespmem:v31+s14+$0x0], $0xffff  }
0xe4: {  	s11 =	sadd.s32 $0x0, s6;
	v52 =	vor.u32 v4, v26;
	v29 =	vld.idx.msk [tilespmem:v46+s14+$0x0], $0xffff;
	[tilespmem:s0+$0x110] =	vst v25  }
0xe5: {  	v31 =	vld.idx.msk [tilespmem:v49+s14+$0x0], $0xffff;
	[tilespmem:s11+$0x12400] =	vst v24;
	v24 =	vor.u32 v26, v9  }
0xe6: {  	s18 =	sor.u32 $0x30, s30;
	v23 =	vld.idx.msk [tilespmem:v23+s14+$0x0], $0xffff;
	v25 =	vor.u32 v28, v10;
	[tilespmem:s0+$0x280] =	vst v27  }
0xe7: {  	v51 =	vld.idx.msk [tilespmem:v50+s14+$0x0], $0xffff;
	v27 =	vor.u32 v36, v61;
	[tilespmem:s0+$0x380] =	vst v15;
	v15 =	vmov s18  }
0xe8: {  	v22 =	vld.idx.msk [tilespmem:v22+s14+$0x0], $0xffff;
	[tilespmem:s0+$0x90] =	vst v14;
	v14 =	vshll.u32 v15, $0x5;
	v15 =	vor.u32 v36, v3  }
0xe9: {  	s19 =	sor.u32 $0x70, s22;
	v30 =	vor.u32 v36, v48;
	[tilespmem:s26+$0x240] =	vst v13;
	v33 =	vld.idx.msk [tilespmem:v52+s14+$0x0], $0xffff  }
0xea: {  	[tilespmem:s0+$0x210] =	vst v31;
	v31 =	vor.u32 v28, v11;
	v53 =	vor.u32 v0, v14;
	v14 =	vld.idx.msk [tilespmem:v24+s14+$0x0], $0xffff;
	v24 =	vmov s19  }
0xeb: {  	v25 =	vld.idx.msk [tilespmem:v25+s14+$0x0], $0xffff;
	[tilespmem:s0+$0x310] =	vst v23;
	v23 =	vor.u32 v36, v2;
	v24 =	vshll.u32 v24, $0x5  }
0xec: {  	[tilespmem:s26+$0x3E0] =	vst v29;
	v29 =	vor.u32 v53, v5;
	v27 =	vld.idx.msk [tilespmem:v27+s14+$0x0], $0xffff;
	v39 =	vor.u32 v0, v24  }
0xed: {  	[tilespmem:s0+$0x190] =	vst v51;
	v15 =	vld.idx.msk [tilespmem:v15+s14+$0x0], $0xffff;
	v10 =	vor.u32 v39, v10  }
0xee: {  	v45 =	vor.u32 v12, v18;
	[tilespmem:s0+$0x120] =	vst v22;
	s19 =	sadd.s32 $0x12400, s11;
	v24 =	vld.idx.msk [tilespmem:v30+s14+$0x0], $0xffff  }
0xef: {  	v26 =	vor.u32 v26, v6;
	[tilespmem:s19+$0x10] =	vst v33;
	v30 =	vld.idx.msk [tilespmem:v31+s14+$0x0], $0xffff  }
0xf0: {  	v22 =	vor.u32 v21, v12;
	[tilespmem:s26+$0x160] =	vst v25;
	v23 =	vld.idx.msk [tilespmem:v23+s14+$0x0], $0xffff  }
0xf1: {  	v29 =	vld.idx.msk [tilespmem:v29+s14+$0x0], $0xffff;
	[tilespmem:s0+$0x390] =	vst v14;
	v14 =	vor.u32 v12, v19  }
0xf2: {  	s21 =	sor.u32 $0x50, s30;
	v25 =	vor.u32 v12, v20;
	[tilespmem:s0+$0xA0] =	vst v27;
	v54 =	vld.idx.msk [tilespmem:v10+s14+$0x0], $0xffff  }
0xf3: {  	v34 =	vld.idx.msk [tilespmem:v45+s14+$0x0], $0xffff;
	v31 =	vor.u32 v36, v9;
	v27 =	vmov s21;
	[tilespmem:s0+$0x320] =	vst v15  }
0xf4: {  	v26 =	vld.idx.msk [tilespmem:v26+s14+$0x0], $0xffff;
	[tilespmem:s26+$0x360] =	vst v30;
	v10 =	vshll.u32 v27, $0x5  }
0xf5: {  	v55 =	vld.idx.msk [tilespmem:v22+s14+$0x0], $0xffff;
	v27 =	vor.u32 v53, v61;
	[tilespmem:s0+$0x220] =	vst v23  }
0xf6: {  	v37 =	vor.u32 v12, v17;
	v22 =	vor.u32 v0, v10;
	[tilespmem:s0+$0x130] =	vst v29;
	v38 =	vld.idx.msk [tilespmem:v14+s14+$0x0], $0xffff  }
0xf7: {  	v25 =	vld.idx.msk [tilespmem:v25+s14+$0x0], $0xffff;
	v15 =	vor.u32 v22, v3;
	v10 =	vmov v3;
	v3 =	vor.u32 v4, v22;
	[tilespmem:s26+$0x170] =	vst v54  }
0xf8: {  	v31 =	vld.idx.msk [tilespmem:v31+s14+$0x0], $0xffff;
	v29 =	vor.u32 v53, v48;
	[tilespmem:$0x1FFC0] =	vst v3  }
0xf9: {  	v56 =	vor.u32 v39, v11;
	v3 =	vor.u32 v22, v6;
	[tilespmem:s0+$0x1A0] =	vst v24  }
0xfa: {  	v57 =	vor.u32 v4, v36;
	v27 =	vld.idx.msk [tilespmem:v27+s14+$0x0], $0xffff;
	[tilespmem:$0x1FFD0] =	vst v3  }
0xfb: {  	v40 =	vor.u32 v28, v20;
	v30 =	vor.u32 v28, v19;
	[tilespmem:s26+$0x2D0] =	vst v38  }
0xfc: {  	v58 =	vor.u32 v28, v18;
	v60 =	vor.u32 v21, v28;
	v42 =	vld.idx.msk [tilespmem:v37+s14+$0x0], $0xffff;
	[tilespmem:s26+$0x250] =	vst v25  }
0xfd: {  	v41 =	vor.u32 v53, v9;
	v44 =	vor.u32 v4, v53;
	v29 =	vld.idx.msk [tilespmem:v29+s14+$0x0], $0xffff;
	[tilespmem:s26+$0x1D0] =	vst v34  }
0xfe: {  	v62 =	vor.u32 v39, v16;
	v21 =	vor.u32 v21, v39;
	[tilespmem:s0+$0x3A0] =	vst v31;
	v31 =	vld.idx.msk [tilespmem:v56+s14+$0x0], $0xffff  }
0xff: {  	v28 =	vor.u32 v28, v17;
	v23 =	vor.u32 v53, v2;
	[tilespmem:s0+$0x290] =	vst v26;
	v63 =	vld.idx.msk [tilespmem:v57+s14+$0x0], $0xffff  }
0x100: {  	s22 =	sor.u32 $0x40, s30;
	v12 =	vor.u32 v22, v5;
	v59 =	vor.u32 v22, v48;
	[tilespmem:s28+$0x50] =	vst v55;
	v30 =	vld.idx.msk [tilespmem:v30+s14+$0x0], $0xffff  }
0x101: {  	v16 =	vmov s22;
	v11 =	vor.u32 v22, v61;
	v24 =	vor.u32 v53, v6;
	v43 =	vld.idx.msk [tilespmem:v40+s14+$0x0], $0xffff;
	[tilespmem:s0+$0xB0] =	vst v27  }
0x102: {  	v25 =	vor.u32 v36, v6;
	v26 =	vshll.u32 v16, $0x5;
	v37 =	vor.u32 v53, v10;
	v45 =	vld.idx.msk [tilespmem:v41+s14+$0x0], $0xffff;
	[tilespmem:s0+$0x1B0] =	vst v29  }
0x103: {  	s25 =	sor.u32 $0x60, s30;
	v46 =	vor.u32 v0, v26;
	v33 =	vld.idx.msk [tilespmem:v58+s14+$0x0], $0xffff;
	v27 =	vor.u32 v39, v19;
	[tilespmem:s26+$0xD0] =	vst v42  }
0x104: {  	v8 =	vmovc v2;
	v38 =	vor.u32 v39, v20;
	v20 =	vmov s25;
	v34 =	vld.idx.msk [tilespmem:v60+s14+$0x0], $0xffff;
	v47 =	vor.u32 v46, v9;
	[tilespmem:s19+$0x20] =	vst v63  }
0x105: {  	s31 =	sor.u32 $0x70, s30;
	v16 =	vor.u32 v22, v2;
	v36 =	vor.u32 v39, v17;
	v26 =	vld.idx.msk [tilespmem:v62+s14+$0x0], $0xffff;
	v58 =	vshll.u32 v20, $0x5;
	[tilespmem:s26+$0x2E0] =	vst v30  }
0x106: {  	v13 =	vmovc v4;
	v32 =	vor.u32 v46, v48;
	v19 =	vor.u32 v46, v2;
	v2 =	vmov s31;
	v40 =	vld.idx.msk [tilespmem:v28+s14+$0x0], $0xffff;
	[tilespmem:s26+$0x260] =	vst v43  }
0x107: {  	v20 =	vor.u32 v46, v6;
	v2 =	vshll.u32 v2, $0x5;
	v30 =	vor.u32 v39, v18;
	[tilespmem:s0+$0x3B0] =	vst v45;
	v39 =	vld.idx.msk [tilespmem:v44+s14+$0x0], $0xffff  }
0x108: {  	v14 =	vmov v6;
	v35 =	vor.u32 v46, v10;
	v28 =	vor.u32 v46, v5;
	v41 =	vld.idx.msk [tilespmem:v27+s14+$0x0], $0xffff;
	[tilespmem:$0x1FFE0] =	vst v2  }
0x109: {  	v17 =	vmov v5;
	v29 =	vor.u32 v4, v46;
	v27 =	vor.u32 v46, v61;
	[tilespmem:s28+$0x60] =	vst v34;
	v34 =	vld.idx.msk [tilespmem:v47+s14+$0x0], $0xffff  }
.LBB2_4:
0x10a: {  	_ = 	snop  }
0x10b: {  	[tilespmem:s26+$0x1E0] =	vst v33;
	v57 =	vld.idx.msk [tilespmem:v38+s14+$0x0], $0xffff  }
0x10c: {  	v37 =	vld.idx.msk [tilespmem:v37+s14+$0x0], $0xffff;
	[tilespmem:s26+$0xE0] =	vst v40  }
0x10d: {  	s29 =	sadd.s32 $0x8, s29;
	v22 =	vor.u32 v22, v9;
	v28 =	vld.idx.msk [tilespmem:v28+s14+$0x0], $0xffff;
	[tilespmem:s26+$0x2F0] =	vst v41  }
0x10e: {  	s6 =	sand.u32 $0x18, s29;
	v51 =	vld.idx.msk [tilespmem:v30+s14+$0x0], $0xffff;
	[tilespmem:s26+$0x370] =	vst v31  }
0x10f: {  	s5 =	sshrl.u32 s29, $0x5;
	v60 =	vmov s6;
	[tilespmem:s19+$0x30] =	vst v39;
	v40 =	vld.idx.msk [tilespmem:v36+s14+$0x0], $0xffff  }
0x110: {  	s10 =	sshll.u32 s5, $0x7;
	v38 =	vshrl.u32 v60, $0x3;
	[tilespmem:s0+$0x3C0] =	vst v34;
	v25 =	vld.idx.msk [tilespmem:v25+s14+$0x0], $0xffff  }
0x111: {  	v62 =	vmov s10;
	v63 =	vshll.u32 v38, v1;
	v53 =	vld.idx.msk [tilespmem:v21+s14+$0x0], $0xffff;
	[tilespmem:s26+$0x270] =	vst v57  }
0x112: {  	v31 =	vshll.u32 v62, $0x5;
	v30 =	vor.u32 $0x1, v63;
	v44 =	vld.idx.msk [tilespmem:v22+s14+$0x0], $0xffff;
	[tilespmem:s26+$0x3F0] =	vst v26;
	v34 =	vbroadcast v63, $0x0  }
0x113: {  	v52 =	vor.u32 $0x2, v63;
	v22 =	vor.u32 v0, v31;
	v29 =	vld.idx.msk [tilespmem:v29+s14+$0x0], $0xffff;
	[tilespmem:s0+$0x330] =	vst v37;
	v21 =	vbroadcast v30, $0x0  }
0x114: {  	v32 =	vld.idx.msk [tilespmem:v32+s14+$0x0], $0xffff;
	v42 =	vor.u32 $0x3, v63;
	v36 =	vbroadcast v52, $0x0;
	[tilespmem:s26+$0x1F0] =	vst v51;
	v62 =	vor.u32 v34, v22  }
0x115: {  	v4 =	vor.u32 $0x7, v63;
	v27 =	vld.idx.msk [tilespmem:v27+s14+$0x0], $0xffff;
	v26 =	vbroadcast v42, $0x0;
	v55 =	vor.u32 v22, v21;
	[tilespmem:s0+$0x2A0] =	vst v25  }
0x116: {  	s22 =	sor.u32 $0x20, s10;
	v30 =	vor.u32 $0x4, v63;
	v33 =	vbroadcast v4, $0x0;
	v23 =	vld.idx.msk [tilespmem:v23+s14+$0x0], $0xffff;
	v56 =	vor.u32 v22, v36;
	[tilespmem:s28+$0x70] =	vst v53  }
0x117: {  	v50 =	vmov s22;
	v30 =	vbroadcast v30, $0x0;
	v5 =	vor.u32 v22, v26;
	v25 =	vld.idx.msk [tilespmem:v35+s14+$0x0], $0xffff;
	s28 =	smov.u32 s19;
	[tilespmem:s26+$0xF0] =	vst v40  }
0x118: {  	v43 =	vshll.u32 v50, $0x5;
	v50 =	vor.u32 v22, v33;
	s26 =	smov.u32 s0;
	v24 =	vld.idx.msk [tilespmem:v24+s14+$0x0], $0xffff;
	[tilespmem:s28+$0x40] =	vst v29  }
0x119: {  	v54 =	vor.u32 $0x6, v63;
	v45 =	vor.u32 v22, v30;
	[tilespmem:s26+$0x1C0] =	vst v32;
	v32 =	vld.idx.msk [tilespmem:v62+s14+$0x0], $0xffff  }
0x11a: {  	v38 =	vbroadcast v54, $0x0;
	v49 =	vld.idx.msk [tilespmem:v55+s14+$0x0], $0xffff  }
0x11b: {  	[tilespmem:$0x1FFA0] =	vst v11;
	s30 =	sor.u32 $0x10, s10;
	v31 =	vor.u32 $0x5, v63;
	v37 =	vld.idx.msk [tilespmem:v56+s14+$0x0], $0xffff  }
0x11c: {  	v46 =	vmov s30;
	v31 =	vbroadcast v31, $0x0;
	v57 =	vor.u32 v22, v38;
	[tilespmem:s26+$0x3D0] =	vst v44;
	v35 =	vld.idx.msk [tilespmem:v5+s14+$0x0], $0xffff  }
0x11d: {  	v46 =	vshll.u32 v46, $0x5;
	[tilespmem:s26+$0xC0] =	vst v27;
	v50 =	vld.idx.msk [tilespmem:v50+s14+$0x0], $0xffff  }
0x11e: {  	s1 =	sadd.s32 $0x1000, s1;
	v11 =	vmov v48;
	v63 =	vor.u32 v0, v46;
	v48 =	vor.u32 v22, v31;
	[tilespmem:s26+$0x140] =	vst v28;
	v45 =	vld.idx.msk [tilespmem:v45+s14+$0x0], $0xffff  }
0x11f: {  	s18 =	sand.u32 $0x3000, s1;
	s31 =	sor.u32 $0x30, s10;
	v53 =	vor.u32 v34, v63;
	v56 =	vld.idx.msk [tilespmem:v12+s14+$0x0], $0xffff;
	[tilespmem:s26+$0x340] =	vst v25  }
0x120: {  	s11 =	sshll.u32 s5, $0xA;
	s6 =	sshll.u32 s6, $0x9;
	s22 =	sor.u32 $0x50, s10;
	v47 =	vmov s31;
	[tilespmem:s26+$0x230] =	vst v23;
	v52 =	vld.idx.msk [tilespmem:v15+s14+$0x0], $0xffff  }
0x121: {  	s7 =	sadd.s32 s11, s18;
	s6 =	sadd.s32 s11, s6;
	v47 =	vshll.u32 v47, $0x5;
	v60 =	vmov s22;
	v54 =	vor.u32 v63, v21;
	v55 =	vld.idx.msk [tilespmem:v57+s14+$0x0], $0xffff;
	[tilespmem:s26+$0x2B0] =	vst v24  }
0x122: {  	s25 =	sor.u32 $0x60, s10;
	v47 =	vor.u32 v0, v47;
	s0 =	sadd.s32 $0x12400, s7;
	v25 =	vor.u32 v63, v36;
	v15 =	vshll.u32 v60, $0x5;
	v20 =	vld.idx.msk [tilespmem:v20+s14+$0x0], $0xffff;
	[tilespmem:s6+$0x12400] =	vst v32  }
0x123: {  	v46 =	vor.u32 v63, v26;
	v22 =	vor.u32 v0, v15;
	v15 =	vmov s25;
	v44 =	vld.idx.msk [tilespmem:v48+s14+$0x0], $0xffff;
	[tilespmem:s0+$0x100] =	vst v37  }
0x124: {  	v39 =	vor.u32 v63, v31;
	v51 =	vor.u32 v63, v30;
	v28 =	vshll.u32 v15, $0x5;
	[tilespmem:s0+$0x80] =	vst v49;
	v53 =	vld.idx.msk [tilespmem:v53+s14+$0x0], $0xffff  }
0x125: {  	[tilespmem:s0+$0x200] =	vst v45;
	v45 =	vor.u32 v0, v58;
	v2 =	vmov v28;
	v28 =	vor.u32 v0, v43;
	v43 =	vld.idx.msk [tilespmem:v59+s14+$0x0], $0xffff  }
0x126: {  	v24 =	vor.u32 v63, v38;
	v54 =	vld.idx.msk [tilespmem:v54+s14+$0x0], $0xffff;
	[tilespmem:s0+$0x180] =	vst v35;
	v4 =	vor.u32 v45, v9  }
0x127: {  	v57 =	vor.u32 v63, v33;
	v37 =	vld.idx.msk [tilespmem:v25+s14+$0x0], $0xffff;
	[tilespmem:$0x1FFB0] =	vst v2;
	v58 =	vor.u32 v28, v30  }
0x128: {  	v25 =	vor.u32 v28, v31;
	v49 =	vor.u32 v28, v38;
	v59 =	vor.u32 v28, v26;
	[tilespmem:s26+$0x350] =	vst v52  }
0x129: {  	v60 =	vor.u32 v28, v33;
	v51 =	vld.idx.msk [tilespmem:v51+s14+$0x0], $0xffff;
	[tilespmem:s0+$0x300] =	vst v55;
	v55 =	vor.u32 v28, v36  }
0x12a: {  	v63 =	vor.u32 v34, v28;
	v52 =	vor.u32 v28, v21;
	v28 =	vld.idx.msk [tilespmem:v46+s14+$0x0], $0xffff;
	[tilespmem:s26+$0x2C0] =	vst v20  }
0x12b: {  	v62 =	vor.u32 v47, v33;
	v48 =	vor.u32 v47, v36;
	[tilespmem:s0+$0x280] =	vst v44;
	v4 =	vld.idx.msk [tilespmem:v4+s14+$0x0], $0xffff  }
0x12c: {  	v23 =	vor.u32 v22, v26;
	v32 =	vor.u32 v45, v17;
	v20 =	vld.idx.msk [tilespmem:v24+s14+$0x0], $0xffff;
	[tilespmem:s0+$0x110] =	vst v37  }
0x12d: {  	s19 =	sadd.s32 $0x12400, s6;
	v15 =	vmov v23;
	v23 =	vor.u32 v47, v30;
	v2 =	vor.u32 v47, v26;
	[tilespmem:s0+$0x380] =	vst v50;
	v50 =	vld.idx.msk [tilespmem:v19+s14+$0x0], $0xffff  }
0x12e: {  	v46 =	vor.u32 v47, v21;
	v44 =	vor.u32 v34, v47;
	[tilespmem:s19+$0x10] =	vst v53;
	v19 =	vld.idx.msk [tilespmem:v55+s14+$0x0], $0xffff  }
0x12f: {  	v24 =	vor.u32 v47, v31;
	v37 =	vor.u32 v47, v38;
	v47 =	vld.idx.msk [tilespmem:v57+s14+$0x0], $0xffff;
	[tilespmem:s26+$0x150] =	vst v56  }
0x130: {  	[tilespmem:s26+$0x3E0] =	vst v4;
	v4 =	vld [tilespmem:$0x1FFE0]  }
0x131: {  	[tilespmem:s0+$0x90] =	vst v54;
	v55 =	vld.idx.msk [tilespmem:v32+s14+$0x0], $0xffff  }
0x132: {  	s21 =	sor.u32 $0x40, s10;
	s10 =	sor.u32 $0x70, s10;
	[tilespmem:s0+$0x210] =	vst v51  }
0x133: {  	v18 =	vmovc v16;
	v27 =	vmov s10;
	v5 =	vor.u32 v22, v38;
	v12 =	vor.u32 v45, v10;
	v52 =	vld.idx.msk [tilespmem:v52+s14+$0x0], $0xffff;
	[tilespmem:s0+$0x190] =	vst v28  }
0x134: {  	v27 =	vshll.u32 v27, $0x5;
	v16 =	vor.u32 v22, v36;
	v40 =	vor.u32 v22, v21;
	v59 =	vld.idx.msk [tilespmem:v59+s14+$0x0], $0xffff;
	[tilespmem:s0+$0x120] =	vst v19  }
0x135: {  	v29 =	vmov s21;
	v6 =	vmovc v27;
	v3 =	vor.u32 v22, v30;
	[tilespmem:s0+$0x310] =	vst v20;
	v48 =	vld.idx.msk [tilespmem:v48+s14+$0x0], $0xffff;
	v4 =	vor.u32 v0, v4  }
0x136: {  	v54 =	vor.u32 v45, v8;
	v51 =	vor.u32 v13, v45;
	[tilespmem:s26+$0x160] =	vst v55;
	v55 =	vor.u32 v4, v9;
	v9 =	vld [tilespmem:$0x1FFC0]  }
0x137: {  	v29 =	vshll.u32 v29, $0x5;
	v56 =	vor.u32 v45, v11;
	v57 =	vor.u32 v45, v14;
	v49 =	vld.idx.msk [tilespmem:v49+s14+$0x0], $0xffff;
	[tilespmem:$0x1FFE0] =	vst v6  }
0x138: {  	v27 =	vmov v36;
	v45 =	vor.u32 v45, v61;
	v6 =	vor.u32 v0, v29;
	[tilespmem:s0+$0x390] =	vst v47;
	v47 =	vld.idx.msk [tilespmem:v12+s14+$0x0], $0xffff  }
0x139: {  	v19 =	vor.u32 v6, v30;
	v28 =	vor.u32 v6, v27;
	[tilespmem:s0+$0xA0] =	vst v52;
	v52 =	vld.idx.msk [tilespmem:v58+s14+$0x0], $0xffff  }
0x13a: {  	v35 =	vor.u32 v6, v38;
	v12 =	vmov v16;
	[tilespmem:s26+$0x240] =	vst v50;
	v16 =	vmov v3;
	v3 =	vld.idx.msk [tilespmem:v60+s14+$0x0], $0xffff  }
0x13b: {  	v7 =	vor.u32 v4, v17;
	v17 =	vmovc v27;
	v27 =	vor.u32 v6, v21;
	v53 =	vor.u32 v4, v10  }
0x13c: {  	v10 =	vmovc v38;
	v38 =	vor.u32 v4, v8;
	v58 =	vor.u32 v4, v14;
	v36 =	vor.u32 v4, v61  }
0x13d: {  	v8 =	vmovc v30;
	v30 =	vor.u32 v4, v11;
	v61 =	vmov v21;
	v21 =	vor.u32 v13, v4;
	v4 =	vld.idx.msk [tilespmem:v18+s14+$0x0], $0xffff  }
0x13e: {  	[tilespmem:s0+$0x320] =	vst v49;
	v49 =	vld.idx.msk [tilespmem:v9+s14+$0x0], $0xffff  }
0x13f: {  	v9 =	vld [tilespmem:$0x1FFD0]  }
0x140: {  	[tilespmem:s0+$0x220] =	vst v52;
	v52 =	vld [tilespmem:$0x1FFA0]  }
0x141: {  	[tilespmem:s0+$0x1A0] =	vst v59  }
0x142: {  	v41 =	vor.u32 v34, v22;
	v2 =	vld.idx.msk [tilespmem:v2+s14+$0x0], $0xffff;
	[tilespmem:s26+$0x1D0] =	vst v43  }
0x143: {  	[tilespmem:s26+$0x360] =	vst v47;
	v11 =	vmov v41;
	v7 =	vld.idx.msk [tilespmem:v7+s14+$0x0], $0xffff  }
0x144: {  	v63 =	vld.idx.msk [tilespmem:v63+s14+$0x0], $0xffff;
	[tilespmem:$0x1FFC0] =	vst v11  }
0x145: {  	v47 =	vld.idx.msk [tilespmem:v46+s14+$0x0], $0xffff;
	[tilespmem:s0+$0x3A0] =	vst v3  }
0x146: {  	v3 =	vld.idx.msk [tilespmem:v62+s14+$0x0], $0xffff;
	[tilespmem:s0+$0x130] =	vst v48  }
0x147: {  	v42 =	vor.u32 v22, v31;
	[tilespmem:s26+$0x250] =	vst v4;
	v50 =	vld.idx.msk [tilespmem:v9+s14+$0x0], $0xffff  }
0x148: {  	v11 =	vmov v42;
	[tilespmem:s26+$0x170] =	vst v7;
	v7 =	vld.idx.msk [tilespmem:v52+s14+$0x0], $0xffff  }
0x149: {  	v32 =	vor.u32 v6, v26;
	v48 =	vmov v26;
	v26 =	vld.idx.msk [tilespmem:v39+s14+$0x0], $0xffff;
	[tilespmem:$0x1FFD0] =	vst v11  }
0x14a: {  	v20 =	vor.u32 v6, v31;
	v14 =	vmov v31;
	v31 =	vld.idx.msk [tilespmem:v53+s14+$0x0], $0xffff;
	[tilespmem:s0+$0xB0] =	vst v47  }
0x14b: {  	v60 =	vld.idx.msk [tilespmem:v54+s14+$0x0], $0xffff;
	[tilespmem:s28+$0x50] =	vst v49  }
0x14c: {  	v29 =	vor.u32 v34, v6;
	v6 =	vor.u32 v6, v33;
	v9 =	vmov v33;
	v33 =	vld.idx.msk [tilespmem:v56+s14+$0x0], $0xffff;
	[tilespmem:s26+$0x2D0] =	vst v50  }
0x14d: {  	[tilespmem:s26+$0xD0] =	vst v7;
	v57 =	vld.idx.msk [tilespmem:v57+s14+$0x0], $0xffff  }
0x14e: {  	[tilespmem:s0+$0x1B0] =	vst v2;
	v2 =	vld.idx.msk [tilespmem:v51+s14+$0x0], $0xffff  }
0x14f: {  	p0 =	slt.u32 s29, $0x78;
	v11 =	vmov v40;
	v40 =	vld.idx.msk [tilespmem:v45+s14+$0x0], $0xffff;
	[tilespmem:s19+$0x20] =	vst v63  }
.Ltmp1:
0x150: {  	v39 =	vld.idx.msk [tilespmem:v44+s14+$0x0], $0xffff;
	[tilespmem:s0+$0x290] =	vst v26;
	(pc) =	sbr.rel @p0 .LBB2_4-.Ltmp1, $4  }
0x151: {  	v26 =	vld.idx.msk [tilespmem:v55+s14+$0x0], $0xffff;
	[tilespmem:s0+$0x3B0] =	vst v3  }
0x152: {  	v13 =	vmov v34;
	v34 =	vld.idx.msk [tilespmem:v6+s14+$0x0], $0xffff;
	[tilespmem:s26+$0x2E0] =	vst v57  }
0x153: {  	[tilespmem:s26+$0x260] =	vst v60;
	v41 =	vld.idx.msk [tilespmem:v58+s14+$0x0], $0xffff  }
0x154: {  	v59 =	vmov v15;
	v15 =	vmov v5;
	[tilespmem:s28+$0x60] =	vst v2;
	v58 =	vld [tilespmem:$0x1FFB0]  }
0x155: {  	_ =	sdelay $0x1  }
0x156: {  	[tilespmem:s26+$0x1E0] =	vst v33  }
0x157: {  	[tilespmem:s26+$0xE0] =	vst v40  }
0x158: {  	v2 =	vld.idx.msk [tilespmem:v38+s14+$0x0], $0xffff;
	[tilespmem:s26+$0x370] =	vst v31  }
0x159: {  	v3 =	vld.idx.msk [tilespmem:v37+s14+$0x0], $0xffff;
	[tilespmem:s19+$0x30] =	vst v39  }
0x15a: {  	v4 =	vld.idx.msk [tilespmem:v25+s14+$0x0], $0xffff;
	[tilespmem:s26+$0x3F0] =	vst v26  }
0x15b: {  	v7 =	vld.idx.msk [tilespmem:v21+s14+$0x0], $0xffff;
	[tilespmem:s0+$0x3C0] =	vst v34  }
0x15c: {  	v33 =	vld.idx.msk [tilespmem:v28+s14+$0x0], $0xffff;
	[tilespmem:s26+$0x2F0] =	vst v41  }
0x15d: {  	v6 =	vld.idx.msk [tilespmem:v30+s14+$0x0], $0xffff;
	[tilespmem:s26+$0x270] =	vst v2  }
0x15e: {  	v31 =	vld.idx.msk [tilespmem:v29+s14+$0x0], $0xffff;
	[tilespmem:s0+$0x330] =	vst v3  }
0x15f: {  	v2 =	vld.idx.msk [tilespmem:v36+s14+$0x0], $0xffff;
	[tilespmem:s0+$0x2A0] =	vst v4  }
0x160: {  	v3 =	vor.u32 v22, v9;
	[tilespmem:s28+$0x70] =	vst v7;
	v34 =	vld.idx.msk [tilespmem:v24+s14+$0x0], $0xffff  }
0x161: {  	[tilespmem:s0+$0x140] =	vst v33;
	v35 =	vld.idx.msk [tilespmem:v35+s14+$0x0], $0xffff  }
0x162: {  	v36 =	vld.idx.msk [tilespmem:v32+s14+$0x0], $0xffff;
	[tilespmem:s26+$0x1F0] =	vst v6  }
0x163: {  	[tilespmem:s19+$0x40] =	vst v31;
	v12 =	vld.idx.msk [tilespmem:v12+s14+$0x0], $0xffff  }
0x164: {  	[tilespmem:s26+$0xF0] =	vst v2;
	v2 =	vld.idx.msk [tilespmem:v23+s14+$0x0], $0xffff  }
0x165: {  	v37 =	vor.u32 v0, v58;
	v3 =	vld.idx.msk [tilespmem:v3+s14+$0x0], $0xffff;
	[tilespmem:s0+$0x2B0] =	vst v34  }
0x166: {  	v18 =	vor.u32 v37, v9;
	[tilespmem:s0+$0x340] =	vst v35;
	v38 =	vld.idx.msk [tilespmem:v20+s14+$0x0], $0xffff  }
0x167: {  	[tilespmem:s0+$0x1C0] =	vst v36;
	v15 =	vld.idx.msk [tilespmem:v15+s14+$0x0], $0xffff  }
0x168: {  	[tilespmem:s0+$0x150] =	vst v12  }
0x169: {  	v41 =	vld.idx.msk [tilespmem:v27+s14+$0x0], $0xffff;
	[tilespmem:s0+$0x230] =	vst v2  }
0x16a: {  	[tilespmem:s0+$0x3D0] =	vst v3;
	v40 =	vld.idx.msk [tilespmem:v19+s14+$0x0], $0xffff  }
0x16b: {  	v3 =	vld.idx.msk [tilespmem:v18+s14+$0x0], $0xffff;
	[tilespmem:s0+$0x2C0] =	vst v38  }
0x16c: {  	[tilespmem:s0+$0x350] =	vst v15  }
0x16d: {  	v12 =	vld [tilespmem:$0x1FFD0]  }
0x16e: {  	v5 =	vld [tilespmem:$0x1FFE0];
	[tilespmem:s0+$0xC0] =	vst v41  }
0x16f: {  	v2 =	vor.u32 v37, v10;
	[tilespmem:s0+$0x240] =	vst v40  }
0x170: {  	[tilespmem:s0+$0x3E0] =	vst v3  }
0x171: {  	v3 =	vld [tilespmem:$0x1FFC0]  }
0x172: {  	v39 =	vor.u32 v37, v17;
	v50 =	vld.idx.msk [tilespmem:v59+s14+$0x0], $0xffff  }
0x173: {  	v53 =	vor.u32 v37, v48;
	v11 =	vld.idx.msk [tilespmem:v11+s14+$0x0], $0xffff  }
0x174: {  	v2 =	vld.idx.msk [tilespmem:v2+s14+$0x0], $0xffff  }
0x175: {  	v4 =	vor.u32 v37, v61;
	v12 =	vld.idx.msk [tilespmem:v12+s14+$0x0], $0xffff  }
0x176: {  	v44 =	vor.u32 v37, v14;
	v7 =	vld.idx.msk [tilespmem:v16+s14+$0x0], $0xffff  }
0x177: {  	v47 =	vor.u32 v37, v8;
	v42 =	vld.idx.msk [tilespmem:v39+s14+$0x0], $0xffff;
	[tilespmem:s0+$0x1D0] =	vst v50;
	v45 =	vor.u32 v0, v5  }
0x178: {  	v49 =	vmov v10;
	v6 =	vld.idx.msk [tilespmem:v53+s14+$0x0], $0xffff;
	v5 =	vor.u32 v45, v17;
	[tilespmem:s0+$0xD0] =	vst v11  }
0x179: {  	v55 =	vor.u32 v45, v49;
	[tilespmem:s0+$0x360] =	vst v2;
	v3 =	vld.idx.msk [tilespmem:v3+s14+$0x0], $0xffff  }
0x17a: {  	v52 =	vor.u32 v13, v37;
	v4 =	vld.idx.msk [tilespmem:v4+s14+$0x0], $0xffff;
	[tilespmem:s0+$0x2D0] =	vst v12  }
0x17b: {  	v58 =	vor.u32 v45, v9;
	[tilespmem:s0+$0x250] =	vst v7;
	v2 =	vld.idx.msk [tilespmem:v44+s14+$0x0], $0xffff  }
0x17c: {  	[tilespmem:s0+$0x160] =	vst v42;
	v59 =	vor.u32 v45, v48;
	v56 =	vld.idx.msk [tilespmem:v47+s14+$0x0], $0xffff  }
0x17d: {  	v43 =	vmov v14;
	v61 =	vor.u32 v45, v61;
	[tilespmem:s0+$0x1E0] =	vst v6;
	v5 =	vld.idx.msk [tilespmem:v5+s14+$0x0], $0xffff  }
0x17e: {  	v46 =	vmov v8;
	v54 =	vor.u32 v45, v43;
	v7 =	vld.idx.msk [tilespmem:v55+s14+$0x0], $0xffff;
	[tilespmem:s19+$0x50] =	vst v3  }
0x17f: {  	v51 =	vmov v13;
	[tilespmem:s0+$0xE0] =	vst v4;
	v3 =	vor.u32 v45, v46;
	v57 =	vld.idx.msk [tilespmem:v52+s14+$0x0], $0xffff  }
0x180: {  	v9 =	vld.idx.msk [tilespmem:v58+s14+$0x0], $0xffff;
	[tilespmem:s0+$0x2E0] =	vst v2;
	v2 =	vor.u32 v51, v45  }
0x181: {  	v62 =	vld.idx.msk [tilespmem:v59+s14+$0x0], $0xffff;
	[tilespmem:s0+$0x260] =	vst v56  }
0x182: {  	v63 =	vld.idx.msk [tilespmem:v61+s14+$0x0], $0xffff;
	[tilespmem:s0+$0x170] =	vst v5  }
0x183: {  	[tilespmem:s0+$0x370] =	vst v7;
	v60 =	vld.idx.msk [tilespmem:v54+s14+$0x0], $0xffff  }
0x184: {  	v3 =	vld.idx.msk [tilespmem:v3+s14+$0x0], $0xffff;
	[tilespmem:s19+$0x60] =	vst v57  }
0x185: {  	[tilespmem:s0+$0x3F0] =	vst v9;
	v2 =	vld.idx.msk [tilespmem:v2+s14+$0x0], $0xffff  }
0x186: {  	[tilespmem:s0+$0x1F0] =	vst v62  }
0x187: {  	[tilespmem:s0+$0xF0] =	vst v63  }
0x188: {  	[tilespmem:s0+$0x2F0] =	vst v60  }
0x189: {  	[tilespmem:s0+$0x270] =	vst v3  }
0x18a: {  	[tilespmem:s19+$0x70] =	vst v2  }
0x18b: {  	s1 =	simm.s32 $0x12400;
	s0 =	rddreg [dreg:$0x5]  }
0x18c: {  	[hbm4b:s0+s16] =	stream.strided.scatter [tilespmem:s1], [sflag:$0x4], $0x4000, s17, s16, $0x38;
	[tilespmem:$0x16400] =	vst v63  }
0x18d: {  	s31 =	simm.s32 $0x600;
	s28 =	simm.s32 $0x0;
	s26 =	simm.s32 $0x0  }
0x18e: {  	[tilespmem:s14], [sflag:$0x2] =	stream.indirect.gather [hbm4b:s4+s12], $0x20, s31, s12, $0xb8;
	[tilespmem:$0x16400] =	vst v63  }
.LBB2_6:
0x18f: {  	s0 =	simm.s32 $0x0  }
0x190: {  	s5 =	sand.u32 $0x18, s0  }
0x191: {  	v2 =	vmov s5  }
0x192: {  	s6 =	simm.s32 $0x0;
	v2 =	vshrl.u32 v2, $0x3  }
0x193: {  	v9 =	vshll.u32 v2, v1;
	v2 =	vmov s6  }
0x194: {  	v3 =	vor.u32 $0x7, v9;
	v2 =	vshll.u32 v2, $0x5  }
0x195: {  	v4 =	vor.u32 $0x2, v9;
	v8 =	vbroadcast v3, $0x0;
	v3 =	vor.u32 $0x1, v9  }
0x196: {  	_ =	swait.ge [sflag:s15], $0x4000;
	v5 =	vor.u32 $0x3, v9;
	v10 =	vor.u32 v0, v2;
	v2 =	vbroadcast v3, $0x0  }
0x197: {  	[sflag:s15] =	ssyncset.done $0x0;
	v6 =	vor.u32 $0x4, v9;
	v3 =	vbroadcast v4, $0x0;
	v7 =	vor.u32 v10, v8  }
0x198: {  	s1 =	sor.u32 $0x10, s6;
	[sflag:s15] =	ssyncadd.s32 $0xFFFFC000;
	v11 =	vor.u32 $0x5, v9;
	v4 =	vbroadcast v5, $0x0;
	v12 =	vor.u32 v10, v2  }
0x199: {  	_ =	swait.ge [sflag:s23], $0x4000;
	v5 =	vbroadcast v6, $0x0;
	v6 =	vmov s1;
	v13 =	vor.u32 v10, v3  }
0x19a: {  	[sflag:s23] =	ssyncset.done $0x0;
	v15 =	vshll.u32 v6, $0x5;
	v6 =	vbroadcast v11, $0x0;
	v16 =	vor.u32 v10, v4  }
0x19b: {  	[sflag:s23] =	ssyncadd.s32 $0xFFFFC000;
	v14 =	vor.u32 $0x6, v9;
	v11 =	vor.u32 v10, v5  }
0x19c: {  	v15 =	vor.u32 v0, v15;
	v18 =	vor.u32 v10, v6;
	v17 =	vld.idx.msk [tilespmem:v7+s13+$0x0], $0xffff;
	v7 =	vbroadcast v14, $0x0  }
0x19d: {  	v9 =	vbroadcast v9, $0x0;
	v14 =	vor.u32 v15, v8;
	v12 =	vld.idx.msk [tilespmem:v12+s13+$0x0], $0xffff  }
0x19e: {  	v13 =	vld.idx.msk [tilespmem:v13+s13+$0x0], $0xffff;
	v19 =	vor.u32 v10, v7  }
0x19f: {  	s21 =	sand.u32 $0x3000, s26;
	v16 =	vld.idx.msk [tilespmem:v16+s13+$0x0], $0xffff;
	v10 =	vor.u32 v9, v10  }
0x1a0: {  	s7 =	sor.u32 $0x20, s6;
	s1 =	sadd.s32 $0x0, s21;
	v20 =	vor.u32 v15, v2;
	v11 =	vld.idx.msk [tilespmem:v11+s13+$0x0], $0xffff  }
0x1a1: {  	v21 =	vmov s7;
	v22 =	vor.u32 v15, v4;
	v18 =	vld.idx.msk [tilespmem:v18+s13+$0x0], $0xffff;
	[tilespmem:s1+$0xE780] =	vst v17  }
0x1a2: {  	v21 =	vshll.u32 v21, $0x5;
	v23 =	vor.u32 v15, v5;
	v14 =	vld.idx.msk [tilespmem:v14+s13+$0x0], $0xffff  }
0x1a3: {  	v21 =	vor.u32 v0, v21;
	v17 =	vor.u32 v15, v3;
	[tilespmem:s1+$0xE480] =	vst v12;
	v12 =	vld.idx.msk [tilespmem:v19+s13+$0x0], $0xffff  }
0x1a4: {  	[tilespmem:s1+$0xE500] =	vst v13;
	v19 =	vor.u32 v21, v8;
	v10 =	vld.idx.msk [tilespmem:v10+s13+$0x0], $0xffff  }
0x1a5: {  	v13 =	vor.u32 v15, v6;
	[tilespmem:s1+$0xE580] =	vst v16;
	v20 =	vld.idx.msk [tilespmem:v20+s13+$0x0], $0xffff  }
0x1a6: {  	v16 =	vor.u32 v15, v7;
	[tilespmem:s1+$0xE600] =	vst v11;
	v22 =	vld.idx.msk [tilespmem:v22+s13+$0x0], $0xffff  }
0x1a7: {  	v11 =	vor.u32 v9, v15;
	[tilespmem:s1+$0xE680] =	vst v18;
	v23 =	vld.idx.msk [tilespmem:v23+s13+$0x0], $0xffff  }
0x1a8: {  	s22 =	sor.u32 $0x30, s6;
	s5 =	sshll.u32 s5, $0x9;
	v17 =	vld.idx.msk [tilespmem:v17+s13+$0x0], $0xffff;
	[tilespmem:s1+$0xE790] =	vst v14;
	v14 =	vor.u32 v21, v2  }
0x1a9: {  	s19 =	sadd.s32 $0x0, s5;
	v15 =	vmov s22;
	v18 =	vld.idx.msk [tilespmem:v19+s13+$0x0], $0xffff;
	v19 =	vor.u32 v21, v3;
	[tilespmem:s1+$0xE700] =	vst v12  }
0x1aa: {  	v15 =	vshll.u32 v15, $0x5;
	[tilespmem:s19+$0xE400] =	vst v10;
	v10 =	vld.idx.msk [tilespmem:v13+s13+$0x0], $0xffff;
	v13 =	vor.u32 v21, v4  }
0x1ab: {  	v15 =	vor.u32 v0, v15;
	[tilespmem:s1+$0xE490] =	vst v20;
	v20 =	vor.u32 v21, v5;
	v16 =	vld.idx.msk [tilespmem:v16+s13+$0x0], $0xffff  }
0x1ac: {  	v12 =	vor.u32 v15, v8;
	[tilespmem:s1+$0xE590] =	vst v22;
	v11 =	vld.idx.msk [tilespmem:v11+s13+$0x0], $0xffff  }
0x1ad: {  	[tilespmem:s1+$0xE510] =	vst v17;
	v17 =	vor.u32 v21, v6;
	v14 =	vld.idx.msk [tilespmem:v14+s13+$0x0], $0xffff  }
0x1ae: {  	s25 =	sor.u32 $0x40, s6;
	v22 =	vor.u32 v21, v7;
	[tilespmem:s1+$0xE610] =	vst v23;
	v19 =	vld.idx.msk [tilespmem:v19+s13+$0x0], $0xffff  }
0x1af: {  	v24 =	vmov s25;
	[tilespmem:s1+$0xE7A0] =	vst v18;
	v18 =	vor.u32 v9, v21;
	v13 =	vld.idx.msk [tilespmem:v13+s13+$0x0], $0xffff  }
0x1b0: {  	v23 =	vor.u32 v15, v2;
	v21 =	vshll.u32 v24, $0x5;
	[tilespmem:s1+$0xE690] =	vst v10;
	v10 =	vld.idx.msk [tilespmem:v20+s13+$0x0], $0xffff  }
0x1b1: {  	v20 =	vor.u32 v15, v3;
	v12 =	vld.idx.msk [tilespmem:v12+s13+$0x0], $0xffff;
	v21 =	vor.u32 v0, v21;
	[tilespmem:s1+$0xE710] =	vst v16  }
0x1b2: {  	[tilespmem:s19+$0xE410] =	vst v11;
	v16 =	vor.u32 v21, v8;
	v11 =	vld.idx.msk [tilespmem:v17+s13+$0x0], $0xffff  }
0x1b3: {  	v17 =	vor.u32 v15, v4;
	[tilespmem:s1+$0xE4A0] =	vst v14;
	v14 =	vld.idx.msk [tilespmem:v22+s13+$0x0], $0xffff  }
0x1b4: {  	s29 =	sor.u32 $0x50, s6;
	v22 =	vor.u32 v15, v5;
	v18 =	vld.idx.msk [tilespmem:v18+s13+$0x0], $0xffff;
	[tilespmem:s1+$0xE520] =	vst v19  }
0x1b5: {  	v62 =	vmov s29;
	v19 =	vor.u32 v15, v6;
	v23 =	vld.idx.msk [tilespmem:v23+s13+$0x0], $0xffff;
	[tilespmem:s1+$0xE5A0] =	vst v13  }
0x1b6: {  	v24 =	vshll.u32 v62, $0x5;
	[tilespmem:s1+$0xE7B0] =	vst v12;
	v12 =	vor.u32 v15, v7;
	v20 =	vld.idx.msk [tilespmem:v20+s13+$0x0], $0xffff  }
0x1b7: {  	[tilespmem:s1+$0xE620] =	vst v10;
	v15 =	vor.u32 v9, v15;
	v13 =	vld.idx.msk [tilespmem:v16+s13+$0x0], $0xffff;
	v16 =	vor.u32 v0, v24  }
0x1b8: {  	v10 =	vld.idx.msk [tilespmem:v17+s13+$0x0], $0xffff;
	[tilespmem:s1+$0xE6A0] =	vst v11;
	v11 =	vor.u32 v16, v8  }
0x1b9: {  	v17 =	vor.u32 v21, v2;
	v22 =	vld.idx.msk [tilespmem:v22+s13+$0x0], $0xffff;
	[tilespmem:s1+$0xE720] =	vst v14  }
0x1ba: {  	v14 =	vor.u32 v21, v3;
	[tilespmem:s19+$0xE420] =	vst v18;
	v18 =	vld.idx.msk [tilespmem:v19+s13+$0x0], $0xffff  }
0x1bb: {  	v19 =	vor.u32 v21, v4;
	[tilespmem:s1+$0xE4B0] =	vst v23;
	v12 =	vld.idx.msk [tilespmem:v12+s13+$0x0], $0xffff  }
0x1bc: {  	s30 =	sor.u32 $0x60, s6;
	v23 =	vor.u32 v21, v5;
	v15 =	vld.idx.msk [tilespmem:v15+s13+$0x0], $0xffff;
	[tilespmem:s1+$0xE7C0] =	vst v13  }
0x1bd: {  	v63 =	vmov s30;
	[tilespmem:s1+$0xE530] =	vst v20;
	v13 =	vor.u32 v21, v6;
	v11 =	vld.idx.msk [tilespmem:v11+s13+$0x0], $0xffff  }
0x1be: {  	v24 =	vshll.u32 v63, $0x5;
	v20 =	vor.u32 v21, v7;
	v17 =	vld.idx.msk [tilespmem:v17+s13+$0x0], $0xffff;
	[tilespmem:s1+$0xE5B0] =	vst v10  }
0x1bf: {  	v24 =	vor.u32 v0, v24;
	v21 =	vor.u32 v9, v21;
	v10 =	vld.idx.msk [tilespmem:v14+s13+$0x0], $0xffff;
	[tilespmem:s1+$0xE630] =	vst v22  }
0x1c0: {  	v14 =	vor.u32 v24, v8;
	v19 =	vld.idx.msk [tilespmem:v19+s13+$0x0], $0xffff;
	[tilespmem:s1+$0xE6B0] =	vst v18  }
0x1c1: {  	v18 =	vor.u32 v16, v2;
	v22 =	vld.idx.msk [tilespmem:v23+s13+$0x0], $0xffff;
	[tilespmem:s1+$0xE730] =	vst v12  }
0x1c2: {  	v12 =	vor.u32 v16, v3;
	[tilespmem:s19+$0xE430] =	vst v15;
	v13 =	vld.idx.msk [tilespmem:v13+s13+$0x0], $0xffff  }
0x1c3: {  	s31 =	sor.u32 $0x70, s6;
	v15 =	vor.u32 v16, v4;
	v20 =	vld.idx.msk [tilespmem:v20+s13+$0x0], $0xffff;
	[tilespmem:s1+$0xE7D0] =	vst v11  }
0x1c4: {  	v23 =	vmov s31;
	v21 =	vld.idx.msk [tilespmem:v21+s13+$0x0], $0xffff;
	v11 =	vor.u32 v16, v5;
	[tilespmem:s1+$0xE4C0] =	vst v17  }
0x1c5: {  	v25 =	vor.u32 v16, v6;
	v23 =	vshll.u32 v23, $0x5;
	v14 =	vld.idx.msk [tilespmem:v14+s13+$0x0], $0xffff;
	[tilespmem:s1+$0xE540] =	vst v10  }
0x1c6: {  	v27 =	vor.u32 v16, v7;
	v23 =	vor.u32 v0, v23;
	v10 =	vld.idx.msk [tilespmem:v18+s13+$0x0], $0xffff;
	[tilespmem:s1+$0xE5C0] =	vst v19  }
0x1c7: {  	v26 =	vor.u32 v9, v16;
	v8 =	vor.u32 v23, v8;
	[tilespmem:s1+$0xE640] =	vst v22;
	v28 =	vld.idx.msk [tilespmem:v12+s13+$0x0], $0xffff  }
0x1c8: {  	v29 =	vor.u32 v24, v2;
	v17 =	vor.u32 v24, v4;
	v30 =	vld.idx.msk [tilespmem:v15+s13+$0x0], $0xffff;
	[tilespmem:s1+$0xE6C0] =	vst v13  }
0x1c9: {  	v16 =	vor.u32 v23, v3;
	v18 =	vor.u32 v24, v3;
	[tilespmem:s1+$0xE740] =	vst v20;
	v19 =	vld.idx.msk [tilespmem:v11+s13+$0x0], $0xffff  }
0x1ca: {  	v3 =	vor.u32 v23, v4;
	v4 =	vor.u32 v23, v5;
	[tilespmem:s19+$0xE440] =	vst v21;
	v20 =	vld.idx.msk [tilespmem:v25+s13+$0x0], $0xffff  }
0x1cb: {  	v12 =	vor.u32 v24, v6;
	v15 =	vor.u32 v23, v2;
	v22 =	vld.idx.msk [tilespmem:v27+s13+$0x0], $0xffff;
	[tilespmem:s1+$0xE7E0] =	vst v14  }
0x1cc: {  	v13 =	vor.u32 v24, v5;
	v11 =	vor.u32 v9, v24;
	v21 =	vld.idx.msk [tilespmem:v8+s13+$0x0], $0xffff;
	[tilespmem:s1+$0xE4D0] =	vst v10  }
0x1cd: {  	v5 =	vld.idx.msk [tilespmem:v26+s13+$0x0], $0xffff;
	v14 =	vor.u32 v24, v7;
	v8 =	vor.u32 v23, v6;
	[tilespmem:s1+$0xE550] =	vst v28  }
0x1ce: {  	s22 =	simm.s32 $0x0;
	v10 =	vor.u32 v9, v23;
	v9 =	vor.u32 v23, v7;
	v2 =	vld.idx.msk [tilespmem:v29+s13+$0x0], $0xffff;
	[tilespmem:s1+$0xE5D0] =	vst v30  }
.LBB2_7:
0x1cf: {  	s0 =	sadd.s32 $0x8, s0;
	v6 =	vld.idx.msk [tilespmem:v18+s13+$0x0], $0xffff;
	[tilespmem:s1+$0xE650] =	vst v19  }
0x1d0: {  	s5 =	sand.u32 $0x18, s0;
	p0 =	slt.u32 s0, $0x78;
	v7 =	vld.idx.msk [tilespmem:v17+s13+$0x0], $0xffff;
	[tilespmem:s1+$0xE6D0] =	vst v20  }
0x1d1: {  	v17 =	vmov s5;
	s6 =	sshll.u32 s5, $0x9;
	v13 =	vld.idx.msk [tilespmem:v13+s13+$0x0], $0xffff;
	[tilespmem:s1+$0xE7F0] =	vst v21  }
0x1d2: {  	s7 =	sshrl.u32 s0, $0x5;
	v17 =	vshrl.u32 v17, $0x3;
	v12 =	vld.idx.msk [tilespmem:v12+s13+$0x0], $0xffff;
	[tilespmem:s1+$0xE750] =	vst v22  }
0x1d3: {  	s29 =	sshll.u32 s7, $0x7;
	v17 =	vshll.u32 v17, v1;
	[tilespmem:s19+$0xE450] =	vst v5;
	v5 =	vld.idx.msk [tilespmem:v14+s13+$0x0], $0xffff  }
0x1d4: {  	v14 =	vmov s29;
	v18 =	vor.u32 $0x1, v17;
	v19 =	vor.u32 $0x7, v17;
	v11 =	vld.idx.msk [tilespmem:v11+s13+$0x0], $0xffff;
	[tilespmem:s1+$0xE4E0] =	vst v2  }
0x1d5: {  	v14 =	vshll.u32 v14, $0x5;
	v20 =	vor.u32 $0x2, v17;
	v2 =	vbroadcast v19, $0x0;
	v15 =	vld.idx.msk [tilespmem:v15+s13+$0x0], $0xffff;
	[tilespmem:s1+$0xE560] =	vst v6  }
0x1d6: {  	v14 =	vor.u32 v0, v14;
	v6 =	vor.u32 $0x3, v17;
	v19 =	vor.u32 $0x4, v17;
	v16 =	vld.idx.msk [tilespmem:v16+s13+$0x0], $0xffff;
	[tilespmem:s1+$0xE5E0] =	vst v7  }
0x1d7: {  	v21 =	vor.u32 $0x5, v17;
	v22 =	vor.u32 $0x6, v17;
	v23 =	vor.u32 v14, v2;
	v24 =	vld.idx.msk [tilespmem:v3+s13+$0x0], $0xffff;
	[tilespmem:s1+$0xE660] =	vst v13  }
0x1d8: {  	v7 =	vbroadcast v18, $0x0;
	v3 =	vbroadcast v20, $0x0;
	v13 =	vld.idx.msk [tilespmem:v4+s13+$0x0], $0xffff;
	[tilespmem:s1+$0xE6E0] =	vst v12  }
0x1d9: {  	v6 =	vbroadcast v6, $0x0;
	v4 =	vbroadcast v19, $0x0;
	v12 =	vld.idx.msk [tilespmem:v8+s13+$0x0], $0xffff;
	[tilespmem:s1+$0xE760] =	vst v5  }
0x1da: {  	s5 =	sor.u32 $0x10, s29;
	v18 =	vor.u32 v14, v7;
	v8 =	vbroadcast v21, $0x0;
	v5 =	vbroadcast v22, $0x0;
	[tilespmem:s19+$0xE460] =	vst v11;
	v11 =	vld.idx.msk [tilespmem:v9+s13+$0x0], $0xffff  }
0x1db: {  	v19 =	vor.u32 v14, v3;
	v9 =	vbroadcast v17, $0x0;
	v17 =	vmov s5;
	v10 =	vld.idx.msk [tilespmem:v10+s13+$0x0], $0xffff;
	[tilespmem:s1+$0xE4F0] =	vst v15  }
0x1dc: {  	v20 =	vor.u32 v14, v4;
	v15 =	vshll.u32 v17, $0x5;
	v17 =	vor.u32 v14, v6;
	v21 =	vld.idx.msk [tilespmem:v23+s13+$0x0], $0xffff;
	[tilespmem:s1+$0xE570] =	vst v16  }
0x1dd: {  	v22 =	vor.u32 v14, v5;
	v15 =	vor.u32 v0, v15;
	v16 =	vor.u32 v14, v8;
	[tilespmem:s1+$0xE5F0] =	vst v24  }
0x1de: {  	v14 =	vor.u32 v9, v14;
	v23 =	vor.u32 v15, v7;
	v24 =	vor.u32 v15, v2;
	[tilespmem:s1+$0xE670] =	vst v13  }
0x1df: {  	s22 =	sadd.s32 $0x1000, s22;
	v25 =	vor.u32 v15, v6;
	v26 =	vor.u32 v15, v4;
	v13 =	vld.idx.msk [tilespmem:v18+s13+$0x0], $0xffff;
	v18 =	vor.u32 v15, v3  }
0x1e0: {  	s5 =	sshll.u32 s7, $0xA;
	s7 =	sand.u32 $0x3000, s22;
	v27 =	vor.u32 v9, v15;
	v28 =	vor.u32 v15, v8;
	v15 =	vor.u32 v15, v5;
	v19 =	vld.idx.msk [tilespmem:v19+s13+$0x0], $0xffff  }
0x1e1: {  	s10 =	sor.u32 $0x20, s29;
	s6 =	sadd.s32 s5, s6;
	s5 =	sadd.s32 s5, s7;
	v17 =	vld.idx.msk [tilespmem:v17+s13+$0x0], $0xffff;
	[tilespmem:s1+$0xE6F0] =	vst v12  }
0x1e2: {  	v12 =	vmov s10;
	v20 =	vld.idx.msk [tilespmem:v20+s13+$0x0], $0xffff;
	[tilespmem:s5+$0xE780] =	vst v21  }
0x1e3: {  	v12 =	vshll.u32 v12, $0x5;
	v21 =	vld.idx.msk [tilespmem:v24+s13+$0x0], $0xffff;
	[tilespmem:s1+$0xE770] =	vst v11;
	s1 =	smov.u32 s5  }
0x1e4: {  	v11 =	vor.u32 v0, v12;
	v12 =	vld.idx.msk [tilespmem:v16+s13+$0x0], $0xffff;
	[tilespmem:s19+$0xE470] =	vst v10;
	s19 =	smov.u32 s6  }
0x1e5: {  	v10 =	vor.u32 v11, v7;
	v16 =	vor.u32 v11, v2;
	[tilespmem:s1+$0xE480] =	vst v13;
	v13 =	vld.idx.msk [tilespmem:v22+s13+$0x0], $0xffff  }
0x1e6: {  	v22 =	vor.u32 v11, v6;
	v14 =	vld.idx.msk [tilespmem:v14+s13+$0x0], $0xffff;
	[tilespmem:s1+$0xE500] =	vst v19;
	v19 =	vor.u32 v11, v3  }
0x1e7: {  	v24 =	vor.u32 v11, v8;
	v23 =	vld.idx.msk [tilespmem:v23+s13+$0x0], $0xffff;
	[tilespmem:s1+$0xE580] =	vst v17;
	v17 =	vor.u32 v11, v4  }
0x1e8: {  	s5 =	sor.u32 $0x30, s29;
	v29 =	vor.u32 v9, v11;
	v11 =	vor.u32 v11, v5;
	v18 =	vld.idx.msk [tilespmem:v18+s13+$0x0], $0xffff;
	[tilespmem:s1+$0xE600] =	vst v20  }
0x1e9: {  	v20 =	vmov s5;
	v25 =	vld.idx.msk [tilespmem:v25+s13+$0x0], $0xffff;
	[tilespmem:s1+$0xE790] =	vst v21  }
0x1ea: {  	v20 =	vshll.u32 v20, $0x5;
	[tilespmem:s1+$0xE680] =	vst v12;
	v12 =	vld.idx.msk [tilespmem:v16+s13+$0x0], $0xffff  }
0x1eb: {  	v16 =	vor.u32 v0, v20;
	v20 =	vld.idx.msk [tilespmem:v26+s13+$0x0], $0xffff;
	[tilespmem:s1+$0xE700] =	vst v13  }
0x1ec: {  	v13 =	vor.u32 v16, v7;
	v21 =	vor.u32 v16, v2;
	[tilespmem:s19+$0xE400] =	vst v14;
	v14 =	vld.idx.msk [tilespmem:v28+s13+$0x0], $0xffff  }
0x1ed: {  	v26 =	vor.u32 v16, v6;
	[tilespmem:s1+$0xE490] =	vst v23;
	v23 =	vor.u32 v16, v3;
	v15 =	vld.idx.msk [tilespmem:v15+s13+$0x0], $0xffff  }
0x1ee: {  	v28 =	vor.u32 v16, v8;
	v27 =	vld.idx.msk [tilespmem:v27+s13+$0x0], $0xffff;
	[tilespmem:s1+$0xE510] =	vst v18;
	v18 =	vor.u32 v16, v4  }
0x1ef: {  	s5 =	sor.u32 $0x40, s29;
	v30 =	vor.u32 v9, v16;
	v16 =	vor.u32 v16, v5;
	v10 =	vld.idx.msk [tilespmem:v10+s13+$0x0], $0xffff;
	[tilespmem:s1+$0xE590] =	vst v25  }
0x1f0: {  	v25 =	vmov s5;
	v19 =	vld.idx.msk [tilespmem:v19+s13+$0x0], $0xffff;
	[tilespmem:s1+$0xE7A0] =	vst v12  }
0x1f1: {  	v12 =	vshll.u32 v25, $0x5;
	[tilespmem:s1+$0xE610] =	vst v20;
	v20 =	vld.idx.msk [tilespmem:v21+s13+$0x0], $0xffff  }
0x1f2: {  	v12 =	vor.u32 v0, v12;
	v21 =	vld.idx.msk [tilespmem:v22+s13+$0x0], $0xffff;
	[tilespmem:s1+$0xE690] =	vst v14  }
0x1f3: {  	v14 =	vor.u32 v12, v7;
	v17 =	vld.idx.msk [tilespmem:v17+s13+$0x0], $0xffff;
	[tilespmem:s1+$0xE710] =	vst v15;
	v15 =	vor.u32 v12, v2  }
0x1f4: {  	v22 =	vor.u32 v12, v3;
	v25 =	vor.u32 v12, v6;
	[tilespmem:s19+$0xE410] =	vst v27;
	v24 =	vld.idx.msk [tilespmem:v24+s13+$0x0], $0xffff  }
0x1f5: {  	v27 =	vor.u32 v12, v8;
	[tilespmem:s1+$0xE4A0] =	vst v10;
	v10 =	vor.u32 v12, v4;
	v11 =	vld.idx.msk [tilespmem:v11+s13+$0x0], $0xffff  }
0x1f6: {  	s5 =	sor.u32 $0x50, s29;
	v31 =	vor.u32 v9, v12;
	v29 =	vld.idx.msk [tilespmem:v29+s13+$0x0], $0xffff;
	[tilespmem:s1+$0xE520] =	vst v19;
	v19 =	vor.u32 v12, v5  }
0x1f7: {  	v12 =	vmov s5;
	v13 =	vld.idx.msk [tilespmem:v13+s13+$0x0], $0xffff;
	[tilespmem:s1+$0xE7B0] =	vst v20  }
0x1f8: {  	v12 =	vshll.u32 v12, $0x5;
	[tilespmem:s1+$0xE5A0] =	vst v21;
	v15 =	vld.idx.msk [tilespmem:v15+s13+$0x0], $0xffff  }
0x1f9: {  	v12 =	vor.u32 v0, v12;
	v20 =	vld.idx.msk [tilespmem:v23+s13+$0x0], $0xffff;
	[tilespmem:s1+$0xE620] =	vst v17  }
0x1fa: {  	v21 =	vor.u32 v12, v7;
	v23 =	vor.u32 v12, v2;
	v17 =	vld.idx.msk [tilespmem:v26+s13+$0x0], $0xffff;
	[tilespmem:s1+$0xE6A0] =	vst v24  }
0x1fb: {  	v24 =	vor.u32 v12, v3;
	v26 =	vor.u32 v12, v6;
	v18 =	vld.idx.msk [tilespmem:v18+s13+$0x0], $0xffff;
	[tilespmem:s1+$0xE720] =	vst v11  }
0x1fc: {  	[tilespmem:s19+$0xE420] =	vst v29;
	v29 =	vor.u32 v12, v4;
	v11 =	vld.idx.msk [tilespmem:v28+s13+$0x0], $0xffff;
	v28 =	vor.u32 v12, v8  }
0x1fd: {  	s5 =	sor.u32 $0x60, s29;
	v32 =	vor.u32 v9, v12;
	v33 =	vor.u32 v12, v5;
	[tilespmem:s1+$0xE4B0] =	vst v13;
	v16 =	vld.idx.msk [tilespmem:v16+s13+$0x0], $0xffff  }
0x1fe: {  	v12 =	vmov s5;
	v30 =	vld.idx.msk [tilespmem:v30+s13+$0x0], $0xffff;
	[tilespmem:s1+$0xE7C0] =	vst v15  }
0x1ff: {  	v12 =	vshll.u32 v12, $0x5;
	[tilespmem:s1+$0xE530] =	vst v20;
	v15 =	vld.idx.msk [tilespmem:v23+s13+$0x0], $0xffff  }
0x200: {  	v20 =	vor.u32 v0, v12;
	v23 =	vld.idx.msk [tilespmem:v14+s13+$0x0], $0xffff;
	[tilespmem:s1+$0xE5B0] =	vst v17  }
0x201: {  	v34 =	vor.u32 v20, v7;
	v35 =	vor.u32 v20, v2;
	v22 =	vld.idx.msk [tilespmem:v22+s13+$0x0], $0xffff;
	[tilespmem:s1+$0xE630] =	vst v18  }
0x202: {  	v17 =	vor.u32 v20, v6;
	v18 =	vor.u32 v20, v3;
	v25 =	vld.idx.msk [tilespmem:v25+s13+$0x0], $0xffff;
	[tilespmem:s1+$0xE6B0] =	vst v11  }
0x203: {  	v13 =	vor.u32 v20, v4;
	v12 =	vor.u32 v20, v8;
	v10 =	vld.idx.msk [tilespmem:v10+s13+$0x0], $0xffff;
	[tilespmem:s1+$0xE730] =	vst v16  }
0x204: {  	s5 =	sor.u32 $0x70, s29;
	v14 =	vor.u32 v20, v5;
	v11 =	vor.u32 v9, v20;
	[tilespmem:s19+$0xE430] =	vst v30;
	v27 =	vld.idx.msk [tilespmem:v27+s13+$0x0], $0xffff  }
0x205: {  	v16 =	vmov s5;
	v20 =	vld.idx.msk [tilespmem:v19+s13+$0x0], $0xffff;
	[tilespmem:s1+$0xE7D0] =	vst v15  }
0x206: {  	v15 =	vshll.u32 v16, $0x5;
	[tilespmem:s1+$0xE4C0] =	vst v23;
	v23 =	vld.idx.msk [tilespmem:v35+s13+$0x0], $0xffff  }
0x207: {  	v30 =	vld.idx.msk [tilespmem:v31+s13+$0x0], $0xffff;
	v31 =	vor.u32 v0, v15;
	[tilespmem:s1+$0xE540] =	vst v22  }
0x208: {  	v22 =	vld.idx.msk [tilespmem:v21+s13+$0x0], $0xffff;
	v15 =	vor.u32 v31, v7;
	[tilespmem:s1+$0xE5C0] =	vst v25;
	v2 =	vor.u32 v31, v2  }
0x209: {  	v16 =	vor.u32 v31, v3;
	v3 =	vor.u32 v31, v6;
	v7 =	vld.idx.msk [tilespmem:v24+s13+$0x0], $0xffff;
	[tilespmem:s1+$0xE640] =	vst v10  }
0x20a: {  	v4 =	vor.u32 v31, v4;
	v8 =	vor.u32 v31, v8;
	v6 =	vld.idx.msk [tilespmem:v26+s13+$0x0], $0xffff;
	[tilespmem:s1+$0xE6C0] =	vst v27  }
0x20b: {  	v10 =	vor.u32 v9, v31;
	v9 =	vor.u32 v31, v5;
	v19 =	vld.idx.msk [tilespmem:v29+s13+$0x0], $0xffff;
	[tilespmem:s1+$0xE740] =	vst v20  }
.Ltmp2:
0x20c: {  	v20 =	vld.idx.msk [tilespmem:v28+s13+$0x0], $0xffff;
	[tilespmem:s1+$0xE7E0] =	vst v23;
	(pc) =	sbr.rel @p0 .LBB2_7-.Ltmp2, $4  }
0x20d: {  	[tilespmem:s19+$0xE440] =	vst v30;
	v21 =	vld.idx.msk [tilespmem:v2+s13+$0x0], $0xffff  }
0x20e: {  	[tilespmem:s1+$0xE4D0] =	vst v22;
	v22 =	vld.idx.msk [tilespmem:v33+s13+$0x0], $0xffff  }
0x20f: {  	v5 =	vld.idx.msk [tilespmem:v32+s13+$0x0], $0xffff;
	[tilespmem:s1+$0xE550] =	vst v7  }
0x210: {  	v2 =	vld.idx.msk [tilespmem:v34+s13+$0x0], $0xffff;
	[tilespmem:s1+$0xE5D0] =	vst v6  }
0x211: {  	_ =	sdelay $0x2  }
0x212: {  	[tilespmem:s1+$0xE650] =	vst v19  }
0x213: {  	v6 =	vld.idx.msk [tilespmem:v18+s13+$0x0], $0xffff;
	[tilespmem:s1+$0xE6D0] =	vst v20  }
0x214: {  	v7 =	vld.idx.msk [tilespmem:v17+s13+$0x0], $0xffff;
	[tilespmem:s1+$0xE7F0] =	vst v21  }
0x215: {  	v13 =	vld.idx.msk [tilespmem:v13+s13+$0x0], $0xffff;
	[tilespmem:s1+$0xE750] =	vst v22  }
0x216: {  	v12 =	vld.idx.msk [tilespmem:v12+s13+$0x0], $0xffff;
	[tilespmem:s19+$0xE450] =	vst v5  }
0x217: {  	v5 =	vld.idx.msk [tilespmem:v14+s13+$0x0], $0xffff;
	[tilespmem:s1+$0xE4E0] =	vst v2  }
0x218: {  	v44 =	vld.idx.msk [tilespmem:v11+s13+$0x0], $0xffff;
	[tilespmem:s1+$0xE560] =	vst v6  }
0x219: {  	v6 =	vld.idx.msk [tilespmem:v15+s13+$0x0], $0xffff;
	[tilespmem:s1+$0xE5E0] =	vst v7  }
0x21a: {  	v7 =	vld.idx.msk [tilespmem:v16+s13+$0x0], $0xffff;
	[tilespmem:s1+$0xE660] =	vst v13  }
0x21b: {  	v3 =	vld.idx.msk [tilespmem:v3+s13+$0x0], $0xffff;
	[tilespmem:s1+$0xE6E0] =	vst v12  }
0x21c: {  	v4 =	vld.idx.msk [tilespmem:v4+s13+$0x0], $0xffff;
	[tilespmem:s1+$0xE760] =	vst v5  }
0x21d: {  	v5 =	vld.idx.msk [tilespmem:v8+s13+$0x0], $0xffff;
	[tilespmem:s19+$0xE460] =	vst v44  }
0x21e: {  	v45 =	vld.idx.msk [tilespmem:v9+s13+$0x0], $0xffff;
	[tilespmem:s1+$0xE4F0] =	vst v6  }
0x21f: {  	s29 =	sshll.u32 s28, $0x1;
	v6 =	vld.idx.msk [tilespmem:v10+s13+$0x0], $0xffff;
	[tilespmem:s1+$0xE570] =	vst v7  }
0x220: {  	s0 =	sadd.s32 s29, s8;
	[tilespmem:s1+$0xE5F0] =	vst v3  }
0x221: {  	s11 =	simm.s32 $0x0;
	s5 =	sshll.u32 s0, $0x9;
	[tilespmem:s1+$0xE670] =	vst v4  }
0x222: {  	s3 =	simm.s32 $0xE400;
	s0 =	sshll.u32 s0, $0xB;
	s5 =	sand.u32 $0xC00, s5;
	[tilespmem:s1+$0xE6F0] =	vst v5  }
0x223: {  	s18 =	sand.u32 $0x18, s11;
	s0 =	sand.u32 $0xFFFC000, s0;
	s10 =	sadd.s32 s2, s5;
	[tilespmem:s1+$0xE770] =	vst v45  }
0x224: {  	s22 =	simm.s32 $0x0;
	v46 =	vmov s18;
	s1 =	sadd.s32 s0, s10;
	[tilespmem:s19+$0xE470] =	vst v6;
	s19 =	smin.u32 s29, $0x2D  }
0x225: {  	v2 =	vshrl.u32 v46, $0x3;
	[hbm4b:s1+s16] =	stream.strided.scatter [tilespmem:s3], [sflag:$0x3], $0x4000, s17, s16, $0x38;
	[tilespmem:$0x16400] =	vst v63  }
0x226: {  	v47 =	vmov s22;
	v2 =	vshll.u32 v2, v1;
	s1 =	sshll.u32 s19, $0x9  }
0x227: {  	v3 =	vshll.u32 v47, $0x5;
	v4 =	vor.u32 $0x1, v2;
	s1 =	sadd.s32 $0x800, s1  }
0x228: {  	v7 =	vor.u32 $0x6, v2;
	v17 =	vbroadcast v4, $0x0;
	v4 =	vor.u32 $0x7, v2;
	[tilespmem:s13], [sflag:$0x1] =	stream.indirect.gather [hbm4b:s4+s12], $0x20, s1, s12, $0xb8;
	[tilespmem:$0x16400] =	vst v63  }
0x229: {  	v3 =	vor.u32 v0, v3;
	v5 =	vor.u32 $0x2, v2;
	v16 =	vbroadcast v4, $0x0;
	_ =	swait.ge [sflag:s20], $0x4000  }
0x22a: {  	v10 =	vbroadcast v5, $0x0;
	v4 =	vor.u32 $0x4, v2;
	v5 =	vor.u32 v3, v17;
	[sflag:s20] =	ssyncset.done $0x0  }
0x22b: {  	v6 =	vor.u32 $0x3, v2;
	v20 =	vbroadcast v4, $0x0;
	v4 =	vor.u32 v3, v16;
	[sflag:s20] =	ssyncadd.s32 $0xFFFFC000  }
0x22c: {  	v11 =	vbroadcast v7, $0x0;
	v18 =	vbroadcast v6, $0x0;
	v6 =	vor.u32 v3, v10;
	_ =	swait.ge [sflag:s24], $0x4000  }
0x22d: {  	v8 =	vor.u32 v3, v20;
	[sflag:s24] =	ssyncset.done $0x0  }
0x22e: {  	s21 =	sor.u32 $0x10, s22;
	v21 =	vbroadcast v2, $0x0;
	v12 =	vor.u32 v3, v11;
	v2 =	vor.u32 $0x5, v2;
	[sflag:s24] =	ssyncadd.s32 $0xFFFFC000  }
0x22f: {  	v9 =	vmov s21;
	v19 =	vbroadcast v2, $0x0;
	v7 =	vor.u32 v3, v18;
	v5 =	vld.idx.msk [tilespmem:v5+s14+$0x0], $0xffff  }
0x230: {  	v9 =	vshll.u32 v9, $0x5;
	v13 =	vor.u32 v21, v3;
	v4 =	vld.idx.msk [tilespmem:v4+s14+$0x0], $0xffff  }
0x231: {  	s25 =	simm.s32 $0x0;
	v9 =	vor.u32 v0, v9;
	v3 =	vor.u32 v3, v19;
	v48 =	vld.idx.msk [tilespmem:v6+s14+$0x0], $0xffff  }
0x232: {  	s1 =	sand.u32 $0x3000, s25;
	v6 =	vor.u32 v9, v16;
	v8 =	vld.idx.msk [tilespmem:v8+s14+$0x0], $0xffff  }
0x233: {  	v14 =	vor.u32 v9, v10;
	s1 =	sadd.s32 $0x0, s1;
	v12 =	vld.idx.msk [tilespmem:v12+s14+$0x0], $0xffff  }
0x234: {  	v22 =	vor.u32 v9, v17;
	s3 =	sor.u32 $0x20, s22;
	s30 =	sadd.s32 $0x12400, s1;
	v7 =	vld.idx.msk [tilespmem:v7+s14+$0x0], $0xffff  }
0x235: {  	v23 =	vor.u32 v9, v11;
	v15 =	vmov s3;
	v13 =	vld.idx.msk [tilespmem:v13+s14+$0x0], $0xffff;
	[tilespmem:s30+$0x380] =	vst v4  }
0x236: {  	v15 =	vshll.u32 v15, $0x5;
	v3 =	vld.idx.msk [tilespmem:v3+s14+$0x0], $0xffff;
	v4 =	vor.u32 v9, v20;
	[tilespmem:s30+$0x100] =	vst v48  }
0x237: {  	v49 =	vor.u32 v0, v15;
	[tilespmem:s30+$0x80] =	vst v5;
	v5 =	vor.u32 v9, v18;
	v6 =	vld.idx.msk [tilespmem:v6+s14+$0x0], $0xffff  }
0x238: {  	s0 =	sshll.u32 s18, $0x9;
	v15 =	vor.u32 v49, v16;
	[tilespmem:s30+$0x300] =	vst v12;
	v14 =	vld.idx.msk [tilespmem:v14+s14+$0x0], $0xffff  }
0x239: {  	v24 =	vor.u32 v21, v9;
	s0 =	sadd.s32 $0x0, s0;
	[tilespmem:s30+$0x200] =	vst v8;
	v12 =	vld.idx.msk [tilespmem:v22+s14+$0x0], $0xffff  }
0x23a: {  	v8 =	vor.u32 v49, v10;
	[tilespmem:s0+$0x12400] =	vst v13;
	v23 =	vld.idx.msk [tilespmem:v23+s14+$0x0], $0xffff  }
0x23b: {  	[tilespmem:s30+$0x180] =	vst v7;
	v4 =	vld.idx.msk [tilespmem:v4+s14+$0x0], $0xffff  }
0x23c: {  	s6 =	sor.u32 $0x30, s22;
	v25 =	vor.u32 v49, v17;
	v5 =	vld.idx.msk [tilespmem:v5+s14+$0x0], $0xffff;
	[tilespmem:s30+$0x390] =	vst v6  }
0x23d: {  	v9 =	vor.u32 v9, v19;
	[tilespmem:s30+$0x280] =	vst v3;
	v22 =	vmov s6;
	v13 =	vld.idx.msk [tilespmem:v15+s14+$0x0], $0xffff  }
0x23e: {  	v22 =	vshll.u32 v22, $0x5;
	v6 =	vor.u32 v49, v11;
	[tilespmem:s30+$0x110] =	vst v14;
	v15 =	vld.idx.msk [tilespmem:v24+s14+$0x0], $0xffff  }
0x23f: {  	v22 =	vor.u32 v0, v22;
	[tilespmem:s30+$0x90] =	vst v12;
	v24 =	vor.u32 v49, v18;
	v8 =	vld.idx.msk [tilespmem:v8+s14+$0x0], $0xffff  }
0x240: {  	v7 =	vor.u32 v22, v16;
	[tilespmem:s30+$0x310] =	vst v23  }
0x241: {  	v14 =	vor.u32 v21, v49;
	v25 =	vld.idx.msk [tilespmem:v25+s14+$0x0], $0xffff;
	[tilespmem:s30+$0x190] =	vst v5  }
0x242: {  	v26 =	vor.u32 v22, v10;
	[tilespmem:s30+$0x210] =	vst v4;
	v4 =	vld.idx.msk [tilespmem:v9+s14+$0x0], $0xffff  }
0x243: {  	v6 =	vld.idx.msk [tilespmem:v6+s14+$0x0], $0xffff;
	[tilespmem:s30+$0x3A0] =	vst v13  }
0x244: {  	s31 =	sadd.s32 $0x12400, s0;
	[tilespmem:s30+$0x120] =	vst v8;
	v8 =	vld.idx.msk [tilespmem:v24+s14+$0x0], $0xffff  }
0x245: {  	s7 =	sor.u32 $0x40, s22;
	v2 =	vor.u32 v49, v19;
	[tilespmem:s31+$0x10] =	vst v15;
	v7 =	vld.idx.msk [tilespmem:v7+s14+$0x0], $0xffff  }
0x246: {  	v50 =	vor.u32 v22, v18;
	v12 =	vmov s7;
	v14 =	vld.idx.msk [tilespmem:v14+s14+$0x0], $0xffff  }
0x247: {  	v12 =	vshll.u32 v12, $0x5;
	[tilespmem:s30+$0xA0] =	vst v25;
	v24 =	vld.idx.msk [tilespmem:v26+s14+$0x0], $0xffff;
	v26 =	vor.u32 v22, v11  }
0x248: {  	s1 =	simm.s32 $0x8;
	v13 =	vor.u32 v0, v12;
	v15 =	vor.u32 v21, v22;
	[tilespmem:s30+$0x290] =	vst v4  }
0x249: {  	s7 =	sand.u32 $0x18, s1;
	v5 =	vor.u32 v13, v16;
	[tilespmem:s30+$0x320] =	vst v6  }
0x24a: {  	v23 =	vor.u32 v49, v20;
	v6 =	vmov s7;
	v25 =	vld.idx.msk [tilespmem:v2+s14+$0x0], $0xffff;
	[tilespmem:s30+$0x1A0] =	vst v8  }
0x24b: {  	s10 =	sor.u32 $0x50, s22;
	v6 =	vshrl.u32 v6, $0x3;
	[tilespmem:s30+$0x3B0] =	vst v7;
	v7 =	vor.u32 v22, v17;
	v3 =	vld.idx.msk [tilespmem:v50+s14+$0x0], $0xffff  }
0x24c: {  	v12 =	vmov s10;
	[tilespmem:s31+$0x20] =	vst v14;
	v4 =	vld.idx.msk [tilespmem:v26+s14+$0x0], $0xffff;
	v27 =	vshll.u32 v6, v1;
	v6 =	vor.u32 v22, v19  }
0x24d: {  	v9 =	vshll.u32 v12, $0x5;
	v8 =	vld.idx.msk [tilespmem:v15+s14+$0x0], $0xffff;
	v15 =	vor.u32 v13, v18  }
0x24e: {  	v12 =	vor.u32 v0, v9;
	v26 =	vor.u32 v13, v11;
	v5 =	vld.idx.msk [tilespmem:v5+s14+$0x0], $0xffff  }
0x24f: {  	v23 =	vld.idx.msk [tilespmem:v23+s14+$0x0], $0xffff;
	v9 =	vor.u32 v12, v16;
	[tilespmem:s30+$0x2A0] =	vst v25  }
0x250: {  	s6 =	simm.s32 $0x0;
	v14 =	vor.u32 v21, v13;
	v7 =	vld.idx.msk [tilespmem:v7+s14+$0x0], $0xffff;
	[tilespmem:s30+$0x1B0] =	vst v3  }
0x251: {  	v51 =	vmov s6;
	v29 =	vor.u32 v13, v17;
	v32 =	vor.u32 v12, v11;
	[tilespmem:s30+$0x330] =	vst v4;
	v31 =	vld.idx.msk [tilespmem:v6+s14+$0x0], $0xffff  }
0x252: {  	v22 =	vor.u32 v22, v20;
	v28 =	vor.u32 $0x1, v27;
	[tilespmem:s31+$0x30] =	vst v8;
	v8 =	vor.u32 v13, v10;
	v15 =	vld.idx.msk [tilespmem:v15+s14+$0x0], $0xffff  }
0x253: {  	v61 =	vbroadcast v28, $0x0;
	v6 =	vor.u32 $0x6, v27;
	[tilespmem:s30+$0x3C0] =	vst v5;
	v5 =	vshll.u32 v51, $0x5;
	v25 =	vld.idx.msk [tilespmem:v26+s14+$0x0], $0xffff  }
0x254: {  	[tilespmem:s30+$0x220] =	vst v23;
	v52 =	vor.u32 $0x2, v27;
	v3 =	vbroadcast v6, $0x0;
	v28 =	vld.idx.msk [tilespmem:v9+s14+$0x0], $0xffff;
	v30 =	vor.u32 v0, v5  }
0x255: {  	v4 =	vor.u32 $0x3, v27;
	v9 =	vld.idx.msk [tilespmem:v14+s14+$0x0], $0xffff;
	v5 =	vbroadcast v52, $0x0;
	v14 =	vor.u32 v30, v61;
	[tilespmem:s30+$0xB0] =	vst v7  }
0x256: {  	[tilespmem:s30+$0x130] =	vst v24;
	v2 =	vbroadcast v4, $0x0;
	v35 =	vor.u32 v30, v3;
	v24 =	vld.idx.msk [tilespmem:v29+s14+$0x0], $0xffff  }
0x257: {  	v53 =	vor.u32 $0x4, v27;
	v26 =	vor.u32 v30, v5;
	v29 =	vld.idx.msk [tilespmem:v8+s14+$0x0], $0xffff;
	[tilespmem:s30+$0x1C0] =	vst v15  }
0x258: {  	v33 =	vor.u32 v30, v2;
	v7 =	vbroadcast v53, $0x0;
	v15 =	vld.idx.msk [tilespmem:v22+s14+$0x0], $0xffff;
	[tilespmem:s30+$0x340] =	vst v25  }
0x259: {  	s11 =	sor.u32 $0x10, s6;
	v34 =	vor.u32 v12, v10;
	[tilespmem:s30+$0x2B0] =	vst v31;
	v22 =	vor.u32 v13, v19;
	v32 =	vld.idx.msk [tilespmem:v32+s14+$0x0], $0xffff  }
0x25a: {  	v4 =	vbroadcast v27, $0x0;
	v8 =	vmov s11;
	v23 =	vor.u32 v30, v7;
	[tilespmem:s31+$0x40] =	vst v9;
	v14 =	vld.idx.msk [tilespmem:v14+s14+$0x0], $0xffff  }
0x25b: {  	v25 =	vor.u32 $0x7, v27;
	v9 =	vor.u32 $0x5, v27;
	v27 =	vshll.u32 v8, $0x5;
	[tilespmem:s30+$0x3D0] =	vst v28;
	v54 =	vld.idx.msk [tilespmem:v35+s14+$0x0], $0xffff  }
0x25c: {  	s19 =	simm.s32 $0x1000;
	v13 =	vor.u32 v13, v20;
	v27 =	vor.u32 v0, v27;
	v26 =	vld.idx.msk [tilespmem:v26+s14+$0x0], $0xffff;
	[tilespmem:s30+$0xC0] =	vst v24  }
0x25d: {  	s18 =	sand.u32 $0x3000, s19;
	v50 =	vbroadcast v9, $0x0;
	v9 =	vbroadcast v25, $0x0;
	v25 =	vor.u32 v27, v5;
	[tilespmem:s30+$0x140] =	vst v29;
	v29 =	vld.idx.msk [tilespmem:v33+s14+$0x0], $0xffff  }
0x25e: {  	s0 =	sadd.s32 $0x0, s18;
	v24 =	vor.u32 v4, v30;
	[tilespmem:s30+$0x230] =	vst v15;
	v22 =	vld.idx.msk [tilespmem:v22+s14+$0x0], $0xffff  }
0x25f: {  	s0 =	sadd.s32 $0x12400, s0;
	v31 =	vor.u32 v30, v50;
	v23 =	vld.idx.msk [tilespmem:v23+s14+$0x0], $0xffff;
	[tilespmem:s30+$0x350] =	vst v32  }
0x260: {  	s21 =	sor.u32 $0x60, s22;
	v15 =	vor.u32 v30, v9;
	v30 =	vld.idx.msk [tilespmem:v34+s14+$0x0], $0xffff;
	[tilespmem:s0+$0x300] =	vst v54  }
0x261: {  	v28 =	vmov s21;
	v58 =	vor.u32 v27, v7;
	v13 =	vld.idx.msk [tilespmem:v13+s14+$0x0], $0xffff;
	[tilespmem:s0+$0x100] =	vst v26  }
0x262: {  	s25 =	sor.u32 $0x20, s6;
	[tilespmem:s0+$0x80] =	vst v14;
	v26 =	vshll.u32 v28, $0x5;
	v28 =	vor.u32 v27, v61;
	v25 =	vld.idx.msk [tilespmem:v25+s14+$0x0], $0xffff  }
0x263: {  	v57 =	vmov s25;
	v59 =	vor.u32 v27, v2;
	v26 =	vor.u32 v0, v26;
	v24 =	vld.idx.msk [tilespmem:v24+s14+$0x0], $0xffff;
	[tilespmem:s30+$0x2C0] =	vst v22  }
0x264: {  	v14 =	vshll.u32 v57, $0x5;
	v31 =	vld.idx.msk [tilespmem:v31+s14+$0x0], $0xffff;
	v56 =	vor.u32 v26, v16;
	[tilespmem:s0+$0x180] =	vst v29  }
0x265: {  	v36 =	vor.u32 v0, v14;
	v15 =	vld.idx.msk [tilespmem:v15+s14+$0x0], $0xffff;
	[tilespmem:s0+$0x200] =	vst v23;
	v23 =	vor.u32 v27, v3  }
0x266: {  	s7 =	sshll.u32 s7, $0x9;
	v22 =	vor.u32 v36, v5;
	[tilespmem:s30+$0x150] =	vst v30;
	v29 =	vld.idx.msk [tilespmem:v58+s14+$0x0], $0xffff  }
0x267: {  	s3 =	sadd.s32 $0x0, s7;
	v62 =	vor.u32 v4, v27;
	v14 =	vld.idx.msk [tilespmem:v28+s14+$0x0], $0xffff;
	[tilespmem:s0+$0x110] =	vst v25  }
0x268: {  	v60 =	vld.idx.msk [tilespmem:v59+s14+$0x0], $0xffff;
	[tilespmem:s3+$0x12400] =	vst v24;
	v24 =	vor.u32 v27, v9  }
0x269: {  	v25 =	vor.u32 v26, v10;
	[tilespmem:s0+$0x280] =	vst v31;
	v28 =	vld.idx.msk [tilespmem:v56+s14+$0x0], $0xffff  }
0x26a: {  	s10 =	sor.u32 $0x30, s6;
	v55 =	vor.u32 v12, v18;
	[tilespmem:s0+$0x380] =	vst v15;
	v23 =	vld.idx.msk [tilespmem:v23+s14+$0x0], $0xffff  }
0x26b: {  	v31 =	vor.u32 v36, v61;
	v15 =	vmov s10;
	v22 =	vld.idx.msk [tilespmem:v22+s14+$0x0], $0xffff;
	[tilespmem:s0+$0x210] =	vst v29  }
0x26c: {  	s11 =	sor.u32 $0x70, s22;
	v33 =	vld.idx.msk [tilespmem:v62+s14+$0x0], $0xffff;
	v29 =	vor.u32 v26, v11;
	[tilespmem:s0+$0x90] =	vst v14;
	v14 =	vshll.u32 v15, $0x5  }
0x26d: {  	[tilespmem:s30+$0x240] =	vst v13;
	v15 =	vor.u32 v36, v3;
	v63 =	vor.u32 v0, v14;
	v14 =	vld.idx.msk [tilespmem:v24+s14+$0x0], $0xffff;
	v24 =	vmov s11  }
0x26e: {  	v25 =	vld.idx.msk [tilespmem:v25+s14+$0x0], $0xffff;
	[tilespmem:s30+$0x3E0] =	vst v28;
	v28 =	vor.u32 v63, v5;
	v24 =	vshll.u32 v24, $0x5  }
0x26f: {  	v34 =	vld.idx.msk [tilespmem:v55+s14+$0x0], $0xffff;
	[tilespmem:s0+$0x310] =	vst v23;
	v23 =	vor.u32 v36, v7;
	v39 =	vor.u32 v0, v24  }
0x270: {  	[tilespmem:s0+$0x190] =	vst v60;
	v31 =	vld.idx.msk [tilespmem:v31+s14+$0x0], $0xffff;
	v10 =	vor.u32 v39, v10  }
0x271: {  	s22 =	sadd.s32 $0x12400, s3;
	v27 =	vor.u32 v27, v50;
	[tilespmem:s0+$0x120] =	vst v22;
	v29 =	vld.idx.msk [tilespmem:v29+s14+$0x0], $0xffff  }
0x272: {  	v30 =	vor.u32 v36, v2;
	[tilespmem:s22+$0x10] =	vst v33;
	v15 =	vld.idx.msk [tilespmem:v15+s14+$0x0], $0xffff  }
0x273: {  	v22 =	vor.u32 v21, v12;
	[tilespmem:s30+$0x160] =	vst v25;
	v28 =	vld.idx.msk [tilespmem:v28+s14+$0x0], $0xffff  }
0x274: {  	[tilespmem:s0+$0x390] =	vst v14;
	v14 =	vor.u32 v12, v19;
	v23 =	vld.idx.msk [tilespmem:v23+s14+$0x0], $0xffff  }
0x275: {  	v25 =	vor.u32 v12, v20;
	[tilespmem:s0+$0xA0] =	vst v31;
	v47 =	vld.idx.msk [tilespmem:v10+s14+$0x0], $0xffff  }
0x276: {  	s18 =	sor.u32 $0x50, s6;
	v27 =	vld.idx.msk [tilespmem:v27+s14+$0x0], $0xffff;
	v31 =	vor.u32 v36, v9;
	[tilespmem:s30+$0x360] =	vst v29  }
0x277: {  	v24 =	vld.idx.msk [tilespmem:v30+s14+$0x0], $0xffff;
	v30 =	vmov s18;
	[tilespmem:s0+$0x320] =	vst v15  }
0x278: {  	v48 =	vld.idx.msk [tilespmem:v22+s14+$0x0], $0xffff;
	v10 =	vshll.u32 v30, $0x5;
	v30 =	vor.u32 v63, v61;
	[tilespmem:s0+$0x130] =	vst v28  }
0x279: {  	v22 =	vor.u32 v0, v10;
	v38 =	vld.idx.msk [tilespmem:v14+s14+$0x0], $0xffff;
	[tilespmem:s0+$0x220] =	vst v23  }
0x27a: {  	v37 =	vor.u32 v12, v17;
	v6 =	vmov v0;
	v25 =	vld.idx.msk [tilespmem:v25+s14+$0x0], $0xffff;
	v0 =	vor.u32 v4, v22;
	[tilespmem:s30+$0x170] =	vst v47  }
0x27b: {  	v31 =	vld.idx.msk [tilespmem:v31+s14+$0x0], $0xffff;
	v28 =	vor.u32 v63, v2;
	[tilespmem:$0x1FF60] =	vst v0  }
0x27c: {  	v49 =	vor.u32 v39, v11;
	v54 =	vor.u32 v22, v50;
	[tilespmem:s0+$0x1A0] =	vst v24  }
0x27d: {  	v55 =	vor.u32 v4, v36;
	v30 =	vld.idx.msk [tilespmem:v30+s14+$0x0], $0xffff;
	[tilespmem:$0x1FF70] =	vst v54  }
0x27e: {  	v29 =	vor.u32 v26, v19;
	[tilespmem:s30+$0x2D0] =	vst v38  }
0x27f: {  	v40 =	vor.u32 v26, v20;
	v57 =	vor.u32 v21, v26;
	v42 =	vld.idx.msk [tilespmem:v37+s14+$0x0], $0xffff;
	[tilespmem:s30+$0x250] =	vst v25  }
0x280: {  	v56 =	vor.u32 v26, v18;
	v41 =	vor.u32 v63, v9;
	v28 =	vld.idx.msk [tilespmem:v28+s14+$0x0], $0xffff;
	[tilespmem:s30+$0x1D0] =	vst v34  }
0x281: {  	v45 =	vor.u32 v4, v63;
	v58 =	vor.u32 v39, v16;
	[tilespmem:s0+$0x3A0] =	vst v31;
	v31 =	vld.idx.msk [tilespmem:v49+s14+$0x0], $0xffff  }
0x282: {  	v60 =	vor.u32 v39, v19;
	v21 =	vor.u32 v21, v39;
	[tilespmem:s0+$0x290] =	vst v27;
	v47 =	vld.idx.msk [tilespmem:v55+s14+$0x0], $0xffff  }
0x283: {  	v15 =	vor.u32 v22, v3;
	v14 =	vor.u32 v22, v5;
	[tilespmem:s31+$0x50] =	vst v48;
	v43 =	vld.idx.msk [tilespmem:v29+s14+$0x0], $0xffff  }
0x284: {  	s21 =	sor.u32 $0x40, s6;
	v59 =	vor.u32 v22, v2;
	v62 =	vor.u32 v22, v7;
	v44 =	vld.idx.msk [tilespmem:v40+s14+$0x0], $0xffff;
	[tilespmem:s0+$0xB0] =	vst v30  }
0x285: {  	v16 =	vmov s21;
	v52 =	vor.u32 v22, v61;
	v27 =	vor.u32 v26, v17;
	v46 =	vld.idx.msk [tilespmem:v41+s14+$0x0], $0xffff;
	[tilespmem:$0x1FF80] =	vst v62  }
0x286: {  	v23 =	vor.u32 v63, v7;
	v24 =	vor.u32 v63, v50;
	v26 =	vshll.u32 v16, $0x5;
	[tilespmem:s0+$0x1B0] =	vst v28  }
0x287: {  	v8 =	vmov v2;
	v25 =	vor.u32 v36, v50;
	v48 =	vor.u32 v6, v26;
	v33 =	vld.idx.msk [tilespmem:v56+s14+$0x0], $0xffff;
	[tilespmem:s30+$0xD0] =	vst v42  }
0x288: {  	s25 =	sor.u32 $0x60, s6;
	v13 =	vmov v50;
	v37 =	vor.u32 v63, v3;
	v49 =	vor.u32 v48, v9;
	v34 =	vld.idx.msk [tilespmem:v57+s14+$0x0], $0xffff;
	[tilespmem:s22+$0x20] =	vst v47  }
0x289: {  	s6 =	sor.u32 $0x70, s6;
	v12 =	vmovc v4;
	v38 =	vor.u32 v39, v20;
	v20 =	vmov s25;
	v36 =	vor.u32 v39, v17;
	v26 =	vld.idx.msk [tilespmem:v58+s14+$0x0], $0xffff;
	[tilespmem:s30+$0x2E0] =	vst v43  }
0x28a: {  	v10 =	vmovc v3;
	v63 =	vmov s6;
	v29 =	vor.u32 v4, v48;
	v19 =	vor.u32 v48, v7;
	v40 =	vld.idx.msk [tilespmem:v27+s14+$0x0], $0xffff;
	[tilespmem:s30+$0x260] =	vst v44  }
0x28b: {  	v0 =	vshll.u32 v63, $0x5;
	v32 =	vor.u32 v48, v2;
	v30 =	vor.u32 v39, v18;
	[tilespmem:s0+$0x3B0] =	vst v46;
	v39 =	vld.idx.msk [tilespmem:v45+s14+$0x0], $0xffff  }
0x28c: {  	v35 =	vor.u32 v48, v3;
	v18 =	vshll.u32 v20, $0x5;
	v20 =	vor.u32 v48, v50;
	v41 =	vld.idx.msk [tilespmem:v60+s14+$0x0], $0xffff;
	[tilespmem:$0x1FF90] =	vst v0  }
0x28d: {  	v17 =	vmov v5;
	v28 =	vor.u32 v48, v5;
	v27 =	vor.u32 v48, v61;
	[tilespmem:s31+$0x60] =	vst v34;
	v34 =	vld.idx.msk [tilespmem:v49+s14+$0x0], $0xffff  }
.LBB2_9:
0x28e: {  	_ =	sdelay $0x1  }
0x28f: {  	v63 =	vld.idx.msk [tilespmem:v38+s14+$0x0], $0xffff  }
0x290: {  	v37 =	vld.idx.msk [tilespmem:v37+s14+$0x0], $0xffff;
	[tilespmem:s30+$0x1E0] =	vst v33  }
0x291: {  	v0 =	vld [tilespmem:$0x1FFF0];
	[tilespmem:s30+$0xE0] =	vst v40  }
0x292: {  	s1 =	sadd.s32 $0x8, s1;
	v22 =	vor.u32 v22, v9;
	v28 =	vld.idx.msk [tilespmem:v28+s14+$0x0], $0xffff;
	[tilespmem:s30+$0x2F0] =	vst v41  }
0x293: {  	s6 =	sand.u32 $0x18, s1;
	[tilespmem:s30+$0x370] =	vst v31;
	v40 =	vld.idx.msk [tilespmem:v36+s14+$0x0], $0xffff  }
0x294: {  	s5 =	sshrl.u32 s1, $0x5;
	v1 =	vmov s6;
	[tilespmem:s22+$0x30] =	vst v39;
	v25 =	vld.idx.msk [tilespmem:v25+s14+$0x0], $0xffff  }
0x295: {  	s3 =	sshll.u32 s5, $0x7;
	v38 =	vshrl.u32 v1, $0x3;
	[tilespmem:s0+$0x3C0] =	vst v34;
	v50 =	vld.idx.msk [tilespmem:v30+s14+$0x0], $0xffff  }
0x296: {  	v2 =	vmov s3;
	v3 =	vshll.u32 v38, v0;
	v53 =	vld.idx.msk [tilespmem:v21+s14+$0x0], $0xffff;
	[tilespmem:s30+$0x270] =	vst v63  }
0x297: {  	v31 =	vshll.u32 v2, $0x5;
	v44 =	vld.idx.msk [tilespmem:v22+s14+$0x0], $0xffff;
	[tilespmem:s30+$0x3F0] =	vst v26;
	v30 =	vor.u32 $0x1, v3;
	v34 =	vbroadcast v3, $0x0  }
0x298: {  	v22 =	vor.u32 v6, v31;
	v29 =	vld.idx.msk [tilespmem:v29+s14+$0x0], $0xffff;
	[tilespmem:s0+$0x330] =	vst v37;
	v51 =	vor.u32 $0x2, v3;
	v21 =	vbroadcast v30, $0x0  }
0x299: {  	v32 =	vld.idx.msk [tilespmem:v32+s14+$0x0], $0xffff;
	v42 =	vor.u32 $0x3, v3;
	v36 =	vbroadcast v51, $0x0;
	v63 =	vor.u32 v34, v22;
	[tilespmem:s0+$0x2A0] =	vst v25  }
0x29a: {  	v27 =	vld.idx.msk [tilespmem:v27+s14+$0x0], $0xffff;
	v30 =	vor.u32 $0x4, v3;
	v26 =	vbroadcast v42, $0x0;
	v55 =	vor.u32 v22, v21;
	[tilespmem:s30+$0x1F0] =	vst v50  }
0x29b: {  	v23 =	vld.idx.msk [tilespmem:v23+s14+$0x0], $0xffff;
	v30 =	vbroadcast v30, $0x0;
	v56 =	vor.u32 v22, v36;
	[tilespmem:s31+$0x70] =	vst v53  }
0x29c: {  	v57 =	vor.u32 $0x7, v3;
	v58 =	vor.u32 v22, v26;
	v25 =	vld.idx.msk [tilespmem:v35+s14+$0x0], $0xffff;
	s31 =	smov.u32 s22;
	[tilespmem:s30+$0xF0] =	vst v40  }
0x29d: {  	s10 =	sor.u32 $0x20, s3;
	v33 =	vbroadcast v57, $0x0;
	v45 =	vor.u32 v22, v30;
	s30 =	smov.u32 s0;
	v24 =	vld.idx.msk [tilespmem:v24+s14+$0x0], $0xffff;
	[tilespmem:s31+$0x40] =	vst v29  }
0x29e: {  	v49 =	vmov s10;
	v54 =	vor.u32 $0x6, v3;
	[tilespmem:s30+$0x1C0] =	vst v32;
	v32 =	vld.idx.msk [tilespmem:v63+s14+$0x0], $0xffff  }
0x29f: {  	v43 =	vshll.u32 v49, $0x5;
	v38 =	vbroadcast v54, $0x0;
	v50 =	vor.u32 v22, v33;
	v49 =	vld.idx.msk [tilespmem:v55+s14+$0x0], $0xffff  }
0x2a0: {  	s25 =	sor.u32 $0x10, s3;
	v31 =	vor.u32 $0x5, v3;
	v37 =	vld.idx.msk [tilespmem:v56+s14+$0x0], $0xffff  }
0x2a1: {  	v46 =	vmov s25;
	v31 =	vbroadcast v31, $0x0;
	v60 =	vor.u32 v22, v38;
	[tilespmem:s30+$0x3D0] =	vst v44;
	v35 =	vld.idx.msk [tilespmem:v58+s14+$0x0], $0xffff  }
0x2a2: {  	v46 =	vshll.u32 v46, $0x5;
	[tilespmem:s30+$0x140] =	vst v28;
	v45 =	vld.idx.msk [tilespmem:v45+s14+$0x0], $0xffff  }
0x2a3: {  	v0 =	vor.u32 v6, v46;
	v48 =	vor.u32 v22, v31;
	[tilespmem:s30+$0xC0] =	vst v27;
	v56 =	vld.idx.msk [tilespmem:v14+s14+$0x0], $0xffff  }
0x2a4: {  	s19 =	sadd.s32 $0x1000, s19;
	v53 =	vor.u32 v34, v0;
	[tilespmem:s30+$0x340] =	vst v25;
	v50 =	vld.idx.msk [tilespmem:v50+s14+$0x0], $0xffff  }
0x2a5: {  	s7 =	sand.u32 $0x3000, s19;
	s5 =	sshll.u32 s5, $0xA;
	s6 =	sshll.u32 s6, $0x9;
	v25 =	vor.u32 v0, v36;
	[tilespmem:s30+$0x230] =	vst v23;
	v1 =	vld.idx.msk [tilespmem:v15+s14+$0x0], $0xffff  }
0x2a6: {  	s7 =	sadd.s32 s5, s7;
	s6 =	sadd.s32 s5, s6;
	s21 =	sor.u32 $0x50, s3;
	v55 =	vld.idx.msk [tilespmem:v60+s14+$0x0], $0xffff;
	[tilespmem:s30+$0x2B0] =	vst v24  }
0x2a7: {  	v62 =	vmov s21;
	v54 =	vor.u32 v0, v21;
	s0 =	sadd.s32 $0x12400, s7;
	v20 =	vld.idx.msk [tilespmem:v20+s14+$0x0], $0xffff;
	[tilespmem:s6+$0x12400] =	vst v32  }
0x2a8: {  	s5 =	sor.u32 $0x60, s3;
	v15 =	vshll.u32 v62, $0x5;
	v2 =	vld.idx.msk [tilespmem:v48+s14+$0x0], $0xffff;
	[tilespmem:s0+$0x100] =	vst v37  }
0x2a9: {  	v51 =	vor.u32 v0, v30;
	v22 =	vor.u32 v6, v15;
	v15 =	vmov s5;
	[tilespmem:s0+$0x80] =	vst v49;
	v53 =	vld.idx.msk [tilespmem:v53+s14+$0x0], $0xffff  }
0x2aa: {  	v46 =	vor.u32 v0, v26;
	v24 =	vor.u32 v0, v38;
	v28 =	vshll.u32 v15, $0x5;
	v37 =	vld.idx.msk [tilespmem:v25+s14+$0x0], $0xffff;
	[tilespmem:s0+$0x200] =	vst v45  }
0x2ab: {  	v45 =	vor.u32 v6, v18;
	v18 =	vmov v28;
	v28 =	vor.u32 v6, v43;
	v43 =	vld.idx.msk [tilespmem:v59+s14+$0x0], $0xffff;
	[tilespmem:s0+$0x180] =	vst v35  }
0x2ac: {  	v16 =	vmov v52;
	v54 =	vld.idx.msk [tilespmem:v54+s14+$0x0], $0xffff;
	[tilespmem:s30+$0x350] =	vst v1;
	v3 =	vor.u32 v45, v9;
	v52 =	vor.u32 v28, v21  }
0x2ad: {  	v58 =	vor.u32 v28, v30;
	[tilespmem:s0+$0x300] =	vst v55;
	v25 =	vor.u32 v28, v31;
	v49 =	vor.u32 v28, v38  }
0x2ae: {  	s18 =	sor.u32 $0x30, s3;
	v55 =	vor.u32 v28, v36;
	v59 =	vor.u32 v28, v26;
	v51 =	vld.idx.msk [tilespmem:v51+s14+$0x0], $0xffff;
	[tilespmem:s30+$0x2C0] =	vst v20  }
0x2af: {  	v47 =	vmov s18;
	s22 =	sadd.s32 $0x12400, s6;
	v60 =	vor.u32 v28, v33;
	v63 =	vor.u32 v34, v28;
	v28 =	vld.idx.msk [tilespmem:v46+s14+$0x0], $0xffff;
	[tilespmem:s0+$0x280] =	vst v2  }
0x2b0: {  	v47 =	vshll.u32 v47, $0x5;
	v20 =	vld.idx.msk [tilespmem:v24+s14+$0x0], $0xffff;
	[tilespmem:s22+$0x10] =	vst v53  }
0x2b1: {  	v47 =	vor.u32 v6, v47;
	v39 =	vor.u32 v0, v31;
	v57 =	vor.u32 v0, v33;
	v2 =	vld [tilespmem:$0x1FF90];
	[tilespmem:s0+$0x110] =	vst v37  }
0x2b2: {  	v44 =	vor.u32 v34, v47;
	v62 =	vor.u32 v47, v33;
	[tilespmem:s0+$0x90] =	vst v54;
	v35 =	vld.idx.msk [tilespmem:v3+s14+$0x0], $0xffff  }
0x2b3: {  	v48 =	vor.u32 v47, v36;
	v32 =	vor.u32 v45, v17;
	[tilespmem:s0+$0x380] =	vst v50;
	v50 =	vld.idx.msk [tilespmem:v19+s14+$0x0], $0xffff  }
0x2b4: {  	s11 =	sor.u32 $0x40, s3;
	s3 =	sor.u32 $0x70, s3;
	v5 =	vor.u32 v22, v38;
	v23 =	vor.u32 v22, v26;
	v19 =	vld.idx.msk [tilespmem:v55+s14+$0x0], $0xffff;
	[tilespmem:s30+$0x150] =	vst v56  }
0x2b5: {  	v27 =	vmov s3;
	v0 =	vor.u32 v22, v30;
	v14 =	vmovc v23;
	v23 =	vor.u32 v47, v30;
	[tilespmem:s0+$0x210] =	vst v51  }
0x2b6: {  	v27 =	vshll.u32 v27, $0x5;
	v46 =	vor.u32 v47, v21;
	v1 =	vor.u32 v47, v26;
	v52 =	vld.idx.msk [tilespmem:v52+s14+$0x0], $0xffff;
	[tilespmem:s0+$0x190] =	vst v28  }
0x2b7: {  	v24 =	vor.u32 v47, v31;
	v37 =	vor.u32 v47, v38;
	v3 =	vmov v27;
	v47 =	vld.idx.msk [tilespmem:v57+s14+$0x0], $0xffff;
	[tilespmem:s0+$0x310] =	vst v20  }
0x2b8: {  	v29 =	vmov s11;
	v11 =	vor.u32 v45, v10;
	v54 =	vor.u32 v45, v7;
	v55 =	vld.idx.msk [tilespmem:v32+s14+$0x0], $0xffff;
	[tilespmem:$0x1FF90] =	vst v3  }
0x2b9: {  	v29 =	vshll.u32 v29, $0x5;
	v56 =	vor.u32 v45, v8;
	v2 =	vor.u32 v6, v2;
	v59 =	vld.idx.msk [tilespmem:v59+s14+$0x0], $0xffff;
	[tilespmem:s30+$0x3E0] =	vst v35  }
0x2ba: {  	v3 =	vor.u32 v6, v29;
	v49 =	vld.idx.msk [tilespmem:v49+s14+$0x0], $0xffff;
	v4 =	vor.u32 v2, v17;
	[tilespmem:s0+$0x120] =	vst v19  }
0x2bb: {  	v53 =	vor.u32 v2, v10;
	v10 =	vmov v38;
	v19 =	vor.u32 v3, v30;
	[tilespmem:s0+$0xA0] =	vst v52;
	v52 =	vld.idx.msk [tilespmem:v58+s14+$0x0], $0xffff  }
0x2bc: {  	v35 =	vor.u32 v3, v38;
	v38 =	vor.u32 v2, v7;
	v7 =	vmovc v30;
	v30 =	vor.u32 v2, v8;
	v8 =	vld [tilespmem:$0x1FF70]  }
0x2bd: {  	v42 =	vor.u32 v22, v31;
	[tilespmem:s30+$0x240] =	vst v50;
	v48 =	vld.idx.msk [tilespmem:v48+s14+$0x0], $0xffff  }
0x2be: {  	v57 =	vor.u32 v45, v13;
	v20 =	vor.u32 v3, v31;
	[tilespmem:s0+$0x390] =	vst v47;
	v47 =	vld.idx.msk [tilespmem:v11+s14+$0x0], $0xffff  }
0x2bf: {  	v58 =	vor.u32 v2, v13;
	v13 =	vmovc v31;
	v31 =	vmov v42;
	[tilespmem:s30+$0x160] =	vst v55;
	v55 =	vor.u32 v2, v9;
	v9 =	vld [tilespmem:$0x1FF60]  }
0x2c0: {  	[tilespmem:$0x1FF70] =	vst v31  }
0x2c1: {  	[tilespmem:s0+$0x1A0] =	vst v59;
	v4 =	vld.idx.msk [tilespmem:v4+s14+$0x0], $0xffff  }
0x2c2: {  	[tilespmem:s0+$0x130] =	vst v48;
	v48 =	vld [tilespmem:$0x1FF80]  }
0x2c3: {  	[tilespmem:s30+$0x360] =	vst v47;
	v47 =	vld.idx.msk [tilespmem:v60+s14+$0x0], $0xffff  }
0x2c4: {  	[tilespmem:s0+$0x320] =	vst v49;
	v1 =	vld.idx.msk [tilespmem:v1+s14+$0x0], $0xffff  }
0x2c5: {  	v41 =	vor.u32 v34, v22;
	v27 =	vmov v36;
	v11 =	vmov v0;
	[tilespmem:s30+$0x1D0] =	vst v43;
	v50 =	vld.idx.msk [tilespmem:v8+s14+$0x0], $0xffff  }
0x2c6: {  	v29 =	vor.u32 v34, v3;
	v32 =	vor.u32 v3, v26;
	[tilespmem:$0x1FF80] =	vst v11;
	v8 =	vmov v26;
	v26 =	vld.idx.msk [tilespmem:v39+s14+$0x0], $0xffff  }
0x2c7: {  	v17 =	vmov v27;
	v28 =	vor.u32 v3, v27;
	v27 =	vor.u32 v3, v21;
	[tilespmem:s30+$0x170] =	vst v4;
	v49 =	vld.idx.msk [tilespmem:v9+s14+$0x0], $0xffff  }
0x2c8: {  	v3 =	vor.u32 v3, v33;
	v39 =	vmov v41;
	v9 =	vmov v33;
	v33 =	vld.idx.msk [tilespmem:v56+s14+$0x0], $0xffff;
	[tilespmem:s0+$0x3A0] =	vst v47  }
0x2c9: {  	v15 =	vor.u32 v22, v36;
	v40 =	vor.u32 v22, v21;
	[tilespmem:$0x1FF60] =	vst v39;
	v0 =	vld.idx.msk [tilespmem:v62+s14+$0x0], $0xffff  }
0x2ca: {  	v51 =	vor.u32 v12, v45;
	v45 =	vor.u32 v45, v61;
	[tilespmem:s0+$0x1B0] =	vst v1;
	v62 =	vld.idx.msk [tilespmem:v63+s14+$0x0], $0xffff  }
0x2cb: {  	v36 =	vor.u32 v2, v61;
	v61 =	vmov v21;
	v21 =	vor.u32 v12, v2;
	[tilespmem:s30+$0x2D0] =	vst v50;
	v2 =	vld.idx.msk [tilespmem:v48+s14+$0x0], $0xffff  }
0x2cc: {  	[tilespmem:s0+$0x220] =	vst v52;
	v48 =	vld.idx.msk [tilespmem:v46+s14+$0x0], $0xffff  }
0x2cd: {  	v57 =	vld.idx.msk [tilespmem:v57+s14+$0x0], $0xffff;
	[tilespmem:s0+$0x290] =	vst v26  }
0x2ce: {  	v4 =	vld.idx.msk [tilespmem:v16+s14+$0x0], $0xffff;
	[tilespmem:s31+$0x50] =	vst v49  }
0x2cf: {  	v63 =	vld.idx.msk [tilespmem:v51+s14+$0x0], $0xffff;
	[tilespmem:s22+$0x20] =	vst v62  }
0x2d0: {  	v26 =	vld.idx.msk [tilespmem:v55+s14+$0x0], $0xffff;
	[tilespmem:s30+$0x250] =	vst v2  }
0x2d1: {  	p0 =	slt.u32 s1, $0x78;
	[tilespmem:s0+$0x3B0] =	vst v0;
	v60 =	vld.idx.msk [tilespmem:v54+s14+$0x0], $0xffff  }
.Ltmp3:
0x2d2: {  	v31 =	vld.idx.msk [tilespmem:v53+s14+$0x0], $0xffff;
	[tilespmem:s0+$0xB0] =	vst v48;
	(pc) =	sbr.rel @p0 .LBB2_9-.Ltmp3, $4  }
0x2d3: {  	v39 =	vld.idx.msk [tilespmem:v44+s14+$0x0], $0xffff;
	[tilespmem:s30+$0x2E0] =	vst v57  }
0x2d4: {  	v12 =	vmov v34;
	v34 =	vld.idx.msk [tilespmem:v3+s14+$0x0], $0xffff;
	[tilespmem:s30+$0xD0] =	vst v4  }
0x2d5: {  	v41 =	vld.idx.msk [tilespmem:v58+s14+$0x0], $0xffff;
	[tilespmem:s31+$0x60] =	vst v63  }
0x2d6: {  	v59 =	vmovc v14;
	v14 =	vmov v15;
	v15 =	vmov v5;
	v52 =	vmov v40;
	v40 =	vld.idx.msk [tilespmem:v45+s14+$0x0], $0xffff;
	[tilespmem:s30+$0x260] =	vst v60  }
0x2d7: {  	_ =	sdelay $0x1  }
0x2d8: {  	[tilespmem:s30+$0x1E0] =	vst v33  }
0x2d9: {  	[tilespmem:s30+$0x370] =	vst v31  }
0x2da: {  	v0 =	vld.idx.msk [tilespmem:v38+s14+$0x0], $0xffff;
	[tilespmem:s30+$0x3F0] =	vst v26  }
0x2db: {  	v1 =	vld.idx.msk [tilespmem:v37+s14+$0x0], $0xffff;
	[tilespmem:s22+$0x30] =	vst v39  }
0x2dc: {  	v2 =	vld.idx.msk [tilespmem:v25+s14+$0x0], $0xffff;
	[tilespmem:s0+$0x3C0] =	vst v34  }
0x2dd: {  	v4 =	vld.idx.msk [tilespmem:v21+s14+$0x0], $0xffff;
	[tilespmem:s30+$0x2F0] =	vst v41  }
0x2de: {  	v3 =	vld.idx.msk [tilespmem:v30+s14+$0x0], $0xffff;
	[tilespmem:s30+$0xE0] =	vst v40  }
0x2df: {  	v37 =	vld.idx.msk [tilespmem:v32+s14+$0x0], $0xffff;
	[tilespmem:s30+$0x270] =	vst v0  }
0x2e0: {  	v0 =	vld.idx.msk [tilespmem:v36+s14+$0x0], $0xffff;
	[tilespmem:s0+$0x330] =	vst v1  }
0x2e1: {  	v1 =	vor.u32 v22, v9;
	[tilespmem:s0+$0x2A0] =	vst v2;
	v2 =	vld.idx.msk [tilespmem:v28+s14+$0x0], $0xffff  }
0x2e2: {  	[tilespmem:s31+$0x70] =	vst v4;
	v36 =	vld.idx.msk [tilespmem:v24+s14+$0x0], $0xffff  }
0x2e3: {  	[tilespmem:s30+$0x1F0] =	vst v3;
	v3 =	vld.idx.msk [tilespmem:v35+s14+$0x0], $0xffff  }
0x2e4: {  	v34 =	vld.idx.msk [tilespmem:v29+s14+$0x0], $0xffff;
	[tilespmem:s0+$0x1C0] =	vst v37  }
0x2e5: {  	[tilespmem:s30+$0xF0] =	vst v0;
	v0 =	vld.idx.msk [tilespmem:v23+s14+$0x0], $0xffff  }
0x2e6: {  	v1 =	vld.idx.msk [tilespmem:v1+s14+$0x0], $0xffff;
	[tilespmem:s0+$0x140] =	vst v2  }
0x2e7: {  	v2 =	vor.u32 v6, v18;
	[tilespmem:s0+$0x2B0] =	vst v36;
	v11 =	vld.idx.msk [tilespmem:v14+s14+$0x0], $0xffff  }
0x2e8: {  	v18 =	vor.u32 v2, v9;
	[tilespmem:s0+$0x340] =	vst v3;
	v3 =	vld.idx.msk [tilespmem:v20+s14+$0x0], $0xffff  }
0x2e9: {  	[tilespmem:s22+$0x40] =	vst v34;
	v38 =	vor.u32 v2, v17;
	v15 =	vld.idx.msk [tilespmem:v15+s14+$0x0], $0xffff  }
0x2ea: {  	[tilespmem:s0+$0x230] =	vst v0  }
0x2eb: {  	v40 =	vld.idx.msk [tilespmem:v27+s14+$0x0], $0xffff;
	[tilespmem:s0+$0x3D0] =	vst v1  }
0x2ec: {  	v39 =	vld.idx.msk [tilespmem:v19+s14+$0x0], $0xffff;
	[tilespmem:s0+$0x150] =	vst v11  }
0x2ed: {  	v1 =	vld.idx.msk [tilespmem:v18+s14+$0x0], $0xffff;
	[tilespmem:s0+$0x2C0] =	vst v3  }
0x2ee: {  	v3 =	vld.idx.msk [tilespmem:v38+s14+$0x0], $0xffff;
	[tilespmem:s0+$0x350] =	vst v15  }
0x2ef: {  	v11 =	vld [tilespmem:$0x1FF70]  }
0x2f0: {  	v5 =	vld [tilespmem:$0x1FF90];
	[tilespmem:s0+$0xC0] =	vst v40  }
0x2f1: {  	v48 =	vld.idx.msk [tilespmem:v59+s14+$0x0], $0xffff;
	[tilespmem:s0+$0x240] =	vst v39  }
0x2f2: {  	v46 =	vld [tilespmem:$0x1FF80];
	[tilespmem:s0+$0x3E0] =	vst v1  }
0x2f3: {  	v0 =	vor.u32 v2, v10;
	v1 =	vld [tilespmem:$0x1FF60]  }
0x2f4: {  	[tilespmem:s0+$0x160] =	vst v3;
	v3 =	vor.u32 v2, v8;
	_ =	sdelay $0x1  }
0x2f5: {  	v43 =	vor.u32 v2, v13;
	v53 =	vld.idx.msk [tilespmem:v52+s14+$0x0], $0xffff  }
0x2f6: {  	v16 =	vor.u32 v2, v7;
	v50 =	vor.u32 v12, v2;
	v2 =	vor.u32 v2, v61;
	v41 =	vld.idx.msk [tilespmem:v11+s14+$0x0], $0xffff  }
0x2f7: {  	v0 =	vld.idx.msk [tilespmem:v0+s14+$0x0], $0xffff;
	v44 =	vor.u32 v6, v5;
	[tilespmem:s0+$0x1D0] =	vst v48  }
0x2f8: {  	v45 =	vor.u32 v44, v17;
	v3 =	vld.idx.msk [tilespmem:v3+s14+$0x0], $0xffff  }
0x2f9: {  	v58 =	vor.u32 v44, v9;
	v5 =	vld.idx.msk [tilespmem:v46+s14+$0x0], $0xffff  }
0x2fa: {  	[tilespmem:s0+$0xD0] =	vst v53;
	v1 =	vld.idx.msk [tilespmem:v1+s14+$0x0], $0xffff  }
0x2fb: {  	v51 =	vmov v8;
	v2 =	vld.idx.msk [tilespmem:v2+s14+$0x0], $0xffff;
	[tilespmem:s0+$0x2D0] =	vst v41  }
0x2fc: {  	v59 =	vor.u32 v44, v51;
	[tilespmem:s0+$0x360] =	vst v0;
	v0 =	vld.idx.msk [tilespmem:v43+s14+$0x0], $0xffff  }
0x2fd: {  	v47 =	vmov v10;
	v62 =	vor.u32 v44, v61;
	v4 =	vld.idx.msk [tilespmem:v45+s14+$0x0], $0xffff;
	[tilespmem:s0+$0x1E0] =	vst v3  }
0x2fe: {  	v42 =	vmov v13;
	v55 =	vor.u32 v44, v47;
	v63 =	vld.idx.msk [tilespmem:v58+s14+$0x0], $0xffff;
	[tilespmem:s0+$0x250] =	vst v5  }
0x2ff: {  	v54 =	vor.u32 v44, v42;
	v56 =	vld.idx.msk [tilespmem:v16+s14+$0x0], $0xffff;
	[tilespmem:s22+$0x50] =	vst v1  }
0x300: {  	v49 =	vmov v12;
	[tilespmem:s0+$0xE0] =	vst v2;
	v1 =	vor.u32 v44, v7;
	v57 =	vld.idx.msk [tilespmem:v50+s14+$0x0], $0xffff  }
0x301: {  	v2 =	vld.idx.msk [tilespmem:v59+s14+$0x0], $0xffff;
	[tilespmem:s0+$0x2E0] =	vst v0;
	v0 =	vor.u32 v49, v44  }
0x302: {  	[tilespmem:s0+$0x170] =	vst v4;
	v3 =	vld.idx.msk [tilespmem:v62+s14+$0x0], $0xffff  }
0x303: {  	[tilespmem:s0+$0x3F0] =	vst v63;
	v5 =	vld.idx.msk [tilespmem:v55+s14+$0x0], $0xffff  }
0x304: {  	v60 =	vld.idx.msk [tilespmem:v54+s14+$0x0], $0xffff;
	[tilespmem:s0+$0x260] =	vst v56  }
0x305: {  	[tilespmem:s22+$0x60] =	vst v57;
	v1 =	vld.idx.msk [tilespmem:v1+s14+$0x0], $0xffff  }
0x306: {  	[tilespmem:s0+$0x1F0] =	vst v2;
	v0 =	vld.idx.msk [tilespmem:v0+s14+$0x0], $0xffff  }
0x307: {  	s1 =	sadd.s32 s29, s9;
	[tilespmem:s0+$0xF0] =	vst v3  }
0x308: {  	s28 =	sadd.s32 $0x1, s28;
	s3 =	sshll.u32 s1, $0x9;
	s1 =	sshll.u32 s1, $0xB;
	[tilespmem:s0+$0x370] =	vst v5  }
0x309: {  	p0 =	sne.s32 s28, $0x18;
	s3 =	sand.u32 $0xE00, s3;
	s1 =	sand.u32 $0xFFFC000, s1;
	[tilespmem:s0+$0x2F0] =	vst v60  }
.Ltmp4:
0x30a: {  	s3 =	sadd.s32 s2, s3;
	s31 =	smin.u32 s29, $0x2C;
	[tilespmem:s0+$0x270] =	vst v1;
	(pc) =	sbr.rel @p0 .LBB2_6-.Ltmp4, $4  }
0x30b: {  	s25 =	sadd.s32 s1, s3;
	s30 =	simm.s32 $0x12400;
	s0 =	sshll.u32 s31, $0x9;
	[tilespmem:s22+$0x70] =	vst v0  }
0x30c: {  	[hbm4b:s25+s16] =	stream.strided.scatter [tilespmem:s30], [sflag:$0x4], $0x4000, s17, s16, $0x38;
	[tilespmem:$0x16400] =	vst v63  }
0x30d: {  	s0 =	sadd.s32 $0xA00, s0  }
0x30e: {  	v0 =	vmov v6;
	v1 =	vld [tilespmem:$0x1FFF0];
	[tilespmem:s14], [sflag:$0x2] =	stream.indirect.gather [hbm4b:s4+s12], $0x20, s0, s12, $0xb8  }
0x30f: {  	_ =	swait.ge [sflag:s15], $0x4000  }
0x310: {  	[sflag:s15] =	ssyncset.done $0x0  }
0x311: {  	[sflag:s15] =	ssyncadd.s32 $0xFFFFC000  }
0x312: {  	_ =	swait.ge [sflag:s20], $0x4000  }
0x313: {  	[sflag:s20] =	ssyncset.done $0x0  }
0x314: {  	[sflag:s20] =	ssyncadd.s32 $0xFFFFC000  }
0x315: {  	_ =	swait.ge [sflag:s23], $0x4000  }
0x316: {  	[sflag:s23] =	ssyncset.done $0x0  }
0x317: {  	[sflag:s23] =	ssyncadd.s32 $0xFFFFC000  }
0x318: {  	_ =	swait.ge [sflag:s24], $0x4000  }
0x319: {  	s1 =	rddreg [dreg:$0x7]  }
0x31a: {  	s0 =	rddreg [dreg:$0x6];
	s1 =	sadd.s32 $0x1, s1  }
0x31b: {  	p0 =	sne.s32 s1, s0  }
.Ltmp5:
0x31c: {  	_ = 	snop;
	(pc) =	sbr.rel @p0 .LBB2_1-.Ltmp5, $3  }
0x31d: {  	_ =	sdelay $0x1  }
0x31e: {  	[sflag:s24] =	ssyncset.done $0x0  }
0x31f: {  	[sflag:s24] =	ssyncadd.s32 $0xFFFFC000  }
0x320: {  	_ =	sfence.sel $0x180000  }
0x321: {  	[bflag:$0x0] =	sbarrier.arrive $0xFFFF  }
0x322: {  	_ =	strace $0x90000047  }
0x323: {  	s0 =	stileid.u32;
	[bflag:$0x2] =	sbarrier.arrive $0xFFFF  }
0x324: {  	p0 =	sne.s32 s0, $0x0;
	s0 =	rddreg [dreg:$0x2]  }
0x325: {  	s0 =	sadd.s32 @!p0 $0x100000, s0  }
0x326: {  	[sflag:s0] =	ssyncadd.tile.s32 @!p0 $0x1;
	_ =	shalt  }
.Lfunc_end2:
_tile_overlayer_lowered:
.L_overlay_start_2:
0x327: {  	(tag) =	ssettag $0x2  }
0x328: {  	s0 =	rddreg [dreg:$0x0];
	s2 =	stileid.u32  }
0x329: {  	s1 =	rddreg [dreg:$0x1];
	p0 =	sne.s32 s2, $0x0  }
0x32a: {  	s3 =	rddreg [dreg:$0x2];
	[bflag:$0x3] =	sbarrier.arrive $0xFFFF;
	s2 =	simm.s32 @!p0 $0x1C05  }
0x32b: {  	[timem:s3], [sflag:s2] =	dma.local @!p0 [hbm:s0], s1  }
0x32c: {  	s0 =	simm.s32 @!p0 $0x5  }
0x32d: {  	_ =	swait.ge @!p0 [sflag:s0], s1  }
0x32e: {  	s1 =	ssub.s32 @!p0 $0x0, s1;
	[sflag:s0] =	ssyncset.done @!p0 $0x0  }
0x32f: {  	[sflag:s0] =	ssyncadd.s32 @!p0 s1  }
0x330: {  	[bflag:$0x3] =	sbarrier.arrive $0xFFFF  }
0x331: {  	_ =	shalt  }

</sc_bundles>
